<compile_context>
chip_gen: v7x
topology: tpu7x:2x2x1
jax: 0.10.2.dev20260603
libtpu: 0.0.44.dev20260713+nightly
codegen_flags: <defaults>
</compile_context>

<pallas_src>
import functools

import jax
import jax.numpy as jnp
from jax import lax
from jax.experimental import pallas as pl
from jax.experimental.pallas import tpu as pltpu
from jax.experimental.pallas import tpu_sc as plsc

TOTAL = 32768
D = 512
NSEG = 16
NCORES = 2
NSUB = 16
NW = NCORES * NSUB
TCR = 22528
TC_BLOCK = 1024
TC_GRID = TCR // TC_BLOCK
SC_BASE = TCR
RPW = (TOTAL - SC_BASE) // NW
CHUNK = 64
NVEC = D // 16
MAXCH = RPW // CHUNK + NSEG + 1

_mesh = plsc.VectorSubcoreMesh(core_axis_name="c", subcore_axis_name="s")


@functools.partial(
    pl.kernel,
    out_type=jax.ShapeDtypeStruct((NW, NSEG, D), jnp.float32),
    mesh=_mesh,
    scratch_types=[
        pltpu.VMEM((24,), jnp.int32),
        pltpu.VMEM((CHUNK, D), jnp.float32),
        pltpu.VMEM((CHUNK, D), jnp.float32),
        pltpu.VMEM((NSEG, D), jnp.float32),
        pltpu.SMEM((MAXCH,), jnp.int32),
        pltpu.SMEM((MAXCH,), jnp.int32),
        pltpu.SMEM((MAXCH,), jnp.int32),
        pltpu.SMEM((MAXCH,), jnp.int32),
        pltpu.SemaphoreType.DMA,
        pltpu.SemaphoreType.DMA,
    ],
)
def _seg_partials(slices_hbm, in_hbm, out_hbm, sl_v, buf_a, buf_b, acc_ref,
                  d_base, d_low, d_cap, d_seg, sem_a, sem_b):
    wid = lax.axis_index("c") * NSUB + lax.axis_index("s")
    lo = SC_BASE + wid * RPW
    hi = lo + RPW
    pltpu.sync_copy(slices_hbm, sl_v.at[pl.ds(0, NSEG + 1)])
    va = sl_v[pl.ds(0, 16)]
    vb = sl_v[pl.ds(8, 16)]
    svals = [va[i] for i in range(16)] + [vb[8]]

    nch = jnp.int32(0)
    for i in range(NSEG):
        a = jnp.minimum(jnp.maximum(svals[i], lo), hi)
        b = jnp.minimum(jnp.maximum(svals[i + 1], lo), hi)
        a0 = lax.div(a, 8) * 8
        nc_i = jnp.where(b > a, lax.div(b - a0 + CHUNK - 1, CHUNK), 0)

        def desc_body(k, n, a=a, b=b, a0=a0, i=i):
            base0 = a0 + k * CHUNK
            d_base[n] = lax.div(jnp.minimum(base0, TOTAL - CHUNK), 8)
            d_low[n] = jnp.maximum(a, base0)
            d_cap[n] = jnp.minimum(b, base0 + CHUNK)
            d_seg[n] = jnp.int32(i)
            return n + 1

        nch = lax.fori_loop(0, nc_i, desc_body, nch)

    zvec = jnp.zeros((16,), jnp.float32)

    def zero_body(i, _):
        for j in range(NVEC):
            acc_ref[i, pl.ds(16 * j, 16)] = zvec
        return 0

    lax.fori_loop(0, NSEG, zero_body, 0)

    def start(k, buf, sem):
        pltpu.async_copy(in_hbm.at[pl.ds(d_base[k] * 8, CHUNK)], buf, sem)

    def wait(buf, sem):
        pltpu.make_async_copy(in_hbm.at[pl.ds(0, CHUNK)], buf, sem).wait()

    def process(k, buf):
        low = d_low[k]
        cap = d_cap[k]
        seg = d_seg[k]
        base = d_base[k] * 8

        def row_body(r, accs):
            g = base + r
            w = jnp.where((g >= low) & (g < cap), 1.0, 0.0)
            return tuple(
                accs[j] + w * buf[r, pl.ds(16 * j, 16)] for j in range(NVEC)
            )

        accs = tuple(zvec for _ in range(NVEC))
        accs = lax.fori_loop(0, CHUNK, row_body, accs)
        for j in range(NVEC):
            plsc.addupdate(acc_ref.at[seg, pl.ds(16 * j, 16)], accs[j])

    @pl.when(nch > 0)
    def _():
        start(0, buf_a, sem_a)

    def pair_body(m, _):
        k0 = 2 * m
        k1 = k0 + 1

        @pl.when(k1 < nch)
        def _():
            start(k1, buf_b, sem_b)

        wait(buf_a, sem_a)
        process(k0, buf_a)

        @pl.when(k1 + 1 < nch)
        def _():
            start(k1 + 1, buf_a, sem_a)

        @pl.when(k1 < nch)
        def _():
            wait(buf_b, sem_b)
            process(k1, buf_b)

        return 0

    lax.fori_loop(0, lax.div(nch + 1, 2), pair_body, 0)

    pltpu.sync_copy(acc_ref, out_hbm.at[wid])


def _tc_body(s_ref, x_ref, o_ref):
    pid = pl.program_id(0)
    gio = lax.broadcasted_iota(jnp.int32, (NSEG, TC_BLOCK), 1) + pid * TC_BLOCK
    sio = lax.broadcasted_iota(jnp.int32, (NSEG, TC_BLOCK), 0)
    starts = jnp.zeros((NSEG, TC_BLOCK), jnp.int32)
    ends = starts
    for i in range(NSEG):
        starts = jnp.where(sio == i, s_ref[i], starts)
        ends = jnp.where(sio == i, s_ref[i + 1], ends)
    m = ((gio >= starts) & (gio < ends)).astype(jnp.float32)
    acc = jnp.dot(m, x_ref[...], preferred_element_type=jnp.float32)

    @pl.when(pid == 0)
    def _():
        o_ref[...] = acc

    @pl.when(pid != 0)
    def _():
        o_ref[...] += acc


def _tc_segsum(slices, x):
    return pl.pallas_call(
        _tc_body,
        grid_spec=pltpu.PrefetchScalarGridSpec(
            num_scalar_prefetch=1,
            grid=(TC_GRID,),
            in_specs=[pl.BlockSpec((TC_BLOCK, D), lambda i, *_: (i, 0))],
            out_specs=pl.BlockSpec((NSEG, D), lambda i, *_: (0, 0)),
        ),
        out_shape=jax.ShapeDtypeStruct((NSEG, D), jnp.float32),
    )(slices, x)


def _combine_body(p_ref, t_ref, o_ref):
    o_ref[...] = jnp.sum(p_ref[...], axis=0) + t_ref[...]


def _combine(partials, tc_out):
    return pl.pallas_call(
        _combine_body,
        out_shape=jax.ShapeDtypeStruct((NSEG, D), jnp.float32),
    )(partials, tc_out)


def kernel(slices, inputs):
    partials = _seg_partials(slices, inputs)
    tc_out = _tc_segsum(slices, inputs)
    return _combine(partials, tc_out)

# --- scband reference (transcript-rebuilt; emitter-appended) ---
"""Pipeline reference for scband-hierarchy-reduction-13752485282415 (READ-ONLY COPY).

The authoritative reference and input builder live on the scoring server;
editing this copy changes nothing except your own understanding.
"""

import jax, jax.numpy as jnp
import numpy as np

TOTAL_TOK = 32768
D = 512
NUM_SEG = 16

def setup_inputs(seed: int = 0) -> dict:
    key = jax.random.key(seed)
    k1, k2 = jax.random.split(key)
    slices = jnp.sort(jax.random.randint(k1, (NUM_SEG + 1,), 0, TOTAL_TOK, dtype=jnp.int32))
    inputs = jax.random.normal(k2, (TOTAL_TOK, D), dtype=jnp.float32)
    return {"slices": slices, "inputs": inputs}

def reference(slices, inputs):
    # HierarchyReduction: for each contiguous segment [slices[i], slices[i+1])
    # apply the reduction cell (sum over dim 0), then stack the per-segment outputs.
    num_seg = slices.shape[0] - 1
    idx = jnp.arange(inputs.shape[0], dtype=slices.dtype)
    outs = []
    for i in range(num_seg):
        start = slices[i]
        end = slices[i + 1]
        mask = (idx >= start) & (idx < end)
        seg = jnp.where(mask[:, None], inputs, jnp.zeros((), dtype=inputs.dtype))
        outs.append(jnp.sum(seg, axis=0))
    return jnp.stack(outs)

if __name__ == "__main__":
    import jax
    _d = setup_inputs()
    print(jax.jit(kernel)(*tuple(_d.values())))

</pallas_src>

<mosaic_0001>
#map = affine_map<(d0, d1) -> (0)>
#map1 = affine_map<(d0, d1) -> (0, 0)>
#map2 = affine_map<(d0, d1) -> (0, 0, 0)>
module attributes {stable_mosaic.version = 14 : i64} {
  func.func @_seg_partials(%arg0: i32, %arg1: i32, %arg2: memref<17xi32, #tpu.memory_space<hbm>>, %arg3: memref<32768x512xf32, #tpu.memory_space<hbm>>, %arg4: memref<32x16x512xf32, #tpu.memory_space<hbm>>, %arg5: memref<24xi32, #tpu.memory_space<vmem>>, %arg6: memref<64x512xf32, #tpu.memory_space<vmem>>, %arg7: memref<64x512xf32, #tpu.memory_space<vmem>>, %arg8: memref<16x512xf32, #tpu.memory_space<vmem>>, %arg9: memref<22xi32, #tpu.memory_space<smem>>, %arg10: memref<22xi32, #tpu.memory_space<smem>>, %arg11: memref<22xi32, #tpu.memory_space<smem>>, %arg12: memref<22xi32, #tpu.memory_space<smem>>, %arg13: memref<!tpu.dma_semaphore, #tpu.memory_space<semaphore_mem>>, %arg14: memref<!tpu.dma_semaphore, #tpu.memory_space<semaphore_mem>>) attributes {dimension_semantics = [#tpu.dimension_semantics<core_parallel>, #tpu.dimension_semantics<subcore_parallel>], iteration_bounds = array<i64: 2, 16>, scalar_prefetch = 0 : i64, scratch_operands = 10 : i64, tpu.core_type = #tpu.core_type<sc_vector_subcore>, window_params = [{transform_indices = #map}, {transform_indices = #map1}, {transform_indices = #map2}]} {
    %mul3A = arith.constant 16 : i32
    %mul3A_0 = arith.muli %arg0, %mul3A : i32
    %add3A = arith.addi %mul3A_0, %arg1 : i32
    %mul3A_1 = arith.constant 320 : i32
    %mul3A_2 = arith.muli %add3A, %mul3A_1 : i32
    %add3A_3 = arith.constant 22528 : i32
    %add3A_4 = arith.addi %add3A_3, %mul3A_2 : i32
    %add3A_5 = arith.constant 320 : i32
    %add3A_6 = arith.addi %add3A_4, %add3A_5 : i32
    "tpu.region"() ({
      %run_scoped3A = tpu.sem_alloc : memref<!tpu.dma_semaphore, #tpu.memory_space<semaphore_mem>>
      %dma_start3A = arith.constant 0 : i32
      %dma_start3A_527 = tpu.memref_slice %arg5[%dma_start3A] : memref<24xi32, #tpu.memory_space<vmem>> -> memref<17xi32, #tpu.memory_space<vmem>>
      %dma_start3A_528 = arith.constant 0 : i32
      %dma_start3A_529 = tpu.memref_slice %arg5[%dma_start3A_528] : memref<24xi32, #tpu.memory_space<vmem>> -> memref<17xi32, #tpu.memory_space<vmem>>
      tpu.enqueue_dma source(%arg2 : memref<17xi32, #tpu.memory_space<hbm>>) target(%dma_start3A_529 : memref<17xi32, #tpu.memory_space<vmem>>) target_semaphore(%run_scoped3A : memref<!tpu.dma_semaphore, #tpu.memory_space<semaphore_mem>>)
      %dma_wait3A = arith.constant 0 : i32
      %dma_wait3A_530 = tpu.memref_slice %arg5[%dma_wait3A] : memref<24xi32, #tpu.memory_space<vmem>> -> memref<17xi32, #tpu.memory_space<vmem>>
      %dma_wait3A_531 = arith.constant 0 : i32
      %dma_wait3A_532 = tpu.memref_slice %arg5[%dma_wait3A_531] : memref<24xi32, #tpu.memory_space<vmem>> -> memref<17xi32, #tpu.memory_space<vmem>>
      tpu.wait_dma2 semaphore(%run_scoped3A : memref<!tpu.dma_semaphore, #tpu.memory_space<semaphore_mem>>) src(%arg2 : memref<17xi32, #tpu.memory_space<hbm>>) dst(%dma_wait3A_532 : memref<17xi32, #tpu.memory_space<vmem>>)
      tpu.yield
    }) : () -> ()
    %get3A = arith.constant 0 : index
    %get3A_7 = tpu.vector_load %arg5[%get3A] {strides = array<i32>} : memref<24xi32, #tpu.memory_space<vmem>>, vector<16xi32>,
    %get3A_8 = vector.shape_cast %get3A_7 : vector<16xi32> to vector<16xi32>
    %get3A_9 = arith.constant 8 : index
    %get3A_10 = tpu.vector_load %arg5[%get3A_9] {strides = array<i32>} : memref<24xi32, #tpu.memory_space<vmem>>, vector<16xi32>,
    %get3A_11 = vector.shape_cast %get3A_10 : vector<16xi32> to vector<16xi32>
    %slice3A = vector.extract_strided_slice %get3A_8 {offsets = [0], sizes = [1], strides = [1]} : vector<16xi32> to vector<1xi32>
    %squeeze3A = vector.extract %slice3A[0] : i32 from vector<1xi32>
    %slice3A_12 = vector.extract_strided_slice %get3A_8 {offsets = [1], sizes = [1], strides = [1]} : vector<16xi32> to vector<1xi32>
    %squeeze3A_13 = vector.extract %slice3A_12[0] : i32 from vector<1xi32>
    %slice3A_14 = vector.extract_strided_slice %get3A_8 {offsets = [2], sizes = [1], strides = [1]} : vector<16xi32> to vector<1xi32>
    %squeeze3A_15 = vector.extract %slice3A_14[0] : i32 from vector<1xi32>
    %slice3A_16 = vector.extract_strided_slice %get3A_8 {offsets = [3], sizes = [1], strides = [1]} : vector<16xi32> to vector<1xi32>
    %squeeze3A_17 = vector.extract %slice3A_16[0] : i32 from vector<1xi32>
    %slice3A_18 = vector.extract_strided_slice %get3A_8 {offsets = [4], sizes = [1], strides = [1]} : vector<16xi32> to vector<1xi32>
    %squeeze3A_19 = vector.extract %slice3A_18[0] : i32 from vector<1xi32>
    %slice3A_20 = vector.extract_strided_slice %get3A_8 {offsets = [5], sizes = [1], strides = [1]} : vector<16xi32> to vector<1xi32>
    %squeeze3A_21 = vector.extract %slice3A_20[0] : i32 from vector<1xi32>
    %slice3A_22 = vector.extract_strided_slice %get3A_8 {offsets = [6], sizes = [1], strides = [1]} : vector<16xi32> to vector<1xi32>
    %squeeze3A_23 = vector.extract %slice3A_22[0] : i32 from vector<1xi32>
    %slice3A_24 = vector.extract_strided_slice %get3A_8 {offsets = [7], sizes = [1], strides = [1]} : vector<16xi32> to vector<1xi32>
    %squeeze3A_25 = vector.extract %slice3A_24[0] : i32 from vector<1xi32>
    %slice3A_26 = vector.extract_strided_slice %get3A_8 {offsets = [8], sizes = [1], strides = [1]} : vector<16xi32> to vector<1xi32>
    %squeeze3A_27 = vector.extract %slice3A_26[0] : i32 from vector<1xi32>
    %slice3A_28 = vector.extract_strided_slice %get3A_8 {offsets = [9], sizes = [1], strides = [1]} : vector<16xi32> to vector<1xi32>
    %squeeze3A_29 = vector.extract %slice3A_28[0] : i32 from vector<1xi32>
    %slice3A_30 = vector.extract_strided_slice %get3A_8 {offsets = [10], sizes = [1], strides = [1]} : vector<16xi32> to vector<1xi32>
    %squeeze3A_31 = vector.extract %slice3A_30[0] : i32 from vector<1xi32>
    %slice3A_32 = vector.extract_strided_slice %get3A_8 {offsets = [11], sizes = [1], strides = [1]} : vector<16xi32> to vector<1xi32>
    %squeeze3A_33 = vector.extract %slice3A_32[0] : i32 from vector<1xi32>
    %slice3A_34 = vector.extract_strided_slice %get3A_8 {offsets = [12], sizes = [1], strides = [1]} : vector<16xi32> to vector<1xi32>
    %squeeze3A_35 = vector.extract %slice3A_34[0] : i32 from vector<1xi32>
    %slice3A_36 = vector.extract_strided_slice %get3A_8 {offsets = [13], sizes = [1], strides = [1]} : vector<16xi32> to vector<1xi32>
    %squeeze3A_37 = vector.extract %slice3A_36[0] : i32 from vector<1xi32>
    %slice3A_38 = vector.extract_strided_slice %get3A_8 {offsets = [14], sizes = [1], strides = [1]} : vector<16xi32> to vector<1xi32>
    %squeeze3A_39 = vector.extract %slice3A_38[0] : i32 from vector<1xi32>
    %slice3A_40 = vector.extract_strided_slice %get3A_8 {offsets = [15], sizes = [1], strides = [1]} : vector<16xi32> to vector<1xi32>
    %squeeze3A_41 = vector.extract %slice3A_40[0] : i32 from vector<1xi32>
    %slice3A_42 = vector.extract_strided_slice %get3A_11 {offsets = [8], sizes = [1], strides = [1]} : vector<16xi32> to vector<1xi32>
    %squeeze3A_43 = vector.extract %slice3A_42[0] : i32 from vector<1xi32>
    %max3A = arith.maxsi %squeeze3A, %add3A_4 : i32
    %min3A = arith.minsi %max3A, %add3A_6 : i32
    %max3A_44 = arith.maxsi %squeeze3A_13, %add3A_4 : i32
    %min3A_45 = arith.minsi %max3A_44, %add3A_6 : i32
    %div3A = arith.constant 8 : i32
    %div3A_46 = arith.divsi %min3A, %div3A : i32
    %mul3A_47 = arith.constant 8 : i32
    %mul3A_48 = arith.muli %div3A_46, %mul3A_47 : i32
    %gt3A = arith.cmpi sgt, %min3A_45, %min3A : i32
    %sub3A = arith.subi %min3A_45, %mul3A_48 : i32
    %add3A_49 = arith.constant 64 : i32
    %add3A_50 = arith.addi %sub3A, %add3A_49 : i32
    %sub3A_51 = arith.constant 1 : i32
    %sub3A_52 = arith.subi %add3A_50, %sub3A_51 : i32
    %div3A_53 = arith.constant 64 : i32
    %div3A_54 = arith.divsi %sub3A_52, %div3A_53 : i32
    %jit3A = arith.constant 0 : i32
    %select_n3A = arith.select %gt3A, %div3A_54, %jit3A : i32
    %while3A = arith.constant 0 : i32
    %while3A_55 = arith.constant 0 : i32
    %while3A_56 = arith.subi %select_n3A, %while3A : i32
    %while3A_57 = arith.addi %while3A, %while3A_56 : i32
    %while3A_58 = arith.constant 1 : i32
    %while3A_59 = arith.divsi %while3A_56, %while3A_58 : i32
    %while3A_60 = arith.muli %while3A_59, %while3A_58 : i32
    %while3A_61 = arith.addi %while3A, %while3A_60 : i32
    %while3A_62 = arith.constant 1 : i32
    %while3A_63 = scf.for %while3A_527 = %while3A to %while3A_61 step %while3A_62 iter_args(%while3A_528 = %while3A_55) -> (i32)  : i32 {
      %mul3A_529 = arith.constant 64 : i32
      %mul3A_530 = arith.muli %while3A_527, %mul3A_529 : i32
      %add3A_531 = arith.addi %mul3A_48, %mul3A_530 : i32
      %min3A_532 = arith.constant 32704 : i32
      %min3A_533 = arith.minsi %add3A_531, %min3A_532 : i32
      %div3A_534 = arith.constant 8 : i32
      %div3A_535 = arith.divsi %min3A_533, %div3A_534 : i32
      %swap3A = arith.index_cast %while3A_528 : i32 to index
      %swap3A_536 = memref.load %arg9[%swap3A] : memref<22xi32, #tpu.memory_space<smem>>
      memref.store %div3A_535, %arg9[%swap3A] : memref<22xi32, #tpu.memory_space<smem>>
      %max3A_537 = arith.maxsi %min3A, %add3A_531 : i32
      %swap3A_538 = arith.index_cast %while3A_528 : i32 to index
      %swap3A_539 = memref.load %arg10[%swap3A_538] : memref<22xi32, #tpu.memory_space<smem>>
      memref.store %max3A_537, %arg10[%swap3A_538] : memref<22xi32, #tpu.memory_space<smem>>
      %add3A_540 = arith.constant 64 : i32
      %add3A_541 = arith.addi %add3A_531, %add3A_540 : i32
      %min3A_542 = arith.minsi %min3A_45, %add3A_541 : i32
      %swap3A_543 = arith.index_cast %while3A_528 : i32 to index
      %swap3A_544 = memref.load %arg11[%swap3A_543] : memref<22xi32, #tpu.memory_space<smem>>
      memref.store %min3A_542, %arg11[%swap3A_543] : memref<22xi32, #tpu.memory_space<smem>>
      %swap3A_545 = arith.constant 0 : i32
      %swap3A_546 = arith.index_cast %while3A_528 : i32 to index
      %swap3A_547 = memref.load %arg12[%swap3A_546] : memref<22xi32, #tpu.memory_space<smem>>
      memref.store %swap3A_545, %arg12[%swap3A_546] : memref<22xi32, #tpu.memory_space<smem>>
      %add3A_548 = arith.constant 1 : i32
      %add3A_549 = arith.addi %while3A_528, %add3A_548 : i32
      scf.yield %add3A_549 : i32
    }
    %while3A_64 = arith.constant 1 : i32
    %while3A_65 = scf.for %while3A_527 = %while3A_61 to %while3A_57 step %while3A_64 iter_args(%while3A_528 = %while3A_63) -> (i32)  : i32 {
      %mul3A_529 = arith.constant 64 : i32
      %mul3A_530 = arith.muli %while3A_527, %mul3A_529 : i32
      %add3A_531 = arith.addi %mul3A_48, %mul3A_530 : i32
      %min3A_532 = arith.constant 32704 : i32
      %min3A_533 = arith.minsi %add3A_531, %min3A_532 : i32
      %div3A_534 = arith.constant 8 : i32
      %div3A_535 = arith.divsi %min3A_533, %div3A_534 : i32
      %swap3A = arith.index_cast %while3A_528 : i32 to index
      %swap3A_536 = memref.load %arg9[%swap3A] : memref<22xi32, #tpu.memory_space<smem>>
      memref.store %div3A_535, %arg9[%swap3A] : memref<22xi32, #tpu.memory_space<smem>>
      %max3A_537 = arith.maxsi %min3A, %add3A_531 : i32
      %swap3A_538 = arith.index_cast %while3A_528 : i32 to index
      %swap3A_539 = memref.load %arg10[%swap3A_538] : memref<22xi32, #tpu.memory_space<smem>>
      memref.store %max3A_537, %arg10[%swap3A_538] : memref<22xi32, #tpu.memory_space<smem>>
      %add3A_540 = arith.constant 64 : i32
      %add3A_541 = arith.addi %add3A_531, %add3A_540 : i32
      %min3A_542 = arith.minsi %min3A_45, %add3A_541 : i32
      %swap3A_543 = arith.index_cast %while3A_528 : i32 to index
      %swap3A_544 = memref.load %arg11[%swap3A_543] : memref<22xi32, #tpu.memory_space<smem>>
      memref.store %min3A_542, %arg11[%swap3A_543] : memref<22xi32, #tpu.memory_space<smem>>
      %swap3A_545 = arith.constant 0 : i32
      %swap3A_546 = arith.index_cast %while3A_528 : i32 to index
      %swap3A_547 = memref.load %arg12[%swap3A_546] : memref<22xi32, #tpu.memory_space<smem>>
      memref.store %swap3A_545, %arg12[%swap3A_546] : memref<22xi32, #tpu.memory_space<smem>>
      %add3A_548 = arith.constant 1 : i32
      %add3A_549 = arith.addi %while3A_528, %add3A_548 : i32
      scf.yield %add3A_549 : i32
    }
    %max3A_66 = arith.maxsi %squeeze3A_13, %add3A_4 : i32
    %min3A_67 = arith.minsi %max3A_66, %add3A_6 : i32
    %max3A_68 = arith.maxsi %squeeze3A_15, %add3A_4 : i32
    %min3A_69 = arith.minsi %max3A_68, %add3A_6 : i32
    %div3A_70 = arith.constant 8 : i32
    %div3A_71 = arith.divsi %min3A_67, %div3A_70 : i32
    %mul3A_72 = arith.constant 8 : i32
    %mul3A_73 = arith.muli %div3A_71, %mul3A_72 : i32
    %gt3A_74 = arith.cmpi sgt, %min3A_69, %min3A_67 : i32
    %sub3A_75 = arith.subi %min3A_69, %mul3A_73 : i32
    %add3A_76 = arith.constant 64 : i32
    %add3A_77 = arith.addi %sub3A_75, %add3A_76 : i32
    %sub3A_78 = arith.constant 1 : i32
    %sub3A_79 = arith.subi %add3A_77, %sub3A_78 : i32
    %div3A_80 = arith.constant 64 : i32
    %div3A_81 = arith.divsi %sub3A_79, %div3A_80 : i32
    %jit3A_82 = arith.constant 0 : i32
    %select_n3A_83 = arith.select %gt3A_74, %div3A_81, %jit3A_82 : i32
    %while3A_84 = arith.constant 0 : i32
    %while3A_85 = arith.subi %select_n3A_83, %while3A_84 : i32
    %while3A_86 = arith.addi %while3A_84, %while3A_85 : i32
    %while3A_87 = arith.constant 1 : i32
    %while3A_88 = arith.divsi %while3A_85, %while3A_87 : i32
    %while3A_89 = arith.muli %while3A_88, %while3A_87 : i32
    %while3A_90 = arith.addi %while3A_84, %while3A_89 : i32
    %while3A_91 = arith.constant 1 : i32
    %while3A_92 = scf.for %while3A_527 = %while3A_84 to %while3A_90 step %while3A_91 iter_args(%while3A_528 = %while3A_65) -> (i32)  : i32 {
      %mul3A_529 = arith.constant 64 : i32
      %mul3A_530 = arith.muli %while3A_527, %mul3A_529 : i32
      %add3A_531 = arith.addi %mul3A_73, %mul3A_530 : i32
      %min3A_532 = arith.constant 32704 : i32
      %min3A_533 = arith.minsi %add3A_531, %min3A_532 : i32
      %div3A_534 = arith.constant 8 : i32
      %div3A_535 = arith.divsi %min3A_533, %div3A_534 : i32
      %swap3A = arith.index_cast %while3A_528 : i32 to index
      %swap3A_536 = memref.load %arg9[%swap3A] : memref<22xi32, #tpu.memory_space<smem>>
      memref.store %div3A_535, %arg9[%swap3A] : memref<22xi32, #tpu.memory_space<smem>>
      %max3A_537 = arith.maxsi %min3A_67, %add3A_531 : i32
      %swap3A_538 = arith.index_cast %while3A_528 : i32 to index
      %swap3A_539 = memref.load %arg10[%swap3A_538] : memref<22xi32, #tpu.memory_space<smem>>
      memref.store %max3A_537, %arg10[%swap3A_538] : memref<22xi32, #tpu.memory_space<smem>>
      %add3A_540 = arith.constant 64 : i32
      %add3A_541 = arith.addi %add3A_531, %add3A_540 : i32
      %min3A_542 = arith.minsi %min3A_69, %add3A_541 : i32
      %swap3A_543 = arith.index_cast %while3A_528 : i32 to index
      %swap3A_544 = memref.load %arg11[%swap3A_543] : memref<22xi32, #tpu.memory_space<smem>>
      memref.store %min3A_542, %arg11[%swap3A_543] : memref<22xi32, #tpu.memory_space<smem>>
      %swap3A_545 = arith.constant 1 : i32
      %swap3A_546 = arith.index_cast %while3A_528 : i32 to index
      %swap3A_547 = memref.load %arg12[%swap3A_546] : memref<22xi32, #tpu.memory_space<smem>>
      memref.store %swap3A_545, %arg12[%swap3A_546] : memref<22xi32, #tpu.memory_space<smem>>
      %add3A_548 = arith.constant 1 : i32
      %add3A_549 = arith.addi %while3A_528, %add3A_548 : i32
      scf.yield %add3A_549 : i32
    }
    %while3A_93 = arith.constant 1 : i32
    %while3A_94 = scf.for %while3A_527 = %while3A_90 to %while3A_86 step %while3A_93 iter_args(%while3A_528 = %while3A_92) -> (i32)  : i32 {
      %mul3A_529 = arith.constant 64 : i32
      %mul3A_530 = arith.muli %while3A_527, %mul3A_529 : i32
      %add3A_531 = arith.addi %mul3A_73, %mul3A_530 : i32
      %min3A_532 = arith.constant 32704 : i32
      %min3A_533 = arith.minsi %add3A_531, %min3A_532 : i32
      %div3A_534 = arith.constant 8 : i32
      %div3A_535 = arith.divsi %min3A_533, %div3A_534 : i32
      %swap3A = arith.index_cast %while3A_528 : i32 to index
      %swap3A_536 = memref.load %arg9[%swap3A] : memref<22xi32, #tpu.memory_space<smem>>
      memref.store %div3A_535, %arg9[%swap3A] : memref<22xi32, #tpu.memory_space<smem>>
      %max3A_537 = arith.maxsi %min3A_67, %add3A_531 : i32
      %swap3A_538 = arith.index_cast %while3A_528 : i32 to index
      %swap3A_539 = memref.load %arg10[%swap3A_538] : memref<22xi32, #tpu.memory_space<smem>>
      memref.store %max3A_537, %arg10[%swap3A_538] : memref<22xi32, #tpu.memory_space<smem>>
      %add3A_540 = arith.constant 64 : i32
      %add3A_541 = arith.addi %add3A_531, %add3A_540 : i32
      %min3A_542 = arith.minsi %min3A_69, %add3A_541 : i32
      %swap3A_543 = arith.index_cast %while3A_528 : i32 to index
      %swap3A_544 = memref.load %arg11[%swap3A_543] : memref<22xi32, #tpu.memory_space<smem>>
      memref.store %min3A_542, %arg11[%swap3A_543] : memref<22xi32, #tpu.memory_space<smem>>
      %swap3A_545 = arith.constant 1 : i32
      %swap3A_546 = arith.index_cast %while3A_528 : i32 to index
      %swap3A_547 = memref.load %arg12[%swap3A_546] : memref<22xi32, #tpu.memory_space<smem>>
      memref.store %swap3A_545, %arg12[%swap3A_546] : memref<22xi32, #tpu.memory_space<smem>>
      %add3A_548 = arith.constant 1 : i32
      %add3A_549 = arith.addi %while3A_528, %add3A_548 : i32
      scf.yield %add3A_549 : i32
    }
    %max3A_95 = arith.maxsi %squeeze3A_15, %add3A_4 : i32
    %min3A_96 = arith.minsi %max3A_95, %add3A_6 : i32
    %max3A_97 = arith.maxsi %squeeze3A_17, %add3A_4 : i32
    %min3A_98 = arith.minsi %max3A_97, %add3A_6 : i32
    %div3A_99 = arith.constant 8 : i32
    %div3A_100 = arith.divsi %min3A_96, %div3A_99 : i32
    %mul3A_101 = arith.constant 8 : i32
    %mul3A_102 = arith.muli %div3A_100, %mul3A_101 : i32
    %gt3A_103 = arith.cmpi sgt, %min3A_98, %min3A_96 : i32
    %sub3A_104 = arith.subi %min3A_98, %mul3A_102 : i32
    %add3A_105 = arith.constant 64 : i32
    %add3A_106 = arith.addi %sub3A_104, %add3A_105 : i32
    %sub3A_107 = arith.constant 1 : i32
    %sub3A_108 = arith.subi %add3A_106, %sub3A_107 : i32
    %div3A_109 = arith.constant 64 : i32
    %div3A_110 = arith.divsi %sub3A_108, %div3A_109 : i32
    %jit3A_111 = arith.constant 0 : i32
    %select_n3A_112 = arith.select %gt3A_103, %div3A_110, %jit3A_111 : i32
    %while3A_113 = arith.constant 0 : i32
    %while3A_114 = arith.subi %select_n3A_112, %while3A_113 : i32
    %while3A_115 = arith.addi %while3A_113, %while3A_114 : i32
    %while3A_116 = arith.constant 1 : i32
    %while3A_117 = arith.divsi %while3A_114, %while3A_116 : i32
    %while3A_118 = arith.muli %while3A_117, %while3A_116 : i32
    %while3A_119 = arith.addi %while3A_113, %while3A_118 : i32
    %while3A_120 = arith.constant 1 : i32
    %while3A_121 = scf.for %while3A_527 = %while3A_113 to %while3A_119 step %while3A_120 iter_args(%while3A_528 = %while3A_94) -> (i32)  : i32 {
      %mul3A_529 = arith.constant 64 : i32
      %mul3A_530 = arith.muli %while3A_527, %mul3A_529 : i32
      %add3A_531 = arith.addi %mul3A_102, %mul3A_530 : i32
      %min3A_532 = arith.constant 32704 : i32
      %min3A_533 = arith.minsi %add3A_531, %min3A_532 : i32
      %div3A_534 = arith.constant 8 : i32
      %div3A_535 = arith.divsi %min3A_533, %div3A_534 : i32
      %swap3A = arith.index_cast %while3A_528 : i32 to index
      %swap3A_536 = memref.load %arg9[%swap3A] : memref<22xi32, #tpu.memory_space<smem>>
      memref.store %div3A_535, %arg9[%swap3A] : memref<22xi32, #tpu.memory_space<smem>>
      %max3A_537 = arith.maxsi %min3A_96, %add3A_531 : i32
      %swap3A_538 = arith.index_cast %while3A_528 : i32 to index
      %swap3A_539 = memref.load %arg10[%swap3A_538] : memref<22xi32, #tpu.memory_space<smem>>
      memref.store %max3A_537, %arg10[%swap3A_538] : memref<22xi32, #tpu.memory_space<smem>>
      %add3A_540 = arith.constant 64 : i32
      %add3A_541 = arith.addi %add3A_531, %add3A_540 : i32
      %min3A_542 = arith.minsi %min3A_98, %add3A_541 : i32
      %swap3A_543 = arith.index_cast %while3A_528 : i32 to index
      %swap3A_544 = memref.load %arg11[%swap3A_543] : memref<22xi32, #tpu.memory_space<smem>>
      memref.store %min3A_542, %arg11[%swap3A_543] : memref<22xi32, #tpu.memory_space<smem>>
      %swap3A_545 = arith.constant 2 : i32
      %swap3A_546 = arith.index_cast %while3A_528 : i32 to index
      %swap3A_547 = memref.load %arg12[%swap3A_546] : memref<22xi32, #tpu.memory_space<smem>>
      memref.store %swap3A_545, %arg12[%swap3A_546] : memref<22xi32, #tpu.memory_space<smem>>
      %add3A_548 = arith.constant 1 : i32
      %add3A_549 = arith.addi %while3A_528, %add3A_548 : i32
      scf.yield %add3A_549 : i32
    }
    %while3A_122 = arith.constant 1 : i32
    %while3A_123 = scf.for %while3A_527 = %while3A_119 to %while3A_115 step %while3A_122 iter_args(%while3A_528 = %while3A_121) -> (i32)  : i32 {
      %mul3A_529 = arith.constant 64 : i32
      %mul3A_530 = arith.muli %while3A_527, %mul3A_529 : i32
      %add3A_531 = arith.addi %mul3A_102, %mul3A_530 : i32
      %min3A_532 = arith.constant 32704 : i32
      %min3A_533 = arith.minsi %add3A_531, %min3A_532 : i32
      %div3A_534 = arith.constant 8 : i32
      %div3A_535 = arith.divsi %min3A_533, %div3A_534 : i32
      %swap3A = arith.index_cast %while3A_528 : i32 to index
      %swap3A_536 = memref.load %arg9[%swap3A] : memref<22xi32, #tpu.memory_space<smem>>
      memref.store %div3A_535, %arg9[%swap3A] : memref<22xi32, #tpu.memory_space<smem>>
      %max3A_537 = arith.maxsi %min3A_96, %add3A_531 : i32
      %swap3A_538 = arith.index_cast %while3A_528 : i32 to index
      %swap3A_539 = memref.load %arg10[%swap3A_538] : memref<22xi32, #tpu.memory_space<smem>>
      memref.store %max3A_537, %arg10[%swap3A_538] : memref<22xi32, #tpu.memory_space<smem>>
      %add3A_540 = arith.constant 64 : i32
      %add3A_541 = arith.addi %add3A_531, %add3A_540 : i32
      %min3A_542 = arith.minsi %min3A_98, %add3A_541 : i32
      %swap3A_543 = arith.index_cast %while3A_528 : i32 to index
      %swap3A_544 = memref.load %arg11[%swap3A_543] : memref<22xi32, #tpu.memory_space<smem>>
      memref.store %min3A_542, %arg11[%swap3A_543] : memref<22xi32, #tpu.memory_space<smem>>
      %swap3A_545 = arith.constant 2 : i32
      %swap3A_546 = arith.index_cast %while3A_528 : i32 to index
      %swap3A_547 = memref.load %arg12[%swap3A_546] : memref<22xi32, #tpu.memory_space<smem>>
      memref.store %swap3A_545, %arg12[%swap3A_546] : memref<22xi32, #tpu.memory_space<smem>>
      %add3A_548 = arith.constant 1 : i32
      %add3A_549 = arith.addi %while3A_528, %add3A_548 : i32
      scf.yield %add3A_549 : i32
    }
    %max3A_124 = arith.maxsi %squeeze3A_17, %add3A_4 : i32
    %min3A_125 = arith.minsi %max3A_124, %add3A_6 : i32
    %max3A_126 = arith.maxsi %squeeze3A_19, %add3A_4 : i32
    %min3A_127 = arith.minsi %max3A_126, %add3A_6 : i32
    %div3A_128 = arith.constant 8 : i32
    %div3A_129 = arith.divsi %min3A_125, %div3A_128 : i32
    %mul3A_130 = arith.constant 8 : i32
    %mul3A_131 = arith.muli %div3A_129, %mul3A_130 : i32
    %gt3A_132 = arith.cmpi sgt, %min3A_127, %min3A_125 : i32
    %sub3A_133 = arith.subi %min3A_127, %mul3A_131 : i32
    %add3A_134 = arith.constant 64 : i32
    %add3A_135 = arith.addi %sub3A_133, %add3A_134 : i32
    %sub3A_136 = arith.constant 1 : i32
    %sub3A_137 = arith.subi %add3A_135, %sub3A_136 : i32
    %div3A_138 = arith.constant 64 : i32
    %div3A_139 = arith.divsi %sub3A_137, %div3A_138 : i32
    %jit3A_140 = arith.constant 0 : i32
    %select_n3A_141 = arith.select %gt3A_132, %div3A_139, %jit3A_140 : i32
    %while3A_142 = arith.constant 0 : i32
    %while3A_143 = arith.subi %select_n3A_141, %while3A_142 : i32
    %while3A_144 = arith.addi %while3A_142, %while3A_143 : i32
    %while3A_145 = arith.constant 1 : i32
    %while3A_146 = arith.divsi %while3A_143, %while3A_145 : i32
    %while3A_147 = arith.muli %while3A_146, %while3A_145 : i32
    %while3A_148 = arith.addi %while3A_142, %while3A_147 : i32
    %while3A_149 = arith.constant 1 : i32
    %while3A_150 = scf.for %while3A_527 = %while3A_142 to %while3A_148 step %while3A_149 iter_args(%while3A_528 = %while3A_123) -> (i32)  : i32 {
      %mul3A_529 = arith.constant 64 : i32
      %mul3A_530 = arith.muli %while3A_527, %mul3A_529 : i32
      %add3A_531 = arith.addi %mul3A_131, %mul3A_530 : i32
      %min3A_532 = arith.constant 32704 : i32
      %min3A_533 = arith.minsi %add3A_531, %min3A_532 : i32
      %div3A_534 = arith.constant 8 : i32
      %div3A_535 = arith.divsi %min3A_533, %div3A_534 : i32
      %swap3A = arith.index_cast %while3A_528 : i32 to index
      %swap3A_536 = memref.load %arg9[%swap3A] : memref<22xi32, #tpu.memory_space<smem>>
      memref.store %div3A_535, %arg9[%swap3A] : memref<22xi32, #tpu.memory_space<smem>>
      %max3A_537 = arith.maxsi %min3A_125, %add3A_531 : i32
      %swap3A_538 = arith.index_cast %while3A_528 : i32 to index
      %swap3A_539 = memref.load %arg10[%swap3A_538] : memref<22xi32, #tpu.memory_space<smem>>
      memref.store %max3A_537, %arg10[%swap3A_538] : memref<22xi32, #tpu.memory_space<smem>>
      %add3A_540 = arith.constant 64 : i32
      %add3A_541 = arith.addi %add3A_531, %add3A_540 : i32
      %min3A_542 = arith.minsi %min3A_127, %add3A_541 : i32
      %swap3A_543 = arith.index_cast %while3A_528 : i32 to index
      %swap3A_544 = memref.load %arg11[%swap3A_543] : memref<22xi32, #tpu.memory_space<smem>>
      memref.store %min3A_542, %arg11[%swap3A_543] : memref<22xi32, #tpu.memory_space<smem>>
      %swap3A_545 = arith.constant 3 : i32
      %swap3A_546 = arith.index_cast %while3A_528 : i32 to index
      %swap3A_547 = memref.load %arg12[%swap3A_546] : memref<22xi32, #tpu.memory_space<smem>>
      memref.store %swap3A_545, %arg12[%swap3A_546] : memref<22xi32, #tpu.memory_space<smem>>
      %add3A_548 = arith.constant 1 : i32
      %add3A_549 = arith.addi %while3A_528, %add3A_548 : i32
      scf.yield %add3A_549 : i32
    }
    %while3A_151 = arith.constant 1 : i32
    %while3A_152 = scf.for %while3A_527 = %while3A_148 to %while3A_144 step %while3A_151 iter_args(%while3A_528 = %while3A_150) -> (i32)  : i32 {
      %mul3A_529 = arith.constant 64 : i32
      %mul3A_530 = arith.muli %while3A_527, %mul3A_529 : i32
      %add3A_531 = arith.addi %mul3A_131, %mul3A_530 : i32
      %min3A_532 = arith.constant 32704 : i32
      %min3A_533 = arith.minsi %add3A_531, %min3A_532 : i32
      %div3A_534 = arith.constant 8 : i32
      %div3A_535 = arith.divsi %min3A_533, %div3A_534 : i32
      %swap3A = arith.index_cast %while3A_528 : i32 to index
      %swap3A_536 = memref.load %arg9[%swap3A] : memref<22xi32, #tpu.memory_space<smem>>
      memref.store %div3A_535, %arg9[%swap3A] : memref<22xi32, #tpu.memory_space<smem>>
      %max3A_537 = arith.maxsi %min3A_125, %add3A_531 : i32
      %swap3A_538 = arith.index_cast %while3A_528 : i32 to index
      %swap3A_539 = memref.load %arg10[%swap3A_538] : memref<22xi32, #tpu.memory_space<smem>>
      memref.store %max3A_537, %arg10[%swap3A_538] : memref<22xi32, #tpu.memory_space<smem>>
      %add3A_540 = arith.constant 64 : i32
      %add3A_541 = arith.addi %add3A_531, %add3A_540 : i32
      %min3A_542 = arith.minsi %min3A_127, %add3A_541 : i32
      %swap3A_543 = arith.index_cast %while3A_528 : i32 to index
      %swap3A_544 = memref.load %arg11[%swap3A_543] : memref<22xi32, #tpu.memory_space<smem>>
      memref.store %min3A_542, %arg11[%swap3A_543] : memref<22xi32, #tpu.memory_space<smem>>
      %swap3A_545 = arith.constant 3 : i32
      %swap3A_546 = arith.index_cast %while3A_528 : i32 to index
      %swap3A_547 = memref.load %arg12[%swap3A_546] : memref<22xi32, #tpu.memory_space<smem>>
      memref.store %swap3A_545, %arg12[%swap3A_546] : memref<22xi32, #tpu.memory_space<smem>>
      %add3A_548 = arith.constant 1 : i32
      %add3A_549 = arith.addi %while3A_528, %add3A_548 : i32
      scf.yield %add3A_549 : i32
    }
    %max3A_153 = arith.maxsi %squeeze3A_19, %add3A_4 : i32
    %min3A_154 = arith.minsi %max3A_153, %add3A_6 : i32
    %max3A_155 = arith.maxsi %squeeze3A_21, %add3A_4 : i32
    %min3A_156 = arith.minsi %max3A_155, %add3A_6 : i32
    %div3A_157 = arith.constant 8 : i32
    %div3A_158 = arith.divsi %min3A_154, %div3A_157 : i32
    %mul3A_159 = arith.constant 8 : i32
    %mul3A_160 = arith.muli %div3A_158, %mul3A_159 : i32
    %gt3A_161 = arith.cmpi sgt, %min3A_156, %min3A_154 : i32
    %sub3A_162 = arith.subi %min3A_156, %mul3A_160 : i32
    %add3A_163 = arith.constant 64 : i32
    %add3A_164 = arith.addi %sub3A_162, %add3A_163 : i32
    %sub3A_165 = arith.constant 1 : i32
    %sub3A_166 = arith.subi %add3A_164, %sub3A_165 : i32
    %div3A_167 = arith.constant 64 : i32
    %div3A_168 = arith.divsi %sub3A_166, %div3A_167 : i32
    %jit3A_169 = arith.constant 0 : i32
    %select_n3A_170 = arith.select %gt3A_161, %div3A_168, %jit3A_169 : i32
    %while3A_171 = arith.constant 0 : i32
    %while3A_172 = arith.subi %select_n3A_170, %while3A_171 : i32
    %while3A_173 = arith.addi %while3A_171, %while3A_172 : i32
    %while3A_174 = arith.constant 1 : i32
    %while3A_175 = arith.divsi %while3A_172, %while3A_174 : i32
    %while3A_176 = arith.muli %while3A_175, %while3A_174 : i32
    %while3A_177 = arith.addi %while3A_171, %while3A_176 : i32
    %while3A_178 = arith.constant 1 : i32
    %while3A_179 = scf.for %while3A_527 = %while3A_171 to %while3A_177 step %while3A_178 iter_args(%while3A_528 = %while3A_152) -> (i32)  : i32 {
      %mul3A_529 = arith.constant 64 : i32
      %mul3A_530 = arith.muli %while3A_527, %mul3A_529 : i32
      %add3A_531 = arith.addi %mul3A_160, %mul3A_530 : i32
      %min3A_532 = arith.constant 32704 : i32
      %min3A_533 = arith.minsi %add3A_531, %min3A_532 : i32
      %div3A_534 = arith.constant 8 : i32
      %div3A_535 = arith.divsi %min3A_533, %div3A_534 : i32
      %swap3A = arith.index_cast %while3A_528 : i32 to index
      %swap3A_536 = memref.load %arg9[%swap3A] : memref<22xi32, #tpu.memory_space<smem>>
      memref.store %div3A_535, %arg9[%swap3A] : memref<22xi32, #tpu.memory_space<smem>>
      %max3A_537 = arith.maxsi %min3A_154, %add3A_531 : i32
      %swap3A_538 = arith.index_cast %while3A_528 : i32 to index
      %swap3A_539 = memref.load %arg10[%swap3A_538] : memref<22xi32, #tpu.memory_space<smem>>
      memref.store %max3A_537, %arg10[%swap3A_538] : memref<22xi32, #tpu.memory_space<smem>>
      %add3A_540 = arith.constant 64 : i32
      %add3A_541 = arith.addi %add3A_531, %add3A_540 : i32
      %min3A_542 = arith.minsi %min3A_156, %add3A_541 : i32
      %swap3A_543 = arith.index_cast %while3A_528 : i32 to index
      %swap3A_544 = memref.load %arg11[%swap3A_543] : memref<22xi32, #tpu.memory_space<smem>>
      memref.store %min3A_542, %arg11[%swap3A_543] : memref<22xi32, #tpu.memory_space<smem>>
      %swap3A_545 = arith.constant 4 : i32
      %swap3A_546 = arith.index_cast %while3A_528 : i32 to index
      %swap3A_547 = memref.load %arg12[%swap3A_546] : memref<22xi32, #tpu.memory_space<smem>>
      memref.store %swap3A_545, %arg12[%swap3A_546] : memref<22xi32, #tpu.memory_space<smem>>
      %add3A_548 = arith.constant 1 : i32
      %add3A_549 = arith.addi %while3A_528, %add3A_548 : i32
      scf.yield %add3A_549 : i32
    }
    %while3A_180 = arith.constant 1 : i32
    %while3A_181 = scf.for %while3A_527 = %while3A_177 to %while3A_173 step %while3A_180 iter_args(%while3A_528 = %while3A_179) -> (i32)  : i32 {
      %mul3A_529 = arith.constant 64 : i32
      %mul3A_530 = arith.muli %while3A_527, %mul3A_529 : i32
      %add3A_531 = arith.addi %mul3A_160, %mul3A_530 : i32
      %min3A_532 = arith.constant 32704 : i32
      %min3A_533 = arith.minsi %add3A_531, %min3A_532 : i32
      %div3A_534 = arith.constant 8 : i32
      %div3A_535 = arith.divsi %min3A_533, %div3A_534 : i32
      %swap3A = arith.index_cast %while3A_528 : i32 to index
      %swap3A_536 = memref.load %arg9[%swap3A] : memref<22xi32, #tpu.memory_space<smem>>
      memref.store %div3A_535, %arg9[%swap3A] : memref<22xi32, #tpu.memory_space<smem>>
      %max3A_537 = arith.maxsi %min3A_154, %add3A_531 : i32
      %swap3A_538 = arith.index_cast %while3A_528 : i32 to index
      %swap3A_539 = memref.load %arg10[%swap3A_538] : memref<22xi32, #tpu.memory_space<smem>>
      memref.store %max3A_537, %arg10[%swap3A_538] : memref<22xi32, #tpu.memory_space<smem>>
      %add3A_540 = arith.constant 64 : i32
      %add3A_541 = arith.addi %add3A_531, %add3A_540 : i32
      %min3A_542 = arith.minsi %min3A_156, %add3A_541 : i32
      %swap3A_543 = arith.index_cast %while3A_528 : i32 to index
      %swap3A_544 = memref.load %arg11[%swap3A_543] : memref<22xi32, #tpu.memory_space<smem>>
      memref.store %min3A_542, %arg11[%swap3A_543] : memref<22xi32, #tpu.memory_space<smem>>
      %swap3A_545 = arith.constant 4 : i32
      %swap3A_546 = arith.index_cast %while3A_528 : i32 to index
      %swap3A_547 = memref.load %arg12[%swap3A_546] : memref<22xi32, #tpu.memory_space<smem>>
      memref.store %swap3A_545, %arg12[%swap3A_546] : memref<22xi32, #tpu.memory_space<smem>>
      %add3A_548 = arith.constant 1 : i32
      %add3A_549 = arith.addi %while3A_528, %add3A_548 : i32
      scf.yield %add3A_549 : i32
    }
    %max3A_182 = arith.maxsi %squeeze3A_21, %add3A_4 : i32
    %min3A_183 = arith.minsi %max3A_182, %add3A_6 : i32
    %max3A_184 = arith.maxsi %squeeze3A_23, %add3A_4 : i32
    %min3A_185 = arith.minsi %max3A_184, %add3A_6 : i32
    %div3A_186 = arith.constant 8 : i32
    %div3A_187 = arith.divsi %min3A_183, %div3A_186 : i32
    %mul3A_188 = arith.constant 8 : i32
    %mul3A_189 = arith.muli %div3A_187, %mul3A_188 : i32
    %gt3A_190 = arith.cmpi sgt, %min3A_185, %min3A_183 : i32
    %sub3A_191 = arith.subi %min3A_185, %mul3A_189 : i32
    %add3A_192 = arith.constant 64 : i32
    %add3A_193 = arith.addi %sub3A_191, %add3A_192 : i32
    %sub3A_194 = arith.constant 1 : i32
    %sub3A_195 = arith.subi %add3A_193, %sub3A_194 : i32
    %div3A_196 = arith.constant 64 : i32
    %div3A_197 = arith.divsi %sub3A_195, %div3A_196 : i32
    %jit3A_198 = arith.constant 0 : i32
    %select_n3A_199 = arith.select %gt3A_190, %div3A_197, %jit3A_198 : i32
    %while3A_200 = arith.constant 0 : i32
    %while3A_201 = arith.subi %select_n3A_199, %while3A_200 : i32
    %while3A_202 = arith.addi %while3A_200, %while3A_201 : i32
    %while3A_203 = arith.constant 1 : i32
    %while3A_204 = arith.divsi %while3A_201, %while3A_203 : i32
    %while3A_205 = arith.muli %while3A_204, %while3A_203 : i32
    %while3A_206 = arith.addi %while3A_200, %while3A_205 : i32
    %while3A_207 = arith.constant 1 : i32
    %while3A_208 = scf.for %while3A_527 = %while3A_200 to %while3A_206 step %while3A_207 iter_args(%while3A_528 = %while3A_181) -> (i32)  : i32 {
      %mul3A_529 = arith.constant 64 : i32
      %mul3A_530 = arith.muli %while3A_527, %mul3A_529 : i32
      %add3A_531 = arith.addi %mul3A_189, %mul3A_530 : i32
      %min3A_532 = arith.constant 32704 : i32
      %min3A_533 = arith.minsi %add3A_531, %min3A_532 : i32
      %div3A_534 = arith.constant 8 : i32
      %div3A_535 = arith.divsi %min3A_533, %div3A_534 : i32
      %swap3A = arith.index_cast %while3A_528 : i32 to index
      %swap3A_536 = memref.load %arg9[%swap3A] : memref<22xi32, #tpu.memory_space<smem>>
      memref.store %div3A_535, %arg9[%swap3A] : memref<22xi32, #tpu.memory_space<smem>>
      %max3A_537 = arith.maxsi %min3A_183, %add3A_531 : i32
      %swap3A_538 = arith.index_cast %while3A_528 : i32 to index
      %swap3A_539 = memref.load %arg10[%swap3A_538] : memref<22xi32, #tpu.memory_space<smem>>
      memref.store %max3A_537, %arg10[%swap3A_538] : memref<22xi32, #tpu.memory_space<smem>>
      %add3A_540 = arith.constant 64 : i32
      %add3A_541 = arith.addi %add3A_531, %add3A_540 : i32
      %min3A_542 = arith.minsi %min3A_185, %add3A_541 : i32
      %swap3A_543 = arith.index_cast %while3A_528 : i32 to index
      %swap3A_544 = memref.load %arg11[%swap3A_543] : memref<22xi32, #tpu.memory_space<smem>>
      memref.store %min3A_542, %arg11[%swap3A_543] : memref<22xi32, #tpu.memory_space<smem>>
      %swap3A_545 = arith.constant 5 : i32
      %swap3A_546 = arith.index_cast %while3A_528 : i32 to index
      %swap3A_547 = memref.load %arg12[%swap3A_546] : memref<22xi32, #tpu.memory_space<smem>>
      memref.store %swap3A_545, %arg12[%swap3A_546] : memref<22xi32, #tpu.memory_space<smem>>
      %add3A_548 = arith.constant 1 : i32
      %add3A_549 = arith.addi %while3A_528, %add3A_548 : i32
      scf.yield %add3A_549 : i32
    }
    %while3A_209 = arith.constant 1 : i32
    %while3A_210 = scf.for %while3A_527 = %while3A_206 to %while3A_202 step %while3A_209 iter_args(%while3A_528 = %while3A_208) -> (i32)  : i32 {
      %mul3A_529 = arith.constant 64 : i32
      %mul3A_530 = arith.muli %while3A_527, %mul3A_529 : i32
      %add3A_531 = arith.addi %mul3A_189, %mul3A_530 : i32
      %min3A_532 = arith.constant 32704 : i32
      %min3A_533 = arith.minsi %add3A_531, %min3A_532 : i32
      %div3A_534 = arith.constant 8 : i32
      %div3A_535 = arith.divsi %min3A_533, %div3A_534 : i32
      %swap3A = arith.index_cast %while3A_528 : i32 to index
      %swap3A_536 = memref.load %arg9[%swap3A] : memref<22xi32, #tpu.memory_space<smem>>
      memref.store %div3A_535, %arg9[%swap3A] : memref<22xi32, #tpu.memory_space<smem>>
      %max3A_537 = arith.maxsi %min3A_183, %add3A_531 : i32
      %swap3A_538 = arith.index_cast %while3A_528 : i32 to index
      %swap3A_539 = memref.load %arg10[%swap3A_538] : memref<22xi32, #tpu.memory_space<smem>>
      memref.store %max3A_537, %arg10[%swap3A_538] : memref<22xi32, #tpu.memory_space<smem>>
      %add3A_540 = arith.constant 64 : i32
      %add3A_541 = arith.addi %add3A_531, %add3A_540 : i32
      %min3A_542 = arith.minsi %min3A_185, %add3A_541 : i32
      %swap3A_543 = arith.index_cast %while3A_528 : i32 to index
      %swap3A_544 = memref.load %arg11[%swap3A_543] : memref<22xi32, #tpu.memory_space<smem>>
      memref.store %min3A_542, %arg11[%swap3A_543] : memref<22xi32, #tpu.memory_space<smem>>
      %swap3A_545 = arith.constant 5 : i32
      %swap3A_546 = arith.index_cast %while3A_528 : i32 to index
      %swap3A_547 = memref.load %arg12[%swap3A_546] : memref<22xi32, #tpu.memory_space<smem>>
      memref.store %swap3A_545, %arg12[%swap3A_546] : memref<22xi32, #tpu.memory_space<smem>>
      %add3A_548 = arith.constant 1 : i32
      %add3A_549 = arith.addi %while3A_528, %add3A_548 : i32
      scf.yield %add3A_549 : i32
    }
    %max3A_211 = arith.maxsi %squeeze3A_23, %add3A_4 : i32
    %min3A_212 = arith.minsi %max3A_211, %add3A_6 : i32
    %max3A_213 = arith.maxsi %squeeze3A_25, %add3A_4 : i32
    %min3A_214 = arith.minsi %max3A_213, %add3A_6 : i32
    %div3A_215 = arith.constant 8 : i32
    %div3A_216 = arith.divsi %min3A_212, %div3A_215 : i32
    %mul3A_217 = arith.constant 8 : i32
    %mul3A_218 = arith.muli %div3A_216, %mul3A_217 : i32
    %gt3A_219 = arith.cmpi sgt, %min3A_214, %min3A_212 : i32
    %sub3A_220 = arith.subi %min3A_214, %mul3A_218 : i32
    %add3A_221 = arith.constant 64 : i32
    %add3A_222 = arith.addi %sub3A_220, %add3A_221 : i32
    %sub3A_223 = arith.constant 1 : i32
    %sub3A_224 = arith.subi %add3A_222, %sub3A_223 : i32
    %div3A_225 = arith.constant 64 : i32
    %div3A_226 = arith.divsi %sub3A_224, %div3A_225 : i32
    %jit3A_227 = arith.constant 0 : i32
    %select_n3A_228 = arith.select %gt3A_219, %div3A_226, %jit3A_227 : i32
    %while3A_229 = arith.constant 0 : i32
    %while3A_230 = arith.subi %select_n3A_228, %while3A_229 : i32
    %while3A_231 = arith.addi %while3A_229, %while3A_230 : i32
    %while3A_232 = arith.constant 1 : i32
    %while3A_233 = arith.divsi %while3A_230, %while3A_232 : i32
    %while3A_234 = arith.muli %while3A_233, %while3A_232 : i32
    %while3A_235 = arith.addi %while3A_229, %while3A_234 : i32
    %while3A_236 = arith.constant 1 : i32
    %while3A_237 = scf.for %while3A_527 = %while3A_229 to %while3A_235 step %while3A_236 iter_args(%while3A_528 = %while3A_210) -> (i32)  : i32 {
      %mul3A_529 = arith.constant 64 : i32
      %mul3A_530 = arith.muli %while3A_527, %mul3A_529 : i32
      %add3A_531 = arith.addi %mul3A_218, %mul3A_530 : i32
      %min3A_532 = arith.constant 32704 : i32
      %min3A_533 = arith.minsi %add3A_531, %min3A_532 : i32
      %div3A_534 = arith.constant 8 : i32
      %div3A_535 = arith.divsi %min3A_533, %div3A_534 : i32
      %swap3A = arith.index_cast %while3A_528 : i32 to index
      %swap3A_536 = memref.load %arg9[%swap3A] : memref<22xi32, #tpu.memory_space<smem>>
      memref.store %div3A_535, %arg9[%swap3A] : memref<22xi32, #tpu.memory_space<smem>>
      %max3A_537 = arith.maxsi %min3A_212, %add3A_531 : i32
      %swap3A_538 = arith.index_cast %while3A_528 : i32 to index
      %swap3A_539 = memref.load %arg10[%swap3A_538] : memref<22xi32, #tpu.memory_space<smem>>
      memref.store %max3A_537, %arg10[%swap3A_538] : memref<22xi32, #tpu.memory_space<smem>>
      %add3A_540 = arith.constant 64 : i32
      %add3A_541 = arith.addi %add3A_531, %add3A_540 : i32
      %min3A_542 = arith.minsi %min3A_214, %add3A_541 : i32
      %swap3A_543 = arith.index_cast %while3A_528 : i32 to index
      %swap3A_544 = memref.load %arg11[%swap3A_543] : memref<22xi32, #tpu.memory_space<smem>>
      memref.store %min3A_542, %arg11[%swap3A_543] : memref<22xi32, #tpu.memory_space<smem>>
      %swap3A_545 = arith.constant 6 : i32
      %swap3A_546 = arith.index_cast %while3A_528 : i32 to index
      %swap3A_547 = memref.load %arg12[%swap3A_546] : memref<22xi32, #tpu.memory_space<smem>>
      memref.store %swap3A_545, %arg12[%swap3A_546] : memref<22xi32, #tpu.memory_space<smem>>
      %add3A_548 = arith.constant 1 : i32
      %add3A_549 = arith.addi %while3A_528, %add3A_548 : i32
      scf.yield %add3A_549 : i32
    }
    %while3A_238 = arith.constant 1 : i32
    %while3A_239 = scf.for %while3A_527 = %while3A_235 to %while3A_231 step %while3A_238 iter_args(%while3A_528 = %while3A_237) -> (i32)  : i32 {
      %mul3A_529 = arith.constant 64 : i32
      %mul3A_530 = arith.muli %while3A_527, %mul3A_529 : i32
      %add3A_531 = arith.addi %mul3A_218, %mul3A_530 : i32
      %min3A_532 = arith.constant 32704 : i32
      %min3A_533 = arith.minsi %add3A_531, %min3A_532 : i32
      %div3A_534 = arith.constant 8 : i32
      %div3A_535 = arith.divsi %min3A_533, %div3A_534 : i32
      %swap3A = arith.index_cast %while3A_528 : i32 to index
      %swap3A_536 = memref.load %arg9[%swap3A] : memref<22xi32, #tpu.memory_space<smem>>
      memref.store %div3A_535, %arg9[%swap3A] : memref<22xi32, #tpu.memory_space<smem>>
      %max3A_537 = arith.maxsi %min3A_212, %add3A_531 : i32
      %swap3A_538 = arith.index_cast %while3A_528 : i32 to index
      %swap3A_539 = memref.load %arg10[%swap3A_538] : memref<22xi32, #tpu.memory_space<smem>>
      memref.store %max3A_537, %arg10[%swap3A_538] : memref<22xi32, #tpu.memory_space<smem>>
      %add3A_540 = arith.constant 64 : i32
      %add3A_541 = arith.addi %add3A_531, %add3A_540 : i32
      %min3A_542 = arith.minsi %min3A_214, %add3A_541 : i32
      %swap3A_543 = arith.index_cast %while3A_528 : i32 to index
      %swap3A_544 = memref.load %arg11[%swap3A_543] : memref<22xi32, #tpu.memory_space<smem>>
      memref.store %min3A_542, %arg11[%swap3A_543] : memref<22xi32, #tpu.memory_space<smem>>
      %swap3A_545 = arith.constant 6 : i32
      %swap3A_546 = arith.index_cast %while3A_528 : i32 to index
      %swap3A_547 = memref.load %arg12[%swap3A_546] : memref<22xi32, #tpu.memory_space<smem>>
      memref.store %swap3A_545, %arg12[%swap3A_546] : memref<22xi32, #tpu.memory_space<smem>>
      %add3A_548 = arith.constant 1 : i32
      %add3A_549 = arith.addi %while3A_528, %add3A_548 : i32
      scf.yield %add3A_549 : i32
    }
    %max3A_240 = arith.maxsi %squeeze3A_25, %add3A_4 : i32
    %min3A_241 = arith.minsi %max3A_240, %add3A_6 : i32
    %max3A_242 = arith.maxsi %squeeze3A_27, %add3A_4 : i32
    %min3A_243 = arith.minsi %max3A_242, %add3A_6 : i32
    %div3A_244 = arith.constant 8 : i32
    %div3A_245 = arith.divsi %min3A_241, %div3A_244 : i32
    %mul3A_246 = arith.constant 8 : i32
    %mul3A_247 = arith.muli %div3A_245, %mul3A_246 : i32
    %gt3A_248 = arith.cmpi sgt, %min3A_243, %min3A_241 : i32
    %sub3A_249 = arith.subi %min3A_243, %mul3A_247 : i32
    %add3A_250 = arith.constant 64 : i32
    %add3A_251 = arith.addi %sub3A_249, %add3A_250 : i32
    %sub3A_252 = arith.constant 1 : i32
    %sub3A_253 = arith.subi %add3A_251, %sub3A_252 : i32
    %div3A_254 = arith.constant 64 : i32
    %div3A_255 = arith.divsi %sub3A_253, %div3A_254 : i32
    %jit3A_256 = arith.constant 0 : i32
    %select_n3A_257 = arith.select %gt3A_248, %div3A_255, %jit3A_256 : i32
    %while3A_258 = arith.constant 0 : i32
    %while3A_259 = arith.subi %select_n3A_257, %while3A_258 : i32
    %while3A_260 = arith.addi %while3A_258, %while3A_259 : i32
    %while3A_261 = arith.constant 1 : i32
    %while3A_262 = arith.divsi %while3A_259, %while3A_261 : i32
    %while3A_263 = arith.muli %while3A_262, %while3A_261 : i32
    %while3A_264 = arith.addi %while3A_258, %while3A_263 : i32
    %while3A_265 = arith.constant 1 : i32
    %while3A_266 = scf.for %while3A_527 = %while3A_258 to %while3A_264 step %while3A_265 iter_args(%while3A_528 = %while3A_239) -> (i32)  : i32 {
      %mul3A_529 = arith.constant 64 : i32
      %mul3A_530 = arith.muli %while3A_527, %mul3A_529 : i32
      %add3A_531 = arith.addi %mul3A_247, %mul3A_530 : i32
      %min3A_532 = arith.constant 32704 : i32
      %min3A_533 = arith.minsi %add3A_531, %min3A_532 : i32
      %div3A_534 = arith.constant 8 : i32
      %div3A_535 = arith.divsi %min3A_533, %div3A_534 : i32
      %swap3A = arith.index_cast %while3A_528 : i32 to index
      %swap3A_536 = memref.load %arg9[%swap3A] : memref<22xi32, #tpu.memory_space<smem>>
      memref.store %div3A_535, %arg9[%swap3A] : memref<22xi32, #tpu.memory_space<smem>>
      %max3A_537 = arith.maxsi %min3A_241, %add3A_531 : i32
      %swap3A_538 = arith.index_cast %while3A_528 : i32 to index
      %swap3A_539 = memref.load %arg10[%swap3A_538] : memref<22xi32, #tpu.memory_space<smem>>
      memref.store %max3A_537, %arg10[%swap3A_538] : memref<22xi32, #tpu.memory_space<smem>>
      %add3A_540 = arith.constant 64 : i32
      %add3A_541 = arith.addi %add3A_531, %add3A_540 : i32
      %min3A_542 = arith.minsi %min3A_243, %add3A_541 : i32
      %swap3A_543 = arith.index_cast %while3A_528 : i32 to index
      %swap3A_544 = memref.load %arg11[%swap3A_543] : memref<22xi32, #tpu.memory_space<smem>>
      memref.store %min3A_542, %arg11[%swap3A_543] : memref<22xi32, #tpu.memory_space<smem>>
      %swap3A_545 = arith.constant 7 : i32
      %swap3A_546 = arith.index_cast %while3A_528 : i32 to index
      %swap3A_547 = memref.load %arg12[%swap3A_546] : memref<22xi32, #tpu.memory_space<smem>>
      memref.store %swap3A_545, %arg12[%swap3A_546] : memref<22xi32, #tpu.memory_space<smem>>
      %add3A_548 = arith.constant 1 : i32
      %add3A_549 = arith.addi %while3A_528, %add3A_548 : i32
      scf.yield %add3A_549 : i32
    }
    %while3A_267 = arith.constant 1 : i32
    %while3A_268 = scf.for %while3A_527 = %while3A_264 to %while3A_260 step %while3A_267 iter_args(%while3A_528 = %while3A_266) -> (i32)  : i32 {
      %mul3A_529 = arith.constant 64 : i32
      %mul3A_530 = arith.muli %while3A_527, %mul3A_529 : i32
      %add3A_531 = arith.addi %mul3A_247, %mul3A_530 : i32
      %min3A_532 = arith.constant 32704 : i32
      %min3A_533 = arith.minsi %add3A_531, %min3A_532 : i32
      %div3A_534 = arith.constant 8 : i32
      %div3A_535 = arith.divsi %min3A_533, %div3A_534 : i32
      %swap3A = arith.index_cast %while3A_528 : i32 to index
      %swap3A_536 = memref.load %arg9[%swap3A] : memref<22xi32, #tpu.memory_space<smem>>
      memref.store %div3A_535, %arg9[%swap3A] : memref<22xi32, #tpu.memory_space<smem>>
      %max3A_537 = arith.maxsi %min3A_241, %add3A_531 : i32
      %swap3A_538 = arith.index_cast %while3A_528 : i32 to index
      %swap3A_539 = memref.load %arg10[%swap3A_538] : memref<22xi32, #tpu.memory_space<smem>>
      memref.store %max3A_537, %arg10[%swap3A_538] : memref<22xi32, #tpu.memory_space<smem>>
      %add3A_540 = arith.constant 64 : i32
      %add3A_541 = arith.addi %add3A_531, %add3A_540 : i32
      %min3A_542 = arith.minsi %min3A_243, %add3A_541 : i32
      %swap3A_543 = arith.index_cast %while3A_528 : i32 to index
      %swap3A_544 = memref.load %arg11[%swap3A_543] : memref<22xi32, #tpu.memory_space<smem>>
      memref.store %min3A_542, %arg11[%swap3A_543] : memref<22xi32, #tpu.memory_space<smem>>
      %swap3A_545 = arith.constant 7 : i32
      %swap3A_546 = arith.index_cast %while3A_528 : i32 to index
      %swap3A_547 = memref.load %arg12[%swap3A_546] : memref<22xi32, #tpu.memory_space<smem>>
      memref.store %swap3A_545, %arg12[%swap3A_546] : memref<22xi32, #tpu.memory_space<smem>>
      %add3A_548 = arith.constant 1 : i32
      %add3A_549 = arith.addi %while3A_528, %add3A_548 : i32
      scf.yield %add3A_549 : i32
    }
    %max3A_269 = arith.maxsi %squeeze3A_27, %add3A_4 : i32
    %min3A_270 = arith.minsi %max3A_269, %add3A_6 : i32
    %max3A_271 = arith.maxsi %squeeze3A_29, %add3A_4 : i32
    %min3A_272 = arith.minsi %max3A_271, %add3A_6 : i32
    %div3A_273 = arith.constant 8 : i32
    %div3A_274 = arith.divsi %min3A_270, %div3A_273 : i32
    %mul3A_275 = arith.constant 8 : i32
    %mul3A_276 = arith.muli %div3A_274, %mul3A_275 : i32
    %gt3A_277 = arith.cmpi sgt, %min3A_272, %min3A_270 : i32
    %sub3A_278 = arith.subi %min3A_272, %mul3A_276 : i32
    %add3A_279 = arith.constant 64 : i32
    %add3A_280 = arith.addi %sub3A_278, %add3A_279 : i32
    %sub3A_281 = arith.constant 1 : i32
    %sub3A_282 = arith.subi %add3A_280, %sub3A_281 : i32
    %div3A_283 = arith.constant 64 : i32
    %div3A_284 = arith.divsi %sub3A_282, %div3A_283 : i32
    %jit3A_285 = arith.constant 0 : i32
    %select_n3A_286 = arith.select %gt3A_277, %div3A_284, %jit3A_285 : i32
    %while3A_287 = arith.constant 0 : i32
    %while3A_288 = arith.subi %select_n3A_286, %while3A_287 : i32
    %while3A_289 = arith.addi %while3A_287, %while3A_288 : i32
    %while3A_290 = arith.constant 1 : i32
    %while3A_291 = arith.divsi %while3A_288, %while3A_290 : i32
    %while3A_292 = arith.muli %while3A_291, %while3A_290 : i32
    %while3A_293 = arith.addi %while3A_287, %while3A_292 : i32
    %while3A_294 = arith.constant 1 : i32
    %while3A_295 = scf.for %while3A_527 = %while3A_287 to %while3A_293 step %while3A_294 iter_args(%while3A_528 = %while3A_268) -> (i32)  : i32 {
      %mul3A_529 = arith.constant 64 : i32
      %mul3A_530 = arith.muli %while3A_527, %mul3A_529 : i32
      %add3A_531 = arith.addi %mul3A_276, %mul3A_530 : i32
      %min3A_532 = arith.constant 32704 : i32
      %min3A_533 = arith.minsi %add3A_531, %min3A_532 : i32
      %div3A_534 = arith.constant 8 : i32
      %div3A_535 = arith.divsi %min3A_533, %div3A_534 : i32
      %swap3A = arith.index_cast %while3A_528 : i32 to index
      %swap3A_536 = memref.load %arg9[%swap3A] : memref<22xi32, #tpu.memory_space<smem>>
      memref.store %div3A_535, %arg9[%swap3A] : memref<22xi32, #tpu.memory_space<smem>>
      %max3A_537 = arith.maxsi %min3A_270, %add3A_531 : i32
      %swap3A_538 = arith.index_cast %while3A_528 : i32 to index
      %swap3A_539 = memref.load %arg10[%swap3A_538] : memref<22xi32, #tpu.memory_space<smem>>
      memref.store %max3A_537, %arg10[%swap3A_538] : memref<22xi32, #tpu.memory_space<smem>>
      %add3A_540 = arith.constant 64 : i32
      %add3A_541 = arith.addi %add3A_531, %add3A_540 : i32
      %min3A_542 = arith.minsi %min3A_272, %add3A_541 : i32
      %swap3A_543 = arith.index_cast %while3A_528 : i32 to index
      %swap3A_544 = memref.load %arg11[%swap3A_543] : memref<22xi32, #tpu.memory_space<smem>>
      memref.store %min3A_542, %arg11[%swap3A_543] : memref<22xi32, #tpu.memory_space<smem>>
      %swap3A_545 = arith.constant 8 : i32
      %swap3A_546 = arith.index_cast %while3A_528 : i32 to index
      %swap3A_547 = memref.load %arg12[%swap3A_546] : memref<22xi32, #tpu.memory_space<smem>>
      memref.store %swap3A_545, %arg12[%swap3A_546] : memref<22xi32, #tpu.memory_space<smem>>
      %add3A_548 = arith.constant 1 : i32
      %add3A_549 = arith.addi %while3A_528, %add3A_548 : i32
      scf.yield %add3A_549 : i32
    }
    %while3A_296 = arith.constant 1 : i32
    %while3A_297 = scf.for %while3A_527 = %while3A_293 to %while3A_289 step %while3A_296 iter_args(%while3A_528 = %while3A_295) -> (i32)  : i32 {
      %mul3A_529 = arith.constant 64 : i32
      %mul3A_530 = arith.muli %while3A_527, %mul3A_529 : i32
      %add3A_531 = arith.addi %mul3A_276, %mul3A_530 : i32
      %min3A_532 = arith.constant 32704 : i32
      %min3A_533 = arith.minsi %add3A_531, %min3A_532 : i32
      %div3A_534 = arith.constant 8 : i32
      %div3A_535 = arith.divsi %min3A_533, %div3A_534 : i32
      %swap3A = arith.index_cast %while3A_528 : i32 to index
      %swap3A_536 = memref.load %arg9[%swap3A] : memref<22xi32, #tpu.memory_space<smem>>
      memref.store %div3A_535, %arg9[%swap3A] : memref<22xi32, #tpu.memory_space<smem>>
      %max3A_537 = arith.maxsi %min3A_270, %add3A_531 : i32
      %swap3A_538 = arith.index_cast %while3A_528 : i32 to index
      %swap3A_539 = memref.load %arg10[%swap3A_538] : memref<22xi32, #tpu.memory_space<smem>>
      memref.store %max3A_537, %arg10[%swap3A_538] : memref<22xi32, #tpu.memory_space<smem>>
      %add3A_540 = arith.constant 64 : i32
      %add3A_541 = arith.addi %add3A_531, %add3A_540 : i32
      %min3A_542 = arith.minsi %min3A_272, %add3A_541 : i32
      %swap3A_543 = arith.index_cast %while3A_528 : i32 to index
      %swap3A_544 = memref.load %arg11[%swap3A_543] : memref<22xi32, #tpu.memory_space<smem>>
      memref.store %min3A_542, %arg11[%swap3A_543] : memref<22xi32, #tpu.memory_space<smem>>
      %swap3A_545 = arith.constant 8 : i32
      %swap3A_546 = arith.index_cast %while3A_528 : i32 to index
      %swap3A_547 = memref.load %arg12[%swap3A_546] : memref<22xi32, #tpu.memory_space<smem>>
      memref.store %swap3A_545, %arg12[%swap3A_546] : memref<22xi32, #tpu.memory_space<smem>>
      %add3A_548 = arith.constant 1 : i32
      %add3A_549 = arith.addi %while3A_528, %add3A_548 : i32
      scf.yield %add3A_549 : i32
    }
    %max3A_298 = arith.maxsi %squeeze3A_29, %add3A_4 : i32
    %min3A_299 = arith.minsi %max3A_298, %add3A_6 : i32
    %max3A_300 = arith.maxsi %squeeze3A_31, %add3A_4 : i32
    %min3A_301 = arith.minsi %max3A_300, %add3A_6 : i32
    %div3A_302 = arith.constant 8 : i32
    %div3A_303 = arith.divsi %min3A_299, %div3A_302 : i32
    %mul3A_304 = arith.constant 8 : i32
    %mul3A_305 = arith.muli %div3A_303, %mul3A_304 : i32
    %gt3A_306 = arith.cmpi sgt, %min3A_301, %min3A_299 : i32
    %sub3A_307 = arith.subi %min3A_301, %mul3A_305 : i32
    %add3A_308 = arith.constant 64 : i32
    %add3A_309 = arith.addi %sub3A_307, %add3A_308 : i32
    %sub3A_310 = arith.constant 1 : i32
    %sub3A_311 = arith.subi %add3A_309, %sub3A_310 : i32
    %div3A_312 = arith.constant 64 : i32
    %div3A_313 = arith.divsi %sub3A_311, %div3A_312 : i32
    %jit3A_314 = arith.constant 0 : i32
    %select_n3A_315 = arith.select %gt3A_306, %div3A_313, %jit3A_314 : i32
    %while3A_316 = arith.constant 0 : i32
    %while3A_317 = arith.subi %select_n3A_315, %while3A_316 : i32
    %while3A_318 = arith.addi %while3A_316, %while3A_317 : i32
    %while3A_319 = arith.constant 1 : i32
    %while3A_320 = arith.divsi %while3A_317, %while3A_319 : i32
    %while3A_321 = arith.muli %while3A_320, %while3A_319 : i32
    %while3A_322 = arith.addi %while3A_316, %while3A_321 : i32
    %while3A_323 = arith.constant 1 : i32
    %while3A_324 = scf.for %while3A_527 = %while3A_316 to %while3A_322 step %while3A_323 iter_args(%while3A_528 = %while3A_297) -> (i32)  : i32 {
      %mul3A_529 = arith.constant 64 : i32
      %mul3A_530 = arith.muli %while3A_527, %mul3A_529 : i32
      %add3A_531 = arith.addi %mul3A_305, %mul3A_530 : i32
      %min3A_532 = arith.constant 32704 : i32
      %min3A_533 = arith.minsi %add3A_531, %min3A_532 : i32
      %div3A_534 = arith.constant 8 : i32
      %div3A_535 = arith.divsi %min3A_533, %div3A_534 : i32
      %swap3A = arith.index_cast %while3A_528 : i32 to index
      %swap3A_536 = memref.load %arg9[%swap3A] : memref<22xi32, #tpu.memory_space<smem>>
      memref.store %div3A_535, %arg9[%swap3A] : memref<22xi32, #tpu.memory_space<smem>>
      %max3A_537 = arith.maxsi %min3A_299, %add3A_531 : i32
      %swap3A_538 = arith.index_cast %while3A_528 : i32 to index
      %swap3A_539 = memref.load %arg10[%swap3A_538] : memref<22xi32, #tpu.memory_space<smem>>
      memref.store %max3A_537, %arg10[%swap3A_538] : memref<22xi32, #tpu.memory_space<smem>>
      %add3A_540 = arith.constant 64 : i32
      %add3A_541 = arith.addi %add3A_531, %add3A_540 : i32
      %min3A_542 = arith.minsi %min3A_301, %add3A_541 : i32
      %swap3A_543 = arith.index_cast %while3A_528 : i32 to index
      %swap3A_544 = memref.load %arg11[%swap3A_543] : memref<22xi32, #tpu.memory_space<smem>>
      memref.store %min3A_542, %arg11[%swap3A_543] : memref<22xi32, #tpu.memory_space<smem>>
      %swap3A_545 = arith.constant 9 : i32
      %swap3A_546 = arith.index_cast %while3A_528 : i32 to index
      %swap3A_547 = memref.load %arg12[%swap3A_546] : memref<22xi32, #tpu.memory_space<smem>>
      memref.store %swap3A_545, %arg12[%swap3A_546] : memref<22xi32, #tpu.memory_space<smem>>
      %add3A_548 = arith.constant 1 : i32
      %add3A_549 = arith.addi %while3A_528, %add3A_548 : i32
      scf.yield %add3A_549 : i32
    }
    %while3A_325 = arith.constant 1 : i32
    %while3A_326 = scf.for %while3A_527 = %while3A_322 to %while3A_318 step %while3A_325 iter_args(%while3A_528 = %while3A_324) -> (i32)  : i32 {
      %mul3A_529 = arith.constant 64 : i32
      %mul3A_530 = arith.muli %while3A_527, %mul3A_529 : i32
      %add3A_531 = arith.addi %mul3A_305, %mul3A_530 : i32
      %min3A_532 = arith.constant 32704 : i32
      %min3A_533 = arith.minsi %add3A_531, %min3A_532 : i32
      %div3A_534 = arith.constant 8 : i32
      %div3A_535 = arith.divsi %min3A_533, %div3A_534 : i32
      %swap3A = arith.index_cast %while3A_528 : i32 to index
      %swap3A_536 = memref.load %arg9[%swap3A] : memref<22xi32, #tpu.memory_space<smem>>
      memref.store %div3A_535, %arg9[%swap3A] : memref<22xi32, #tpu.memory_space<smem>>
      %max3A_537 = arith.maxsi %min3A_299, %add3A_531 : i32
      %swap3A_538 = arith.index_cast %while3A_528 : i32 to index
      %swap3A_539 = memref.load %arg10[%swap3A_538] : memref<22xi32, #tpu.memory_space<smem>>
      memref.store %max3A_537, %arg10[%swap3A_538] : memref<22xi32, #tpu.memory_space<smem>>
      %add3A_540 = arith.constant 64 : i32
      %add3A_541 = arith.addi %add3A_531, %add3A_540 : i32
      %min3A_542 = arith.minsi %min3A_301, %add3A_541 : i32
      %swap3A_543 = arith.index_cast %while3A_528 : i32 to index
      %swap3A_544 = memref.load %arg11[%swap3A_543] : memref<22xi32, #tpu.memory_space<smem>>
      memref.store %min3A_542, %arg11[%swap3A_543] : memref<22xi32, #tpu.memory_space<smem>>
      %swap3A_545 = arith.constant 9 : i32
      %swap3A_546 = arith.index_cast %while3A_528 : i32 to index
      %swap3A_547 = memref.load %arg12[%swap3A_546] : memref<22xi32, #tpu.memory_space<smem>>
      memref.store %swap3A_545, %arg12[%swap3A_546] : memref<22xi32, #tpu.memory_space<smem>>
      %add3A_548 = arith.constant 1 : i32
      %add3A_549 = arith.addi %while3A_528, %add3A_548 : i32
      scf.yield %add3A_549 : i32
    }
    %max3A_327 = arith.maxsi %squeeze3A_31, %add3A_4 : i32
    %min3A_328 = arith.minsi %max3A_327, %add3A_6 : i32
    %max3A_329 = arith.maxsi %squeeze3A_33, %add3A_4 : i32
    %min3A_330 = arith.minsi %max3A_329, %add3A_6 : i32
    %div3A_331 = arith.constant 8 : i32
    %div3A_332 = arith.divsi %min3A_328, %div3A_331 : i32
    %mul3A_333 = arith.constant 8 : i32
    %mul3A_334 = arith.muli %div3A_332, %mul3A_333 : i32
    %gt3A_335 = arith.cmpi sgt, %min3A_330, %min3A_328 : i32
    %sub3A_336 = arith.subi %min3A_330, %mul3A_334 : i32
    %add3A_337 = arith.constant 64 : i32
    %add3A_338 = arith.addi %sub3A_336, %add3A_337 : i32
    %sub3A_339 = arith.constant 1 : i32
    %sub3A_340 = arith.subi %add3A_338, %sub3A_339 : i32
    %div3A_341 = arith.constant 64 : i32
    %div3A_342 = arith.divsi %sub3A_340, %div3A_341 : i32
    %jit3A_343 = arith.constant 0 : i32
    %select_n3A_344 = arith.select %gt3A_335, %div3A_342, %jit3A_343 : i32
    %while3A_345 = arith.constant 0 : i32
    %while3A_346 = arith.subi %select_n3A_344, %while3A_345 : i32
    %while3A_347 = arith.addi %while3A_345, %while3A_346 : i32
    %while3A_348 = arith.constant 1 : i32
    %while3A_349 = arith.divsi %while3A_346, %while3A_348 : i32
    %while3A_350 = arith.muli %while3A_349, %while3A_348 : i32
    %while3A_351 = arith.addi %while3A_345, %while3A_350 : i32
    %while3A_352 = arith.constant 1 : i32
    %while3A_353 = scf.for %while3A_527 = %while3A_345 to %while3A_351 step %while3A_352 iter_args(%while3A_528 = %while3A_326) -> (i32)  : i32 {
      %mul3A_529 = arith.constant 64 : i32
      %mul3A_530 = arith.muli %while3A_527, %mul3A_529 : i32
      %add3A_531 = arith.addi %mul3A_334, %mul3A_530 : i32
      %min3A_532 = arith.constant 32704 : i32
      %min3A_533 = arith.minsi %add3A_531, %min3A_532 : i32
      %div3A_534 = arith.constant 8 : i32
      %div3A_535 = arith.divsi %min3A_533, %div3A_534 : i32
      %swap3A = arith.index_cast %while3A_528 : i32 to index
      %swap3A_536 = memref.load %arg9[%swap3A] : memref<22xi32, #tpu.memory_space<smem>>
      memref.store %div3A_535, %arg9[%swap3A] : memref<22xi32, #tpu.memory_space<smem>>
      %max3A_537 = arith.maxsi %min3A_328, %add3A_531 : i32
      %swap3A_538 = arith.index_cast %while3A_528 : i32 to index
      %swap3A_539 = memref.load %arg10[%swap3A_538] : memref<22xi32, #tpu.memory_space<smem>>
      memref.store %max3A_537, %arg10[%swap3A_538] : memref<22xi32, #tpu.memory_space<smem>>
      %add3A_540 = arith.constant 64 : i32
      %add3A_541 = arith.addi %add3A_531, %add3A_540 : i32
      %min3A_542 = arith.minsi %min3A_330, %add3A_541 : i32
      %swap3A_543 = arith.index_cast %while3A_528 : i32 to index
      %swap3A_544 = memref.load %arg11[%swap3A_543] : memref<22xi32, #tpu.memory_space<smem>>
      memref.store %min3A_542, %arg11[%swap3A_543] : memref<22xi32, #tpu.memory_space<smem>>
      %swap3A_545 = arith.constant 10 : i32
      %swap3A_546 = arith.index_cast %while3A_528 : i32 to index
      %swap3A_547 = memref.load %arg12[%swap3A_546] : memref<22xi32, #tpu.memory_space<smem>>
      memref.store %swap3A_545, %arg12[%swap3A_546] : memref<22xi32, #tpu.memory_space<smem>>
      %add3A_548 = arith.constant 1 : i32
      %add3A_549 = arith.addi %while3A_528, %add3A_548 : i32
      scf.yield %add3A_549 : i32
    }
    %while3A_354 = arith.constant 1 : i32
    %while3A_355 = scf.for %while3A_527 = %while3A_351 to %while3A_347 step %while3A_354 iter_args(%while3A_528 = %while3A_353) -> (i32)  : i32 {
      %mul3A_529 = arith.constant 64 : i32
      %mul3A_530 = arith.muli %while3A_527, %mul3A_529 : i32
      %add3A_531 = arith.addi %mul3A_334, %mul3A_530 : i32
      %min3A_532 = arith.constant 32704 : i32
      %min3A_533 = arith.minsi %add3A_531, %min3A_532 : i32
      %div3A_534 = arith.constant 8 : i32
      %div3A_535 = arith.divsi %min3A_533, %div3A_534 : i32
      %swap3A = arith.index_cast %while3A_528 : i32 to index
      %swap3A_536 = memref.load %arg9[%swap3A] : memref<22xi32, #tpu.memory_space<smem>>
      memref.store %div3A_535, %arg9[%swap3A] : memref<22xi32, #tpu.memory_space<smem>>
      %max3A_537 = arith.maxsi %min3A_328, %add3A_531 : i32
      %swap3A_538 = arith.index_cast %while3A_528 : i32 to index
      %swap3A_539 = memref.load %arg10[%swap3A_538] : memref<22xi32, #tpu.memory_space<smem>>
      memref.store %max3A_537, %arg10[%swap3A_538] : memref<22xi32, #tpu.memory_space<smem>>
      %add3A_540 = arith.constant 64 : i32
      %add3A_541 = arith.addi %add3A_531, %add3A_540 : i32
      %min3A_542 = arith.minsi %min3A_330, %add3A_541 : i32
      %swap3A_543 = arith.index_cast %while3A_528 : i32 to index
      %swap3A_544 = memref.load %arg11[%swap3A_543] : memref<22xi32, #tpu.memory_space<smem>>
      memref.store %min3A_542, %arg11[%swap3A_543] : memref<22xi32, #tpu.memory_space<smem>>
      %swap3A_545 = arith.constant 10 : i32
      %swap3A_546 = arith.index_cast %while3A_528 : i32 to index
      %swap3A_547 = memref.load %arg12[%swap3A_546] : memref<22xi32, #tpu.memory_space<smem>>
      memref.store %swap3A_545, %arg12[%swap3A_546] : memref<22xi32, #tpu.memory_space<smem>>
      %add3A_548 = arith.constant 1 : i32
      %add3A_549 = arith.addi %while3A_528, %add3A_548 : i32
      scf.yield %add3A_549 : i32
    }
    %max3A_356 = arith.maxsi %squeeze3A_33, %add3A_4 : i32
    %min3A_357 = arith.minsi %max3A_356, %add3A_6 : i32
    %max3A_358 = arith.maxsi %squeeze3A_35, %add3A_4 : i32
    %min3A_359 = arith.minsi %max3A_358, %add3A_6 : i32
    %div3A_360 = arith.constant 8 : i32
    %div3A_361 = arith.divsi %min3A_357, %div3A_360 : i32
    %mul3A_362 = arith.constant 8 : i32
    %mul3A_363 = arith.muli %div3A_361, %mul3A_362 : i32
    %gt3A_364 = arith.cmpi sgt, %min3A_359, %min3A_357 : i32
    %sub3A_365 = arith.subi %min3A_359, %mul3A_363 : i32
    %add3A_366 = arith.constant 64 : i32
    %add3A_367 = arith.addi %sub3A_365, %add3A_366 : i32
    %sub3A_368 = arith.constant 1 : i32
    %sub3A_369 = arith.subi %add3A_367, %sub3A_368 : i32
    %div3A_370 = arith.constant 64 : i32
    %div3A_371 = arith.divsi %sub3A_369, %div3A_370 : i32
    %jit3A_372 = arith.constant 0 : i32
    %select_n3A_373 = arith.select %gt3A_364, %div3A_371, %jit3A_372 : i32
    %while3A_374 = arith.constant 0 : i32
    %while3A_375 = arith.subi %select_n3A_373, %while3A_374 : i32
    %while3A_376 = arith.addi %while3A_374, %while3A_375 : i32
    %while3A_377 = arith.constant 1 : i32
    %while3A_378 = arith.divsi %while3A_375, %while3A_377 : i32
    %while3A_379 = arith.muli %while3A_378, %while3A_377 : i32
    %while3A_380 = arith.addi %while3A_374, %while3A_379 : i32
    %while3A_381 = arith.constant 1 : i32
    %while3A_382 = scf.for %while3A_527 = %while3A_374 to %while3A_380 step %while3A_381 iter_args(%while3A_528 = %while3A_355) -> (i32)  : i32 {
      %mul3A_529 = arith.constant 64 : i32
      %mul3A_530 = arith.muli %while3A_527, %mul3A_529 : i32
      %add3A_531 = arith.addi %mul3A_363, %mul3A_530 : i32
      %min3A_532 = arith.constant 32704 : i32
      %min3A_533 = arith.minsi %add3A_531, %min3A_532 : i32
      %div3A_534 = arith.constant 8 : i32
      %div3A_535 = arith.divsi %min3A_533, %div3A_534 : i32
      %swap3A = arith.index_cast %while3A_528 : i32 to index
      %swap3A_536 = memref.load %arg9[%swap3A] : memref<22xi32, #tpu.memory_space<smem>>
      memref.store %div3A_535, %arg9[%swap3A] : memref<22xi32, #tpu.memory_space<smem>>
      %max3A_537 = arith.maxsi %min3A_357, %add3A_531 : i32
      %swap3A_538 = arith.index_cast %while3A_528 : i32 to index
      %swap3A_539 = memref.load %arg10[%swap3A_538] : memref<22xi32, #tpu.memory_space<smem>>
      memref.store %max3A_537, %arg10[%swap3A_538] : memref<22xi32, #tpu.memory_space<smem>>
      %add3A_540 = arith.constant 64 : i32
      %add3A_541 = arith.addi %add3A_531, %add3A_540 : i32
      %min3A_542 = arith.minsi %min3A_359, %add3A_541 : i32
      %swap3A_543 = arith.index_cast %while3A_528 : i32 to index
      %swap3A_544 = memref.load %arg11[%swap3A_543] : memref<22xi32, #tpu.memory_space<smem>>
      memref.store %min3A_542, %arg11[%swap3A_543] : memref<22xi32, #tpu.memory_space<smem>>
      %swap3A_545 = arith.constant 11 : i32
      %swap3A_546 = arith.index_cast %while3A_528 : i32 to index
      %swap3A_547 = memref.load %arg12[%swap3A_546] : memref<22xi32, #tpu.memory_space<smem>>
      memref.store %swap3A_545, %arg12[%swap3A_546] : memref<22xi32, #tpu.memory_space<smem>>
      %add3A_548 = arith.constant 1 : i32
      %add3A_549 = arith.addi %while3A_528, %add3A_548 : i32
      scf.yield %add3A_549 : i32
    }
    %while3A_383 = arith.constant 1 : i32
    %while3A_384 = scf.for %while3A_527 = %while3A_380 to %while3A_376 step %while3A_383 iter_args(%while3A_528 = %while3A_382) -> (i32)  : i32 {
      %mul3A_529 = arith.constant 64 : i32
      %mul3A_530 = arith.muli %while3A_527, %mul3A_529 : i32
      %add3A_531 = arith.addi %mul3A_363, %mul3A_530 : i32
      %min3A_532 = arith.constant 32704 : i32
      %min3A_533 = arith.minsi %add3A_531, %min3A_532 : i32
      %div3A_534 = arith.constant 8 : i32
      %div3A_535 = arith.divsi %min3A_533, %div3A_534 : i32
      %swap3A = arith.index_cast %while3A_528 : i32 to index
      %swap3A_536 = memref.load %arg9[%swap3A] : memref<22xi32, #tpu.memory_space<smem>>
      memref.store %div3A_535, %arg9[%swap3A] : memref<22xi32, #tpu.memory_space<smem>>
      %max3A_537 = arith.maxsi %min3A_357, %add3A_531 : i32
      %swap3A_538 = arith.index_cast %while3A_528 : i32 to index
      %swap3A_539 = memref.load %arg10[%swap3A_538] : memref<22xi32, #tpu.memory_space<smem>>
      memref.store %max3A_537, %arg10[%swap3A_538] : memref<22xi32, #tpu.memory_space<smem>>
      %add3A_540 = arith.constant 64 : i32
      %add3A_541 = arith.addi %add3A_531, %add3A_540 : i32
      %min3A_542 = arith.minsi %min3A_359, %add3A_541 : i32
      %swap3A_543 = arith.index_cast %while3A_528 : i32 to index
      %swap3A_544 = memref.load %arg11[%swap3A_543] : memref<22xi32, #tpu.memory_space<smem>>
      memref.store %min3A_542, %arg11[%swap3A_543] : memref<22xi32, #tpu.memory_space<smem>>
      %swap3A_545 = arith.constant 11 : i32
      %swap3A_546 = arith.index_cast %while3A_528 : i32 to index
      %swap3A_547 = memref.load %arg12[%swap3A_546] : memref<22xi32, #tpu.memory_space<smem>>
      memref.store %swap3A_545, %arg12[%swap3A_546] : memref<22xi32, #tpu.memory_space<smem>>
      %add3A_548 = arith.constant 1 : i32
      %add3A_549 = arith.addi %while3A_528, %add3A_548 : i32
      scf.yield %add3A_549 : i32
    }
    %max3A_385 = arith.maxsi %squeeze3A_35, %add3A_4 : i32
    %min3A_386 = arith.minsi %max3A_385, %add3A_6 : i32
    %max3A_387 = arith.maxsi %squeeze3A_37, %add3A_4 : i32
    %min3A_388 = arith.minsi %max3A_387, %add3A_6 : i32
    %div3A_389 = arith.constant 8 : i32
    %div3A_390 = arith.divsi %min3A_386, %div3A_389 : i32
    %mul3A_391 = arith.constant 8 : i32
    %mul3A_392 = arith.muli %div3A_390, %mul3A_391 : i32
    %gt3A_393 = arith.cmpi sgt, %min3A_388, %min3A_386 : i32
    %sub3A_394 = arith.subi %min3A_388, %mul3A_392 : i32
    %add3A_395 = arith.constant 64 : i32
    %add3A_396 = arith.addi %sub3A_394, %add3A_395 : i32
    %sub3A_397 = arith.constant 1 : i32
    %sub3A_398 = arith.subi %add3A_396, %sub3A_397 : i32
    %div3A_399 = arith.constant 64 : i32
    %div3A_400 = arith.divsi %sub3A_398, %div3A_399 : i32
    %jit3A_401 = arith.constant 0 : i32
    %select_n3A_402 = arith.select %gt3A_393, %div3A_400, %jit3A_401 : i32
    %while3A_403 = arith.constant 0 : i32
    %while3A_404 = arith.subi %select_n3A_402, %while3A_403 : i32
    %while3A_405 = arith.addi %while3A_403, %while3A_404 : i32
    %while3A_406 = arith.constant 1 : i32
    %while3A_407 = arith.divsi %while3A_404, %while3A_406 : i32
    %while3A_408 = arith.muli %while3A_407, %while3A_406 : i32
    %while3A_409 = arith.addi %while3A_403, %while3A_408 : i32
    %while3A_410 = arith.constant 1 : i32
    %while3A_411 = scf.for %while3A_527 = %while3A_403 to %while3A_409 step %while3A_410 iter_args(%while3A_528 = %while3A_384) -> (i32)  : i32 {
      %mul3A_529 = arith.constant 64 : i32
      %mul3A_530 = arith.muli %while3A_527, %mul3A_529 : i32
      %add3A_531 = arith.addi %mul3A_392, %mul3A_530 : i32
      %min3A_532 = arith.constant 32704 : i32
      %min3A_533 = arith.minsi %add3A_531, %min3A_532 : i32
      %div3A_534 = arith.constant 8 : i32
      %div3A_535 = arith.divsi %min3A_533, %div3A_534 : i32
      %swap3A = arith.index_cast %while3A_528 : i32 to index
      %swap3A_536 = memref.load %arg9[%swap3A] : memref<22xi32, #tpu.memory_space<smem>>
      memref.store %div3A_535, %arg9[%swap3A] : memref<22xi32, #tpu.memory_space<smem>>
      %max3A_537 = arith.maxsi %min3A_386, %add3A_531 : i32
      %swap3A_538 = arith.index_cast %while3A_528 : i32 to index
      %swap3A_539 = memref.load %arg10[%swap3A_538] : memref<22xi32, #tpu.memory_space<smem>>
      memref.store %max3A_537, %arg10[%swap3A_538] : memref<22xi32, #tpu.memory_space<smem>>
      %add3A_540 = arith.constant 64 : i32
      %add3A_541 = arith.addi %add3A_531, %add3A_540 : i32
      %min3A_542 = arith.minsi %min3A_388, %add3A_541 : i32
      %swap3A_543 = arith.index_cast %while3A_528 : i32 to index
      %swap3A_544 = memref.load %arg11[%swap3A_543] : memref<22xi32, #tpu.memory_space<smem>>
      memref.store %min3A_542, %arg11[%swap3A_543] : memref<22xi32, #tpu.memory_space<smem>>
      %swap3A_545 = arith.constant 12 : i32
      %swap3A_546 = arith.index_cast %while3A_528 : i32 to index
      %swap3A_547 = memref.load %arg12[%swap3A_546] : memref<22xi32, #tpu.memory_space<smem>>
      memref.store %swap3A_545, %arg12[%swap3A_546] : memref<22xi32, #tpu.memory_space<smem>>
      %add3A_548 = arith.constant 1 : i32
      %add3A_549 = arith.addi %while3A_528, %add3A_548 : i32
      scf.yield %add3A_549 : i32
    }
    %while3A_412 = arith.constant 1 : i32
    %while3A_413 = scf.for %while3A_527 = %while3A_409 to %while3A_405 step %while3A_412 iter_args(%while3A_528 = %while3A_411) -> (i32)  : i32 {
      %mul3A_529 = arith.constant 64 : i32
      %mul3A_530 = arith.muli %while3A_527, %mul3A_529 : i32
      %add3A_531 = arith.addi %mul3A_392, %mul3A_530 : i32
      %min3A_532 = arith.constant 32704 : i32
      %min3A_533 = arith.minsi %add3A_531, %min3A_532 : i32
      %div3A_534 = arith.constant 8 : i32
      %div3A_535 = arith.divsi %min3A_533, %div3A_534 : i32
      %swap3A = arith.index_cast %while3A_528 : i32 to index
      %swap3A_536 = memref.load %arg9[%swap3A] : memref<22xi32, #tpu.memory_space<smem>>
      memref.store %div3A_535, %arg9[%swap3A] : memref<22xi32, #tpu.memory_space<smem>>
      %max3A_537 = arith.maxsi %min3A_386, %add3A_531 : i32
      %swap3A_538 = arith.index_cast %while3A_528 : i32 to index
      %swap3A_539 = memref.load %arg10[%swap3A_538] : memref<22xi32, #tpu.memory_space<smem>>
      memref.store %max3A_537, %arg10[%swap3A_538] : memref<22xi32, #tpu.memory_space<smem>>
      %add3A_540 = arith.constant 64 : i32
      %add3A_541 = arith.addi %add3A_531, %add3A_540 : i32
      %min3A_542 = arith.minsi %min3A_388, %add3A_541 : i32
      %swap3A_543 = arith.index_cast %while3A_528 : i32 to index
      %swap3A_544 = memref.load %arg11[%swap3A_543] : memref<22xi32, #tpu.memory_space<smem>>
      memref.store %min3A_542, %arg11[%swap3A_543] : memref<22xi32, #tpu.memory_space<smem>>
      %swap3A_545 = arith.constant 12 : i32
      %swap3A_546 = arith.index_cast %while3A_528 : i32 to index
      %swap3A_547 = memref.load %arg12[%swap3A_546] : memref<22xi32, #tpu.memory_space<smem>>
      memref.store %swap3A_545, %arg12[%swap3A_546] : memref<22xi32, #tpu.memory_space<smem>>
      %add3A_548 = arith.constant 1 : i32
      %add3A_549 = arith.addi %while3A_528, %add3A_548 : i32
      scf.yield %add3A_549 : i32
    }
    %max3A_414 = arith.maxsi %squeeze3A_37, %add3A_4 : i32
    %min3A_415 = arith.minsi %max3A_414, %add3A_6 : i32
    %max3A_416 = arith.maxsi %squeeze3A_39, %add3A_4 : i32
    %min3A_417 = arith.minsi %max3A_416, %add3A_6 : i32
    %div3A_418 = arith.constant 8 : i32
    %div3A_419 = arith.divsi %min3A_415, %div3A_418 : i32
    %mul3A_420 = arith.constant 8 : i32
    %mul3A_421 = arith.muli %div3A_419, %mul3A_420 : i32
    %gt3A_422 = arith.cmpi sgt, %min3A_417, %min3A_415 : i32
    %sub3A_423 = arith.subi %min3A_417, %mul3A_421 : i32
    %add3A_424 = arith.constant 64 : i32
    %add3A_425 = arith.addi %sub3A_423, %add3A_424 : i32
    %sub3A_426 = arith.constant 1 : i32
    %sub3A_427 = arith.subi %add3A_425, %sub3A_426 : i32
    %div3A_428 = arith.constant 64 : i32
    %div3A_429 = arith.divsi %sub3A_427, %div3A_428 : i32
    %jit3A_430 = arith.constant 0 : i32
    %select_n3A_431 = arith.select %gt3A_422, %div3A_429, %jit3A_430 : i32
    %while3A_432 = arith.constant 0 : i32
    %while3A_433 = arith.subi %select_n3A_431, %while3A_432 : i32
    %while3A_434 = arith.addi %while3A_432, %while3A_433 : i32
    %while3A_435 = arith.constant 1 : i32
    %while3A_436 = arith.divsi %while3A_433, %while3A_435 : i32
    %while3A_437 = arith.muli %while3A_436, %while3A_435 : i32
    %while3A_438 = arith.addi %while3A_432, %while3A_437 : i32
    %while3A_439 = arith.constant 1 : i32
    %while3A_440 = scf.for %while3A_527 = %while3A_432 to %while3A_438 step %while3A_439 iter_args(%while3A_528 = %while3A_413) -> (i32)  : i32 {
      %mul3A_529 = arith.constant 64 : i32
      %mul3A_530 = arith.muli %while3A_527, %mul3A_529 : i32
      %add3A_531 = arith.addi %mul3A_421, %mul3A_530 : i32
      %min3A_532 = arith.constant 32704 : i32
      %min3A_533 = arith.minsi %add3A_531, %min3A_532 : i32
      %div3A_534 = arith.constant 8 : i32
      %div3A_535 = arith.divsi %min3A_533, %div3A_534 : i32
      %swap3A = arith.index_cast %while3A_528 : i32 to index
      %swap3A_536 = memref.load %arg9[%swap3A] : memref<22xi32, #tpu.memory_space<smem>>
      memref.store %div3A_535, %arg9[%swap3A] : memref<22xi32, #tpu.memory_space<smem>>
      %max3A_537 = arith.maxsi %min3A_415, %add3A_531 : i32
      %swap3A_538 = arith.index_cast %while3A_528 : i32 to index
      %swap3A_539 = memref.load %arg10[%swap3A_538] : memref<22xi32, #tpu.memory_space<smem>>
      memref.store %max3A_537, %arg10[%swap3A_538] : memref<22xi32, #tpu.memory_space<smem>>
      %add3A_540 = arith.constant 64 : i32
      %add3A_541 = arith.addi %add3A_531, %add3A_540 : i32
      %min3A_542 = arith.minsi %min3A_417, %add3A_541 : i32
      %swap3A_543 = arith.index_cast %while3A_528 : i32 to index
      %swap3A_544 = memref.load %arg11[%swap3A_543] : memref<22xi32, #tpu.memory_space<smem>>
      memref.store %min3A_542, %arg11[%swap3A_543] : memref<22xi32, #tpu.memory_space<smem>>
      %swap3A_545 = arith.constant 13 : i32
      %swap3A_546 = arith.index_cast %while3A_528 : i32 to index
      %swap3A_547 = memref.load %arg12[%swap3A_546] : memref<22xi32, #tpu.memory_space<smem>>
      memref.store %swap3A_545, %arg12[%swap3A_546] : memref<22xi32, #tpu.memory_space<smem>>
      %add3A_548 = arith.constant 1 : i32
      %add3A_549 = arith.addi %while3A_528, %add3A_548 : i32
      scf.yield %add3A_549 : i32
    }
    %while3A_441 = arith.constant 1 : i32
    %while3A_442 = scf.for %while3A_527 = %while3A_438 to %while3A_434 step %while3A_441 iter_args(%while3A_528 = %while3A_440) -> (i32)  : i32 {
      %mul3A_529 = arith.constant 64 : i32
      %mul3A_530 = arith.muli %while3A_527, %mul3A_529 : i32
      %add3A_531 = arith.addi %mul3A_421, %mul3A_530 : i32
      %min3A_532 = arith.constant 32704 : i32
      %min3A_533 = arith.minsi %add3A_531, %min3A_532 : i32
      %div3A_534 = arith.constant 8 : i32
      %div3A_535 = arith.divsi %min3A_533, %div3A_534 : i32
      %swap3A = arith.index_cast %while3A_528 : i32 to index
      %swap3A_536 = memref.load %arg9[%swap3A] : memref<22xi32, #tpu.memory_space<smem>>
      memref.store %div3A_535, %arg9[%swap3A] : memref<22xi32, #tpu.memory_space<smem>>
      %max3A_537 = arith.maxsi %min3A_415, %add3A_531 : i32
      %swap3A_538 = arith.index_cast %while3A_528 : i32 to index
      %swap3A_539 = memref.load %arg10[%swap3A_538] : memref<22xi32, #tpu.memory_space<smem>>
      memref.store %max3A_537, %arg10[%swap3A_538] : memref<22xi32, #tpu.memory_space<smem>>
      %add3A_540 = arith.constant 64 : i32
      %add3A_541 = arith.addi %add3A_531, %add3A_540 : i32
      %min3A_542 = arith.minsi %min3A_417, %add3A_541 : i32
      %swap3A_543 = arith.index_cast %while3A_528 : i32 to index
      %swap3A_544 = memref.load %arg11[%swap3A_543] : memref<22xi32, #tpu.memory_space<smem>>
      memref.store %min3A_542, %arg11[%swap3A_543] : memref<22xi32, #tpu.memory_space<smem>>
      %swap3A_545 = arith.constant 13 : i32
      %swap3A_546 = arith.index_cast %while3A_528 : i32 to index
      %swap3A_547 = memref.load %arg12[%swap3A_546] : memref<22xi32, #tpu.memory_space<smem>>
      memref.store %swap3A_545, %arg12[%swap3A_546] : memref<22xi32, #tpu.memory_space<smem>>
      %add3A_548 = arith.constant 1 : i32
      %add3A_549 = arith.addi %while3A_528, %add3A_548 : i32
      scf.yield %add3A_549 : i32
    }
    %max3A_443 = arith.maxsi %squeeze3A_39, %add3A_4 : i32
    %min3A_444 = arith.minsi %max3A_443, %add3A_6 : i32
    %max3A_445 = arith.maxsi %squeeze3A_41, %add3A_4 : i32
    %min3A_446 = arith.minsi %max3A_445, %add3A_6 : i32
    %div3A_447 = arith.constant 8 : i32
    %div3A_448 = arith.divsi %min3A_444, %div3A_447 : i32
    %mul3A_449 = arith.constant 8 : i32
    %mul3A_450 = arith.muli %div3A_448, %mul3A_449 : i32
    %gt3A_451 = arith.cmpi sgt, %min3A_446, %min3A_444 : i32
    %sub3A_452 = arith.subi %min3A_446, %mul3A_450 : i32
    %add3A_453 = arith.constant 64 : i32
    %add3A_454 = arith.addi %sub3A_452, %add3A_453 : i32
    %sub3A_455 = arith.constant 1 : i32
    %sub3A_456 = arith.subi %add3A_454, %sub3A_455 : i32
    %div3A_457 = arith.constant 64 : i32
    %div3A_458 = arith.divsi %sub3A_456, %div3A_457 : i32
    %jit3A_459 = arith.constant 0 : i32
    %select_n3A_460 = arith.select %gt3A_451, %div3A_458, %jit3A_459 : i32
    %while3A_461 = arith.constant 0 : i32
    %while3A_462 = arith.subi %select_n3A_460, %while3A_461 : i32
    %while3A_463 = arith.addi %while3A_461, %while3A_462 : i32
    %while3A_464 = arith.constant 1 : i32
    %while3A_465 = arith.divsi %while3A_462, %while3A_464 : i32
    %while3A_466 = arith.muli %while3A_465, %while3A_464 : i32
    %while3A_467 = arith.addi %while3A_461, %while3A_466 : i32
    %while3A_468 = arith.constant 1 : i32
    %while3A_469 = scf.for %while3A_527 = %while3A_461 to %while3A_467 step %while3A_468 iter_args(%while3A_528 = %while3A_442) -> (i32)  : i32 {
      %mul3A_529 = arith.constant 64 : i32
      %mul3A_530 = arith.muli %while3A_527, %mul3A_529 : i32
      %add3A_531 = arith.addi %mul3A_450, %mul3A_530 : i32
      %min3A_532 = arith.constant 32704 : i32
      %min3A_533 = arith.minsi %add3A_531, %min3A_532 : i32
      %div3A_534 = arith.constant 8 : i32
      %div3A_535 = arith.divsi %min3A_533, %div3A_534 : i32
      %swap3A = arith.index_cast %while3A_528 : i32 to index
      %swap3A_536 = memref.load %arg9[%swap3A] : memref<22xi32, #tpu.memory_space<smem>>
      memref.store %div3A_535, %arg9[%swap3A] : memref<22xi32, #tpu.memory_space<smem>>
      %max3A_537 = arith.maxsi %min3A_444, %add3A_531 : i32
      %swap3A_538 = arith.index_cast %while3A_528 : i32 to index
      %swap3A_539 = memref.load %arg10[%swap3A_538] : memref<22xi32, #tpu.memory_space<smem>>
      memref.store %max3A_537, %arg10[%swap3A_538] : memref<22xi32, #tpu.memory_space<smem>>
      %add3A_540 = arith.constant 64 : i32
      %add3A_541 = arith.addi %add3A_531, %add3A_540 : i32
      %min3A_542 = arith.minsi %min3A_446, %add3A_541 : i32
      %swap3A_543 = arith.index_cast %while3A_528 : i32 to index
      %swap3A_544 = memref.load %arg11[%swap3A_543] : memref<22xi32, #tpu.memory_space<smem>>
      memref.store %min3A_542, %arg11[%swap3A_543] : memref<22xi32, #tpu.memory_space<smem>>
      %swap3A_545 = arith.constant 14 : i32
      %swap3A_546 = arith.index_cast %while3A_528 : i32 to index
      %swap3A_547 = memref.load %arg12[%swap3A_546] : memref<22xi32, #tpu.memory_space<smem>>
      memref.store %swap3A_545, %arg12[%swap3A_546] : memref<22xi32, #tpu.memory_space<smem>>
      %add3A_548 = arith.constant 1 : i32
      %add3A_549 = arith.addi %while3A_528, %add3A_548 : i32
      scf.yield %add3A_549 : i32
    }
    %while3A_470 = arith.constant 1 : i32
    %while3A_471 = scf.for %while3A_527 = %while3A_467 to %while3A_463 step %while3A_470 iter_args(%while3A_528 = %while3A_469) -> (i32)  : i32 {
      %mul3A_529 = arith.constant 64 : i32
      %mul3A_530 = arith.muli %while3A_527, %mul3A_529 : i32
      %add3A_531 = arith.addi %mul3A_450, %mul3A_530 : i32
      %min3A_532 = arith.constant 32704 : i32
      %min3A_533 = arith.minsi %add3A_531, %min3A_532 : i32
      %div3A_534 = arith.constant 8 : i32
      %div3A_535 = arith.divsi %min3A_533, %div3A_534 : i32
      %swap3A = arith.index_cast %while3A_528 : i32 to index
      %swap3A_536 = memref.load %arg9[%swap3A] : memref<22xi32, #tpu.memory_space<smem>>
      memref.store %div3A_535, %arg9[%swap3A] : memref<22xi32, #tpu.memory_space<smem>>
      %max3A_537 = arith.maxsi %min3A_444, %add3A_531 : i32
      %swap3A_538 = arith.index_cast %while3A_528 : i32 to index
      %swap3A_539 = memref.load %arg10[%swap3A_538] : memref<22xi32, #tpu.memory_space<smem>>
      memref.store %max3A_537, %arg10[%swap3A_538] : memref<22xi32, #tpu.memory_space<smem>>
      %add3A_540 = arith.constant 64 : i32
      %add3A_541 = arith.addi %add3A_531, %add3A_540 : i32
      %min3A_542 = arith.minsi %min3A_446, %add3A_541 : i32
      %swap3A_543 = arith.index_cast %while3A_528 : i32 to index
      %swap3A_544 = memref.load %arg11[%swap3A_543] : memref<22xi32, #tpu.memory_space<smem>>
      memref.store %min3A_542, %arg11[%swap3A_543] : memref<22xi32, #tpu.memory_space<smem>>
      %swap3A_545 = arith.constant 14 : i32
      %swap3A_546 = arith.index_cast %while3A_528 : i32 to index
      %swap3A_547 = memref.load %arg12[%swap3A_546] : memref<22xi32, #tpu.memory_space<smem>>
      memref.store %swap3A_545, %arg12[%swap3A_546] : memref<22xi32, #tpu.memory_space<smem>>
      %add3A_548 = arith.constant 1 : i32
      %add3A_549 = arith.addi %while3A_528, %add3A_548 : i32
      scf.yield %add3A_549 : i32
    }
    %max3A_472 = arith.maxsi %squeeze3A_41, %add3A_4 : i32
    %min3A_473 = arith.minsi %max3A_472, %add3A_6 : i32
    %max3A_474 = arith.maxsi %squeeze3A_43, %add3A_4 : i32
    %min3A_475 = arith.minsi %max3A_474, %add3A_6 : i32
    %div3A_476 = arith.constant 8 : i32
    %div3A_477 = arith.divsi %min3A_473, %div3A_476 : i32
    %mul3A_478 = arith.constant 8 : i32
    %mul3A_479 = arith.muli %div3A_477, %mul3A_478 : i32
    %gt3A_480 = arith.cmpi sgt, %min3A_475, %min3A_473 : i32
    %sub3A_481 = arith.subi %min3A_475, %mul3A_479 : i32
    %add3A_482 = arith.constant 64 : i32
    %add3A_483 = arith.addi %sub3A_481, %add3A_482 : i32
    %sub3A_484 = arith.constant 1 : i32
    %sub3A_485 = arith.subi %add3A_483, %sub3A_484 : i32
    %div3A_486 = arith.constant 64 : i32
    %div3A_487 = arith.divsi %sub3A_485, %div3A_486 : i32
    %jit3A_488 = arith.constant 0 : i32
    %select_n3A_489 = arith.select %gt3A_480, %div3A_487, %jit3A_488 : i32
    %while3A_490 = arith.constant 0 : i32
    %while3A_491 = arith.subi %select_n3A_489, %while3A_490 : i32
    %while3A_492 = arith.addi %while3A_490, %while3A_491 : i32
    %while3A_493 = arith.constant 1 : i32
    %while3A_494 = arith.divsi %while3A_491, %while3A_493 : i32
    %while3A_495 = arith.muli %while3A_494, %while3A_493 : i32
    %while3A_496 = arith.addi %while3A_490, %while3A_495 : i32
    %while3A_497 = arith.constant 1 : i32
    %while3A_498 = scf.for %while3A_527 = %while3A_490 to %while3A_496 step %while3A_497 iter_args(%while3A_528 = %while3A_471) -> (i32)  : i32 {
      %mul3A_529 = arith.constant 64 : i32
      %mul3A_530 = arith.muli %while3A_527, %mul3A_529 : i32
      %add3A_531 = arith.addi %mul3A_479, %mul3A_530 : i32
      %min3A_532 = arith.constant 32704 : i32
      %min3A_533 = arith.minsi %add3A_531, %min3A_532 : i32
      %div3A_534 = arith.constant 8 : i32
      %div3A_535 = arith.divsi %min3A_533, %div3A_534 : i32
      %swap3A = arith.index_cast %while3A_528 : i32 to index
      %swap3A_536 = memref.load %arg9[%swap3A] : memref<22xi32, #tpu.memory_space<smem>>
      memref.store %div3A_535, %arg9[%swap3A] : memref<22xi32, #tpu.memory_space<smem>>
      %max3A_537 = arith.maxsi %min3A_473, %add3A_531 : i32
      %swap3A_538 = arith.index_cast %while3A_528 : i32 to index
      %swap3A_539 = memref.load %arg10[%swap3A_538] : memref<22xi32, #tpu.memory_space<smem>>
      memref.store %max3A_537, %arg10[%swap3A_538] : memref<22xi32, #tpu.memory_space<smem>>
      %add3A_540 = arith.constant 64 : i32
      %add3A_541 = arith.addi %add3A_531, %add3A_540 : i32
      %min3A_542 = arith.minsi %min3A_475, %add3A_541 : i32
      %swap3A_543 = arith.index_cast %while3A_528 : i32 to index
      %swap3A_544 = memref.load %arg11[%swap3A_543] : memref<22xi32, #tpu.memory_space<smem>>
      memref.store %min3A_542, %arg11[%swap3A_543] : memref<22xi32, #tpu.memory_space<smem>>
      %swap3A_545 = arith.constant 15 : i32
      %swap3A_546 = arith.index_cast %while3A_528 : i32 to index
      %swap3A_547 = memref.load %arg12[%swap3A_546] : memref<22xi32, #tpu.memory_space<smem>>
      memref.store %swap3A_545, %arg12[%swap3A_546] : memref<22xi32, #tpu.memory_space<smem>>
      %add3A_548 = arith.constant 1 : i32
      %add3A_549 = arith.addi %while3A_528, %add3A_548 : i32
      scf.yield %add3A_549 : i32
    }
    %while3A_499 = arith.constant 1 : i32
    %while3A_500 = scf.for %while3A_527 = %while3A_496 to %while3A_492 step %while3A_499 iter_args(%while3A_528 = %while3A_498) -> (i32)  : i32 {
      %mul3A_529 = arith.constant 64 : i32
      %mul3A_530 = arith.muli %while3A_527, %mul3A_529 : i32
      %add3A_531 = arith.addi %mul3A_479, %mul3A_530 : i32
      %min3A_532 = arith.constant 32704 : i32
      %min3A_533 = arith.minsi %add3A_531, %min3A_532 : i32
      %div3A_534 = arith.constant 8 : i32
      %div3A_535 = arith.divsi %min3A_533, %div3A_534 : i32
      %swap3A = arith.index_cast %while3A_528 : i32 to index
      %swap3A_536 = memref.load %arg9[%swap3A] : memref<22xi32, #tpu.memory_space<smem>>
      memref.store %div3A_535, %arg9[%swap3A] : memref<22xi32, #tpu.memory_space<smem>>
      %max3A_537 = arith.maxsi %min3A_473, %add3A_531 : i32
      %swap3A_538 = arith.index_cast %while3A_528 : i32 to index
      %swap3A_539 = memref.load %arg10[%swap3A_538] : memref<22xi32, #tpu.memory_space<smem>>
      memref.store %max3A_537, %arg10[%swap3A_538] : memref<22xi32, #tpu.memory_space<smem>>
      %add3A_540 = arith.constant 64 : i32
      %add3A_541 = arith.addi %add3A_531, %add3A_540 : i32
      %min3A_542 = arith.minsi %min3A_475, %add3A_541 : i32
      %swap3A_543 = arith.index_cast %while3A_528 : i32 to index
      %swap3A_544 = memref.load %arg11[%swap3A_543] : memref<22xi32, #tpu.memory_space<smem>>
      memref.store %min3A_542, %arg11[%swap3A_543] : memref<22xi32, #tpu.memory_space<smem>>
      %swap3A_545 = arith.constant 15 : i32
      %swap3A_546 = arith.index_cast %while3A_528 : i32 to index
      %swap3A_547 = memref.load %arg12[%swap3A_546] : memref<22xi32, #tpu.memory_space<smem>>
      memref.store %swap3A_545, %arg12[%swap3A_546] : memref<22xi32, #tpu.memory_space<smem>>
      %add3A_548 = arith.constant 1 : i32
      %add3A_549 = arith.addi %while3A_528, %add3A_548 : i32
      scf.yield %add3A_549 : i32
    }
    %broadcast_in_dim3A = arith.constant 0.000000e+00 : f32
    %broadcast_in_dim3A_501 = vector.broadcast %broadcast_in_dim3A : f32 to vector<16xf32>
    %scan3A = arith.constant 0 : i32
    %scan3A_502 = arith.constant 0 : i32
    %scan3A_503 = arith.constant 16 : i32
    %scan3A_504 = arith.addi %scan3A_502, %scan3A_503 : i32
    %scan3A_505 = arith.constant 1 : i32
    %scan3A_506 = scf.for %scan3A_527 = %scan3A_502 to %scan3A_504 step %scan3A_505 iter_args(%scan3A_528 = %scan3A) -> (i32)  : i32 {
      %swap3A = arith.index_cast %scan3A_527 : i32 to index
      %swap3A_529 = arith.constant 0 : index
      %swap3A_530 = tpu.vector_load %arg8[%swap3A, %swap3A_529] {strides = array<i32>} : memref<16x512xf32, #tpu.memory_space<vmem>>, vector<1x16xf32>,
      %swap3A_531 = vector.shape_cast %swap3A_530 : vector<1x16xf32> to vector<16xf32>
      %swap3A_532 = vector.shape_cast %broadcast_in_dim3A_501 : vector<16xf32> to vector<1x16xf32>
      tpu.vector_store %arg8[%swap3A, %swap3A_529], %swap3A_532 {strides = array<i32>} : memref<16x512xf32, #tpu.memory_space<vmem>>, vector<1x16xf32>,
      %swap3A_533 = arith.index_cast %scan3A_527 : i32 to index
      %swap3A_534 = arith.constant 16 : index
      %swap3A_535 = tpu.vector_load %arg8[%swap3A_533, %swap3A_534] {strides = array<i32>} : memref<16x512xf32, #tpu.memory_space<vmem>>, vector<1x16xf32>,
      %swap3A_536 = vector.shape_cast %swap3A_535 : vector<1x16xf32> to vector<16xf32>
      %swap3A_537 = vector.shape_cast %broadcast_in_dim3A_501 : vector<16xf32> to vector<1x16xf32>
      tpu.vector_store %arg8[%swap3A_533, %swap3A_534], %swap3A_537 {strides = array<i32>} : memref<16x512xf32, #tpu.memory_space<vmem>>, vector<1x16xf32>,
      %swap3A_538 = arith.index_cast %scan3A_527 : i32 to index
      %swap3A_539 = arith.constant 32 : index
      %swap3A_540 = tpu.vector_load %arg8[%swap3A_538, %swap3A_539] {strides = array<i32>} : memref<16x512xf32, #tpu.memory_space<vmem>>, vector<1x16xf32>,
      %swap3A_541 = vector.shape_cast %swap3A_540 : vector<1x16xf32> to vector<16xf32>
      %swap3A_542 = vector.shape_cast %broadcast_in_dim3A_501 : vector<16xf32> to vector<1x16xf32>
      tpu.vector_store %arg8[%swap3A_538, %swap3A_539], %swap3A_542 {strides = array<i32>} : memref<16x512xf32, #tpu.memory_space<vmem>>, vector<1x16xf32>,
      %swap3A_543 = arith.index_cast %scan3A_527 : i32 to index
      %swap3A_544 = arith.constant 48 : index
      %swap3A_545 = tpu.vector_load %arg8[%swap3A_543, %swap3A_544] {strides = array<i32>} : memref<16x512xf32, #tpu.memory_space<vmem>>, vector<1x16xf32>,
      %swap3A_546 = vector.shape_cast %swap3A_545 : vector<1x16xf32> to vector<16xf32>
      %swap3A_547 = vector.shape_cast %broadcast_in_dim3A_501 : vector<16xf32> to vector<1x16xf32>
      tpu.vector_store %arg8[%swap3A_543, %swap3A_544], %swap3A_547 {strides = array<i32>} : memref<16x512xf32, #tpu.memory_space<vmem>>, vector<1x16xf32>,
      %swap3A_548 = arith.index_cast %scan3A_527 : i32 to index
      %swap3A_549 = arith.constant 64 : index
      %swap3A_550 = tpu.vector_load %arg8[%swap3A_548, %swap3A_549] {strides = array<i32>} : memref<16x512xf32, #tpu.memory_space<vmem>>, vector<1x16xf32>,
      %swap3A_551 = vector.shape_cast %swap3A_550 : vector<1x16xf32> to vector<16xf32>
      %swap3A_552 = vector.shape_cast %broadcast_in_dim3A_501 : vector<16xf32> to vector<1x16xf32>
      tpu.vector_store %arg8[%swap3A_548, %swap3A_549], %swap3A_552 {strides = array<i32>} : memref<16x512xf32, #tpu.memory_space<vmem>>, vector<1x16xf32>,
      %swap3A_553 = arith.index_cast %scan3A_527 : i32 to index
      %swap3A_554 = arith.constant 80 : index
      %swap3A_555 = tpu.vector_load %arg8[%swap3A_553, %swap3A_554] {strides = array<i32>} : memref<16x512xf32, #tpu.memory_space<vmem>>, vector<1x16xf32>,
      %swap3A_556 = vector.shape_cast %swap3A_555 : vector<1x16xf32> to vector<16xf32>
      %swap3A_557 = vector.shape_cast %broadcast_in_dim3A_501 : vector<16xf32> to vector<1x16xf32>
      tpu.vector_store %arg8[%swap3A_553, %swap3A_554], %swap3A_557 {strides = array<i32>} : memref<16x512xf32, #tpu.memory_space<vmem>>, vector<1x16xf32>,
      %swap3A_558 = arith.index_cast %scan3A_527 : i32 to index
      %swap3A_559 = arith.constant 96 : index
      %swap3A_560 = tpu.vector_load %arg8[%swap3A_558, %swap3A_559] {strides = array<i32>} : memref<16x512xf32, #tpu.memory_space<vmem>>, vector<1x16xf32>,
      %swap3A_561 = vector.shape_cast %swap3A_560 : vector<1x16xf32> to vector<16xf32>
      %swap3A_562 = vector.shape_cast %broadcast_in_dim3A_501 : vector<16xf32> to vector<1x16xf32>
      tpu.vector_store %arg8[%swap3A_558, %swap3A_559], %swap3A_562 {strides = array<i32>} : memref<16x512xf32, #tpu.memory_space<vmem>>, vector<1x16xf32>,
      %swap3A_563 = arith.index_cast %scan3A_527 : i32 to index
      %swap3A_564 = arith.constant 112 : index
      %swap3A_565 = tpu.vector_load %arg8[%swap3A_563, %swap3A_564] {strides = array<i32>} : memref<16x512xf32, #tpu.memory_space<vmem>>, vector<1x16xf32>,
      %swap3A_566 = vector.shape_cast %swap3A_565 : vector<1x16xf32> to vector<16xf32>
      %swap3A_567 = vector.shape_cast %broadcast_in_dim3A_501 : vector<16xf32> to vector<1x16xf32>
      tpu.vector_store %arg8[%swap3A_563, %swap3A_564], %swap3A_567 {strides = array<i32>} : memref<16x512xf32, #tpu.memory_space<vmem>>, vector<1x16xf32>,
      %swap3A_568 = arith.index_cast %scan3A_527 : i32 to index
      %swap3A_569 = arith.constant 128 : index
      %swap3A_570 = tpu.vector_load %arg8[%swap3A_568, %swap3A_569] {strides = array<i32>} : memref<16x512xf32, #tpu.memory_space<vmem>>, vector<1x16xf32>,
      %swap3A_571 = vector.shape_cast %swap3A_570 : vector<1x16xf32> to vector<16xf32>
      %swap3A_572 = vector.shape_cast %broadcast_in_dim3A_501 : vector<16xf32> to vector<1x16xf32>
      tpu.vector_store %arg8[%swap3A_568, %swap3A_569], %swap3A_572 {strides = array<i32>} : memref<16x512xf32, #tpu.memory_space<vmem>>, vector<1x16xf32>,
      %swap3A_573 = arith.index_cast %scan3A_527 : i32 to index
      %swap3A_574 = arith.constant 144 : index
      %swap3A_575 = tpu.vector_load %arg8[%swap3A_573, %swap3A_574] {strides = array<i32>} : memref<16x512xf32, #tpu.memory_space<vmem>>, vector<1x16xf32>,
      %swap3A_576 = vector.shape_cast %swap3A_575 : vector<1x16xf32> to vector<16xf32>
      %swap3A_577 = vector.shape_cast %broadcast_in_dim3A_501 : vector<16xf32> to vector<1x16xf32>
      tpu.vector_store %arg8[%swap3A_573, %swap3A_574], %swap3A_577 {strides = array<i32>} : memref<16x512xf32, #tpu.memory_space<vmem>>, vector<1x16xf32>,
      %swap3A_578 = arith.index_cast %scan3A_527 : i32 to index
      %swap3A_579 = arith.constant 160 : index
      %swap3A_580 = tpu.vector_load %arg8[%swap3A_578, %swap3A_579] {strides = array<i32>} : memref<16x512xf32, #tpu.memory_space<vmem>>, vector<1x16xf32>,
      %swap3A_581 = vector.shape_cast %swap3A_580 : vector<1x16xf32> to vector<16xf32>
      %swap3A_582 = vector.shape_cast %broadcast_in_dim3A_501 : vector<16xf32> to vector<1x16xf32>
      tpu.vector_store %arg8[%swap3A_578, %swap3A_579], %swap3A_582 {strides = array<i32>} : memref<16x512xf32, #tpu.memory_space<vmem>>, vector<1x16xf32>,
      %swap3A_583 = arith.index_cast %scan3A_527 : i32 to index
      %swap3A_584 = arith.constant 176 : index
      %swap3A_585 = tpu.vector_load %arg8[%swap3A_583, %swap3A_584] {strides = array<i32>} : memref<16x512xf32, #tpu.memory_space<vmem>>, vector<1x16xf32>,
      %swap3A_586 = vector.shape_cast %swap3A_585 : vector<1x16xf32> to vector<16xf32>
      %swap3A_587 = vector.shape_cast %broadcast_in_dim3A_501 : vector<16xf32> to vector<1x16xf32>
      tpu.vector_store %arg8[%swap3A_583, %swap3A_584], %swap3A_587 {strides = array<i32>} : memref<16x512xf32, #tpu.memory_space<vmem>>, vector<1x16xf32>,
      %swap3A_588 = arith.index_cast %scan3A_527 : i32 to index
      %swap3A_589 = arith.constant 192 : index
      %swap3A_590 = tpu.vector_load %arg8[%swap3A_588, %swap3A_589] {strides = array<i32>} : memref<16x512xf32, #tpu.memory_space<vmem>>, vector<1x16xf32>,
      %swap3A_591 = vector.shape_cast %swap3A_590 : vector<1x16xf32> to vector<16xf32>
      %swap3A_592 = vector.shape_cast %broadcast_in_dim3A_501 : vector<16xf32> to vector<1x16xf32>
      tpu.vector_store %arg8[%swap3A_588, %swap3A_589], %swap3A_592 {strides = array<i32>} : memref<16x512xf32, #tpu.memory_space<vmem>>, vector<1x16xf32>,
      %swap3A_593 = arith.index_cast %scan3A_527 : i32 to index
      %swap3A_594 = arith.constant 208 : index
      %swap3A_595 = tpu.vector_load %arg8[%swap3A_593, %swap3A_594] {strides = array<i32>} : memref<16x512xf32, #tpu.memory_space<vmem>>, vector<1x16xf32>,
      %swap3A_596 = vector.shape_cast %swap3A_595 : vector<1x16xf32> to vector<16xf32>
      %swap3A_597 = vector.shape_cast %broadcast_in_dim3A_501 : vector<16xf32> to vector<1x16xf32>
      tpu.vector_store %arg8[%swap3A_593, %swap3A_594], %swap3A_597 {strides = array<i32>} : memref<16x512xf32, #tpu.memory_space<vmem>>, vector<1x16xf32>,
      %swap3A_598 = arith.index_cast %scan3A_527 : i32 to index
      %swap3A_599 = arith.constant 224 : index
      %swap3A_600 = tpu.vector_load %arg8[%swap3A_598, %swap3A_599] {strides = array<i32>} : memref<16x512xf32, #tpu.memory_space<vmem>>, vector<1x16xf32>,
      %swap3A_601 = vector.shape_cast %swap3A_600 : vector<1x16xf32> to vector<16xf32>
      %swap3A_602 = vector.shape_cast %broadcast_in_dim3A_501 : vector<16xf32> to vector<1x16xf32>
      tpu.vector_store %arg8[%swap3A_598, %swap3A_599], %swap3A_602 {strides = array<i32>} : memref<16x512xf32, #tpu.memory_space<vmem>>, vector<1x16xf32>,
      %swap3A_603 = arith.index_cast %scan3A_527 : i32 to index
      %swap3A_604 = arith.constant 240 : index
      %swap3A_605 = tpu.vector_load %arg8[%swap3A_603, %swap3A_604] {strides = array<i32>} : memref<16x512xf32, #tpu.memory_space<vmem>>, vector<1x16xf32>,
      %swap3A_606 = vector.shape_cast %swap3A_605 : vector<1x16xf32> to vector<16xf32>
      %swap3A_607 = vector.shape_cast %broadcast_in_dim3A_501 : vector<16xf32> to vector<1x16xf32>
      tpu.vector_store %arg8[%swap3A_603, %swap3A_604], %swap3A_607 {strides = array<i32>} : memref<16x512xf32, #tpu.memory_space<vmem>>, vector<1x16xf32>,
      %swap3A_608 = arith.index_cast %scan3A_527 : i32 to index
      %swap3A_609 = arith.constant 256 : index
      %swap3A_610 = tpu.vector_load %arg8[%swap3A_608, %swap3A_609] {strides = array<i32>} : memref<16x512xf32, #tpu.memory_space<vmem>>, vector<1x16xf32>,
      %swap3A_611 = vector.shape_cast %swap3A_610 : vector<1x16xf32> to vector<16xf32>
      %swap3A_612 = vector.shape_cast %broadcast_in_dim3A_501 : vector<16xf32> to vector<1x16xf32>
      tpu.vector_store %arg8[%swap3A_608, %swap3A_609], %swap3A_612 {strides = array<i32>} : memref<16x512xf32, #tpu.memory_space<vmem>>, vector<1x16xf32>,
      %swap3A_613 = arith.index_cast %scan3A_527 : i32 to index
      %swap3A_614 = arith.constant 272 : index
      %swap3A_615 = tpu.vector_load %arg8[%swap3A_613, %swap3A_614] {strides = array<i32>} : memref<16x512xf32, #tpu.memory_space<vmem>>, vector<1x16xf32>,
      %swap3A_616 = vector.shape_cast %swap3A_615 : vector<1x16xf32> to vector<16xf32>
      %swap3A_617 = vector.shape_cast %broadcast_in_dim3A_501 : vector<16xf32> to vector<1x16xf32>
      tpu.vector_store %arg8[%swap3A_613, %swap3A_614], %swap3A_617 {strides = array<i32>} : memref<16x512xf32, #tpu.memory_space<vmem>>, vector<1x16xf32>,
      %swap3A_618 = arith.index_cast %scan3A_527 : i32 to index
      %swap3A_619 = arith.constant 288 : index
      %swap3A_620 = tpu.vector_load %arg8[%swap3A_618, %swap3A_619] {strides = array<i32>} : memref<16x512xf32, #tpu.memory_space<vmem>>, vector<1x16xf32>,
      %swap3A_621 = vector.shape_cast %swap3A_620 : vector<1x16xf32> to vector<16xf32>
      %swap3A_622 = vector.shape_cast %broadcast_in_dim3A_501 : vector<16xf32> to vector<1x16xf32>
      tpu.vector_store %arg8[%swap3A_618, %swap3A_619], %swap3A_622 {strides = array<i32>} : memref<16x512xf32, #tpu.memory_space<vmem>>, vector<1x16xf32>,
      %swap3A_623 = arith.index_cast %scan3A_527 : i32 to index
      %swap3A_624 = arith.constant 304 : index
      %swap3A_625 = tpu.vector_load %arg8[%swap3A_623, %swap3A_624] {strides = array<i32>} : memref<16x512xf32, #tpu.memory_space<vmem>>, vector<1x16xf32>,
      %swap3A_626 = vector.shape_cast %swap3A_625 : vector<1x16xf32> to vector<16xf32>
      %swap3A_627 = vector.shape_cast %broadcast_in_dim3A_501 : vector<16xf32> to vector<1x16xf32>
      tpu.vector_store %arg8[%swap3A_623, %swap3A_624], %swap3A_627 {strides = array<i32>} : memref<16x512xf32, #tpu.memory_space<vmem>>, vector<1x16xf32>,
      %swap3A_628 = arith.index_cast %scan3A_527 : i32 to index
      %swap3A_629 = arith.constant 320 : index
      %swap3A_630 = tpu.vector_load %arg8[%swap3A_628, %swap3A_629] {strides = array<i32>} : memref<16x512xf32, #tpu.memory_space<vmem>>, vector<1x16xf32>,
      %swap3A_631 = vector.shape_cast %swap3A_630 : vector<1x16xf32> to vector<16xf32>
      %swap3A_632 = vector.shape_cast %broadcast_in_dim3A_501 : vector<16xf32> to vector<1x16xf32>
      tpu.vector_store %arg8[%swap3A_628, %swap3A_629], %swap3A_632 {strides = array<i32>} : memref<16x512xf32, #tpu.memory_space<vmem>>, vector<1x16xf32>,
      %swap3A_633 = arith.index_cast %scan3A_527 : i32 to index
      %swap3A_634 = arith.constant 336 : index
      %swap3A_635 = tpu.vector_load %arg8[%swap3A_633, %swap3A_634] {strides = array<i32>} : memref<16x512xf32, #tpu.memory_space<vmem>>, vector<1x16xf32>,
      %swap3A_636 = vector.shape_cast %swap3A_635 : vector<1x16xf32> to vector<16xf32>
      %swap3A_637 = vector.shape_cast %broadcast_in_dim3A_501 : vector<16xf32> to vector<1x16xf32>
      tpu.vector_store %arg8[%swap3A_633, %swap3A_634], %swap3A_637 {strides = array<i32>} : memref<16x512xf32, #tpu.memory_space<vmem>>, vector<1x16xf32>,
      %swap3A_638 = arith.index_cast %scan3A_527 : i32 to index
      %swap3A_639 = arith.constant 352 : index
      %swap3A_640 = tpu.vector_load %arg8[%swap3A_638, %swap3A_639] {strides = array<i32>} : memref<16x512xf32, #tpu.memory_space<vmem>>, vector<1x16xf32>,
      %swap3A_641 = vector.shape_cast %swap3A_640 : vector<1x16xf32> to vector<16xf32>
      %swap3A_642 = vector.shape_cast %broadcast_in_dim3A_501 : vector<16xf32> to vector<1x16xf32>
      tpu.vector_store %arg8[%swap3A_638, %swap3A_639], %swap3A_642 {strides = array<i32>} : memref<16x512xf32, #tpu.memory_space<vmem>>, vector<1x16xf32>,
      %swap3A_643 = arith.index_cast %scan3A_527 : i32 to index
      %swap3A_644 = arith.constant 368 : index
      %swap3A_645 = tpu.vector_load %arg8[%swap3A_643, %swap3A_644] {strides = array<i32>} : memref<16x512xf32, #tpu.memory_space<vmem>>, vector<1x16xf32>,
      %swap3A_646 = vector.shape_cast %swap3A_645 : vector<1x16xf32> to vector<16xf32>
      %swap3A_647 = vector.shape_cast %broadcast_in_dim3A_501 : vector<16xf32> to vector<1x16xf32>
      tpu.vector_store %arg8[%swap3A_643, %swap3A_644], %swap3A_647 {strides = array<i32>} : memref<16x512xf32, #tpu.memory_space<vmem>>, vector<1x16xf32>,
      %swap3A_648 = arith.index_cast %scan3A_527 : i32 to index
      %swap3A_649 = arith.constant 384 : index
      %swap3A_650 = tpu.vector_load %arg8[%swap3A_648, %swap3A_649] {strides = array<i32>} : memref<16x512xf32, #tpu.memory_space<vmem>>, vector<1x16xf32>,
      %swap3A_651 = vector.shape_cast %swap3A_650 : vector<1x16xf32> to vector<16xf32>
      %swap3A_652 = vector.shape_cast %broadcast_in_dim3A_501 : vector<16xf32> to vector<1x16xf32>
      tpu.vector_store %arg8[%swap3A_648, %swap3A_649], %swap3A_652 {strides = array<i32>} : memref<16x512xf32, #tpu.memory_space<vmem>>, vector<1x16xf32>,
      %swap3A_653 = arith.index_cast %scan3A_527 : i32 to index
      %swap3A_654 = arith.constant 400 : index
      %swap3A_655 = tpu.vector_load %arg8[%swap3A_653, %swap3A_654] {strides = array<i32>} : memref<16x512xf32, #tpu.memory_space<vmem>>, vector<1x16xf32>,
      %swap3A_656 = vector.shape_cast %swap3A_655 : vector<1x16xf32> to vector<16xf32>
      %swap3A_657 = vector.shape_cast %broadcast_in_dim3A_501 : vector<16xf32> to vector<1x16xf32>
      tpu.vector_store %arg8[%swap3A_653, %swap3A_654], %swap3A_657 {strides = array<i32>} : memref<16x512xf32, #tpu.memory_space<vmem>>, vector<1x16xf32>,
      %swap3A_658 = arith.index_cast %scan3A_527 : i32 to index
      %swap3A_659 = arith.constant 416 : index
      %swap3A_660 = tpu.vector_load %arg8[%swap3A_658, %swap3A_659] {strides = array<i32>} : memref<16x512xf32, #tpu.memory_space<vmem>>, vector<1x16xf32>,
      %swap3A_661 = vector.shape_cast %swap3A_660 : vector<1x16xf32> to vector<16xf32>
      %swap3A_662 = vector.shape_cast %broadcast_in_dim3A_501 : vector<16xf32> to vector<1x16xf32>
      tpu.vector_store %arg8[%swap3A_658, %swap3A_659], %swap3A_662 {strides = array<i32>} : memref<16x512xf32, #tpu.memory_space<vmem>>, vector<1x16xf32>,
      %swap3A_663 = arith.index_cast %scan3A_527 : i32 to index
      %swap3A_664 = arith.constant 432 : index
      %swap3A_665 = tpu.vector_load %arg8[%swap3A_663, %swap3A_664] {strides = array<i32>} : memref<16x512xf32, #tpu.memory_space<vmem>>, vector<1x16xf32>,
      %swap3A_666 = vector.shape_cast %swap3A_665 : vector<1x16xf32> to vector<16xf32>
      %swap3A_667 = vector.shape_cast %broadcast_in_dim3A_501 : vector<16xf32> to vector<1x16xf32>
      tpu.vector_store %arg8[%swap3A_663, %swap3A_664], %swap3A_667 {strides = array<i32>} : memref<16x512xf32, #tpu.memory_space<vmem>>, vector<1x16xf32>,
      %swap3A_668 = arith.index_cast %scan3A_527 : i32 to index
      %swap3A_669 = arith.constant 448 : index
      %swap3A_670 = tpu.vector_load %arg8[%swap3A_668, %swap3A_669] {strides = array<i32>} : memref<16x512xf32, #tpu.memory_space<vmem>>, vector<1x16xf32>,
      %swap3A_671 = vector.shape_cast %swap3A_670 : vector<1x16xf32> to vector<16xf32>
      %swap3A_672 = vector.shape_cast %broadcast_in_dim3A_501 : vector<16xf32> to vector<1x16xf32>
      tpu.vector_store %arg8[%swap3A_668, %swap3A_669], %swap3A_672 {strides = array<i32>} : memref<16x512xf32, #tpu.memory_space<vmem>>, vector<1x16xf32>,
      %swap3A_673 = arith.index_cast %scan3A_527 : i32 to index
      %swap3A_674 = arith.constant 464 : index
      %swap3A_675 = tpu.vector_load %arg8[%swap3A_673, %swap3A_674] {strides = array<i32>} : memref<16x512xf32, #tpu.memory_space<vmem>>, vector<1x16xf32>,
      %swap3A_676 = vector.shape_cast %swap3A_675 : vector<1x16xf32> to vector<16xf32>
      %swap3A_677 = vector.shape_cast %broadcast_in_dim3A_501 : vector<16xf32> to vector<1x16xf32>
      tpu.vector_store %arg8[%swap3A_673, %swap3A_674], %swap3A_677 {strides = array<i32>} : memref<16x512xf32, #tpu.memory_space<vmem>>, vector<1x16xf32>,
      %swap3A_678 = arith.index_cast %scan3A_527 : i32 to index
      %swap3A_679 = arith.constant 480 : index
      %swap3A_680 = tpu.vector_load %arg8[%swap3A_678, %swap3A_679] {strides = array<i32>} : memref<16x512xf32, #tpu.memory_space<vmem>>, vector<1x16xf32>,
      %swap3A_681 = vector.shape_cast %swap3A_680 : vector<1x16xf32> to vector<16xf32>
      %swap3A_682 = vector.shape_cast %broadcast_in_dim3A_501 : vector<16xf32> to vector<1x16xf32>
      tpu.vector_store %arg8[%swap3A_678, %swap3A_679], %swap3A_682 {strides = array<i32>} : memref<16x512xf32, #tpu.memory_space<vmem>>, vector<1x16xf32>,
      %swap3A_683 = arith.index_cast %scan3A_527 : i32 to index
      %swap3A_684 = arith.constant 496 : index
      %swap3A_685 = tpu.vector_load %arg8[%swap3A_683, %swap3A_684] {strides = array<i32>} : memref<16x512xf32, #tpu.memory_space<vmem>>, vector<1x16xf32>,
      %swap3A_686 = vector.shape_cast %swap3A_685 : vector<1x16xf32> to vector<16xf32>
      %swap3A_687 = vector.shape_cast %broadcast_in_dim3A_501 : vector<16xf32> to vector<1x16xf32>
      tpu.vector_store %arg8[%swap3A_683, %swap3A_684], %swap3A_687 {strides = array<i32>} : memref<16x512xf32, #tpu.memory_space<vmem>>, vector<1x16xf32>,
      %scan3A_688 = arith.constant 0 : i32
      scf.yield %scan3A_688 : i32
    }
    %scan3A_507 = arith.constant 16 : i32
    %gt3A_508 = arith.constant 0 : i32
    %gt3A_509 = arith.cmpi sgt, %while3A_500, %gt3A_508 : i32
    %convert_element_type3A = arith.extui %gt3A_509 : i1 to i32
    %cond3A = arith.constant 0 : i32
    %cond3A_510 = arith.cmpi ne, %convert_element_type3A, %cond3A : i32
    scf.if %cond3A_510 {
      %get3A_527 = arith.constant 0 : i32
      %get3A_528 = arith.index_cast %get3A_527 : i32 to index
      %get3A_529 = memref.load %arg9[%get3A_528] : memref<22xi32, #tpu.memory_space<smem>>
      %mul3A_530 = arith.constant 8 : i32
      %mul3A_531 = arith.muli %get3A_529, %mul3A_530 : i32
      %dma_start3A = arith.constant 0 : i32
      %dma_start3A_532 = tpu.memref_slice %arg3[%mul3A_531, %dma_start3A] : memref<32768x512xf32, #tpu.memory_space<hbm>> -> memref<64x512xf32, #tpu.memory_space<hbm>>
      %dma_start3A_533 = arith.constant 0 : i32
      %dma_start3A_534 = tpu.memref_slice %arg3[%mul3A_531, %dma_start3A_533] : memref<32768x512xf32, #tpu.memory_space<hbm>> -> memref<64x512xf32, #tpu.memory_space<hbm>>
      tpu.enqueue_dma source(%dma_start3A_534 : memref<64x512xf32, #tpu.memory_space<hbm>>) target(%arg6 : memref<64x512xf32, #tpu.memory_space<vmem>>) target_semaphore(%arg13 : memref<!tpu.dma_semaphore, #tpu.memory_space<semaphore_mem>>)
    } else {
    }
    %add3A_511 = arith.constant 1 : i32
    %add3A_512 = arith.addi %while3A_500, %add3A_511 : i32
    %div3A_513 = arith.constant 2 : i32
    %div3A_514 = arith.divsi %add3A_512, %div3A_513 : i32
    %while3A_515 = arith.constant 0 : i32
    %while3A_516 = arith.constant 0 : i32
    %while3A_517 = arith.subi %div3A_514, %while3A_515 : i32
    %while3A_518 = arith.addi %while3A_515, %while3A_517 : i32
    %while3A_519 = arith.constant 1 : i32
    %while3A_520 = arith.divsi %while3A_517, %while3A_519 : i32
    %while3A_521 = arith.muli %while3A_520, %while3A_519 : i32
    %while3A_522 = arith.addi %while3A_515, %while3A_521 : i32
    %while3A_523 = arith.constant 1 : i32
    %while3A_524 = scf.for %while3A_527 = %while3A_515 to %while3A_522 step %while3A_523 iter_args(%while3A_528 = %while3A_516) -> (i32)  : i32 {
      %mul3A_529 = arith.constant 2 : i32
      %mul3A_530 = arith.muli %mul3A_529, %while3A_527 : i32
      %add3A_531 = arith.constant 1 : i32
      %add3A_532 = arith.addi %mul3A_530, %add3A_531 : i32
      %lt3A = arith.cmpi slt, %add3A_532, %while3A_500 : i32
      %convert_element_type3A_533 = arith.extui %lt3A : i1 to i32
      %cond3A_534 = arith.constant 0 : i32
      %cond3A_535 = arith.cmpi ne, %convert_element_type3A_533, %cond3A_534 : i32
      scf.if %cond3A_535 {
        %get3A_727 = arith.index_cast %add3A_532 : i32 to index
        %get3A_728 = memref.load %arg9[%get3A_727] : memref<22xi32, #tpu.memory_space<smem>>
        %mul3A_729 = arith.constant 8 : i32
        %mul3A_730 = arith.muli %get3A_728, %mul3A_729 : i32
        %dma_start3A = arith.constant 0 : i32
        %dma_start3A_731 = tpu.memref_slice %arg3[%mul3A_730, %dma_start3A] : memref<32768x512xf32, #tpu.memory_space<hbm>> -> memref<64x512xf32, #tpu.memory_space<hbm>>
        %dma_start3A_732 = arith.constant 0 : i32
        %dma_start3A_733 = tpu.memref_slice %arg3[%mul3A_730, %dma_start3A_732] : memref<32768x512xf32, #tpu.memory_space<hbm>> -> memref<64x512xf32, #tpu.memory_space<hbm>>
        tpu.enqueue_dma source(%dma_start3A_733 : memref<64x512xf32, #tpu.memory_space<hbm>>) target(%arg7 : memref<64x512xf32, #tpu.memory_space<vmem>>) target_semaphore(%arg14 : memref<!tpu.dma_semaphore, #tpu.memory_space<semaphore_mem>>)
      } else {
      }
      %dma_wait3A = arith.constant 0 : i32
      %dma_wait3A_536 = arith.constant 0 : i32
      %dma_wait3A_537 = tpu.memref_slice %arg3[%dma_wait3A, %dma_wait3A_536] : memref<32768x512xf32, #tpu.memory_space<hbm>> -> memref<64x512xf32, #tpu.memory_space<hbm>>
      %dma_wait3A_538 = arith.constant 0 : i32
      %dma_wait3A_539 = arith.constant 0 : i32
      %dma_wait3A_540 = tpu.memref_slice %arg3[%dma_wait3A_538, %dma_wait3A_539] : memref<32768x512xf32, #tpu.memory_space<hbm>> -> memref<64x512xf32, #tpu.memory_space<hbm>>
      tpu.wait_dma2 semaphore(%arg13 : memref<!tpu.dma_semaphore, #tpu.memory_space<semaphore_mem>>) src(%dma_wait3A_540 : memref<64x512xf32, #tpu.memory_space<hbm>>) dst(%arg6 : memref<64x512xf32, #tpu.memory_space<vmem>>)
      %get3A_541 = arith.index_cast %mul3A_530 : i32 to index
      %get3A_542 = memref.load %arg10[%get3A_541] : memref<22xi32, #tpu.memory_space<smem>>
      %get3A_543 = arith.index_cast %mul3A_530 : i32 to index
      %get3A_544 = memref.load %arg11[%get3A_543] : memref<22xi32, #tpu.memory_space<smem>>
      %get3A_545 = arith.index_cast %mul3A_530 : i32 to index
      %get3A_546 = memref.load %arg12[%get3A_545] : memref<22xi32, #tpu.memory_space<smem>>
      %get3A_547 = arith.index_cast %mul3A_530 : i32 to index
      %get3A_548 = memref.load %arg9[%get3A_547] : memref<22xi32, #tpu.memory_space<smem>>
      %mul3A_549 = arith.constant 8 : i32
      %mul3A_550 = arith.muli %get3A_548, %mul3A_549 : i32
      %scan3A_551 = arith.constant 0 : i32
      %scan3A_552 = arith.constant 64 : i32
      %scan3A_553 = arith.addi %scan3A_551, %scan3A_552 : i32
      %scan3A_554 = arith.constant 1 : i32
      %scan3A_555:32 = scf.for %scan3A_727 = %scan3A_551 to %scan3A_553 step %scan3A_554 iter_args(%scan3A_728 = %broadcast_in_dim3A_501, %scan3A_729 = %broadcast_in_dim3A_501, %scan3A_730 = %broadcast_in_dim3A_501, %scan3A_731 = %broadcast_in_dim3A_501, %scan3A_732 = %broadcast_in_dim3A_501, %scan3A_733 = %broadcast_in_dim3A_501, %scan3A_734 = %broadcast_in_dim3A_501, %scan3A_735 = %broadcast_in_dim3A_501, %scan3A_736 = %broadcast_in_dim3A_501, %scan3A_737 = %broadcast_in_dim3A_501, %scan3A_738 = %broadcast_in_dim3A_501, %scan3A_739 = %broadcast_in_dim3A_501, %scan3A_740 = %broadcast_in_dim3A_501, %scan3A_741 = %broadcast_in_dim3A_501, %scan3A_742 = %broadcast_in_dim3A_501, %scan3A_743 = %broadcast_in_dim3A_501, %scan3A_744 = %broadcast_in_dim3A_501, %scan3A_745 = %broadcast_in_dim3A_501, %scan3A_746 = %broadcast_in_dim3A_501, %scan3A_747 = %broadcast_in_dim3A_501, %scan3A_748 = %broadcast_in_dim3A_501, %scan3A_749 = %broadcast_in_dim3A_501, %scan3A_750 = %broadcast_in_dim3A_501, %scan3A_751 = %broadcast_in_dim3A_501, %scan3A_752 = %broadcast_in_dim3A_501, %scan3A_753 = %broadcast_in_dim3A_501, %scan3A_754 = %broadcast_in_dim3A_501, %scan3A_755 = %broadcast_in_dim3A_501, %scan3A_756 = %broadcast_in_dim3A_501, %scan3A_757 = %broadcast_in_dim3A_501, %scan3A_758 = %broadcast_in_dim3A_501, %scan3A_759 = %broadcast_in_dim3A_501) -> (vector<16xf32>, vector<16xf32>, vector<16xf32>, vector<16xf32>, vector<16xf32>, vector<16xf32>, vector<16xf32>, vector<16xf32>, vector<16xf32>, vector<16xf32>, vector<16xf32>, vector<16xf32>, vector<16xf32>, vector<16xf32>, vector<16xf32>, vector<16xf32>, vector<16xf32>, vector<16xf32>, vector<16xf32>, vector<16xf32>, vector<16xf32>, vector<16xf32>, vector<16xf32>, vector<16xf32>, vector<16xf32>, vector<16xf32>, vector<16xf32>, vector<16xf32>, vector<16xf32>, vector<16xf32>, vector<16xf32>, vector<16xf32>)  : i32 {
        %add3A_760 = arith.addi %mul3A_550, %scan3A_727 : i32
        %ge3A = arith.cmpi sge, %add3A_760, %get3A_542 : i32
        %lt3A_761 = arith.cmpi slt, %add3A_760, %get3A_544 : i32
        %and3A = arith.andi %ge3A, %lt3A_761 : i1
        %jit3A_762 = arith.constant 1.000000e+00 : f32
        %jit3A_763 = arith.constant 0.000000e+00 : f32
        %select_n3A_764 = arith.select %and3A, %jit3A_762, %jit3A_763 : f32
        %get3A_765 = arith.index_cast %scan3A_727 : i32 to index
        %get3A_766 = arith.constant 0 : index
        %get3A_767 = tpu.vector_load %arg6[%get3A_765, %get3A_766] {strides = array<i32>} : memref<64x512xf32, #tpu.memory_space<vmem>>, vector<1x16xf32>,
        %get3A_768 = vector.shape_cast %get3A_767 : vector<1x16xf32> to vector<16xf32>
        %mul3A_769 = vector.broadcast %select_n3A_764 : f32 to vector<16xf32>
        %mul3A_770 = arith.mulf %mul3A_769, %get3A_768 : vector<16xf32>
        %add3A_771 = arith.addf %scan3A_728, %mul3A_770 : vector<16xf32>
        %get3A_772 = arith.index_cast %scan3A_727 : i32 to index
        %get3A_773 = arith.constant 16 : index
        %get3A_774 = tpu.vector_load %arg6[%get3A_772, %get3A_773] {strides = array<i32>} : memref<64x512xf32, #tpu.memory_space<vmem>>, vector<1x16xf32>,
        %get3A_775 = vector.shape_cast %get3A_774 : vector<1x16xf32> to vector<16xf32>
        %mul3A_776 = vector.broadcast %select_n3A_764 : f32 to vector<16xf32>
        %mul3A_777 = arith.mulf %mul3A_776, %get3A_775 : vector<16xf32>
        %add3A_778 = arith.addf %scan3A_729, %mul3A_777 : vector<16xf32>
        %get3A_779 = arith.index_cast %scan3A_727 : i32 to index
        %get3A_780 = arith.constant 32 : index
        %get3A_781 = tpu.vector_load %arg6[%get3A_779, %get3A_780] {strides = array<i32>} : memref<64x512xf32, #tpu.memory_space<vmem>>, vector<1x16xf32>,
        %get3A_782 = vector.shape_cast %get3A_781 : vector<1x16xf32> to vector<16xf32>
        %mul3A_783 = vector.broadcast %select_n3A_764 : f32 to vector<16xf32>
        %mul3A_784 = arith.mulf %mul3A_783, %get3A_782 : vector<16xf32>
        %add3A_785 = arith.addf %scan3A_730, %mul3A_784 : vector<16xf32>
        %get3A_786 = arith.index_cast %scan3A_727 : i32 to index
        %get3A_787 = arith.constant 48 : index
        %get3A_788 = tpu.vector_load %arg6[%get3A_786, %get3A_787] {strides = array<i32>} : memref<64x512xf32, #tpu.memory_space<vmem>>, vector<1x16xf32>,
        %get3A_789 = vector.shape_cast %get3A_788 : vector<1x16xf32> to vector<16xf32>
        %mul3A_790 = vector.broadcast %select_n3A_764 : f32 to vector<16xf32>
        %mul3A_791 = arith.mulf %mul3A_790, %get3A_789 : vector<16xf32>
        %add3A_792 = arith.addf %scan3A_731, %mul3A_791 : vector<16xf32>
        %get3A_793 = arith.index_cast %scan3A_727 : i32 to index
        %get3A_794 = arith.constant 64 : index
        %get3A_795 = tpu.vector_load %arg6[%get3A_793, %get3A_794] {strides = array<i32>} : memref<64x512xf32, #tpu.memory_space<vmem>>, vector<1x16xf32>,
        %get3A_796 = vector.shape_cast %get3A_795 : vector<1x16xf32> to vector<16xf32>
        %mul3A_797 = vector.broadcast %select_n3A_764 : f32 to vector<16xf32>
        %mul3A_798 = arith.mulf %mul3A_797, %get3A_796 : vector<16xf32>
        %add3A_799 = arith.addf %scan3A_732, %mul3A_798 : vector<16xf32>
        %get3A_800 = arith.index_cast %scan3A_727 : i32 to index
        %get3A_801 = arith.constant 80 : index
        %get3A_802 = tpu.vector_load %arg6[%get3A_800, %get3A_801] {strides = array<i32>} : memref<64x512xf32, #tpu.memory_space<vmem>>, vector<1x16xf32>,
        %get3A_803 = vector.shape_cast %get3A_802 : vector<1x16xf32> to vector<16xf32>
        %mul3A_804 = vector.broadcast %select_n3A_764 : f32 to vector<16xf32>
        %mul3A_805 = arith.mulf %mul3A_804, %get3A_803 : vector<16xf32>
        %add3A_806 = arith.addf %scan3A_733, %mul3A_805 : vector<16xf32>
        %get3A_807 = arith.index_cast %scan3A_727 : i32 to index
        %get3A_808 = arith.constant 96 : index
        %get3A_809 = tpu.vector_load %arg6[%get3A_807, %get3A_808] {strides = array<i32>} : memref<64x512xf32, #tpu.memory_space<vmem>>, vector<1x16xf32>,
        %get3A_810 = vector.shape_cast %get3A_809 : vector<1x16xf32> to vector<16xf32>
        %mul3A_811 = vector.broadcast %select_n3A_764 : f32 to vector<16xf32>
        %mul3A_812 = arith.mulf %mul3A_811, %get3A_810 : vector<16xf32>
        %add3A_813 = arith.addf %scan3A_734, %mul3A_812 : vector<16xf32>
        %get3A_814 = arith.index_cast %scan3A_727 : i32 to index
        %get3A_815 = arith.constant 112 : index
        %get3A_816 = tpu.vector_load %arg6[%get3A_814, %get3A_815] {strides = array<i32>} : memref<64x512xf32, #tpu.memory_space<vmem>>, vector<1x16xf32>,
        %get3A_817 = vector.shape_cast %get3A_816 : vector<1x16xf32> to vector<16xf32>
        %mul3A_818 = vector.broadcast %select_n3A_764 : f32 to vector<16xf32>
        %mul3A_819 = arith.mulf %mul3A_818, %get3A_817 : vector<16xf32>
        %add3A_820 = arith.addf %scan3A_735, %mul3A_819 : vector<16xf32>
        %get3A_821 = arith.index_cast %scan3A_727 : i32 to index
        %get3A_822 = arith.constant 128 : index
        %get3A_823 = tpu.vector_load %arg6[%get3A_821, %get3A_822] {strides = array<i32>} : memref<64x512xf32, #tpu.memory_space<vmem>>, vector<1x16xf32>,
        %get3A_824 = vector.shape_cast %get3A_823 : vector<1x16xf32> to vector<16xf32>
        %mul3A_825 = vector.broadcast %select_n3A_764 : f32 to vector<16xf32>
        %mul3A_826 = arith.mulf %mul3A_825, %get3A_824 : vector<16xf32>
        %add3A_827 = arith.addf %scan3A_736, %mul3A_826 : vector<16xf32>
        %get3A_828 = arith.index_cast %scan3A_727 : i32 to index
        %get3A_829 = arith.constant 144 : index
        %get3A_830 = tpu.vector_load %arg6[%get3A_828, %get3A_829] {strides = array<i32>} : memref<64x512xf32, #tpu.memory_space<vmem>>, vector<1x16xf32>,
        %get3A_831 = vector.shape_cast %get3A_830 : vector<1x16xf32> to vector<16xf32>
        %mul3A_832 = vector.broadcast %select_n3A_764 : f32 to vector<16xf32>
        %mul3A_833 = arith.mulf %mul3A_832, %get3A_831 : vector<16xf32>
        %add3A_834 = arith.addf %scan3A_737, %mul3A_833 : vector<16xf32>
        %get3A_835 = arith.index_cast %scan3A_727 : i32 to index
        %get3A_836 = arith.constant 160 : index
        %get3A_837 = tpu.vector_load %arg6[%get3A_835, %get3A_836] {strides = array<i32>} : memref<64x512xf32, #tpu.memory_space<vmem>>, vector<1x16xf32>,
        %get3A_838 = vector.shape_cast %get3A_837 : vector<1x16xf32> to vector<16xf32>
        %mul3A_839 = vector.broadcast %select_n3A_764 : f32 to vector<16xf32>
        %mul3A_840 = arith.mulf %mul3A_839, %get3A_838 : vector<16xf32>
        %add3A_841 = arith.addf %scan3A_738, %mul3A_840 : vector<16xf32>
        %get3A_842 = arith.index_cast %scan3A_727 : i32 to index
        %get3A_843 = arith.constant 176 : index
        %get3A_844 = tpu.vector_load %arg6[%get3A_842, %get3A_843] {strides = array<i32>} : memref<64x512xf32, #tpu.memory_space<vmem>>, vector<1x16xf32>,
        %get3A_845 = vector.shape_cast %get3A_844 : vector<1x16xf32> to vector<16xf32>
        %mul3A_846 = vector.broadcast %select_n3A_764 : f32 to vector<16xf32>
        %mul3A_847 = arith.mulf %mul3A_846, %get3A_845 : vector<16xf32>
        %add3A_848 = arith.addf %scan3A_739, %mul3A_847 : vector<16xf32>
        %get3A_849 = arith.index_cast %scan3A_727 : i32 to index
        %get3A_850 = arith.constant 192 : index
        %get3A_851 = tpu.vector_load %arg6[%get3A_849, %get3A_850] {strides = array<i32>} : memref<64x512xf32, #tpu.memory_space<vmem>>, vector<1x16xf32>,
        %get3A_852 = vector.shape_cast %get3A_851 : vector<1x16xf32> to vector<16xf32>
        %mul3A_853 = vector.broadcast %select_n3A_764 : f32 to vector<16xf32>
        %mul3A_854 = arith.mulf %mul3A_853, %get3A_852 : vector<16xf32>
        %add3A_855 = arith.addf %scan3A_740, %mul3A_854 : vector<16xf32>
        %get3A_856 = arith.index_cast %scan3A_727 : i32 to index
        %get3A_857 = arith.constant 208 : index
        %get3A_858 = tpu.vector_load %arg6[%get3A_856, %get3A_857] {strides = array<i32>} : memref<64x512xf32, #tpu.memory_space<vmem>>, vector<1x16xf32>,
        %get3A_859 = vector.shape_cast %get3A_858 : vector<1x16xf32> to vector<16xf32>
        %mul3A_860 = vector.broadcast %select_n3A_764 : f32 to vector<16xf32>
        %mul3A_861 = arith.mulf %mul3A_860, %get3A_859 : vector<16xf32>
        %add3A_862 = arith.addf %scan3A_741, %mul3A_861 : vector<16xf32>
        %get3A_863 = arith.index_cast %scan3A_727 : i32 to index
        %get3A_864 = arith.constant 224 : index
        %get3A_865 = tpu.vector_load %arg6[%get3A_863, %get3A_864] {strides = array<i32>} : memref<64x512xf32, #tpu.memory_space<vmem>>, vector<1x16xf32>,
        %get3A_866 = vector.shape_cast %get3A_865 : vector<1x16xf32> to vector<16xf32>
        %mul3A_867 = vector.broadcast %select_n3A_764 : f32 to vector<16xf32>
        %mul3A_868 = arith.mulf %mul3A_867, %get3A_866 : vector<16xf32>
        %add3A_869 = arith.addf %scan3A_742, %mul3A_868 : vector<16xf32>
        %get3A_870 = arith.index_cast %scan3A_727 : i32 to index
        %get3A_871 = arith.constant 240 : index
        %get3A_872 = tpu.vector_load %arg6[%get3A_870, %get3A_871] {strides = array<i32>} : memref<64x512xf32, #tpu.memory_space<vmem>>, vector<1x16xf32>,
        %get3A_873 = vector.shape_cast %get3A_872 : vector<1x16xf32> to vector<16xf32>
        %mul3A_874 = vector.broadcast %select_n3A_764 : f32 to vector<16xf32>
        %mul3A_875 = arith.mulf %mul3A_874, %get3A_873 : vector<16xf32>
        %add3A_876 = arith.addf %scan3A_743, %mul3A_875 : vector<16xf32>
        %get3A_877 = arith.index_cast %scan3A_727 : i32 to index
        %get3A_878 = arith.constant 256 : index
        %get3A_879 = tpu.vector_load %arg6[%get3A_877, %get3A_878] {strides = array<i32>} : memref<64x512xf32, #tpu.memory_space<vmem>>, vector<1x16xf32>,
        %get3A_880 = vector.shape_cast %get3A_879 : vector<1x16xf32> to vector<16xf32>
        %mul3A_881 = vector.broadcast %select_n3A_764 : f32 to vector<16xf32>
        %mul3A_882 = arith.mulf %mul3A_881, %get3A_880 : vector<16xf32>
        %add3A_883 = arith.addf %scan3A_744, %mul3A_882 : vector<16xf32>
        %get3A_884 = arith.index_cast %scan3A_727 : i32 to index
        %get3A_885 = arith.constant 272 : index
        %get3A_886 = tpu.vector_load %arg6[%get3A_884, %get3A_885] {strides = array<i32>} : memref<64x512xf32, #tpu.memory_space<vmem>>, vector<1x16xf32>,
        %get3A_887 = vector.shape_cast %get3A_886 : vector<1x16xf32> to vector<16xf32>
        %mul3A_888 = vector.broadcast %select_n3A_764 : f32 to vector<16xf32>
        %mul3A_889 = arith.mulf %mul3A_888, %get3A_887 : vector<16xf32>
        %add3A_890 = arith.addf %scan3A_745, %mul3A_889 : vector<16xf32>
        %get3A_891 = arith.index_cast %scan3A_727 : i32 to index
        %get3A_892 = arith.constant 288 : index
        %get3A_893 = tpu.vector_load %arg6[%get3A_891, %get3A_892] {strides = array<i32>} : memref<64x512xf32, #tpu.memory_space<vmem>>, vector<1x16xf32>,
        %get3A_894 = vector.shape_cast %get3A_893 : vector<1x16xf32> to vector<16xf32>
        %mul3A_895 = vector.broadcast %select_n3A_764 : f32 to vector<16xf32>
        %mul3A_896 = arith.mulf %mul3A_895, %get3A_894 : vector<16xf32>
        %add3A_897 = arith.addf %scan3A_746, %mul3A_896 : vector<16xf32>
        %get3A_898 = arith.index_cast %scan3A_727 : i32 to index
        %get3A_899 = arith.constant 304 : index
        %get3A_900 = tpu.vector_load %arg6[%get3A_898, %get3A_899] {strides = array<i32>} : memref<64x512xf32, #tpu.memory_space<vmem>>, vector<1x16xf32>,
        %get3A_901 = vector.shape_cast %get3A_900 : vector<1x16xf32> to vector<16xf32>
        %mul3A_902 = vector.broadcast %select_n3A_764 : f32 to vector<16xf32>
        %mul3A_903 = arith.mulf %mul3A_902, %get3A_901 : vector<16xf32>
        %add3A_904 = arith.addf %scan3A_747, %mul3A_903 : vector<16xf32>
        %get3A_905 = arith.index_cast %scan3A_727 : i32 to index
        %get3A_906 = arith.constant 320 : index
        %get3A_907 = tpu.vector_load %arg6[%get3A_905, %get3A_906] {strides = array<i32>} : memref<64x512xf32, #tpu.memory_space<vmem>>, vector<1x16xf32>,
        %get3A_908 = vector.shape_cast %get3A_907 : vector<1x16xf32> to vector<16xf32>
        %mul3A_909 = vector.broadcast %select_n3A_764 : f32 to vector<16xf32>
        %mul3A_910 = arith.mulf %mul3A_909, %get3A_908 : vector<16xf32>
        %add3A_911 = arith.addf %scan3A_748, %mul3A_910 : vector<16xf32>
        %get3A_912 = arith.index_cast %scan3A_727 : i32 to index
        %get3A_913 = arith.constant 336 : index
        %get3A_914 = tpu.vector_load %arg6[%get3A_912, %get3A_913] {strides = array<i32>} : memref<64x512xf32, #tpu.memory_space<vmem>>, vector<1x16xf32>,
        %get3A_915 = vector.shape_cast %get3A_914 : vector<1x16xf32> to vector<16xf32>
        %mul3A_916 = vector.broadcast %select_n3A_764 : f32 to vector<16xf32>
        %mul3A_917 = arith.mulf %mul3A_916, %get3A_915 : vector<16xf32>
        %add3A_918 = arith.addf %scan3A_749, %mul3A_917 : vector<16xf32>
        %get3A_919 = arith.index_cast %scan3A_727 : i32 to index
        %get3A_920 = arith.constant 352 : index
        %get3A_921 = tpu.vector_load %arg6[%get3A_919, %get3A_920] {strides = array<i32>} : memref<64x512xf32, #tpu.memory_space<vmem>>, vector<1x16xf32>,
        %get3A_922 = vector.shape_cast %get3A_921 : vector<1x16xf32> to vector<16xf32>
        %mul3A_923 = vector.broadcast %select_n3A_764 : f32 to vector<16xf32>
        %mul3A_924 = arith.mulf %mul3A_923, %get3A_922 : vector<16xf32>
        %add3A_925 = arith.addf %scan3A_750, %mul3A_924 : vector<16xf32>
        %get3A_926 = arith.index_cast %scan3A_727 : i32 to index
        %get3A_927 = arith.constant 368 : index
        %get3A_928 = tpu.vector_load %arg6[%get3A_926, %get3A_927] {strides = array<i32>} : memref<64x512xf32, #tpu.memory_space<vmem>>, vector<1x16xf32>,
        %get3A_929 = vector.shape_cast %get3A_928 : vector<1x16xf32> to vector<16xf32>
        %mul3A_930 = vector.broadcast %select_n3A_764 : f32 to vector<16xf32>
        %mul3A_931 = arith.mulf %mul3A_930, %get3A_929 : vector<16xf32>
        %add3A_932 = arith.addf %scan3A_751, %mul3A_931 : vector<16xf32>
        %get3A_933 = arith.index_cast %scan3A_727 : i32 to index
        %get3A_934 = arith.constant 384 : index
        %get3A_935 = tpu.vector_load %arg6[%get3A_933, %get3A_934] {strides = array<i32>} : memref<64x512xf32, #tpu.memory_space<vmem>>, vector<1x16xf32>,
        %get3A_936 = vector.shape_cast %get3A_935 : vector<1x16xf32> to vector<16xf32>
        %mul3A_937 = vector.broadcast %select_n3A_764 : f32 to vector<16xf32>
        %mul3A_938 = arith.mulf %mul3A_937, %get3A_936 : vector<16xf32>
        %add3A_939 = arith.addf %scan3A_752, %mul3A_938 : vector<16xf32>
        %get3A_940 = arith.index_cast %scan3A_727 : i32 to index
        %get3A_941 = arith.constant 400 : index
        %get3A_942 = tpu.vector_load %arg6[%get3A_940, %get3A_941] {strides = array<i32>} : memref<64x512xf32, #tpu.memory_space<vmem>>, vector<1x16xf32>,
        %get3A_943 = vector.shape_cast %get3A_942 : vector<1x16xf32> to vector<16xf32>
        %mul3A_944 = vector.broadcast %select_n3A_764 : f32 to vector<16xf32>
        %mul3A_945 = arith.mulf %mul3A_944, %get3A_943 : vector<16xf32>
        %add3A_946 = arith.addf %scan3A_753, %mul3A_945 : vector<16xf32>
        %get3A_947 = arith.index_cast %scan3A_727 : i32 to index
        %get3A_948 = arith.constant 416 : index
        %get3A_949 = tpu.vector_load %arg6[%get3A_947, %get3A_948] {strides = array<i32>} : memref<64x512xf32, #tpu.memory_space<vmem>>, vector<1x16xf32>,
        %get3A_950 = vector.shape_cast %get3A_949 : vector<1x16xf32> to vector<16xf32>
        %mul3A_951 = vector.broadcast %select_n3A_764 : f32 to vector<16xf32>
        %mul3A_952 = arith.mulf %mul3A_951, %get3A_950 : vector<16xf32>
        %add3A_953 = arith.addf %scan3A_754, %mul3A_952 : vector<16xf32>
        %get3A_954 = arith.index_cast %scan3A_727 : i32 to index
        %get3A_955 = arith.constant 432 : index
        %get3A_956 = tpu.vector_load %arg6[%get3A_954, %get3A_955] {strides = array<i32>} : memref<64x512xf32, #tpu.memory_space<vmem>>, vector<1x16xf32>,
        %get3A_957 = vector.shape_cast %get3A_956 : vector<1x16xf32> to vector<16xf32>
        %mul3A_958 = vector.broadcast %select_n3A_764 : f32 to vector<16xf32>
        %mul3A_959 = arith.mulf %mul3A_958, %get3A_957 : vector<16xf32>
        %add3A_960 = arith.addf %scan3A_755, %mul3A_959 : vector<16xf32>
        %get3A_961 = arith.index_cast %scan3A_727 : i32 to index
        %get3A_962 = arith.constant 448 : index
        %get3A_963 = tpu.vector_load %arg6[%get3A_961, %get3A_962] {strides = array<i32>} : memref<64x512xf32, #tpu.memory_space<vmem>>, vector<1x16xf32>,
        %get3A_964 = vector.shape_cast %get3A_963 : vector<1x16xf32> to vector<16xf32>
        %mul3A_965 = vector.broadcast %select_n3A_764 : f32 to vector<16xf32>
        %mul3A_966 = arith.mulf %mul3A_965, %get3A_964 : vector<16xf32>
        %add3A_967 = arith.addf %scan3A_756, %mul3A_966 : vector<16xf32>
        %get3A_968 = arith.index_cast %scan3A_727 : i32 to index
        %get3A_969 = arith.constant 464 : index
        %get3A_970 = tpu.vector_load %arg6[%get3A_968, %get3A_969] {strides = array<i32>} : memref<64x512xf32, #tpu.memory_space<vmem>>, vector<1x16xf32>,
        %get3A_971 = vector.shape_cast %get3A_970 : vector<1x16xf32> to vector<16xf32>
        %mul3A_972 = vector.broadcast %select_n3A_764 : f32 to vector<16xf32>
        %mul3A_973 = arith.mulf %mul3A_972, %get3A_971 : vector<16xf32>
        %add3A_974 = arith.addf %scan3A_757, %mul3A_973 : vector<16xf32>
        %get3A_975 = arith.index_cast %scan3A_727 : i32 to index
        %get3A_976 = arith.constant 480 : index
        %get3A_977 = tpu.vector_load %arg6[%get3A_975, %get3A_976] {strides = array<i32>} : memref<64x512xf32, #tpu.memory_space<vmem>>, vector<1x16xf32>,
        %get3A_978 = vector.shape_cast %get3A_977 : vector<1x16xf32> to vector<16xf32>
        %mul3A_979 = vector.broadcast %select_n3A_764 : f32 to vector<16xf32>
        %mul3A_980 = arith.mulf %mul3A_979, %get3A_978 : vector<16xf32>
        %add3A_981 = arith.addf %scan3A_758, %mul3A_980 : vector<16xf32>
        %get3A_982 = arith.index_cast %scan3A_727 : i32 to index
        %get3A_983 = arith.constant 496 : index
        %get3A_984 = tpu.vector_load %arg6[%get3A_982, %get3A_983] {strides = array<i32>} : memref<64x512xf32, #tpu.memory_space<vmem>>, vector<1x16xf32>,
        %get3A_985 = vector.shape_cast %get3A_984 : vector<1x16xf32> to vector<16xf32>
        %mul3A_986 = vector.broadcast %select_n3A_764 : f32 to vector<16xf32>
        %mul3A_987 = arith.mulf %mul3A_986, %get3A_985 : vector<16xf32>
        %add3A_988 = arith.addf %scan3A_759, %mul3A_987 : vector<16xf32>
        scf.yield %add3A_771, %add3A_778, %add3A_785, %add3A_792, %add3A_799, %add3A_806, %add3A_813, %add3A_820, %add3A_827, %add3A_834, %add3A_841, %add3A_848, %add3A_855, %add3A_862, %add3A_869, %add3A_876, %add3A_883, %add3A_890, %add3A_897, %add3A_904, %add3A_911, %add3A_918, %add3A_925, %add3A_932, %add3A_939, %add3A_946, %add3A_953, %add3A_960, %add3A_967, %add3A_974, %add3A_981, %add3A_988 : vector<16xf32>, vector<16xf32>, vector<16xf32>, vector<16xf32>, vector<16xf32>, vector<16xf32>, vector<16xf32>, vector<16xf32>, vector<16xf32>, vector<16xf32>, vector<16xf32>, vector<16xf32>, vector<16xf32>, vector<16xf32>, vector<16xf32>, vector<16xf32>, vector<16xf32>, vector<16xf32>, vector<16xf32>, vector<16xf32>, vector<16xf32>, vector<16xf32>, vector<16xf32>, vector<16xf32>, vector<16xf32>, vector<16xf32>, vector<16xf32>, vector<16xf32>, vector<16xf32>, vector<16xf32>, vector<16xf32>, vector<16xf32>
      }
      %scan3A_556 = arith.constant 64 : i32
      %swap3A = arith.index_cast %get3A_546 : i32 to index
      %swap3A_557 = arith.constant 0 : index
      %swap3A_558 = tpu.vector_load %arg8[%swap3A, %swap3A_557] {strides = array<i32>} : memref<16x512xf32, #tpu.memory_space<vmem>>, vector<1x16xf32>,
      %swap3A_559 = vector.shape_cast %swap3A_558 : vector<1x16xf32> to vector<16xf32>
      %swap3A_560 = vector.shape_cast %scan3A_555#0 : vector<16xf32> to vector<1x16xf32>
      tpu.vector_store %arg8[%swap3A, %swap3A_557], %swap3A_560 {add = true, strides = array<i32>} : memref<16x512xf32, #tpu.memory_space<vmem>>, vector<1x16xf32>,
      %swap3A_561 = arith.index_cast %get3A_546 : i32 to index
      %swap3A_562 = arith.constant 16 : index
      %swap3A_563 = tpu.vector_load %arg8[%swap3A_561, %swap3A_562] {strides = array<i32>} : memref<16x512xf32, #tpu.memory_space<vmem>>, vector<1x16xf32>,
      %swap3A_564 = vector.shape_cast %swap3A_563 : vector<1x16xf32> to vector<16xf32>
      %swap3A_565 = vector.shape_cast %scan3A_555#1 : vector<16xf32> to vector<1x16xf32>
      tpu.vector_store %arg8[%swap3A_561, %swap3A_562], %swap3A_565 {add = true, strides = array<i32>} : memref<16x512xf32, #tpu.memory_space<vmem>>, vector<1x16xf32>,
      %swap3A_566 = arith.index_cast %get3A_546 : i32 to index
      %swap3A_567 = arith.constant 32 : index
      %swap3A_568 = tpu.vector_load %arg8[%swap3A_566, %swap3A_567] {strides = array<i32>} : memref<16x512xf32, #tpu.memory_space<vmem>>, vector<1x16xf32>,
      %swap3A_569 = vector.shape_cast %swap3A_568 : vector<1x16xf32> to vector<16xf32>
      %swap3A_570 = vector.shape_cast %scan3A_555#2 : vector<16xf32> to vector<1x16xf32>
      tpu.vector_store %arg8[%swap3A_566, %swap3A_567], %swap3A_570 {add = true, strides = array<i32>} : memref<16x512xf32, #tpu.memory_space<vmem>>, vector<1x16xf32>,
      %swap3A_571 = arith.index_cast %get3A_546 : i32 to index
      %swap3A_572 = arith.constant 48 : index
      %swap3A_573 = tpu.vector_load %arg8[%swap3A_571, %swap3A_572] {strides = array<i32>} : memref<16x512xf32, #tpu.memory_space<vmem>>, vector<1x16xf32>,
      %swap3A_574 = vector.shape_cast %swap3A_573 : vector<1x16xf32> to vector<16xf32>
      %swap3A_575 = vector.shape_cast %scan3A_555#3 : vector<16xf32> to vector<1x16xf32>
      tpu.vector_store %arg8[%swap3A_571, %swap3A_572], %swap3A_575 {add = true, strides = array<i32>} : memref<16x512xf32, #tpu.memory_space<vmem>>, vector<1x16xf32>,
      %swap3A_576 = arith.index_cast %get3A_546 : i32 to index
      %swap3A_577 = arith.constant 64 : index
      %swap3A_578 = tpu.vector_load %arg8[%swap3A_576, %swap3A_577] {strides = array<i32>} : memref<16x512xf32, #tpu.memory_space<vmem>>, vector<1x16xf32>,
      %swap3A_579 = vector.shape_cast %swap3A_578 : vector<1x16xf32> to vector<16xf32>
      %swap3A_580 = vector.shape_cast %scan3A_555#4 : vector<16xf32> to vector<1x16xf32>
      tpu.vector_store %arg8[%swap3A_576, %swap3A_577], %swap3A_580 {add = true, strides = array<i32>} : memref<16x512xf32, #tpu.memory_space<vmem>>, vector<1x16xf32>,
      %swap3A_581 = arith.index_cast %get3A_546 : i32 to index
      %swap3A_582 = arith.constant 80 : index
      %swap3A_583 = tpu.vector_load %arg8[%swap3A_581, %swap3A_582] {strides = array<i32>} : memref<16x512xf32, #tpu.memory_space<vmem>>, vector<1x16xf32>,
      %swap3A_584 = vector.shape_cast %swap3A_583 : vector<1x16xf32> to vector<16xf32>
      %swap3A_585 = vector.shape_cast %scan3A_555#5 : vector<16xf32> to vector<1x16xf32>
      tpu.vector_store %arg8[%swap3A_581, %swap3A_582], %swap3A_585 {add = true, strides = array<i32>} : memref<16x512xf32, #tpu.memory_space<vmem>>, vector<1x16xf32>,
      %swap3A_586 = arith.index_cast %get3A_546 : i32 to index
      %swap3A_587 = arith.constant 96 : index
      %swap3A_588 = tpu.vector_load %arg8[%swap3A_586, %swap3A_587] {strides = array<i32>} : memref<16x512xf32, #tpu.memory_space<vmem>>, vector<1x16xf32>,
      %swap3A_589 = vector.shape_cast %swap3A_588 : vector<1x16xf32> to vector<16xf32>
      %swap3A_590 = vector.shape_cast %scan3A_555#6 : vector<16xf32> to vector<1x16xf32>
      tpu.vector_store %arg8[%swap3A_586, %swap3A_587], %swap3A_590 {add = true, strides = array<i32>} : memref<16x512xf32, #tpu.memory_space<vmem>>, vector<1x16xf32>,
      %swap3A_591 = arith.index_cast %get3A_546 : i32 to index
      %swap3A_592 = arith.constant 112 : index
      %swap3A_593 = tpu.vector_load %arg8[%swap3A_591, %swap3A_592] {strides = array<i32>} : memref<16x512xf32, #tpu.memory_space<vmem>>, vector<1x16xf32>,
      %swap3A_594 = vector.shape_cast %swap3A_593 : vector<1x16xf32> to vector<16xf32>
      %swap3A_595 = vector.shape_cast %scan3A_555#7 : vector<16xf32> to vector<1x16xf32>
      tpu.vector_store %arg8[%swap3A_591, %swap3A_592], %swap3A_595 {add = true, strides = array<i32>} : memref<16x512xf32, #tpu.memory_space<vmem>>, vector<1x16xf32>,
      %swap3A_596 = arith.index_cast %get3A_546 : i32 to index
      %swap3A_597 = arith.constant 128 : index
      %swap3A_598 = tpu.vector_load %arg8[%swap3A_596, %swap3A_597] {strides = array<i32>} : memref<16x512xf32, #tpu.memory_space<vmem>>, vector<1x16xf32>,
      %swap3A_599 = vector.shape_cast %swap3A_598 : vector<1x16xf32> to vector<16xf32>
      %swap3A_600 = vector.shape_cast %scan3A_555#8 : vector<16xf32> to vector<1x16xf32>
      tpu.vector_store %arg8[%swap3A_596, %swap3A_597], %swap3A_600 {add = true, strides = array<i32>} : memref<16x512xf32, #tpu.memory_space<vmem>>, vector<1x16xf32>,
      %swap3A_601 = arith.index_cast %get3A_546 : i32 to index
      %swap3A_602 = arith.constant 144 : index
      %swap3A_603 = tpu.vector_load %arg8[%swap3A_601, %swap3A_602] {strides = array<i32>} : memref<16x512xf32, #tpu.memory_space<vmem>>, vector<1x16xf32>,
      %swap3A_604 = vector.shape_cast %swap3A_603 : vector<1x16xf32> to vector<16xf32>
      %swap3A_605 = vector.shape_cast %scan3A_555#9 : vector<16xf32> to vector<1x16xf32>
      tpu.vector_store %arg8[%swap3A_601, %swap3A_602], %swap3A_605 {add = true, strides = array<i32>} : memref<16x512xf32, #tpu.memory_space<vmem>>, vector<1x16xf32>,
      %swap3A_606 = arith.index_cast %get3A_546 : i32 to index
      %swap3A_607 = arith.constant 160 : index
      %swap3A_608 = tpu.vector_load %arg8[%swap3A_606, %swap3A_607] {strides = array<i32>} : memref<16x512xf32, #tpu.memory_space<vmem>>, vector<1x16xf32>,
      %swap3A_609 = vector.shape_cast %swap3A_608 : vector<1x16xf32> to vector<16xf32>
      %swap3A_610 = vector.shape_cast %scan3A_555#10 : vector<16xf32> to vector<1x16xf32>
      tpu.vector_store %arg8[%swap3A_606, %swap3A_607], %swap3A_610 {add = true, strides = array<i32>} : memref<16x512xf32, #tpu.memory_space<vmem>>, vector<1x16xf32>,
      %swap3A_611 = arith.index_cast %get3A_546 : i32 to index
      %swap3A_612 = arith.constant 176 : index
      %swap3A_613 = tpu.vector_load %arg8[%swap3A_611, %swap3A_612] {strides = array<i32>} : memref<16x512xf32, #tpu.memory_space<vmem>>, vector<1x16xf32>,
      %swap3A_614 = vector.shape_cast %swap3A_613 : vector<1x16xf32> to vector<16xf32>
      %swap3A_615 = vector.shape_cast %scan3A_555#11 : vector<16xf32> to vector<1x16xf32>
      tpu.vector_store %arg8[%swap3A_611, %swap3A_612], %swap3A_615 {add = true, strides = array<i32>} : memref<16x512xf32, #tpu.memory_space<vmem>>, vector<1x16xf32>,
      %swap3A_616 = arith.index_cast %get3A_546 : i32 to index
      %swap3A_617 = arith.constant 192 : index
      %swap3A_618 = tpu.vector_load %arg8[%swap3A_616, %swap3A_617] {strides = array<i32>} : memref<16x512xf32, #tpu.memory_space<vmem>>, vector<1x16xf32>,
      %swap3A_619 = vector.shape_cast %swap3A_618 : vector<1x16xf32> to vector<16xf32>
      %swap3A_620 = vector.shape_cast %scan3A_555#12 : vector<16xf32> to vector<1x16xf32>
      tpu.vector_store %arg8[%swap3A_616, %swap3A_617], %swap3A_620 {add = true, strides = array<i32>} : memref<16x512xf32, #tpu.memory_space<vmem>>, vector<1x16xf32>,
      %swap3A_621 = arith.index_cast %get3A_546 : i32 to index
      %swap3A_622 = arith.constant 208 : index
      %swap3A_623 = tpu.vector_load %arg8[%swap3A_621, %swap3A_622] {strides = array<i32>} : memref<16x512xf32, #tpu.memory_space<vmem>>, vector<1x16xf32>,
      %swap3A_624 = vector.shape_cast %swap3A_623 : vector<1x16xf32> to vector<16xf32>
      %swap3A_625 = vector.shape_cast %scan3A_555#13 : vector<16xf32> to vector<1x16xf32>
      tpu.vector_store %arg8[%swap3A_621, %swap3A_622], %swap3A_625 {add = true, strides = array<i32>} : memref<16x512xf32, #tpu.memory_space<vmem>>, vector<1x16xf32>,
      %swap3A_626 = arith.index_cast %get3A_546 : i32 to index
      %swap3A_627 = arith.constant 224 : index
      %swap3A_628 = tpu.vector_load %arg8[%swap3A_626, %swap3A_627] {strides = array<i32>} : memref<16x512xf32, #tpu.memory_space<vmem>>, vector<1x16xf32>,
      %swap3A_629 = vector.shape_cast %swap3A_628 : vector<1x16xf32> to vector<16xf32>
      %swap3A_630 = vector.shape_cast %scan3A_555#14 : vector<16xf32> to vector<1x16xf32>
      tpu.vector_store %arg8[%swap3A_626, %swap3A_627], %swap3A_630 {add = true, strides = array<i32>} : memref<16x512xf32, #tpu.memory_space<vmem>>, vector<1x16xf32>,
      %swap3A_631 = arith.index_cast %get3A_546 : i32 to index
      %swap3A_632 = arith.constant 240 : index
      %swap3A_633 = tpu.vector_load %arg8[%swap3A_631, %swap3A_632] {strides = array<i32>} : memref<16x512xf32, #tpu.memory_space<vmem>>, vector<1x16xf32>,
      %swap3A_634 = vector.shape_cast %swap3A_633 : vector<1x16xf32> to vector<16xf32>
      %swap3A_635 = vector.shape_cast %scan3A_555#15 : vector<16xf32> to vector<1x16xf32>
      tpu.vector_store %arg8[%swap3A_631, %swap3A_632], %swap3A_635 {add = true, strides = array<i32>} : memref<16x512xf32, #tpu.memory_space<vmem>>, vector<1x16xf32>,
      %swap3A_636 = arith.index_cast %get3A_546 : i32 to index
      %swap3A_637 = arith.constant 256 : index
      %swap3A_638 = tpu.vector_load %arg8[%swap3A_636, %swap3A_637] {strides = array<i32>} : memref<16x512xf32, #tpu.memory_space<vmem>>, vector<1x16xf32>,
      %swap3A_639 = vector.shape_cast %swap3A_638 : vector<1x16xf32> to vector<16xf32>
      %swap3A_640 = vector.shape_cast %scan3A_555#16 : vector<16xf32> to vector<1x16xf32>
      tpu.vector_store %arg8[%swap3A_636, %swap3A_637], %swap3A_640 {add = true, strides = array<i32>} : memref<16x512xf32, #tpu.memory_space<vmem>>, vector<1x16xf32>,
      %swap3A_641 = arith.index_cast %get3A_546 : i32 to index
      %swap3A_642 = arith.constant 272 : index
      %swap3A_643 = tpu.vector_load %arg8[%swap3A_641, %swap3A_642] {strides = array<i32>} : memref<16x512xf32, #tpu.memory_space<vmem>>, vector<1x16xf32>,
      %swap3A_644 = vector.shape_cast %swap3A_643 : vector<1x16xf32> to vector<16xf32>
      %swap3A_645 = vector.shape_cast %scan3A_555#17 : vector<16xf32> to vector<1x16xf32>
      tpu.vector_store %arg8[%swap3A_641, %swap3A_642], %swap3A_645 {add = true, strides = array<i32>} : memref<16x512xf32, #tpu.memory_space<vmem>>, vector<1x16xf32>,
      %swap3A_646 = arith.index_cast %get3A_546 : i32 to index
      %swap3A_647 = arith.constant 288 : index
      %swap3A_648 = tpu.vector_load %arg8[%swap3A_646, %swap3A_647] {strides = array<i32>} : memref<16x512xf32, #tpu.memory_space<vmem>>, vector<1x16xf32>,
      %swap3A_649 = vector.shape_cast %swap3A_648 : vector<1x16xf32> to vector<16xf32>
      %swap3A_650 = vector.shape_cast %scan3A_555#18 : vector<16xf32> to vector<1x16xf32>
      tpu.vector_store %arg8[%swap3A_646, %swap3A_647], %swap3A_650 {add = true, strides = array<i32>} : memref<16x512xf32, #tpu.memory_space<vmem>>, vector<1x16xf32>,
      %swap3A_651 = arith.index_cast %get3A_546 : i32 to index
      %swap3A_652 = arith.constant 304 : index
      %swap3A_653 = tpu.vector_load %arg8[%swap3A_651, %swap3A_652] {strides = array<i32>} : memref<16x512xf32, #tpu.memory_space<vmem>>, vector<1x16xf32>,
      %swap3A_654 = vector.shape_cast %swap3A_653 : vector<1x16xf32> to vector<16xf32>
      %swap3A_655 = vector.shape_cast %scan3A_555#19 : vector<16xf32> to vector<1x16xf32>
      tpu.vector_store %arg8[%swap3A_651, %swap3A_652], %swap3A_655 {add = true, strides = array<i32>} : memref<16x512xf32, #tpu.memory_space<vmem>>, vector<1x16xf32>,
      %swap3A_656 = arith.index_cast %get3A_546 : i32 to index
      %swap3A_657 = arith.constant 320 : index
      %swap3A_658 = tpu.vector_load %arg8[%swap3A_656, %swap3A_657] {strides = array<i32>} : memref<16x512xf32, #tpu.memory_space<vmem>>, vector<1x16xf32>,
      %swap3A_659 = vector.shape_cast %swap3A_658 : vector<1x16xf32> to vector<16xf32>
      %swap3A_660 = vector.shape_cast %scan3A_555#20 : vector<16xf32> to vector<1x16xf32>
      tpu.vector_store %arg8[%swap3A_656, %swap3A_657], %swap3A_660 {add = true, strides = array<i32>} : memref<16x512xf32, #tpu.memory_space<vmem>>, vector<1x16xf32>,
      %swap3A_661 = arith.index_cast %get3A_546 : i32 to index
      %swap3A_662 = arith.constant 336 : index
      %swap3A_663 = tpu.vector_load %arg8[%swap3A_661, %swap3A_662] {strides = array<i32>} : memref<16x512xf32, #tpu.memory_space<vmem>>, vector<1x16xf32>,
      %swap3A_664 = vector.shape_cast %swap3A_663 : vector<1x16xf32> to vector<16xf32>
      %swap3A_665 = vector.shape_cast %scan3A_555#21 : vector<16xf32> to vector<1x16xf32>
      tpu.vector_store %arg8[%swap3A_661, %swap3A_662], %swap3A_665 {add = true, strides = array<i32>} : memref<16x512xf32, #tpu.memory_space<vmem>>, vector<1x16xf32>,
      %swap3A_666 = arith.index_cast %get3A_546 : i32 to index
      %swap3A_667 = arith.constant 352 : index
      %swap3A_668 = tpu.vector_load %arg8[%swap3A_666, %swap3A_667] {strides = array<i32>} : memref<16x512xf32, #tpu.memory_space<vmem>>, vector<1x16xf32>,
      %swap3A_669 = vector.shape_cast %swap3A_668 : vector<1x16xf32> to vector<16xf32>
      %swap3A_670 = vector.shape_cast %scan3A_555#22 : vector<16xf32> to vector<1x16xf32>
      tpu.vector_store %arg8[%swap3A_666, %swap3A_667], %swap3A_670 {add = true, strides = array<i32>} : memref<16x512xf32, #tpu.memory_space<vmem>>, vector<1x16xf32>,
      %swap3A_671 = arith.index_cast %get3A_546 : i32 to index
      %swap3A_672 = arith.constant 368 : index
      %swap3A_673 = tpu.vector_load %arg8[%swap3A_671, %swap3A_672] {strides = array<i32>} : memref<16x512xf32, #tpu.memory_space<vmem>>, vector<1x16xf32>,
      %swap3A_674 = vector.shape_cast %swap3A_673 : vector<1x16xf32> to vector<16xf32>
      %swap3A_675 = vector.shape_cast %scan3A_555#23 : vector<16xf32> to vector<1x16xf32>
      tpu.vector_store %arg8[%swap3A_671, %swap3A_672], %swap3A_675 {add = true, strides = array<i32>} : memref<16x512xf32, #tpu.memory_space<vmem>>, vector<1x16xf32>,
      %swap3A_676 = arith.index_cast %get3A_546 : i32 to index
      %swap3A_677 = arith.constant 384 : index
      %swap3A_678 = tpu.vector_load %arg8[%swap3A_676, %swap3A_677] {strides = array<i32>} : memref<16x512xf32, #tpu.memory_space<vmem>>, vector<1x16xf32>,
      %swap3A_679 = vector.shape_cast %swap3A_678 : vector<1x16xf32> to vector<16xf32>
      %swap3A_680 = vector.shape_cast %scan3A_555#24 : vector<16xf32> to vector<1x16xf32>
      tpu.vector_store %arg8[%swap3A_676, %swap3A_677], %swap3A_680 {add = true, strides = array<i32>} : memref<16x512xf32, #tpu.memory_space<vmem>>, vector<1x16xf32>,
      %swap3A_681 = arith.index_cast %get3A_546 : i32 to index
      %swap3A_682 = arith.constant 400 : index
      %swap3A_683 = tpu.vector_load %arg8[%swap3A_681, %swap3A_682] {strides = array<i32>} : memref<16x512xf32, #tpu.memory_space<vmem>>, vector<1x16xf32>,
      %swap3A_684 = vector.shape_cast %swap3A_683 : vector<1x16xf32> to vector<16xf32>
      %swap3A_685 = vector.shape_cast %scan3A_555#25 : vector<16xf32> to vector<1x16xf32>
      tpu.vector_store %arg8[%swap3A_681, %swap3A_682], %swap3A_685 {add = true, strides = array<i32>} : memref<16x512xf32, #tpu.memory_space<vmem>>, vector<1x16xf32>,
      %swap3A_686 = arith.index_cast %get3A_546 : i32 to index
      %swap3A_687 = arith.constant 416 : index
      %swap3A_688 = tpu.vector_load %arg8[%swap3A_686, %swap3A_687] {strides = array<i32>} : memref<16x512xf32, #tpu.memory_space<vmem>>, vector<1x16xf32>,
      %swap3A_689 = vector.shape_cast %swap3A_688 : vector<1x16xf32> to vector<16xf32>
      %swap3A_690 = vector.shape_cast %scan3A_555#26 : vector<16xf32> to vector<1x16xf32>
      tpu.vector_store %arg8[%swap3A_686, %swap3A_687], %swap3A_690 {add = true, strides = array<i32>} : memref<16x512xf32, #tpu.memory_space<vmem>>, vector<1x16xf32>,
      %swap3A_691 = arith.index_cast %get3A_546 : i32 to index
      %swap3A_692 = arith.constant 432 : index
      %swap3A_693 = tpu.vector_load %arg8[%swap3A_691, %swap3A_692] {strides = array<i32>} : memref<16x512xf32, #tpu.memory_space<vmem>>, vector<1x16xf32>,
      %swap3A_694 = vector.shape_cast %swap3A_693 : vector<1x16xf32> to vector<16xf32>
      %swap3A_695 = vector.shape_cast %scan3A_555#27 : vector<16xf32> to vector<1x16xf32>
      tpu.vector_store %arg8[%swap3A_691, %swap3A_692], %swap3A_695 {add = true, strides = array<i32>} : memref<16x512xf32, #tpu.memory_space<vmem>>, vector<1x16xf32>,
      %swap3A_696 = arith.index_cast %get3A_546 : i32 to index
      %swap3A_697 = arith.constant 448 : index
      %swap3A_698 = tpu.vector_load %arg8[%swap3A_696, %swap3A_697] {strides = array<i32>} : memref<16x512xf32, #tpu.memory_space<vmem>>, vector<1x16xf32>,
      %swap3A_699 = vector.shape_cast %swap3A_698 : vector<1x16xf32> to vector<16xf32>
      %swap3A_700 = vector.shape_cast %scan3A_555#28 : vector<16xf32> to vector<1x16xf32>
      tpu.vector_store %arg8[%swap3A_696, %swap3A_697], %swap3A_700 {add = true, strides = array<i32>} : memref<16x512xf32, #tpu.memory_space<vmem>>, vector<1x16xf32>,
      %swap3A_701 = arith.index_cast %get3A_546 : i32 to index
      %swap3A_702 = arith.constant 464 : index
      %swap3A_703 = tpu.vector_load %arg8[%swap3A_701, %swap3A_702] {strides = array<i32>} : memref<16x512xf32, #tpu.memory_space<vmem>>, vector<1x16xf32>,
      %swap3A_704 = vector.shape_cast %swap3A_703 : vector<1x16xf32> to vector<16xf32>
      %swap3A_705 = vector.shape_cast %scan3A_555#29 : vector<16xf32> to vector<1x16xf32>
      tpu.vector_store %arg8[%swap3A_701, %swap3A_702], %swap3A_705 {add = true, strides = array<i32>} : memref<16x512xf32, #tpu.memory_space<vmem>>, vector<1x16xf32>,
      %swap3A_706 = arith.index_cast %get3A_546 : i32 to index
      %swap3A_707 = arith.constant 480 : index
      %swap3A_708 = tpu.vector_load %arg8[%swap3A_706, %swap3A_707] {strides = array<i32>} : memref<16x512xf32, #tpu.memory_space<vmem>>, vector<1x16xf32>,
      %swap3A_709 = vector.shape_cast %swap3A_708 : vector<1x16xf32> to vector<16xf32>
      %swap3A_710 = vector.shape_cast %scan3A_555#30 : vector<16xf32> to vector<1x16xf32>
      tpu.vector_store %arg8[%swap3A_706, %swap3A_707], %swap3A_710 {add = true, strides = array<i32>} : memref<16x512xf32, #tpu.memory_space<vmem>>, vector<1x16xf32>,
      %swap3A_711 = arith.index_cast %get3A_546 : i32 to index
      %swap3A_712 = arith.constant 496 : index
      %swap3A_713 = tpu.vector_load %arg8[%swap3A_711, %swap3A_712] {strides = array<i32>} : memref<16x512xf32, #tpu.memory_space<vmem>>, vector<1x16xf32>,
      %swap3A_714 = vector.shape_cast %swap3A_713 : vector<1x16xf32> to vector<16xf32>
      %swap3A_715 = vector.shape_cast %scan3A_555#31 : vector<16xf32> to vector<1x16xf32>
      tpu.vector_store %arg8[%swap3A_711, %swap3A_712], %swap3A_715 {add = true, strides = array<i32>} : memref<16x512xf32, #tpu.memory_space<vmem>>, vector<1x16xf32>,
      %add3A_716 = arith.constant 1 : i32
      %add3A_717 = arith.addi %add3A_532, %add3A_716 : i32
      %lt3A_718 = arith.cmpi slt, %add3A_717, %while3A_500 : i32
      %convert_element_type3A_719 = arith.extui %lt3A_718 : i1 to i32
      %cond3A_720 = arith.constant 0 : i32
      %cond3A_721 = arith.cmpi ne, %convert_element_type3A_719, %cond3A_720 : i32
      scf.if %cond3A_721 {
        %add3A_727 = arith.constant 1 : i32
        %add3A_728 = arith.addi %add3A_532, %add3A_727 : i32
        %get3A_729 = arith.index_cast %add3A_728 : i32 to index
        %get3A_730 = memref.load %arg9[%get3A_729] : memref<22xi32, #tpu.memory_space<smem>>
        %mul3A_731 = arith.constant 8 : i32
        %mul3A_732 = arith.muli %get3A_730, %mul3A_731 : i32
        %dma_start3A = arith.constant 0 : i32
        %dma_start3A_733 = tpu.memref_slice %arg3[%mul3A_732, %dma_start3A] : memref<32768x512xf32, #tpu.memory_space<hbm>> -> memref<64x512xf32, #tpu.memory_space<hbm>>
        %dma_start3A_734 = arith.constant 0 : i32
        %dma_start3A_735 = tpu.memref_slice %arg3[%mul3A_732, %dma_start3A_734] : memref<32768x512xf32, #tpu.memory_space<hbm>> -> memref<64x512xf32, #tpu.memory_space<hbm>>
        tpu.enqueue_dma source(%dma_start3A_735 : memref<64x512xf32, #tpu.memory_space<hbm>>) target(%arg6 : memref<64x512xf32, #tpu.memory_space<vmem>>) target_semaphore(%arg13 : memref<!tpu.dma_semaphore, #tpu.memory_space<semaphore_mem>>)
      } else {
      }
      %lt3A_722 = arith.cmpi slt, %add3A_532, %while3A_500 : i32
      %convert_element_type3A_723 = arith.extui %lt3A_722 : i1 to i32
      %cond3A_724 = arith.constant 0 : i32
      %cond3A_725 = arith.cmpi ne, %convert_element_type3A_723, %cond3A_724 : i32
      scf.if %cond3A_725 {
        %dma_wait3A_727 = arith.constant 0 : i32
        %dma_wait3A_728 = arith.constant 0 : i32
        %dma_wait3A_729 = tpu.memref_slice %arg3[%dma_wait3A_727, %dma_wait3A_728] : memref<32768x512xf32, #tpu.memory_space<hbm>> -> memref<64x512xf32, #tpu.memory_space<hbm>>
        %dma_wait3A_730 = arith.constant 0 : i32
        %dma_wait3A_731 = arith.constant 0 : i32
        %dma_wait3A_732 = tpu.memref_slice %arg3[%dma_wait3A_730, %dma_wait3A_731] : memref<32768x512xf32, #tpu.memory_space<hbm>> -> memref<64x512xf32, #tpu.memory_space<hbm>>
        tpu.wait_dma2 semaphore(%arg14 : memref<!tpu.dma_semaphore, #tpu.memory_space<semaphore_mem>>) src(%dma_wait3A_732 : memref<64x512xf32, #tpu.memory_space<hbm>>) dst(%arg7 : memref<64x512xf32, #tpu.memory_space<vmem>>)
        %get3A_733 = arith.index_cast %add3A_532 : i32 to index
        %get3A_734 = memref.load %arg10[%get3A_733] : memref<22xi32, #tpu.memory_space<smem>>
        %get3A_735 = arith.index_cast %add3A_532 : i32 to index
        %get3A_736 = memref.load %arg11[%get3A_735] : memref<22xi32, #tpu.memory_space<smem>>
        %get3A_737 = arith.index_cast %add3A_532 : i32 to index
        %get3A_738 = memref.load %arg12[%get3A_737] : memref<22xi32, #tpu.memory_space<smem>>
        %get3A_739 = arith.index_cast %add3A_532 : i32 to index
        %get3A_740 = memref.load %arg9[%get3A_739] : memref<22xi32, #tpu.memory_space<smem>>
        %mul3A_741 = arith.constant 8 : i32
        %mul3A_742 = arith.muli %get3A_740, %mul3A_741 : i32
        %scan3A_743 = arith.constant 0 : i32
        %scan3A_744 = arith.constant 64 : i32
        %scan3A_745 = arith.addi %scan3A_743, %scan3A_744 : i32
        %scan3A_746 = arith.constant 1 : i32
        %scan3A_747:32 = scf.for %scan3A_909 = %scan3A_743 to %scan3A_745 step %scan3A_746 iter_args(%scan3A_910 = %broadcast_in_dim3A_501, %scan3A_911 = %broadcast_in_dim3A_501, %scan3A_912 = %broadcast_in_dim3A_501, %scan3A_913 = %broadcast_in_dim3A_501, %scan3A_914 = %broadcast_in_dim3A_501, %scan3A_915 = %broadcast_in_dim3A_501, %scan3A_916 = %broadcast_in_dim3A_501, %scan3A_917 = %broadcast_in_dim3A_501, %scan3A_918 = %broadcast_in_dim3A_501, %scan3A_919 = %broadcast_in_dim3A_501, %scan3A_920 = %broadcast_in_dim3A_501, %scan3A_921 = %broadcast_in_dim3A_501, %scan3A_922 = %broadcast_in_dim3A_501, %scan3A_923 = %broadcast_in_dim3A_501, %scan3A_924 = %broadcast_in_dim3A_501, %scan3A_925 = %broadcast_in_dim3A_501, %scan3A_926 = %broadcast_in_dim3A_501, %scan3A_927 = %broadcast_in_dim3A_501, %scan3A_928 = %broadcast_in_dim3A_501, %scan3A_929 = %broadcast_in_dim3A_501, %scan3A_930 = %broadcast_in_dim3A_501, %scan3A_931 = %broadcast_in_dim3A_501, %scan3A_932 = %broadcast_in_dim3A_501, %scan3A_933 = %broadcast_in_dim3A_501, %scan3A_934 = %broadcast_in_dim3A_501, %scan3A_935 = %broadcast_in_dim3A_501, %scan3A_936 = %broadcast_in_dim3A_501, %scan3A_937 = %broadcast_in_dim3A_501, %scan3A_938 = %broadcast_in_dim3A_501, %scan3A_939 = %broadcast_in_dim3A_501, %scan3A_940 = %broadcast_in_dim3A_501, %scan3A_941 = %broadcast_in_dim3A_501) -> (vector<16xf32>, vector<16xf32>, vector<16xf32>, vector<16xf32>, vector<16xf32>, vector<16xf32>, vector<16xf32>, vector<16xf32>, vector<16xf32>, vector<16xf32>, vector<16xf32>, vector<16xf32>, vector<16xf32>, vector<16xf32>, vector<16xf32>, vector<16xf32>, vector<16xf32>, vector<16xf32>, vector<16xf32>, vector<16xf32>, vector<16xf32>, vector<16xf32>, vector<16xf32>, vector<16xf32>, vector<16xf32>, vector<16xf32>, vector<16xf32>, vector<16xf32>, vector<16xf32>, vector<16xf32>, vector<16xf32>, vector<16xf32>)  : i32 {
          %add3A_942 = arith.addi %mul3A_742, %scan3A_909 : i32
          %ge3A = arith.cmpi sge, %add3A_942, %get3A_734 : i32
          %lt3A_943 = arith.cmpi slt, %add3A_942, %get3A_736 : i32
          %and3A = arith.andi %ge3A, %lt3A_943 : i1
          %jit3A_944 = arith.constant 1.000000e+00 : f32
          %jit3A_945 = arith.constant 0.000000e+00 : f32
          %select_n3A_946 = arith.select %and3A, %jit3A_944, %jit3A_945 : f32
          %get3A_947 = arith.index_cast %scan3A_909 : i32 to index
          %get3A_948 = arith.constant 0 : index
          %get3A_949 = tpu.vector_load %arg7[%get3A_947, %get3A_948] {strides = array<i32>} : memref<64x512xf32, #tpu.memory_space<vmem>>, vector<1x16xf32>,
          %get3A_950 = vector.shape_cast %get3A_949 : vector<1x16xf32> to vector<16xf32>
          %mul3A_951 = vector.broadcast %select_n3A_946 : f32 to vector<16xf32>
          %mul3A_952 = arith.mulf %mul3A_951, %get3A_950 : vector<16xf32>
          %add3A_953 = arith.addf %scan3A_910, %mul3A_952 : vector<16xf32>
          %get3A_954 = arith.index_cast %scan3A_909 : i32 to index
          %get3A_955 = arith.constant 16 : index
          %get3A_956 = tpu.vector_load %arg7[%get3A_954, %get3A_955] {strides = array<i32>} : memref<64x512xf32, #tpu.memory_space<vmem>>, vector<1x16xf32>,
          %get3A_957 = vector.shape_cast %get3A_956 : vector<1x16xf32> to vector<16xf32>
          %mul3A_958 = vector.broadcast %select_n3A_946 : f32 to vector<16xf32>
          %mul3A_959 = arith.mulf %mul3A_958, %get3A_957 : vector<16xf32>
          %add3A_960 = arith.addf %scan3A_911, %mul3A_959 : vector<16xf32>
          %get3A_961 = arith.index_cast %scan3A_909 : i32 to index
          %get3A_962 = arith.constant 32 : index
          %get3A_963 = tpu.vector_load %arg7[%get3A_961, %get3A_962] {strides = array<i32>} : memref<64x512xf32, #tpu.memory_space<vmem>>, vector<1x16xf32>,
          %get3A_964 = vector.shape_cast %get3A_963 : vector<1x16xf32> to vector<16xf32>
          %mul3A_965 = vector.broadcast %select_n3A_946 : f32 to vector<16xf32>
          %mul3A_966 = arith.mulf %mul3A_965, %get3A_964 : vector<16xf32>
          %add3A_967 = arith.addf %scan3A_912, %mul3A_966 : vector<16xf32>
          %get3A_968 = arith.index_cast %scan3A_909 : i32 to index
          %get3A_969 = arith.constant 48 : index
          %get3A_970 = tpu.vector_load %arg7[%get3A_968, %get3A_969] {strides = array<i32>} : memref<64x512xf32, #tpu.memory_space<vmem>>, vector<1x16xf32>,
          %get3A_971 = vector.shape_cast %get3A_970 : vector<1x16xf32> to vector<16xf32>
          %mul3A_972 = vector.broadcast %select_n3A_946 : f32 to vector<16xf32>
          %mul3A_973 = arith.mulf %mul3A_972, %get3A_971 : vector<16xf32>
          %add3A_974 = arith.addf %scan3A_913, %mul3A_973 : vector<16xf32>
          %get3A_975 = arith.index_cast %scan3A_909 : i32 to index
          %get3A_976 = arith.constant 64 : index
          %get3A_977 = tpu.vector_load %arg7[%get3A_975, %get3A_976] {strides = array<i32>} : memref<64x512xf32, #tpu.memory_space<vmem>>, vector<1x16xf32>,
          %get3A_978 = vector.shape_cast %get3A_977 : vector<1x16xf32> to vector<16xf32>
          %mul3A_979 = vector.broadcast %select_n3A_946 : f32 to vector<16xf32>
          %mul3A_980 = arith.mulf %mul3A_979, %get3A_978 : vector<16xf32>
          %add3A_981 = arith.addf %scan3A_914, %mul3A_980 : vector<16xf32>
          %get3A_982 = arith.index_cast %scan3A_909 : i32 to index
          %get3A_983 = arith.constant 80 : index
          %get3A_984 = tpu.vector_load %arg7[%get3A_982, %get3A_983] {strides = array<i32>} : memref<64x512xf32, #tpu.memory_space<vmem>>, vector<1x16xf32>,
          %get3A_985 = vector.shape_cast %get3A_984 : vector<1x16xf32> to vector<16xf32>
          %mul3A_986 = vector.broadcast %select_n3A_946 : f32 to vector<16xf32>
          %mul3A_987 = arith.mulf %mul3A_986, %get3A_985 : vector<16xf32>
          %add3A_988 = arith.addf %scan3A_915, %mul3A_987 : vector<16xf32>
          %get3A_989 = arith.index_cast %scan3A_909 : i32 to index
          %get3A_990 = arith.constant 96 : index
          %get3A_991 = tpu.vector_load %arg7[%get3A_989, %get3A_990] {strides = array<i32>} : memref<64x512xf32, #tpu.memory_space<vmem>>, vector<1x16xf32>,
          %get3A_992 = vector.shape_cast %get3A_991 : vector<1x16xf32> to vector<16xf32>
          %mul3A_993 = vector.broadcast %select_n3A_946 : f32 to vector<16xf32>
          %mul3A_994 = arith.mulf %mul3A_993, %get3A_992 : vector<16xf32>
          %add3A_995 = arith.addf %scan3A_916, %mul3A_994 : vector<16xf32>
          %get3A_996 = arith.index_cast %scan3A_909 : i32 to index
          %get3A_997 = arith.constant 112 : index
          %get3A_998 = tpu.vector_load %arg7[%get3A_996, %get3A_997] {strides = array<i32>} : memref<64x512xf32, #tpu.memory_space<vmem>>, vector<1x16xf32>,
          %get3A_999 = vector.shape_cast %get3A_998 : vector<1x16xf32> to vector<16xf32>
          %mul3A_1000 = vector.broadcast %select_n3A_946 : f32 to vector<16xf32>
          %mul3A_1001 = arith.mulf %mul3A_1000, %get3A_999 : vector<16xf32>
          %add3A_1002 = arith.addf %scan3A_917, %mul3A_1001 : vector<16xf32>
          %get3A_1003 = arith.index_cast %scan3A_909 : i32 to index
          %get3A_1004 = arith.constant 128 : index
          %get3A_1005 = tpu.vector_load %arg7[%get3A_1003, %get3A_1004] {strides = array<i32>} : memref<64x512xf32, #tpu.memory_space<vmem>>, vector<1x16xf32>,
          %get3A_1006 = vector.shape_cast %get3A_1005 : vector<1x16xf32> to vector<16xf32>
          %mul3A_1007 = vector.broadcast %select_n3A_946 : f32 to vector<16xf32>
          %mul3A_1008 = arith.mulf %mul3A_1007, %get3A_1006 : vector<16xf32>
          %add3A_1009 = arith.addf %scan3A_918, %mul3A_1008 : vector<16xf32>
          %get3A_1010 = arith.index_cast %scan3A_909 : i32 to index
          %get3A_1011 = arith.constant 144 : index
          %get3A_1012 = tpu.vector_load %arg7[%get3A_1010, %get3A_1011] {strides = array<i32>} : memref<64x512xf32, #tpu.memory_space<vmem>>, vector<1x16xf32>,
          %get3A_1013 = vector.shape_cast %get3A_1012 : vector<1x16xf32> to vector<16xf32>
          %mul3A_1014 = vector.broadcast %select_n3A_946 : f32 to vector<16xf32>
          %mul3A_1015 = arith.mulf %mul3A_1014, %get3A_1013 : vector<16xf32>
          %add3A_1016 = arith.addf %scan3A_919, %mul3A_1015 : vector<16xf32>
          %get3A_1017 = arith.index_cast %scan3A_909 : i32 to index
          %get3A_1018 = arith.constant 160 : index
          %get3A_1019 = tpu.vector_load %arg7[%get3A_1017, %get3A_1018] {strides = array<i32>} : memref<64x512xf32, #tpu.memory_space<vmem>>, vector<1x16xf32>,
          %get3A_1020 = vector.shape_cast %get3A_1019 : vector<1x16xf32> to vector<16xf32>
          %mul3A_1021 = vector.broadcast %select_n3A_946 : f32 to vector<16xf32>
          %mul3A_1022 = arith.mulf %mul3A_1021, %get3A_1020 : vector<16xf32>
          %add3A_1023 = arith.addf %scan3A_920, %mul3A_1022 : vector<16xf32>
          %get3A_1024 = arith.index_cast %scan3A_909 : i32 to index
          %get3A_1025 = arith.constant 176 : index
          %get3A_1026 = tpu.vector_load %arg7[%get3A_1024, %get3A_1025] {strides = array<i32>} : memref<64x512xf32, #tpu.memory_space<vmem>>, vector<1x16xf32>,
          %get3A_1027 = vector.shape_cast %get3A_1026 : vector<1x16xf32> to vector<16xf32>
          %mul3A_1028 = vector.broadcast %select_n3A_946 : f32 to vector<16xf32>
          %mul3A_1029 = arith.mulf %mul3A_1028, %get3A_1027 : vector<16xf32>
          %add3A_1030 = arith.addf %scan3A_921, %mul3A_1029 : vector<16xf32>
          %get3A_1031 = arith.index_cast %scan3A_909 : i32 to index
          %get3A_1032 = arith.constant 192 : index
          %get3A_1033 = tpu.vector_load %arg7[%get3A_1031, %get3A_1032] {strides = array<i32>} : memref<64x512xf32, #tpu.memory_space<vmem>>, vector<1x16xf32>,
          %get3A_1034 = vector.shape_cast %get3A_1033 : vector<1x16xf32> to vector<16xf32>
          %mul3A_1035 = vector.broadcast %select_n3A_946 : f32 to vector<16xf32>
          %mul3A_1036 = arith.mulf %mul3A_1035, %get3A_1034 : vector<16xf32>
          %add3A_1037 = arith.addf %scan3A_922, %mul3A_1036 : vector<16xf32>
          %get3A_1038 = arith.index_cast %scan3A_909 : i32 to index
          %get3A_1039 = arith.constant 208 : index
          %get3A_1040 = tpu.vector_load %arg7[%get3A_1038, %get3A_1039] {strides = array<i32>} : memref<64x512xf32, #tpu.memory_space<vmem>>, vector<1x16xf32>,
          %get3A_1041 = vector.shape_cast %get3A_1040 : vector<1x16xf32> to vector<16xf32>
          %mul3A_1042 = vector.broadcast %select_n3A_946 : f32 to vector<16xf32>
          %mul3A_1043 = arith.mulf %mul3A_1042, %get3A_1041 : vector<16xf32>
          %add3A_1044 = arith.addf %scan3A_923, %mul3A_1043 : vector<16xf32>
          %get3A_1045 = arith.index_cast %scan3A_909 : i32 to index
          %get3A_1046 = arith.constant 224 : index
          %get3A_1047 = tpu.vector_load %arg7[%get3A_1045, %get3A_1046] {strides = array<i32>} : memref<64x512xf32, #tpu.memory_space<vmem>>, vector<1x16xf32>,
          %get3A_1048 = vector.shape_cast %get3A_1047 : vector<1x16xf32> to vector<16xf32>
          %mul3A_1049 = vector.broadcast %select_n3A_946 : f32 to vector<16xf32>
          %mul3A_1050 = arith.mulf %mul3A_1049, %get3A_1048 : vector<16xf32>
          %add3A_1051 = arith.addf %scan3A_924, %mul3A_1050 : vector<16xf32>
          %get3A_1052 = arith.index_cast %scan3A_909 : i32 to index
          %get3A_1053 = arith.constant 240 : index
          %get3A_1054 = tpu.vector_load %arg7[%get3A_1052, %get3A_1053] {strides = array<i32>} : memref<64x512xf32, #tpu.memory_space<vmem>>, vector<1x16xf32>,
          %get3A_1055 = vector.shape_cast %get3A_1054 : vector<1x16xf32> to vector<16xf32>
          %mul3A_1056 = vector.broadcast %select_n3A_946 : f32 to vector<16xf32>
          %mul3A_1057 = arith.mulf %mul3A_1056, %get3A_1055 : vector<16xf32>
          %add3A_1058 = arith.addf %scan3A_925, %mul3A_1057 : vector<16xf32>
          %get3A_1059 = arith.index_cast %scan3A_909 : i32 to index
          %get3A_1060 = arith.constant 256 : index
          %get3A_1061 = tpu.vector_load %arg7[%get3A_1059, %get3A_1060] {strides = array<i32>} : memref<64x512xf32, #tpu.memory_space<vmem>>, vector<1x16xf32>,
          %get3A_1062 = vector.shape_cast %get3A_1061 : vector<1x16xf32> to vector<16xf32>
          %mul3A_1063 = vector.broadcast %select_n3A_946 : f32 to vector<16xf32>
          %mul3A_1064 = arith.mulf %mul3A_1063, %get3A_1062 : vector<16xf32>
          %add3A_1065 = arith.addf %scan3A_926, %mul3A_1064 : vector<16xf32>
          %get3A_1066 = arith.index_cast %scan3A_909 : i32 to index
          %get3A_1067 = arith.constant 272 : index
          %get3A_1068 = tpu.vector_load %arg7[%get3A_1066, %get3A_1067] {strides = array<i32>} : memref<64x512xf32, #tpu.memory_space<vmem>>, vector<1x16xf32>,
          %get3A_1069 = vector.shape_cast %get3A_1068 : vector<1x16xf32> to vector<16xf32>
          %mul3A_1070 = vector.broadcast %select_n3A_946 : f32 to vector<16xf32>
          %mul3A_1071 = arith.mulf %mul3A_1070, %get3A_1069 : vector<16xf32>
          %add3A_1072 = arith.addf %scan3A_927, %mul3A_1071 : vector<16xf32>
          %get3A_1073 = arith.index_cast %scan3A_909 : i32 to index
          %get3A_1074 = arith.constant 288 : index
          %get3A_1075 = tpu.vector_load %arg7[%get3A_1073, %get3A_1074] {strides = array<i32>} : memref<64x512xf32, #tpu.memory_space<vmem>>, vector<1x16xf32>,
          %get3A_1076 = vector.shape_cast %get3A_1075 : vector<1x16xf32> to vector<16xf32>
          %mul3A_1077 = vector.broadcast %select_n3A_946 : f32 to vector<16xf32>
          %mul3A_1078 = arith.mulf %mul3A_1077, %get3A_1076 : vector<16xf32>
          %add3A_1079 = arith.addf %scan3A_928, %mul3A_1078 : vector<16xf32>
          %get3A_1080 = arith.index_cast %scan3A_909 : i32 to index
          %get3A_1081 = arith.constant 304 : index
          %get3A_1082 = tpu.vector_load %arg7[%get3A_1080, %get3A_1081] {strides = array<i32>} : memref<64x512xf32, #tpu.memory_space<vmem>>, vector<1x16xf32>,
          %get3A_1083 = vector.shape_cast %get3A_1082 : vector<1x16xf32> to vector<16xf32>
          %mul3A_1084 = vector.broadcast %select_n3A_946 : f32 to vector<16xf32>
          %mul3A_1085 = arith.mulf %mul3A_1084, %get3A_1083 : vector<16xf32>
          %add3A_1086 = arith.addf %scan3A_929, %mul3A_1085 : vector<16xf32>
          %get3A_1087 = arith.index_cast %scan3A_909 : i32 to index
          %get3A_1088 = arith.constant 320 : index
          %get3A_1089 = tpu.vector_load %arg7[%get3A_1087, %get3A_1088] {strides = array<i32>} : memref<64x512xf32, #tpu.memory_space<vmem>>, vector<1x16xf32>,
          %get3A_1090 = vector.shape_cast %get3A_1089 : vector<1x16xf32> to vector<16xf32>
          %mul3A_1091 = vector.broadcast %select_n3A_946 : f32 to vector<16xf32>
          %mul3A_1092 = arith.mulf %mul3A_1091, %get3A_1090 : vector<16xf32>
          %add3A_1093 = arith.addf %scan3A_930, %mul3A_1092 : vector<16xf32>
          %get3A_1094 = arith.index_cast %scan3A_909 : i32 to index
          %get3A_1095 = arith.constant 336 : index
          %get3A_1096 = tpu.vector_load %arg7[%get3A_1094, %get3A_1095] {strides = array<i32>} : memref<64x512xf32, #tpu.memory_space<vmem>>, vector<1x16xf32>,
          %get3A_1097 = vector.shape_cast %get3A_1096 : vector<1x16xf32> to vector<16xf32>
          %mul3A_1098 = vector.broadcast %select_n3A_946 : f32 to vector<16xf32>
          %mul3A_1099 = arith.mulf %mul3A_1098, %get3A_1097 : vector<16xf32>
          %add3A_1100 = arith.addf %scan3A_931, %mul3A_1099 : vector<16xf32>
          %get3A_1101 = arith.index_cast %scan3A_909 : i32 to index
          %get3A_1102 = arith.constant 352 : index
          %get3A_1103 = tpu.vector_load %arg7[%get3A_1101, %get3A_1102] {strides = array<i32>} : memref<64x512xf32, #tpu.memory_space<vmem>>, vector<1x16xf32>,
          %get3A_1104 = vector.shape_cast %get3A_1103 : vector<1x16xf32> to vector<16xf32>
          %mul3A_1105 = vector.broadcast %select_n3A_946 : f32 to vector<16xf32>
          %mul3A_1106 = arith.mulf %mul3A_1105, %get3A_1104 : vector<16xf32>
          %add3A_1107 = arith.addf %scan3A_932, %mul3A_1106 : vector<16xf32>
          %get3A_1108 = arith.index_cast %scan3A_909 : i32 to index
          %get3A_1109 = arith.constant 368 : index
          %get3A_1110 = tpu.vector_load %arg7[%get3A_1108, %get3A_1109] {strides = array<i32>} : memref<64x512xf32, #tpu.memory_space<vmem>>, vector<1x16xf32>,
          %get3A_1111 = vector.shape_cast %get3A_1110 : vector<1x16xf32> to vector<16xf32>
          %mul3A_1112 = vector.broadcast %select_n3A_946 : f32 to vector<16xf32>
          %mul3A_1113 = arith.mulf %mul3A_1112, %get3A_1111 : vector<16xf32>
          %add3A_1114 = arith.addf %scan3A_933, %mul3A_1113 : vector<16xf32>
          %get3A_1115 = arith.index_cast %scan3A_909 : i32 to index
          %get3A_1116 = arith.constant 384 : index
          %get3A_1117 = tpu.vector_load %arg7[%get3A_1115, %get3A_1116] {strides = array<i32>} : memref<64x512xf32, #tpu.memory_space<vmem>>, vector<1x16xf32>,
          %get3A_1118 = vector.shape_cast %get3A_1117 : vector<1x16xf32> to vector<16xf32>
          %mul3A_1119 = vector.broadcast %select_n3A_946 : f32 to vector<16xf32>
          %mul3A_1120 = arith.mulf %mul3A_1119, %get3A_1118 : vector<16xf32>
          %add3A_1121 = arith.addf %scan3A_934, %mul3A_1120 : vector<16xf32>
          %get3A_1122 = arith.index_cast %scan3A_909 : i32 to index
          %get3A_1123 = arith.constant 400 : index
          %get3A_1124 = tpu.vector_load %arg7[%get3A_1122, %get3A_1123] {strides = array<i32>} : memref<64x512xf32, #tpu.memory_space<vmem>>, vector<1x16xf32>,
          %get3A_1125 = vector.shape_cast %get3A_1124 : vector<1x16xf32> to vector<16xf32>
          %mul3A_1126 = vector.broadcast %select_n3A_946 : f32 to vector<16xf32>
          %mul3A_1127 = arith.mulf %mul3A_1126, %get3A_1125 : vector<16xf32>
          %add3A_1128 = arith.addf %scan3A_935, %mul3A_1127 : vector<16xf32>
          %get3A_1129 = arith.index_cast %scan3A_909 : i32 to index
          %get3A_1130 = arith.constant 416 : index
          %get3A_1131 = tpu.vector_load %arg7[%get3A_1129, %get3A_1130] {strides = array<i32>} : memref<64x512xf32, #tpu.memory_space<vmem>>, vector<1x16xf32>,
          %get3A_1132 = vector.shape_cast %get3A_1131 : vector<1x16xf32> to vector<16xf32>
          %mul3A_1133 = vector.broadcast %select_n3A_946 : f32 to vector<16xf32>
          %mul3A_1134 = arith.mulf %mul3A_1133, %get3A_1132 : vector<16xf32>
          %add3A_1135 = arith.addf %scan3A_936, %mul3A_1134 : vector<16xf32>
          %get3A_1136 = arith.index_cast %scan3A_909 : i32 to index
          %get3A_1137 = arith.constant 432 : index
          %get3A_1138 = tpu.vector_load %arg7[%get3A_1136, %get3A_1137] {strides = array<i32>} : memref<64x512xf32, #tpu.memory_space<vmem>>, vector<1x16xf32>,
          %get3A_1139 = vector.shape_cast %get3A_1138 : vector<1x16xf32> to vector<16xf32>
          %mul3A_1140 = vector.broadcast %select_n3A_946 : f32 to vector<16xf32>
          %mul3A_1141 = arith.mulf %mul3A_1140, %get3A_1139 : vector<16xf32>
          %add3A_1142 = arith.addf %scan3A_937, %mul3A_1141 : vector<16xf32>
          %get3A_1143 = arith.index_cast %scan3A_909 : i32 to index
          %get3A_1144 = arith.constant 448 : index
          %get3A_1145 = tpu.vector_load %arg7[%get3A_1143, %get3A_1144] {strides = array<i32>} : memref<64x512xf32, #tpu.memory_space<vmem>>, vector<1x16xf32>,
          %get3A_1146 = vector.shape_cast %get3A_1145 : vector<1x16xf32> to vector<16xf32>
          %mul3A_1147 = vector.broadcast %select_n3A_946 : f32 to vector<16xf32>
          %mul3A_1148 = arith.mulf %mul3A_1147, %get3A_1146 : vector<16xf32>
          %add3A_1149 = arith.addf %scan3A_938, %mul3A_1148 : vector<16xf32>
          %get3A_1150 = arith.index_cast %scan3A_909 : i32 to index
          %get3A_1151 = arith.constant 464 : index
          %get3A_1152 = tpu.vector_load %arg7[%get3A_1150, %get3A_1151] {strides = array<i32>} : memref<64x512xf32, #tpu.memory_space<vmem>>, vector<1x16xf32>,
          %get3A_1153 = vector.shape_cast %get3A_1152 : vector<1x16xf32> to vector<16xf32>
          %mul3A_1154 = vector.broadcast %select_n3A_946 : f32 to vector<16xf32>
          %mul3A_1155 = arith.mulf %mul3A_1154, %get3A_1153 : vector<16xf32>
          %add3A_1156 = arith.addf %scan3A_939, %mul3A_1155 : vector<16xf32>
          %get3A_1157 = arith.index_cast %scan3A_909 : i32 to index
          %get3A_1158 = arith.constant 480 : index
          %get3A_1159 = tpu.vector_load %arg7[%get3A_1157, %get3A_1158] {strides = array<i32>} : memref<64x512xf32, #tpu.memory_space<vmem>>, vector<1x16xf32>,
          %get3A_1160 = vector.shape_cast %get3A_1159 : vector<1x16xf32> to vector<16xf32>
          %mul3A_1161 = vector.broadcast %select_n3A_946 : f32 to vector<16xf32>
          %mul3A_1162 = arith.mulf %mul3A_1161, %get3A_1160 : vector<16xf32>
          %add3A_1163 = arith.addf %scan3A_940, %mul3A_1162 : vector<16xf32>
          %get3A_1164 = arith.index_cast %scan3A_909 : i32 to index
          %get3A_1165 = arith.constant 496 : index
          %get3A_1166 = tpu.vector_load %arg7[%get3A_1164, %get3A_1165] {strides = array<i32>} : memref<64x512xf32, #tpu.memory_space<vmem>>, vector<1x16xf32>,
          %get3A_1167 = vector.shape_cast %get3A_1166 : vector<1x16xf32> to vector<16xf32>
          %mul3A_1168 = vector.broadcast %select_n3A_946 : f32 to vector<16xf32>
          %mul3A_1169 = arith.mulf %mul3A_1168, %get3A_1167 : vector<16xf32>
          %add3A_1170 = arith.addf %scan3A_941, %mul3A_1169 : vector<16xf32>
          scf.yield %add3A_953, %add3A_960, %add3A_967, %add3A_974, %add3A_981, %add3A_988, %add3A_995, %add3A_1002, %add3A_1009, %add3A_1016, %add3A_1023, %add3A_1030, %add3A_1037, %add3A_1044, %add3A_1051, %add3A_1058, %add3A_1065, %add3A_1072, %add3A_1079, %add3A_1086, %add3A_1093, %add3A_1100, %add3A_1107, %add3A_1114, %add3A_1121, %add3A_1128, %add3A_1135, %add3A_1142, %add3A_1149, %add3A_1156, %add3A_1163, %add3A_1170 : vector<16xf32>, vector<16xf32>, vector<16xf32>, vector<16xf32>, vector<16xf32>, vector<16xf32>, vector<16xf32>, vector<16xf32>, vector<16xf32>, vector<16xf32>, vector<16xf32>, vector<16xf32>, vector<16xf32>, vector<16xf32>, vector<16xf32>, vector<16xf32>, vector<16xf32>, vector<16xf32>, vector<16xf32>, vector<16xf32>, vector<16xf32>, vector<16xf32>, vector<16xf32>, vector<16xf32>, vector<16xf32>, vector<16xf32>, vector<16xf32>, vector<16xf32>, vector<16xf32>, vector<16xf32>, vector<16xf32>, vector<16xf32>
        }
        %scan3A_748 = arith.constant 64 : i32
        %swap3A_749 = arith.index_cast %get3A_738 : i32 to index
        %swap3A_750 = arith.constant 0 : index
        %swap3A_751 = tpu.vector_load %arg8[%swap3A_749, %swap3A_750] {strides = array<i32>} : memref<16x512xf32, #tpu.memory_space<vmem>>, vector<1x16xf32>,
        %swap3A_752 = vector.shape_cast %swap3A_751 : vector<1x16xf32> to vector<16xf32>
        %swap3A_753 = vector.shape_cast %scan3A_747#0 : vector<16xf32> to vector<1x16xf32>
        tpu.vector_store %arg8[%swap3A_749, %swap3A_750], %swap3A_753 {add = true, strides = array<i32>} : memref<16x512xf32, #tpu.memory_space<vmem>>, vector<1x16xf32>,
        %swap3A_754 = arith.index_cast %get3A_738 : i32 to index
        %swap3A_755 = arith.constant 16 : index
        %swap3A_756 = tpu.vector_load %arg8[%swap3A_754, %swap3A_755] {strides = array<i32>} : memref<16x512xf32, #tpu.memory_space<vmem>>, vector<1x16xf32>,
        %swap3A_757 = vector.shape_cast %swap3A_756 : vector<1x16xf32> to vector<16xf32>
        %swap3A_758 = vector.shape_cast %scan3A_747#1 : vector<16xf32> to vector<1x16xf32>
        tpu.vector_store %arg8[%swap3A_754, %swap3A_755], %swap3A_758 {add = true, strides = array<i32>} : memref<16x512xf32, #tpu.memory_space<vmem>>, vector<1x16xf32>,
        %swap3A_759 = arith.index_cast %get3A_738 : i32 to index
        %swap3A_760 = arith.constant 32 : index
        %swap3A_761 = tpu.vector_load %arg8[%swap3A_759, %swap3A_760] {strides = array<i32>} : memref<16x512xf32, #tpu.memory_space<vmem>>, vector<1x16xf32>,
        %swap3A_762 = vector.shape_cast %swap3A_761 : vector<1x16xf32> to vector<16xf32>
        %swap3A_763 = vector.shape_cast %scan3A_747#2 : vector<16xf32> to vector<1x16xf32>
        tpu.vector_store %arg8[%swap3A_759, %swap3A_760], %swap3A_763 {add = true, strides = array<i32>} : memref<16x512xf32, #tpu.memory_space<vmem>>, vector<1x16xf32>,
        %swap3A_764 = arith.index_cast %get3A_738 : i32 to index
        %swap3A_765 = arith.constant 48 : index
        %swap3A_766 = tpu.vector_load %arg8[%swap3A_764, %swap3A_765] {strides = array<i32>} : memref<16x512xf32, #tpu.memory_space<vmem>>, vector<1x16xf32>,
        %swap3A_767 = vector.shape_cast %swap3A_766 : vector<1x16xf32> to vector<16xf32>
        %swap3A_768 = vector.shape_cast %scan3A_747#3 : vector<16xf32> to vector<1x16xf32>
        tpu.vector_store %arg8[%swap3A_764, %swap3A_765], %swap3A_768 {add = true, strides = array<i32>} : memref<16x512xf32, #tpu.memory_space<vmem>>, vector<1x16xf32>,
        %swap3A_769 = arith.index_cast %get3A_738 : i32 to index
        %swap3A_770 = arith.constant 64 : index
        %swap3A_771 = tpu.vector_load %arg8[%swap3A_769, %swap3A_770] {strides = array<i32>} : memref<16x512xf32, #tpu.memory_space<vmem>>, vector<1x16xf32>,
        %swap3A_772 = vector.shape_cast %swap3A_771 : vector<1x16xf32> to vector<16xf32>
        %swap3A_773 = vector.shape_cast %scan3A_747#4 : vector<16xf32> to vector<1x16xf32>
        tpu.vector_store %arg8[%swap3A_769, %swap3A_770], %swap3A_773 {add = true, strides = array<i32>} : memref<16x512xf32, #tpu.memory_space<vmem>>, vector<1x16xf32>,
        %swap3A_774 = arith.index_cast %get3A_738 : i32 to index
        %swap3A_775 = arith.constant 80 : index
        %swap3A_776 = tpu.vector_load %arg8[%swap3A_774, %swap3A_775] {strides = array<i32>} : memref<16x512xf32, #tpu.memory_space<vmem>>, vector<1x16xf32>,
        %swap3A_777 = vector.shape_cast %swap3A_776 : vector<1x16xf32> to vector<16xf32>
        %swap3A_778 = vector.shape_cast %scan3A_747#5 : vector<16xf32> to vector<1x16xf32>
        tpu.vector_store %arg8[%swap3A_774, %swap3A_775], %swap3A_778 {add = true, strides = array<i32>} : memref<16x512xf32, #tpu.memory_space<vmem>>, vector<1x16xf32>,
        %swap3A_779 = arith.index_cast %get3A_738 : i32 to index
        %swap3A_780 = arith.constant 96 : index
        %swap3A_781 = tpu.vector_load %arg8[%swap3A_779, %swap3A_780] {strides = array<i32>} : memref<16x512xf32, #tpu.memory_space<vmem>>, vector<1x16xf32>,
        %swap3A_782 = vector.shape_cast %swap3A_781 : vector<1x16xf32> to vector<16xf32>
        %swap3A_783 = vector.shape_cast %scan3A_747#6 : vector<16xf32> to vector<1x16xf32>
        tpu.vector_store %arg8[%swap3A_779, %swap3A_780], %swap3A_783 {add = true, strides = array<i32>} : memref<16x512xf32, #tpu.memory_space<vmem>>, vector<1x16xf32>,
        %swap3A_784 = arith.index_cast %get3A_738 : i32 to index
        %swap3A_785 = arith.constant 112 : index
        %swap3A_786 = tpu.vector_load %arg8[%swap3A_784, %swap3A_785] {strides = array<i32>} : memref<16x512xf32, #tpu.memory_space<vmem>>, vector<1x16xf32>,
        %swap3A_787 = vector.shape_cast %swap3A_786 : vector<1x16xf32> to vector<16xf32>
        %swap3A_788 = vector.shape_cast %scan3A_747#7 : vector<16xf32> to vector<1x16xf32>
        tpu.vector_store %arg8[%swap3A_784, %swap3A_785], %swap3A_788 {add = true, strides = array<i32>} : memref<16x512xf32, #tpu.memory_space<vmem>>, vector<1x16xf32>,
        %swap3A_789 = arith.index_cast %get3A_738 : i32 to index
        %swap3A_790 = arith.constant 128 : index
        %swap3A_791 = tpu.vector_load %arg8[%swap3A_789, %swap3A_790] {strides = array<i32>} : memref<16x512xf32, #tpu.memory_space<vmem>>, vector<1x16xf32>,
        %swap3A_792 = vector.shape_cast %swap3A_791 : vector<1x16xf32> to vector<16xf32>
        %swap3A_793 = vector.shape_cast %scan3A_747#8 : vector<16xf32> to vector<1x16xf32>
        tpu.vector_store %arg8[%swap3A_789, %swap3A_790], %swap3A_793 {add = true, strides = array<i32>} : memref<16x512xf32, #tpu.memory_space<vmem>>, vector<1x16xf32>,
        %swap3A_794 = arith.index_cast %get3A_738 : i32 to index
        %swap3A_795 = arith.constant 144 : index
        %swap3A_796 = tpu.vector_load %arg8[%swap3A_794, %swap3A_795] {strides = array<i32>} : memref<16x512xf32, #tpu.memory_space<vmem>>, vector<1x16xf32>,
        %swap3A_797 = vector.shape_cast %swap3A_796 : vector<1x16xf32> to vector<16xf32>
        %swap3A_798 = vector.shape_cast %scan3A_747#9 : vector<16xf32> to vector<1x16xf32>
        tpu.vector_store %arg8[%swap3A_794, %swap3A_795], %swap3A_798 {add = true, strides = array<i32>} : memref<16x512xf32, #tpu.memory_space<vmem>>, vector<1x16xf32>,
        %swap3A_799 = arith.index_cast %get3A_738 : i32 to index
        %swap3A_800 = arith.constant 160 : index
        %swap3A_801 = tpu.vector_load %arg8[%swap3A_799, %swap3A_800] {strides = array<i32>} : memref<16x512xf32, #tpu.memory_space<vmem>>, vector<1x16xf32>,
        %swap3A_802 = vector.shape_cast %swap3A_801 : vector<1x16xf32> to vector<16xf32>
        %swap3A_803 = vector.shape_cast %scan3A_747#10 : vector<16xf32> to vector<1x16xf32>
        tpu.vector_store %arg8[%swap3A_799, %swap3A_800], %swap3A_803 {add = true, strides = array<i32>} : memref<16x512xf32, #tpu.memory_space<vmem>>, vector<1x16xf32>,
        %swap3A_804 = arith.index_cast %get3A_738 : i32 to index
        %swap3A_805 = arith.constant 176 : index
        %swap3A_806 = tpu.vector_load %arg8[%swap3A_804, %swap3A_805] {strides = array<i32>} : memref<16x512xf32, #tpu.memory_space<vmem>>, vector<1x16xf32>,
        %swap3A_807 = vector.shape_cast %swap3A_806 : vector<1x16xf32> to vector<16xf32>
        %swap3A_808 = vector.shape_cast %scan3A_747#11 : vector<16xf32> to vector<1x16xf32>
        tpu.vector_store %arg8[%swap3A_804, %swap3A_805], %swap3A_808 {add = true, strides = array<i32>} : memref<16x512xf32, #tpu.memory_space<vmem>>, vector<1x16xf32>,
        %swap3A_809 = arith.index_cast %get3A_738 : i32 to index
        %swap3A_810 = arith.constant 192 : index
        %swap3A_811 = tpu.vector_load %arg8[%swap3A_809, %swap3A_810] {strides = array<i32>} : memref<16x512xf32, #tpu.memory_space<vmem>>, vector<1x16xf32>,
        %swap3A_812 = vector.shape_cast %swap3A_811 : vector<1x16xf32> to vector<16xf32>
        %swap3A_813 = vector.shape_cast %scan3A_747#12 : vector<16xf32> to vector<1x16xf32>
        tpu.vector_store %arg8[%swap3A_809, %swap3A_810], %swap3A_813 {add = true, strides = array<i32>} : memref<16x512xf32, #tpu.memory_space<vmem>>, vector<1x16xf32>,
        %swap3A_814 = arith.index_cast %get3A_738 : i32 to index
        %swap3A_815 = arith.constant 208 : index
        %swap3A_816 = tpu.vector_load %arg8[%swap3A_814, %swap3A_815] {strides = array<i32>} : memref<16x512xf32, #tpu.memory_space<vmem>>, vector<1x16xf32>,
        %swap3A_817 = vector.shape_cast %swap3A_816 : vector<1x16xf32> to vector<16xf32>
        %swap3A_818 = vector.shape_cast %scan3A_747#13 : vector<16xf32> to vector<1x16xf32>
        tpu.vector_store %arg8[%swap3A_814, %swap3A_815], %swap3A_818 {add = true, strides = array<i32>} : memref<16x512xf32, #tpu.memory_space<vmem>>, vector<1x16xf32>,
        %swap3A_819 = arith.index_cast %get3A_738 : i32 to index
        %swap3A_820 = arith.constant 224 : index
        %swap3A_821 = tpu.vector_load %arg8[%swap3A_819, %swap3A_820] {strides = array<i32>} : memref<16x512xf32, #tpu.memory_space<vmem>>, vector<1x16xf32>,
        %swap3A_822 = vector.shape_cast %swap3A_821 : vector<1x16xf32> to vector<16xf32>
        %swap3A_823 = vector.shape_cast %scan3A_747#14 : vector<16xf32> to vector<1x16xf32>
        tpu.vector_store %arg8[%swap3A_819, %swap3A_820], %swap3A_823 {add = true, strides = array<i32>} : memref<16x512xf32, #tpu.memory_space<vmem>>, vector<1x16xf32>,
        %swap3A_824 = arith.index_cast %get3A_738 : i32 to index
        %swap3A_825 = arith.constant 240 : index
        %swap3A_826 = tpu.vector_load %arg8[%swap3A_824, %swap3A_825] {strides = array<i32>} : memref<16x512xf32, #tpu.memory_space<vmem>>, vector<1x16xf32>,
        %swap3A_827 = vector.shape_cast %swap3A_826 : vector<1x16xf32> to vector<16xf32>
        %swap3A_828 = vector.shape_cast %scan3A_747#15 : vector<16xf32> to vector<1x16xf32>
        tpu.vector_store %arg8[%swap3A_824, %swap3A_825], %swap3A_828 {add = true, strides = array<i32>} : memref<16x512xf32, #tpu.memory_space<vmem>>, vector<1x16xf32>,
        %swap3A_829 = arith.index_cast %get3A_738 : i32 to index
        %swap3A_830 = arith.constant 256 : index
        %swap3A_831 = tpu.vector_load %arg8[%swap3A_829, %swap3A_830] {strides = array<i32>} : memref<16x512xf32, #tpu.memory_space<vmem>>, vector<1x16xf32>,
        %swap3A_832 = vector.shape_cast %swap3A_831 : vector<1x16xf32> to vector<16xf32>
        %swap3A_833 = vector.shape_cast %scan3A_747#16 : vector<16xf32> to vector<1x16xf32>
        tpu.vector_store %arg8[%swap3A_829, %swap3A_830], %swap3A_833 {add = true, strides = array<i32>} : memref<16x512xf32, #tpu.memory_space<vmem>>, vector<1x16xf32>,
        %swap3A_834 = arith.index_cast %get3A_738 : i32 to index
        %swap3A_835 = arith.constant 272 : index
        %swap3A_836 = tpu.vector_load %arg8[%swap3A_834, %swap3A_835] {strides = array<i32>} : memref<16x512xf32, #tpu.memory_space<vmem>>, vector<1x16xf32>,
        %swap3A_837 = vector.shape_cast %swap3A_836 : vector<1x16xf32> to vector<16xf32>
        %swap3A_838 = vector.shape_cast %scan3A_747#17 : vector<16xf32> to vector<1x16xf32>
        tpu.vector_store %arg8[%swap3A_834, %swap3A_835], %swap3A_838 {add = true, strides = array<i32>} : memref<16x512xf32, #tpu.memory_space<vmem>>, vector<1x16xf32>,
        %swap3A_839 = arith.index_cast %get3A_738 : i32 to index
        %swap3A_840 = arith.constant 288 : index
        %swap3A_841 = tpu.vector_load %arg8[%swap3A_839, %swap3A_840] {strides = array<i32>} : memref<16x512xf32, #tpu.memory_space<vmem>>, vector<1x16xf32>,
        %swap3A_842 = vector.shape_cast %swap3A_841 : vector<1x16xf32> to vector<16xf32>
        %swap3A_843 = vector.shape_cast %scan3A_747#18 : vector<16xf32> to vector<1x16xf32>
        tpu.vector_store %arg8[%swap3A_839, %swap3A_840], %swap3A_843 {add = true, strides = array<i32>} : memref<16x512xf32, #tpu.memory_space<vmem>>, vector<1x16xf32>,
        %swap3A_844 = arith.index_cast %get3A_738 : i32 to index
        %swap3A_845 = arith.constant 304 : index
        %swap3A_846 = tpu.vector_load %arg8[%swap3A_844, %swap3A_845] {strides = array<i32>} : memref<16x512xf32, #tpu.memory_space<vmem>>, vector<1x16xf32>,
        %swap3A_847 = vector.shape_cast %swap3A_846 : vector<1x16xf32> to vector<16xf32>
        %swap3A_848 = vector.shape_cast %scan3A_747#19 : vector<16xf32> to vector<1x16xf32>
        tpu.vector_store %arg8[%swap3A_844, %swap3A_845], %swap3A_848 {add = true, strides = array<i32>} : memref<16x512xf32, #tpu.memory_space<vmem>>, vector<1x16xf32>,
        %swap3A_849 = arith.index_cast %get3A_738 : i32 to index
        %swap3A_850 = arith.constant 320 : index
        %swap3A_851 = tpu.vector_load %arg8[%swap3A_849, %swap3A_850] {strides = array<i32>} : memref<16x512xf32, #tpu.memory_space<vmem>>, vector<1x16xf32>,
        %swap3A_852 = vector.shape_cast %swap3A_851 : vector<1x16xf32> to vector<16xf32>
        %swap3A_853 = vector.shape_cast %scan3A_747#20 : vector<16xf32> to vector<1x16xf32>
        tpu.vector_store %arg8[%swap3A_849, %swap3A_850], %swap3A_853 {add = true, strides = array<i32>} : memref<16x512xf32, #tpu.memory_space<vmem>>, vector<1x16xf32>,
        %swap3A_854 = arith.index_cast %get3A_738 : i32 to index
        %swap3A_855 = arith.constant 336 : index
        %swap3A_856 = tpu.vector_load %arg8[%swap3A_854, %swap3A_855] {strides = array<i32>} : memref<16x512xf32, #tpu.memory_space<vmem>>, vector<1x16xf32>,
        %swap3A_857 = vector.shape_cast %swap3A_856 : vector<1x16xf32> to vector<16xf32>
        %swap3A_858 = vector.shape_cast %scan3A_747#21 : vector<16xf32> to vector<1x16xf32>
        tpu.vector_store %arg8[%swap3A_854, %swap3A_855], %swap3A_858 {add = true, strides = array<i32>} : memref<16x512xf32, #tpu.memory_space<vmem>>, vector<1x16xf32>,
        %swap3A_859 = arith.index_cast %get3A_738 : i32 to index
        %swap3A_860 = arith.constant 352 : index
        %swap3A_861 = tpu.vector_load %arg8[%swap3A_859, %swap3A_860] {strides = array<i32>} : memref<16x512xf32, #tpu.memory_space<vmem>>, vector<1x16xf32>,
        %swap3A_862 = vector.shape_cast %swap3A_861 : vector<1x16xf32> to vector<16xf32>
        %swap3A_863 = vector.shape_cast %scan3A_747#22 : vector<16xf32> to vector<1x16xf32>
        tpu.vector_store %arg8[%swap3A_859, %swap3A_860], %swap3A_863 {add = true, strides = array<i32>} : memref<16x512xf32, #tpu.memory_space<vmem>>, vector<1x16xf32>,
        %swap3A_864 = arith.index_cast %get3A_738 : i32 to index
        %swap3A_865 = arith.constant 368 : index
        %swap3A_866 = tpu.vector_load %arg8[%swap3A_864, %swap3A_865] {strides = array<i32>} : memref<16x512xf32, #tpu.memory_space<vmem>>, vector<1x16xf32>,
        %swap3A_867 = vector.shape_cast %swap3A_866 : vector<1x16xf32> to vector<16xf32>
        %swap3A_868 = vector.shape_cast %scan3A_747#23 : vector<16xf32> to vector<1x16xf32>
        tpu.vector_store %arg8[%swap3A_864, %swap3A_865], %swap3A_868 {add = true, strides = array<i32>} : memref<16x512xf32, #tpu.memory_space<vmem>>, vector<1x16xf32>,
        %swap3A_869 = arith.index_cast %get3A_738 : i32 to index
        %swap3A_870 = arith.constant 384 : index
        %swap3A_871 = tpu.vector_load %arg8[%swap3A_869, %swap3A_870] {strides = array<i32>} : memref<16x512xf32, #tpu.memory_space<vmem>>, vector<1x16xf32>,
        %swap3A_872 = vector.shape_cast %swap3A_871 : vector<1x16xf32> to vector<16xf32>
        %swap3A_873 = vector.shape_cast %scan3A_747#24 : vector<16xf32> to vector<1x16xf32>
        tpu.vector_store %arg8[%swap3A_869, %swap3A_870], %swap3A_873 {add = true, strides = array<i32>} : memref<16x512xf32, #tpu.memory_space<vmem>>, vector<1x16xf32>,
        %swap3A_874 = arith.index_cast %get3A_738 : i32 to index
        %swap3A_875 = arith.constant 400 : index
        %swap3A_876 = tpu.vector_load %arg8[%swap3A_874, %swap3A_875] {strides = array<i32>} : memref<16x512xf32, #tpu.memory_space<vmem>>, vector<1x16xf32>,
        %swap3A_877 = vector.shape_cast %swap3A_876 : vector<1x16xf32> to vector<16xf32>
        %swap3A_878 = vector.shape_cast %scan3A_747#25 : vector<16xf32> to vector<1x16xf32>
        tpu.vector_store %arg8[%swap3A_874, %swap3A_875], %swap3A_878 {add = true, strides = array<i32>} : memref<16x512xf32, #tpu.memory_space<vmem>>, vector<1x16xf32>,
        %swap3A_879 = arith.index_cast %get3A_738 : i32 to index
        %swap3A_880 = arith.constant 416 : index
        %swap3A_881 = tpu.vector_load %arg8[%swap3A_879, %swap3A_880] {strides = array<i32>} : memref<16x512xf32, #tpu.memory_space<vmem>>, vector<1x16xf32>,
        %swap3A_882 = vector.shape_cast %swap3A_881 : vector<1x16xf32> to vector<16xf32>
        %swap3A_883 = vector.shape_cast %scan3A_747#26 : vector<16xf32> to vector<1x16xf32>
        tpu.vector_store %arg8[%swap3A_879, %swap3A_880], %swap3A_883 {add = true, strides = array<i32>} : memref<16x512xf32, #tpu.memory_space<vmem>>, vector<1x16xf32>,
        %swap3A_884 = arith.index_cast %get3A_738 : i32 to index
        %swap3A_885 = arith.constant 432 : index
        %swap3A_886 = tpu.vector_load %arg8[%swap3A_884, %swap3A_885] {strides = array<i32>} : memref<16x512xf32, #tpu.memory_space<vmem>>, vector<1x16xf32>,
        %swap3A_887 = vector.shape_cast %swap3A_886 : vector<1x16xf32> to vector<16xf32>
        %swap3A_888 = vector.shape_cast %scan3A_747#27 : vector<16xf32> to vector<1x16xf32>
        tpu.vector_store %arg8[%swap3A_884, %swap3A_885], %swap3A_888 {add = true, strides = array<i32>} : memref<16x512xf32, #tpu.memory_space<vmem>>, vector<1x16xf32>,
        %swap3A_889 = arith.index_cast %get3A_738 : i32 to index
        %swap3A_890 = arith.constant 448 : index
        %swap3A_891 = tpu.vector_load %arg8[%swap3A_889, %swap3A_890] {strides = array<i32>} : memref<16x512xf32, #tpu.memory_space<vmem>>, vector<1x16xf32>,
        %swap3A_892 = vector.shape_cast %swap3A_891 : vector<1x16xf32> to vector<16xf32>
        %swap3A_893 = vector.shape_cast %scan3A_747#28 : vector<16xf32> to vector<1x16xf32>
        tpu.vector_store %arg8[%swap3A_889, %swap3A_890], %swap3A_893 {add = true, strides = array<i32>} : memref<16x512xf32, #tpu.memory_space<vmem>>, vector<1x16xf32>,
        %swap3A_894 = arith.index_cast %get3A_738 : i32 to index
        %swap3A_895 = arith.constant 464 : index
        %swap3A_896 = tpu.vector_load %arg8[%swap3A_894, %swap3A_895] {strides = array<i32>} : memref<16x512xf32, #tpu.memory_space<vmem>>, vector<1x16xf32>,
        %swap3A_897 = vector.shape_cast %swap3A_896 : vector<1x16xf32> to vector<16xf32>
        %swap3A_898 = vector.shape_cast %scan3A_747#29 : vector<16xf32> to vector<1x16xf32>
        tpu.vector_store %arg8[%swap3A_894, %swap3A_895], %swap3A_898 {add = true, strides = array<i32>} : memref<16x512xf32, #tpu.memory_space<vmem>>, vector<1x16xf32>,
        %swap3A_899 = arith.index_cast %get3A_738 : i32 to index
        %swap3A_900 = arith.constant 480 : index
        %swap3A_901 = tpu.vector_load %arg8[%swap3A_899, %swap3A_900] {strides = array<i32>} : memref<16x512xf32, #tpu.memory_space<vmem>>, vector<1x16xf32>,
        %swap3A_902 = vector.shape_cast %swap3A_901 : vector<1x16xf32> to vector<16xf32>
        %swap3A_903 = vector.shape_cast %scan3A_747#30 : vector<16xf32> to vector<1x16xf32>
        tpu.vector_store %arg8[%swap3A_899, %swap3A_900], %swap3A_903 {add = true, strides = array<i32>} : memref<16x512xf32, #tpu.memory_space<vmem>>, vector<1x16xf32>,
        %swap3A_904 = arith.index_cast %get3A_738 : i32 to index
        %swap3A_905 = arith.constant 496 : index
        %swap3A_906 = tpu.vector_load %arg8[%swap3A_904, %swap3A_905] {strides = array<i32>} : memref<16x512xf32, #tpu.memory_space<vmem>>, vector<1x16xf32>,
        %swap3A_907 = vector.shape_cast %swap3A_906 : vector<1x16xf32> to vector<16xf32>
        %swap3A_908 = vector.shape_cast %scan3A_747#31 : vector<16xf32> to vector<1x16xf32>
        tpu.vector_store %arg8[%swap3A_904, %swap3A_905], %swap3A_908 {add = true, strides = array<i32>} : memref<16x512xf32, #tpu.memory_space<vmem>>, vector<1x16xf32>,
      } else {
      }
      %while3A_726 = arith.constant 0 : i32
      scf.yield %while3A_726 : i32
    }
    %while3A_525 = arith.constant 1 : i32
    %while3A_526 = scf.for %while3A_527 = %while3A_522 to %while3A_518 step %while3A_525 iter_args(%while3A_528 = %while3A_524) -> (i32)  : i32 {
      %mul3A_529 = arith.constant 2 : i32
      %mul3A_530 = arith.muli %mul3A_529, %while3A_527 : i32
      %add3A_531 = arith.constant 1 : i32
      %add3A_532 = arith.addi %mul3A_530, %add3A_531 : i32
      %lt3A = arith.cmpi slt, %add3A_532, %while3A_500 : i32
      %convert_element_type3A_533 = arith.extui %lt3A : i1 to i32
      %cond3A_534 = arith.constant 0 : i32
      %cond3A_535 = arith.cmpi ne, %convert_element_type3A_533, %cond3A_534 : i32
      scf.if %cond3A_535 {
        %get3A_727 = arith.index_cast %add3A_532 : i32 to index
        %get3A_728 = memref.load %arg9[%get3A_727] : memref<22xi32, #tpu.memory_space<smem>>
        %mul3A_729 = arith.constant 8 : i32
        %mul3A_730 = arith.muli %get3A_728, %mul3A_729 : i32
        %dma_start3A = arith.constant 0 : i32
        %dma_start3A_731 = tpu.memref_slice %arg3[%mul3A_730, %dma_start3A] : memref<32768x512xf32, #tpu.memory_space<hbm>> -> memref<64x512xf32, #tpu.memory_space<hbm>>
        %dma_start3A_732 = arith.constant 0 : i32
        %dma_start3A_733 = tpu.memref_slice %arg3[%mul3A_730, %dma_start3A_732] : memref<32768x512xf32, #tpu.memory_space<hbm>> -> memref<64x512xf32, #tpu.memory_space<hbm>>
        tpu.enqueue_dma source(%dma_start3A_733 : memref<64x512xf32, #tpu.memory_space<hbm>>) target(%arg7 : memref<64x512xf32, #tpu.memory_space<vmem>>) target_semaphore(%arg14 : memref<!tpu.dma_semaphore, #tpu.memory_space<semaphore_mem>>)
      } else {
      }
      %dma_wait3A = arith.constant 0 : i32
      %dma_wait3A_536 = arith.constant 0 : i32
      %dma_wait3A_537 = tpu.memref_slice %arg3[%dma_wait3A, %dma_wait3A_536] : memref<32768x512xf32, #tpu.memory_space<hbm>> -> memref<64x512xf32, #tpu.memory_space<hbm>>
      %dma_wait3A_538 = arith.constant 0 : i32
      %dma_wait3A_539 = arith.constant 0 : i32
      %dma_wait3A_540 = tpu.memref_slice %arg3[%dma_wait3A_538, %dma_wait3A_539] : memref<32768x512xf32, #tpu.memory_space<hbm>> -> memref<64x512xf32, #tpu.memory_space<hbm>>
      tpu.wait_dma2 semaphore(%arg13 : memref<!tpu.dma_semaphore, #tpu.memory_space<semaphore_mem>>) src(%dma_wait3A_540 : memref<64x512xf32, #tpu.memory_space<hbm>>) dst(%arg6 : memref<64x512xf32, #tpu.memory_space<vmem>>)
      %get3A_541 = arith.index_cast %mul3A_530 : i32 to index
      %get3A_542 = memref.load %arg10[%get3A_541] : memref<22xi32, #tpu.memory_space<smem>>
      %get3A_543 = arith.index_cast %mul3A_530 : i32 to index
      %get3A_544 = memref.load %arg11[%get3A_543] : memref<22xi32, #tpu.memory_space<smem>>
      %get3A_545 = arith.index_cast %mul3A_530 : i32 to index
      %get3A_546 = memref.load %arg12[%get3A_545] : memref<22xi32, #tpu.memory_space<smem>>
      %get3A_547 = arith.index_cast %mul3A_530 : i32 to index
      %get3A_548 = memref.load %arg9[%get3A_547] : memref<22xi32, #tpu.memory_space<smem>>
      %mul3A_549 = arith.constant 8 : i32
      %mul3A_550 = arith.muli %get3A_548, %mul3A_549 : i32
      %scan3A_551 = arith.constant 0 : i32
      %scan3A_552 = arith.constant 64 : i32
      %scan3A_553 = arith.addi %scan3A_551, %scan3A_552 : i32
      %scan3A_554 = arith.constant 1 : i32
      %scan3A_555:32 = scf.for %scan3A_727 = %scan3A_551 to %scan3A_553 step %scan3A_554 iter_args(%scan3A_728 = %broadcast_in_dim3A_501, %scan3A_729 = %broadcast_in_dim3A_501, %scan3A_730 = %broadcast_in_dim3A_501, %scan3A_731 = %broadcast_in_dim3A_501, %scan3A_732 = %broadcast_in_dim3A_501, %scan3A_733 = %broadcast_in_dim3A_501, %scan3A_734 = %broadcast_in_dim3A_501, %scan3A_735 = %broadcast_in_dim3A_501, %scan3A_736 = %broadcast_in_dim3A_501, %scan3A_737 = %broadcast_in_dim3A_501, %scan3A_738 = %broadcast_in_dim3A_501, %scan3A_739 = %broadcast_in_dim3A_501, %scan3A_740 = %broadcast_in_dim3A_501, %scan3A_741 = %broadcast_in_dim3A_501, %scan3A_742 = %broadcast_in_dim3A_501, %scan3A_743 = %broadcast_in_dim3A_501, %scan3A_744 = %broadcast_in_dim3A_501, %scan3A_745 = %broadcast_in_dim3A_501, %scan3A_746 = %broadcast_in_dim3A_501, %scan3A_747 = %broadcast_in_dim3A_501, %scan3A_748 = %broadcast_in_dim3A_501, %scan3A_749 = %broadcast_in_dim3A_501, %scan3A_750 = %broadcast_in_dim3A_501, %scan3A_751 = %broadcast_in_dim3A_501, %scan3A_752 = %broadcast_in_dim3A_501, %scan3A_753 = %broadcast_in_dim3A_501, %scan3A_754 = %broadcast_in_dim3A_501, %scan3A_755 = %broadcast_in_dim3A_501, %scan3A_756 = %broadcast_in_dim3A_501, %scan3A_757 = %broadcast_in_dim3A_501, %scan3A_758 = %broadcast_in_dim3A_501, %scan3A_759 = %broadcast_in_dim3A_501) -> (vector<16xf32>, vector<16xf32>, vector<16xf32>, vector<16xf32>, vector<16xf32>, vector<16xf32>, vector<16xf32>, vector<16xf32>, vector<16xf32>, vector<16xf32>, vector<16xf32>, vector<16xf32>, vector<16xf32>, vector<16xf32>, vector<16xf32>, vector<16xf32>, vector<16xf32>, vector<16xf32>, vector<16xf32>, vector<16xf32>, vector<16xf32>, vector<16xf32>, vector<16xf32>, vector<16xf32>, vector<16xf32>, vector<16xf32>, vector<16xf32>, vector<16xf32>, vector<16xf32>, vector<16xf32>, vector<16xf32>, vector<16xf32>)  : i32 {
        %add3A_760 = arith.addi %mul3A_550, %scan3A_727 : i32
        %ge3A = arith.cmpi sge, %add3A_760, %get3A_542 : i32
        %lt3A_761 = arith.cmpi slt, %add3A_760, %get3A_544 : i32
        %and3A = arith.andi %ge3A, %lt3A_761 : i1
        %jit3A_762 = arith.constant 1.000000e+00 : f32
        %jit3A_763 = arith.constant 0.000000e+00 : f32
        %select_n3A_764 = arith.select %and3A, %jit3A_762, %jit3A_763 : f32
        %get3A_765 = arith.index_cast %scan3A_727 : i32 to index
        %get3A_766 = arith.constant 0 : index
        %get3A_767 = tpu.vector_load %arg6[%get3A_765, %get3A_766] {strides = array<i32>} : memref<64x512xf32, #tpu.memory_space<vmem>>, vector<1x16xf32>,
        %get3A_768 = vector.shape_cast %get3A_767 : vector<1x16xf32> to vector<16xf32>
        %mul3A_769 = vector.broadcast %select_n3A_764 : f32 to vector<16xf32>
        %mul3A_770 = arith.mulf %mul3A_769, %get3A_768 : vector<16xf32>
        %add3A_771 = arith.addf %scan3A_728, %mul3A_770 : vector<16xf32>
        %get3A_772 = arith.index_cast %scan3A_727 : i32 to index
        %get3A_773 = arith.constant 16 : index
        %get3A_774 = tpu.vector_load %arg6[%get3A_772, %get3A_773] {strides = array<i32>} : memref<64x512xf32, #tpu.memory_space<vmem>>, vector<1x16xf32>,
        %get3A_775 = vector.shape_cast %get3A_774 : vector<1x16xf32> to vector<16xf32>
        %mul3A_776 = vector.broadcast %select_n3A_764 : f32 to vector<16xf32>
        %mul3A_777 = arith.mulf %mul3A_776, %get3A_775 : vector<16xf32>
        %add3A_778 = arith.addf %scan3A_729, %mul3A_777 : vector<16xf32>
        %get3A_779 = arith.index_cast %scan3A_727 : i32 to index
        %get3A_780 = arith.constant 32 : index
        %get3A_781 = tpu.vector_load %arg6[%get3A_779, %get3A_780] {strides = array<i32>} : memref<64x512xf32, #tpu.memory_space<vmem>>, vector<1x16xf32>,
        %get3A_782 = vector.shape_cast %get3A_781 : vector<1x16xf32> to vector<16xf32>
        %mul3A_783 = vector.broadcast %select_n3A_764 : f32 to vector<16xf32>
        %mul3A_784 = arith.mulf %mul3A_783, %get3A_782 : vector<16xf32>
        %add3A_785 = arith.addf %scan3A_730, %mul3A_784 : vector<16xf32>
        %get3A_786 = arith.index_cast %scan3A_727 : i32 to index
        %get3A_787 = arith.constant 48 : index
        %get3A_788 = tpu.vector_load %arg6[%get3A_786, %get3A_787] {strides = array<i32>} : memref<64x512xf32, #tpu.memory_space<vmem>>, vector<1x16xf32>,
        %get3A_789 = vector.shape_cast %get3A_788 : vector<1x16xf32> to vector<16xf32>
        %mul3A_790 = vector.broadcast %select_n3A_764 : f32 to vector<16xf32>
        %mul3A_791 = arith.mulf %mul3A_790, %get3A_789 : vector<16xf32>
        %add3A_792 = arith.addf %scan3A_731, %mul3A_791 : vector<16xf32>
        %get3A_793 = arith.index_cast %scan3A_727 : i32 to index
        %get3A_794 = arith.constant 64 : index
        %get3A_795 = tpu.vector_load %arg6[%get3A_793, %get3A_794] {strides = array<i32>} : memref<64x512xf32, #tpu.memory_space<vmem>>, vector<1x16xf32>,
        %get3A_796 = vector.shape_cast %get3A_795 : vector<1x16xf32> to vector<16xf32>
        %mul3A_797 = vector.broadcast %select_n3A_764 : f32 to vector<16xf32>
        %mul3A_798 = arith.mulf %mul3A_797, %get3A_796 : vector<16xf32>
        %add3A_799 = arith.addf %scan3A_732, %mul3A_798 : vector<16xf32>
        %get3A_800 = arith.index_cast %scan3A_727 : i32 to index
        %get3A_801 = arith.constant 80 : index
        %get3A_802 = tpu.vector_load %arg6[%get3A_800, %get3A_801] {strides = array<i32>} : memref<64x512xf32, #tpu.memory_space<vmem>>, vector<1x16xf32>,
        %get3A_803 = vector.shape_cast %get3A_802 : vector<1x16xf32> to vector<16xf32>
        %mul3A_804 = vector.broadcast %select_n3A_764 : f32 to vector<16xf32>
        %mul3A_805 = arith.mulf %mul3A_804, %get3A_803 : vector<16xf32>
        %add3A_806 = arith.addf %scan3A_733, %mul3A_805 : vector<16xf32>
        %get3A_807 = arith.index_cast %scan3A_727 : i32 to index
        %get3A_808 = arith.constant 96 : index
        %get3A_809 = tpu.vector_load %arg6[%get3A_807, %get3A_808] {strides = array<i32>} : memref<64x512xf32, #tpu.memory_space<vmem>>, vector<1x16xf32>,
        %get3A_810 = vector.shape_cast %get3A_809 : vector<1x16xf32> to vector<16xf32>
        %mul3A_811 = vector.broadcast %select_n3A_764 : f32 to vector<16xf32>
        %mul3A_812 = arith.mulf %mul3A_811, %get3A_810 : vector<16xf32>
        %add3A_813 = arith.addf %scan3A_734, %mul3A_812 : vector<16xf32>
        %get3A_814 = arith.index_cast %scan3A_727 : i32 to index
        %get3A_815 = arith.constant 112 : index
        %get3A_816 = tpu.vector_load %arg6[%get3A_814, %get3A_815] {strides = array<i32>} : memref<64x512xf32, #tpu.memory_space<vmem>>, vector<1x16xf32>,
        %get3A_817 = vector.shape_cast %get3A_816 : vector<1x16xf32> to vector<16xf32>
        %mul3A_818 = vector.broadcast %select_n3A_764 : f32 to vector<16xf32>
        %mul3A_819 = arith.mulf %mul3A_818, %get3A_817 : vector<16xf32>
        %add3A_820 = arith.addf %scan3A_735, %mul3A_819 : vector<16xf32>
        %get3A_821 = arith.index_cast %scan3A_727 : i32 to index
        %get3A_822 = arith.constant 128 : index
        %get3A_823 = tpu.vector_load %arg6[%get3A_821, %get3A_822] {strides = array<i32>} : memref<64x512xf32, #tpu.memory_space<vmem>>, vector<1x16xf32>,
        %get3A_824 = vector.shape_cast %get3A_823 : vector<1x16xf32> to vector<16xf32>
        %mul3A_825 = vector.broadcast %select_n3A_764 : f32 to vector<16xf32>
        %mul3A_826 = arith.mulf %mul3A_825, %get3A_824 : vector<16xf32>
        %add3A_827 = arith.addf %scan3A_736, %mul3A_826 : vector<16xf32>
        %get3A_828 = arith.index_cast %scan3A_727 : i32 to index
        %get3A_829 = arith.constant 144 : index
        %get3A_830 = tpu.vector_load %arg6[%get3A_828, %get3A_829] {strides = array<i32>} : memref<64x512xf32, #tpu.memory_space<vmem>>, vector<1x16xf32>,
        %get3A_831 = vector.shape_cast %get3A_830 : vector<1x16xf32> to vector<16xf32>
        %mul3A_832 = vector.broadcast %select_n3A_764 : f32 to vector<16xf32>
        %mul3A_833 = arith.mulf %mul3A_832, %get3A_831 : vector<16xf32>
        %add3A_834 = arith.addf %scan3A_737, %mul3A_833 : vector<16xf32>
        %get3A_835 = arith.index_cast %scan3A_727 : i32 to index
        %get3A_836 = arith.constant 160 : index
        %get3A_837 = tpu.vector_load %arg6[%get3A_835, %get3A_836] {strides = array<i32>} : memref<64x512xf32, #tpu.memory_space<vmem>>, vector<1x16xf32>,
        %get3A_838 = vector.shape_cast %get3A_837 : vector<1x16xf32> to vector<16xf32>
        %mul3A_839 = vector.broadcast %select_n3A_764 : f32 to vector<16xf32>
        %mul3A_840 = arith.mulf %mul3A_839, %get3A_838 : vector<16xf32>
        %add3A_841 = arith.addf %scan3A_738, %mul3A_840 : vector<16xf32>
        %get3A_842 = arith.index_cast %scan3A_727 : i32 to index
        %get3A_843 = arith.constant 176 : index
        %get3A_844 = tpu.vector_load %arg6[%get3A_842, %get3A_843] {strides = array<i32>} : memref<64x512xf32, #tpu.memory_space<vmem>>, vector<1x16xf32>,
        %get3A_845 = vector.shape_cast %get3A_844 : vector<1x16xf32> to vector<16xf32>
        %mul3A_846 = vector.broadcast %select_n3A_764 : f32 to vector<16xf32>
        %mul3A_847 = arith.mulf %mul3A_846, %get3A_845 : vector<16xf32>
        %add3A_848 = arith.addf %scan3A_739, %mul3A_847 : vector<16xf32>
        %get3A_849 = arith.index_cast %scan3A_727 : i32 to index
        %get3A_850 = arith.constant 192 : index
        %get3A_851 = tpu.vector_load %arg6[%get3A_849, %get3A_850] {strides = array<i32>} : memref<64x512xf32, #tpu.memory_space<vmem>>, vector<1x16xf32>,
        %get3A_852 = vector.shape_cast %get3A_851 : vector<1x16xf32> to vector<16xf32>
        %mul3A_853 = vector.broadcast %select_n3A_764 : f32 to vector<16xf32>
        %mul3A_854 = arith.mulf %mul3A_853, %get3A_852 : vector<16xf32>
        %add3A_855 = arith.addf %scan3A_740, %mul3A_854 : vector<16xf32>
        %get3A_856 = arith.index_cast %scan3A_727 : i32 to index
        %get3A_857 = arith.constant 208 : index
        %get3A_858 = tpu.vector_load %arg6[%get3A_856, %get3A_857] {strides = array<i32>} : memref<64x512xf32, #tpu.memory_space<vmem>>, vector<1x16xf32>,
        %get3A_859 = vector.shape_cast %get3A_858 : vector<1x16xf32> to vector<16xf32>
        %mul3A_860 = vector.broadcast %select_n3A_764 : f32 to vector<16xf32>
        %mul3A_861 = arith.mulf %mul3A_860, %get3A_859 : vector<16xf32>
        %add3A_862 = arith.addf %scan3A_741, %mul3A_861 : vector<16xf32>
        %get3A_863 = arith.index_cast %scan3A_727 : i32 to index
        %get3A_864 = arith.constant 224 : index
        %get3A_865 = tpu.vector_load %arg6[%get3A_863, %get3A_864] {strides = array<i32>} : memref<64x512xf32, #tpu.memory_space<vmem>>, vector<1x16xf32>,
        %get3A_866 = vector.shape_cast %get3A_865 : vector<1x16xf32> to vector<16xf32>
        %mul3A_867 = vector.broadcast %select_n3A_764 : f32 to vector<16xf32>
        %mul3A_868 = arith.mulf %mul3A_867, %get3A_866 : vector<16xf32>
        %add3A_869 = arith.addf %scan3A_742, %mul3A_868 : vector<16xf32>
        %get3A_870 = arith.index_cast %scan3A_727 : i32 to index
        %get3A_871 = arith.constant 240 : index
        %get3A_872 = tpu.vector_load %arg6[%get3A_870, %get3A_871] {strides = array<i32>} : memref<64x512xf32, #tpu.memory_space<vmem>>, vector<1x16xf32>,
        %get3A_873 = vector.shape_cast %get3A_872 : vector<1x16xf32> to vector<16xf32>
        %mul3A_874 = vector.broadcast %select_n3A_764 : f32 to vector<16xf32>
        %mul3A_875 = arith.mulf %mul3A_874, %get3A_873 : vector<16xf32>
        %add3A_876 = arith.addf %scan3A_743, %mul3A_875 : vector<16xf32>
        %get3A_877 = arith.index_cast %scan3A_727 : i32 to index
        %get3A_878 = arith.constant 256 : index
        %get3A_879 = tpu.vector_load %arg6[%get3A_877, %get3A_878] {strides = array<i32>} : memref<64x512xf32, #tpu.memory_space<vmem>>, vector<1x16xf32>,
        %get3A_880 = vector.shape_cast %get3A_879 : vector<1x16xf32> to vector<16xf32>
        %mul3A_881 = vector.broadcast %select_n3A_764 : f32 to vector<16xf32>
        %mul3A_882 = arith.mulf %mul3A_881, %get3A_880 : vector<16xf32>
        %add3A_883 = arith.addf %scan3A_744, %mul3A_882 : vector<16xf32>
        %get3A_884 = arith.index_cast %scan3A_727 : i32 to index
        %get3A_885 = arith.constant 272 : index
        %get3A_886 = tpu.vector_load %arg6[%get3A_884, %get3A_885] {strides = array<i32>} : memref<64x512xf32, #tpu.memory_space<vmem>>, vector<1x16xf32>,
        %get3A_887 = vector.shape_cast %get3A_886 : vector<1x16xf32> to vector<16xf32>
        %mul3A_888 = vector.broadcast %select_n3A_764 : f32 to vector<16xf32>
        %mul3A_889 = arith.mulf %mul3A_888, %get3A_887 : vector<16xf32>
        %add3A_890 = arith.addf %scan3A_745, %mul3A_889 : vector<16xf32>
        %get3A_891 = arith.index_cast %scan3A_727 : i32 to index
        %get3A_892 = arith.constant 288 : index
        %get3A_893 = tpu.vector_load %arg6[%get3A_891, %get3A_892] {strides = array<i32>} : memref<64x512xf32, #tpu.memory_space<vmem>>, vector<1x16xf32>,
        %get3A_894 = vector.shape_cast %get3A_893 : vector<1x16xf32> to vector<16xf32>
        %mul3A_895 = vector.broadcast %select_n3A_764 : f32 to vector<16xf32>
        %mul3A_896 = arith.mulf %mul3A_895, %get3A_894 : vector<16xf32>
        %add3A_897 = arith.addf %scan3A_746, %mul3A_896 : vector<16xf32>
        %get3A_898 = arith.index_cast %scan3A_727 : i32 to index
        %get3A_899 = arith.constant 304 : index
        %get3A_900 = tpu.vector_load %arg6[%get3A_898, %get3A_899] {strides = array<i32>} : memref<64x512xf32, #tpu.memory_space<vmem>>, vector<1x16xf32>,
        %get3A_901 = vector.shape_cast %get3A_900 : vector<1x16xf32> to vector<16xf32>
        %mul3A_902 = vector.broadcast %select_n3A_764 : f32 to vector<16xf32>
        %mul3A_903 = arith.mulf %mul3A_902, %get3A_901 : vector<16xf32>
        %add3A_904 = arith.addf %scan3A_747, %mul3A_903 : vector<16xf32>
        %get3A_905 = arith.index_cast %scan3A_727 : i32 to index
        %get3A_906 = arith.constant 320 : index
        %get3A_907 = tpu.vector_load %arg6[%get3A_905, %get3A_906] {strides = array<i32>} : memref<64x512xf32, #tpu.memory_space<vmem>>, vector<1x16xf32>,
        %get3A_908 = vector.shape_cast %get3A_907 : vector<1x16xf32> to vector<16xf32>
        %mul3A_909 = vector.broadcast %select_n3A_764 : f32 to vector<16xf32>
        %mul3A_910 = arith.mulf %mul3A_909, %get3A_908 : vector<16xf32>
        %add3A_911 = arith.addf %scan3A_748, %mul3A_910 : vector<16xf32>
        %get3A_912 = arith.index_cast %scan3A_727 : i32 to index
        %get3A_913 = arith.constant 336 : index
        %get3A_914 = tpu.vector_load %arg6[%get3A_912, %get3A_913] {strides = array<i32>} : memref<64x512xf32, #tpu.memory_space<vmem>>, vector<1x16xf32>,
        %get3A_915 = vector.shape_cast %get3A_914 : vector<1x16xf32> to vector<16xf32>
        %mul3A_916 = vector.broadcast %select_n3A_764 : f32 to vector<16xf32>
        %mul3A_917 = arith.mulf %mul3A_916, %get3A_915 : vector<16xf32>
        %add3A_918 = arith.addf %scan3A_749, %mul3A_917 : vector<16xf32>
        %get3A_919 = arith.index_cast %scan3A_727 : i32 to index
        %get3A_920 = arith.constant 352 : index
        %get3A_921 = tpu.vector_load %arg6[%get3A_919, %get3A_920] {strides = array<i32>} : memref<64x512xf32, #tpu.memory_space<vmem>>, vector<1x16xf32>,
        %get3A_922 = vector.shape_cast %get3A_921 : vector<1x16xf32> to vector<16xf32>
        %mul3A_923 = vector.broadcast %select_n3A_764 : f32 to vector<16xf32>
        %mul3A_924 = arith.mulf %mul3A_923, %get3A_922 : vector<16xf32>
        %add3A_925 = arith.addf %scan3A_750, %mul3A_924 : vector<16xf32>
        %get3A_926 = arith.index_cast %scan3A_727 : i32 to index
        %get3A_927 = arith.constant 368 : index
        %get3A_928 = tpu.vector_load %arg6[%get3A_926, %get3A_927] {strides = array<i32>} : memref<64x512xf32, #tpu.memory_space<vmem>>, vector<1x16xf32>,
        %get3A_929 = vector.shape_cast %get3A_928 : vector<1x16xf32> to vector<16xf32>
        %mul3A_930 = vector.broadcast %select_n3A_764 : f32 to vector<16xf32>
        %mul3A_931 = arith.mulf %mul3A_930, %get3A_929 : vector<16xf32>
        %add3A_932 = arith.addf %scan3A_751, %mul3A_931 : vector<16xf32>
        %get3A_933 = arith.index_cast %scan3A_727 : i32 to index
        %get3A_934 = arith.constant 384 : index
        %get3A_935 = tpu.vector_load %arg6[%get3A_933, %get3A_934] {strides = array<i32>} : memref<64x512xf32, #tpu.memory_space<vmem>>, vector<1x16xf32>,
        %get3A_936 = vector.shape_cast %get3A_935 : vector<1x16xf32> to vector<16xf32>
        %mul3A_937 = vector.broadcast %select_n3A_764 : f32 to vector<16xf32>
        %mul3A_938 = arith.mulf %mul3A_937, %get3A_936 : vector<16xf32>
        %add3A_939 = arith.addf %scan3A_752, %mul3A_938 : vector<16xf32>
        %get3A_940 = arith.index_cast %scan3A_727 : i32 to index
        %get3A_941 = arith.constant 400 : index
        %get3A_942 = tpu.vector_load %arg6[%get3A_940, %get3A_941] {strides = array<i32>} : memref<64x512xf32, #tpu.memory_space<vmem>>, vector<1x16xf32>,
        %get3A_943 = vector.shape_cast %get3A_942 : vector<1x16xf32> to vector<16xf32>
        %mul3A_944 = vector.broadcast %select_n3A_764 : f32 to vector<16xf32>
        %mul3A_945 = arith.mulf %mul3A_944, %get3A_943 : vector<16xf32>
        %add3A_946 = arith.addf %scan3A_753, %mul3A_945 : vector<16xf32>
        %get3A_947 = arith.index_cast %scan3A_727 : i32 to index
        %get3A_948 = arith.constant 416 : index
        %get3A_949 = tpu.vector_load %arg6[%get3A_947, %get3A_948] {strides = array<i32>} : memref<64x512xf32, #tpu.memory_space<vmem>>, vector<1x16xf32>,
        %get3A_950 = vector.shape_cast %get3A_949 : vector<1x16xf32> to vector<16xf32>
        %mul3A_951 = vector.broadcast %select_n3A_764 : f32 to vector<16xf32>
        %mul3A_952 = arith.mulf %mul3A_951, %get3A_950 : vector<16xf32>
        %add3A_953 = arith.addf %scan3A_754, %mul3A_952 : vector<16xf32>
        %get3A_954 = arith.index_cast %scan3A_727 : i32 to index
        %get3A_955 = arith.constant 432 : index
        %get3A_956 = tpu.vector_load %arg6[%get3A_954, %get3A_955] {strides = array<i32>} : memref<64x512xf32, #tpu.memory_space<vmem>>, vector<1x16xf32>,
        %get3A_957 = vector.shape_cast %get3A_956 : vector<1x16xf32> to vector<16xf32>
        %mul3A_958 = vector.broadcast %select_n3A_764 : f32 to vector<16xf32>
        %mul3A_959 = arith.mulf %mul3A_958, %get3A_957 : vector<16xf32>
        %add3A_960 = arith.addf %scan3A_755, %mul3A_959 : vector<16xf32>
        %get3A_961 = arith.index_cast %scan3A_727 : i32 to index
        %get3A_962 = arith.constant 448 : index
        %get3A_963 = tpu.vector_load %arg6[%get3A_961, %get3A_962] {strides = array<i32>} : memref<64x512xf32, #tpu.memory_space<vmem>>, vector<1x16xf32>,
        %get3A_964 = vector.shape_cast %get3A_963 : vector<1x16xf32> to vector<16xf32>
        %mul3A_965 = vector.broadcast %select_n3A_764 : f32 to vector<16xf32>
        %mul3A_966 = arith.mulf %mul3A_965, %get3A_964 : vector<16xf32>
        %add3A_967 = arith.addf %scan3A_756, %mul3A_966 : vector<16xf32>
        %get3A_968 = arith.index_cast %scan3A_727 : i32 to index
        %get3A_969 = arith.constant 464 : index
        %get3A_970 = tpu.vector_load %arg6[%get3A_968, %get3A_969] {strides = array<i32>} : memref<64x512xf32, #tpu.memory_space<vmem>>, vector<1x16xf32>,
        %get3A_971 = vector.shape_cast %get3A_970 : vector<1x16xf32> to vector<16xf32>
        %mul3A_972 = vector.broadcast %select_n3A_764 : f32 to vector<16xf32>
        %mul3A_973 = arith.mulf %mul3A_972, %get3A_971 : vector<16xf32>
        %add3A_974 = arith.addf %scan3A_757, %mul3A_973 : vector<16xf32>
        %get3A_975 = arith.index_cast %scan3A_727 : i32 to index
        %get3A_976 = arith.constant 480 : index
        %get3A_977 = tpu.vector_load %arg6[%get3A_975, %get3A_976] {strides = array<i32>} : memref<64x512xf32, #tpu.memory_space<vmem>>, vector<1x16xf32>,
        %get3A_978 = vector.shape_cast %get3A_977 : vector<1x16xf32> to vector<16xf32>
        %mul3A_979 = vector.broadcast %select_n3A_764 : f32 to vector<16xf32>
        %mul3A_980 = arith.mulf %mul3A_979, %get3A_978 : vector<16xf32>
        %add3A_981 = arith.addf %scan3A_758, %mul3A_980 : vector<16xf32>
        %get3A_982 = arith.index_cast %scan3A_727 : i32 to index
        %get3A_983 = arith.constant 496 : index
        %get3A_984 = tpu.vector_load %arg6[%get3A_982, %get3A_983] {strides = array<i32>} : memref<64x512xf32, #tpu.memory_space<vmem>>, vector<1x16xf32>,
        %get3A_985 = vector.shape_cast %get3A_984 : vector<1x16xf32> to vector<16xf32>
        %mul3A_986 = vector.broadcast %select_n3A_764 : f32 to vector<16xf32>
        %mul3A_987 = arith.mulf %mul3A_986, %get3A_985 : vector<16xf32>
        %add3A_988 = arith.addf %scan3A_759, %mul3A_987 : vector<16xf32>
        scf.yield %add3A_771, %add3A_778, %add3A_785, %add3A_792, %add3A_799, %add3A_806, %add3A_813, %add3A_820, %add3A_827, %add3A_834, %add3A_841, %add3A_848, %add3A_855, %add3A_862, %add3A_869, %add3A_876, %add3A_883, %add3A_890, %add3A_897, %add3A_904, %add3A_911, %add3A_918, %add3A_925, %add3A_932, %add3A_939, %add3A_946, %add3A_953, %add3A_960, %add3A_967, %add3A_974, %add3A_981, %add3A_988 : vector<16xf32>, vector<16xf32>, vector<16xf32>, vector<16xf32>, vector<16xf32>, vector<16xf32>, vector<16xf32>, vector<16xf32>, vector<16xf32>, vector<16xf32>, vector<16xf32>, vector<16xf32>, vector<16xf32>, vector<16xf32>, vector<16xf32>, vector<16xf32>, vector<16xf32>, vector<16xf32>, vector<16xf32>, vector<16xf32>, vector<16xf32>, vector<16xf32>, vector<16xf32>, vector<16xf32>, vector<16xf32>, vector<16xf32>, vector<16xf32>, vector<16xf32>, vector<16xf32>, vector<16xf32>, vector<16xf32>, vector<16xf32>
      }
      %scan3A_556 = arith.constant 64 : i32
      %swap3A = arith.index_cast %get3A_546 : i32 to index
      %swap3A_557 = arith.constant 0 : index
      %swap3A_558 = tpu.vector_load %arg8[%swap3A, %swap3A_557] {strides = array<i32>} : memref<16x512xf32, #tpu.memory_space<vmem>>, vector<1x16xf32>,
      %swap3A_559 = vector.shape_cast %swap3A_558 : vector<1x16xf32> to vector<16xf32>
      %swap3A_560 = vector.shape_cast %scan3A_555#0 : vector<16xf32> to vector<1x16xf32>
      tpu.vector_store %arg8[%swap3A, %swap3A_557], %swap3A_560 {add = true, strides = array<i32>} : memref<16x512xf32, #tpu.memory_space<vmem>>, vector<1x16xf32>,
      %swap3A_561 = arith.index_cast %get3A_546 : i32 to index
      %swap3A_562 = arith.constant 16 : index
      %swap3A_563 = tpu.vector_load %arg8[%swap3A_561, %swap3A_562] {strides = array<i32>} : memref<16x512xf32, #tpu.memory_space<vmem>>, vector<1x16xf32>,
      %swap3A_564 = vector.shape_cast %swap3A_563 : vector<1x16xf32> to vector<16xf32>
      %swap3A_565 = vector.shape_cast %scan3A_555#1 : vector<16xf32> to vector<1x16xf32>
      tpu.vector_store %arg8[%swap3A_561, %swap3A_562], %swap3A_565 {add = true, strides = array<i32>} : memref<16x512xf32, #tpu.memory_space<vmem>>, vector<1x16xf32>,
      %swap3A_566 = arith.index_cast %get3A_546 : i32 to index
      %swap3A_567 = arith.constant 32 : index
      %swap3A_568 = tpu.vector_load %arg8[%swap3A_566, %swap3A_567] {strides = array<i32>} : memref<16x512xf32, #tpu.memory_space<vmem>>, vector<1x16xf32>,
      %swap3A_569 = vector.shape_cast %swap3A_568 : vector<1x16xf32> to vector<16xf32>
      %swap3A_570 = vector.shape_cast %scan3A_555#2 : vector<16xf32> to vector<1x16xf32>
      tpu.vector_store %arg8[%swap3A_566, %swap3A_567], %swap3A_570 {add = true, strides = array<i32>} : memref<16x512xf32, #tpu.memory_space<vmem>>, vector<1x16xf32>,
      %swap3A_571 = arith.index_cast %get3A_546 : i32 to index
      %swap3A_572 = arith.constant 48 : index
      %swap3A_573 = tpu.vector_load %arg8[%swap3A_571, %swap3A_572] {strides = array<i32>} : memref<16x512xf32, #tpu.memory_space<vmem>>, vector<1x16xf32>,
      %swap3A_574 = vector.shape_cast %swap3A_573 : vector<1x16xf32> to vector<16xf32>
      %swap3A_575 = vector.shape_cast %scan3A_555#3 : vector<16xf32> to vector<1x16xf32>
      tpu.vector_store %arg8[%swap3A_571, %swap3A_572], %swap3A_575 {add = true, strides = array<i32>} : memref<16x512xf32, #tpu.memory_space<vmem>>, vector<1x16xf32>,
      %swap3A_576 = arith.index_cast %get3A_546 : i32 to index
      %swap3A_577 = arith.constant 64 : index
      %swap3A_578 = tpu.vector_load %arg8[%swap3A_576, %swap3A_577] {strides = array<i32>} : memref<16x512xf32, #tpu.memory_space<vmem>>, vector<1x16xf32>,
      %swap3A_579 = vector.shape_cast %swap3A_578 : vector<1x16xf32> to vector<16xf32>
      %swap3A_580 = vector.shape_cast %scan3A_555#4 : vector<16xf32> to vector<1x16xf32>
      tpu.vector_store %arg8[%swap3A_576, %swap3A_577], %swap3A_580 {add = true, strides = array<i32>} : memref<16x512xf32, #tpu.memory_space<vmem>>, vector<1x16xf32>,
      %swap3A_581 = arith.index_cast %get3A_546 : i32 to index
      %swap3A_582 = arith.constant 80 : index
      %swap3A_583 = tpu.vector_load %arg8[%swap3A_581, %swap3A_582] {strides = array<i32>} : memref<16x512xf32, #tpu.memory_space<vmem>>, vector<1x16xf32>,
      %swap3A_584 = vector.shape_cast %swap3A_583 : vector<1x16xf32> to vector<16xf32>
      %swap3A_585 = vector.shape_cast %scan3A_555#5 : vector<16xf32> to vector<1x16xf32>
      tpu.vector_store %arg8[%swap3A_581, %swap3A_582], %swap3A_585 {add = true, strides = array<i32>} : memref<16x512xf32, #tpu.memory_space<vmem>>, vector<1x16xf32>,
      %swap3A_586 = arith.index_cast %get3A_546 : i32 to index
      %swap3A_587 = arith.constant 96 : index
      %swap3A_588 = tpu.vector_load %arg8[%swap3A_586, %swap3A_587] {strides = array<i32>} : memref<16x512xf32, #tpu.memory_space<vmem>>, vector<1x16xf32>,
      %swap3A_589 = vector.shape_cast %swap3A_588 : vector<1x16xf32> to vector<16xf32>
      %swap3A_590 = vector.shape_cast %scan3A_555#6 : vector<16xf32> to vector<1x16xf32>
      tpu.vector_store %arg8[%swap3A_586, %swap3A_587], %swap3A_590 {add = true, strides = array<i32>} : memref<16x512xf32, #tpu.memory_space<vmem>>, vector<1x16xf32>,
      %swap3A_591 = arith.index_cast %get3A_546 : i32 to index
      %swap3A_592 = arith.constant 112 : index
      %swap3A_593 = tpu.vector_load %arg8[%swap3A_591, %swap3A_592] {strides = array<i32>} : memref<16x512xf32, #tpu.memory_space<vmem>>, vector<1x16xf32>,
      %swap3A_594 = vector.shape_cast %swap3A_593 : vector<1x16xf32> to vector<16xf32>
      %swap3A_595 = vector.shape_cast %scan3A_555#7 : vector<16xf32> to vector<1x16xf32>
      tpu.vector_store %arg8[%swap3A_591, %swap3A_592], %swap3A_595 {add = true, strides = array<i32>} : memref<16x512xf32, #tpu.memory_space<vmem>>, vector<1x16xf32>,
      %swap3A_596 = arith.index_cast %get3A_546 : i32 to index
      %swap3A_597 = arith.constant 128 : index
      %swap3A_598 = tpu.vector_load %arg8[%swap3A_596, %swap3A_597] {strides = array<i32>} : memref<16x512xf32, #tpu.memory_space<vmem>>, vector<1x16xf32>,
      %swap3A_599 = vector.shape_cast %swap3A_598 : vector<1x16xf32> to vector<16xf32>
      %swap3A_600 = vector.shape_cast %scan3A_555#8 : vector<16xf32> to vector<1x16xf32>
      tpu.vector_store %arg8[%swap3A_596, %swap3A_597], %swap3A_600 {add = true, strides = array<i32>} : memref<16x512xf32, #tpu.memory_space<vmem>>, vector<1x16xf32>,
      %swap3A_601 = arith.index_cast %get3A_546 : i32 to index
      %swap3A_602 = arith.constant 144 : index
      %swap3A_603 = tpu.vector_load %arg8[%swap3A_601, %swap3A_602] {strides = array<i32>} : memref<16x512xf32, #tpu.memory_space<vmem>>, vector<1x16xf32>,
      %swap3A_604 = vector.shape_cast %swap3A_603 : vector<1x16xf32> to vector<16xf32>
      %swap3A_605 = vector.shape_cast %scan3A_555#9 : vector<16xf32> to vector<1x16xf32>
      tpu.vector_store %arg8[%swap3A_601, %swap3A_602], %swap3A_605 {add = true, strides = array<i32>} : memref<16x512xf32, #tpu.memory_space<vmem>>, vector<1x16xf32>,
      %swap3A_606 = arith.index_cast %get3A_546 : i32 to index
      %swap3A_607 = arith.constant 160 : index
      %swap3A_608 = tpu.vector_load %arg8[%swap3A_606, %swap3A_607] {strides = array<i32>} : memref<16x512xf32, #tpu.memory_space<vmem>>, vector<1x16xf32>,
      %swap3A_609 = vector.shape_cast %swap3A_608 : vector<1x16xf32> to vector<16xf32>
      %swap3A_610 = vector.shape_cast %scan3A_555#10 : vector<16xf32> to vector<1x16xf32>
      tpu.vector_store %arg8[%swap3A_606, %swap3A_607], %swap3A_610 {add = true, strides = array<i32>} : memref<16x512xf32, #tpu.memory_space<vmem>>, vector<1x16xf32>,
      %swap3A_611 = arith.index_cast %get3A_546 : i32 to index
      %swap3A_612 = arith.constant 176 : index
      %swap3A_613 = tpu.vector_load %arg8[%swap3A_611, %swap3A_612] {strides = array<i32>} : memref<16x512xf32, #tpu.memory_space<vmem>>, vector<1x16xf32>,
      %swap3A_614 = vector.shape_cast %swap3A_613 : vector<1x16xf32> to vector<16xf32>
      %swap3A_615 = vector.shape_cast %scan3A_555#11 : vector<16xf32> to vector<1x16xf32>
      tpu.vector_store %arg8[%swap3A_611, %swap3A_612], %swap3A_615 {add = true, strides = array<i32>} : memref<16x512xf32, #tpu.memory_space<vmem>>, vector<1x16xf32>,
      %swap3A_616 = arith.index_cast %get3A_546 : i32 to index
      %swap3A_617 = arith.constant 192 : index
      %swap3A_618 = tpu.vector_load %arg8[%swap3A_616, %swap3A_617] {strides = array<i32>} : memref<16x512xf32, #tpu.memory_space<vmem>>, vector<1x16xf32>,
      %swap3A_619 = vector.shape_cast %swap3A_618 : vector<1x16xf32> to vector<16xf32>
      %swap3A_620 = vector.shape_cast %scan3A_555#12 : vector<16xf32> to vector<1x16xf32>
      tpu.vector_store %arg8[%swap3A_616, %swap3A_617], %swap3A_620 {add = true, strides = array<i32>} : memref<16x512xf32, #tpu.memory_space<vmem>>, vector<1x16xf32>,
      %swap3A_621 = arith.index_cast %get3A_546 : i32 to index
      %swap3A_622 = arith.constant 208 : index
      %swap3A_623 = tpu.vector_load %arg8[%swap3A_621, %swap3A_622] {strides = array<i32>} : memref<16x512xf32, #tpu.memory_space<vmem>>, vector<1x16xf32>,
      %swap3A_624 = vector.shape_cast %swap3A_623 : vector<1x16xf32> to vector<16xf32>
      %swap3A_625 = vector.shape_cast %scan3A_555#13 : vector<16xf32> to vector<1x16xf32>
      tpu.vector_store %arg8[%swap3A_621, %swap3A_622], %swap3A_625 {add = true, strides = array<i32>} : memref<16x512xf32, #tpu.memory_space<vmem>>, vector<1x16xf32>,
      %swap3A_626 = arith.index_cast %get3A_546 : i32 to index
      %swap3A_627 = arith.constant 224 : index
      %swap3A_628 = tpu.vector_load %arg8[%swap3A_626, %swap3A_627] {strides = array<i32>} : memref<16x512xf32, #tpu.memory_space<vmem>>, vector<1x16xf32>,
      %swap3A_629 = vector.shape_cast %swap3A_628 : vector<1x16xf32> to vector<16xf32>
      %swap3A_630 = vector.shape_cast %scan3A_555#14 : vector<16xf32> to vector<1x16xf32>
      tpu.vector_store %arg8[%swap3A_626, %swap3A_627], %swap3A_630 {add = true, strides = array<i32>} : memref<16x512xf32, #tpu.memory_space<vmem>>, vector<1x16xf32>,
      %swap3A_631 = arith.index_cast %get3A_546 : i32 to index
      %swap3A_632 = arith.constant 240 : index
      %swap3A_633 = tpu.vector_load %arg8[%swap3A_631, %swap3A_632] {strides = array<i32>} : memref<16x512xf32, #tpu.memory_space<vmem>>, vector<1x16xf32>,
      %swap3A_634 = vector.shape_cast %swap3A_633 : vector<1x16xf32> to vector<16xf32>
      %swap3A_635 = vector.shape_cast %scan3A_555#15 : vector<16xf32> to vector<1x16xf32>
      tpu.vector_store %arg8[%swap3A_631, %swap3A_632], %swap3A_635 {add = true, strides = array<i32>} : memref<16x512xf32, #tpu.memory_space<vmem>>, vector<1x16xf32>,
      %swap3A_636 = arith.index_cast %get3A_546 : i32 to index
      %swap3A_637 = arith.constant 256 : index
      %swap3A_638 = tpu.vector_load %arg8[%swap3A_636, %swap3A_637] {strides = array<i32>} : memref<16x512xf32, #tpu.memory_space<vmem>>, vector<1x16xf32>,
      %swap3A_639 = vector.shape_cast %swap3A_638 : vector<1x16xf32> to vector<16xf32>
      %swap3A_640 = vector.shape_cast %scan3A_555#16 : vector<16xf32> to vector<1x16xf32>
      tpu.vector_store %arg8[%swap3A_636, %swap3A_637], %swap3A_640 {add = true, strides = array<i32>} : memref<16x512xf32, #tpu.memory_space<vmem>>, vector<1x16xf32>,
      %swap3A_641 = arith.index_cast %get3A_546 : i32 to index
      %swap3A_642 = arith.constant 272 : index
      %swap3A_643 = tpu.vector_load %arg8[%swap3A_641, %swap3A_642] {strides = array<i32>} : memref<16x512xf32, #tpu.memory_space<vmem>>, vector<1x16xf32>,
      %swap3A_644 = vector.shape_cast %swap3A_643 : vector<1x16xf32> to vector<16xf32>
      %swap3A_645 = vector.shape_cast %scan3A_555#17 : vector<16xf32> to vector<1x16xf32>
      tpu.vector_store %arg8[%swap3A_641, %swap3A_642], %swap3A_645 {add = true, strides = array<i32>} : memref<16x512xf32, #tpu.memory_space<vmem>>, vector<1x16xf32>,
      %swap3A_646 = arith.index_cast %get3A_546 : i32 to index
      %swap3A_647 = arith.constant 288 : index
      %swap3A_648 = tpu.vector_load %arg8[%swap3A_646, %swap3A_647] {strides = array<i32>} : memref<16x512xf32, #tpu.memory_space<vmem>>, vector<1x16xf32>,
      %swap3A_649 = vector.shape_cast %swap3A_648 : vector<1x16xf32> to vector<16xf32>
      %swap3A_650 = vector.shape_cast %scan3A_555#18 : vector<16xf32> to vector<1x16xf32>
      tpu.vector_store %arg8[%swap3A_646, %swap3A_647], %swap3A_650 {add = true, strides = array<i32>} : memref<16x512xf32, #tpu.memory_space<vmem>>, vector<1x16xf32>,
      %swap3A_651 = arith.index_cast %get3A_546 : i32 to index
      %swap3A_652 = arith.constant 304 : index
      %swap3A_653 = tpu.vector_load %arg8[%swap3A_651, %swap3A_652] {strides = array<i32>} : memref<16x512xf32, #tpu.memory_space<vmem>>, vector<1x16xf32>,
      %swap3A_654 = vector.shape_cast %swap3A_653 : vector<1x16xf32> to vector<16xf32>
      %swap3A_655 = vector.shape_cast %scan3A_555#19 : vector<16xf32> to vector<1x16xf32>
      tpu.vector_store %arg8[%swap3A_651, %swap3A_652], %swap3A_655 {add = true, strides = array<i32>} : memref<16x512xf32, #tpu.memory_space<vmem>>, vector<1x16xf32>,
      %swap3A_656 = arith.index_cast %get3A_546 : i32 to index
      %swap3A_657 = arith.constant 320 : index
      %swap3A_658 = tpu.vector_load %arg8[%swap3A_656, %swap3A_657] {strides = array<i32>} : memref<16x512xf32, #tpu.memory_space<vmem>>, vector<1x16xf32>,
      %swap3A_659 = vector.shape_cast %swap3A_658 : vector<1x16xf32> to vector<16xf32>
      %swap3A_660 = vector.shape_cast %scan3A_555#20 : vector<16xf32> to vector<1x16xf32>
      tpu.vector_store %arg8[%swap3A_656, %swap3A_657], %swap3A_660 {add = true, strides = array<i32>} : memref<16x512xf32, #tpu.memory_space<vmem>>, vector<1x16xf32>,
      %swap3A_661 = arith.index_cast %get3A_546 : i32 to index
      %swap3A_662 = arith.constant 336 : index
      %swap3A_663 = tpu.vector_load %arg8[%swap3A_661, %swap3A_662] {strides = array<i32>} : memref<16x512xf32, #tpu.memory_space<vmem>>, vector<1x16xf32>,
      %swap3A_664 = vector.shape_cast %swap3A_663 : vector<1x16xf32> to vector<16xf32>
      %swap3A_665 = vector.shape_cast %scan3A_555#21 : vector<16xf32> to vector<1x16xf32>
      tpu.vector_store %arg8[%swap3A_661, %swap3A_662], %swap3A_665 {add = true, strides = array<i32>} : memref<16x512xf32, #tpu.memory_space<vmem>>, vector<1x16xf32>,
      %swap3A_666 = arith.index_cast %get3A_546 : i32 to index
      %swap3A_667 = arith.constant 352 : index
      %swap3A_668 = tpu.vector_load %arg8[%swap3A_666, %swap3A_667] {strides = array<i32>} : memref<16x512xf32, #tpu.memory_space<vmem>>, vector<1x16xf32>,
      %swap3A_669 = vector.shape_cast %swap3A_668 : vector<1x16xf32> to vector<16xf32>
      %swap3A_670 = vector.shape_cast %scan3A_555#22 : vector<16xf32> to vector<1x16xf32>
      tpu.vector_store %arg8[%swap3A_666, %swap3A_667], %swap3A_670 {add = true, strides = array<i32>} : memref<16x512xf32, #tpu.memory_space<vmem>>, vector<1x16xf32>,
      %swap3A_671 = arith.index_cast %get3A_546 : i32 to index
      %swap3A_672 = arith.constant 368 : index
      %swap3A_673 = tpu.vector_load %arg8[%swap3A_671, %swap3A_672] {strides = array<i32>} : memref<16x512xf32, #tpu.memory_space<vmem>>, vector<1x16xf32>,
      %swap3A_674 = vector.shape_cast %swap3A_673 : vector<1x16xf32> to vector<16xf32>
      %swap3A_675 = vector.shape_cast %scan3A_555#23 : vector<16xf32> to vector<1x16xf32>
      tpu.vector_store %arg8[%swap3A_671, %swap3A_672], %swap3A_675 {add = true, strides = array<i32>} : memref<16x512xf32, #tpu.memory_space<vmem>>, vector<1x16xf32>,
      %swap3A_676 = arith.index_cast %get3A_546 : i32 to index
      %swap3A_677 = arith.constant 384 : index
      %swap3A_678 = tpu.vector_load %arg8[%swap3A_676, %swap3A_677] {strides = array<i32>} : memref<16x512xf32, #tpu.memory_space<vmem>>, vector<1x16xf32>,
      %swap3A_679 = vector.shape_cast %swap3A_678 : vector<1x16xf32> to vector<16xf32>
      %swap3A_680 = vector.shape_cast %scan3A_555#24 : vector<16xf32> to vector<1x16xf32>
      tpu.vector_store %arg8[%swap3A_676, %swap3A_677], %swap3A_680 {add = true, strides = array<i32>} : memref<16x512xf32, #tpu.memory_space<vmem>>, vector<1x16xf32>,
      %swap3A_681 = arith.index_cast %get3A_546 : i32 to index
      %swap3A_682 = arith.constant 400 : index
      %swap3A_683 = tpu.vector_load %arg8[%swap3A_681, %swap3A_682] {strides = array<i32>} : memref<16x512xf32, #tpu.memory_space<vmem>>, vector<1x16xf32>,
      %swap3A_684 = vector.shape_cast %swap3A_683 : vector<1x16xf32> to vector<16xf32>
      %swap3A_685 = vector.shape_cast %scan3A_555#25 : vector<16xf32> to vector<1x16xf32>
      tpu.vector_store %arg8[%swap3A_681, %swap3A_682], %swap3A_685 {add = true, strides = array<i32>} : memref<16x512xf32, #tpu.memory_space<vmem>>, vector<1x16xf32>,
      %swap3A_686 = arith.index_cast %get3A_546 : i32 to index
      %swap3A_687 = arith.constant 416 : index
      %swap3A_688 = tpu.vector_load %arg8[%swap3A_686, %swap3A_687] {strides = array<i32>} : memref<16x512xf32, #tpu.memory_space<vmem>>, vector<1x16xf32>,
      %swap3A_689 = vector.shape_cast %swap3A_688 : vector<1x16xf32> to vector<16xf32>
      %swap3A_690 = vector.shape_cast %scan3A_555#26 : vector<16xf32> to vector<1x16xf32>
      tpu.vector_store %arg8[%swap3A_686, %swap3A_687], %swap3A_690 {add = true, strides = array<i32>} : memref<16x512xf32, #tpu.memory_space<vmem>>, vector<1x16xf32>,
      %swap3A_691 = arith.index_cast %get3A_546 : i32 to index
      %swap3A_692 = arith.constant 432 : index
      %swap3A_693 = tpu.vector_load %arg8[%swap3A_691, %swap3A_692] {strides = array<i32>} : memref<16x512xf32, #tpu.memory_space<vmem>>, vector<1x16xf32>,
      %swap3A_694 = vector.shape_cast %swap3A_693 : vector<1x16xf32> to vector<16xf32>
      %swap3A_695 = vector.shape_cast %scan3A_555#27 : vector<16xf32> to vector<1x16xf32>
      tpu.vector_store %arg8[%swap3A_691, %swap3A_692], %swap3A_695 {add = true, strides = array<i32>} : memref<16x512xf32, #tpu.memory_space<vmem>>, vector<1x16xf32>,
      %swap3A_696 = arith.index_cast %get3A_546 : i32 to index
      %swap3A_697 = arith.constant 448 : index
      %swap3A_698 = tpu.vector_load %arg8[%swap3A_696, %swap3A_697] {strides = array<i32>} : memref<16x512xf32, #tpu.memory_space<vmem>>, vector<1x16xf32>,
      %swap3A_699 = vector.shape_cast %swap3A_698 : vector<1x16xf32> to vector<16xf32>
      %swap3A_700 = vector.shape_cast %scan3A_555#28 : vector<16xf32> to vector<1x16xf32>
      tpu.vector_store %arg8[%swap3A_696, %swap3A_697], %swap3A_700 {add = true, strides = array<i32>} : memref<16x512xf32, #tpu.memory_space<vmem>>, vector<1x16xf32>,
      %swap3A_701 = arith.index_cast %get3A_546 : i32 to index
      %swap3A_702 = arith.constant 464 : index
      %swap3A_703 = tpu.vector_load %arg8[%swap3A_701, %swap3A_702] {strides = array<i32>} : memref<16x512xf32, #tpu.memory_space<vmem>>, vector<1x16xf32>,
      %swap3A_704 = vector.shape_cast %swap3A_703 : vector<1x16xf32> to vector<16xf32>
      %swap3A_705 = vector.shape_cast %scan3A_555#29 : vector<16xf32> to vector<1x16xf32>
      tpu.vector_store %arg8[%swap3A_701, %swap3A_702], %swap3A_705 {add = true, strides = array<i32>} : memref<16x512xf32, #tpu.memory_space<vmem>>, vector<1x16xf32>,
      %swap3A_706 = arith.index_cast %get3A_546 : i32 to index
      %swap3A_707 = arith.constant 480 : index
      %swap3A_708 = tpu.vector_load %arg8[%swap3A_706, %swap3A_707] {strides = array<i32>} : memref<16x512xf32, #tpu.memory_space<vmem>>, vector<1x16xf32>,
      %swap3A_709 = vector.shape_cast %swap3A_708 : vector<1x16xf32> to vector<16xf32>
      %swap3A_710 = vector.shape_cast %scan3A_555#30 : vector<16xf32> to vector<1x16xf32>
      tpu.vector_store %arg8[%swap3A_706, %swap3A_707], %swap3A_710 {add = true, strides = array<i32>} : memref<16x512xf32, #tpu.memory_space<vmem>>, vector<1x16xf32>,
      %swap3A_711 = arith.index_cast %get3A_546 : i32 to index
      %swap3A_712 = arith.constant 496 : index
      %swap3A_713 = tpu.vector_load %arg8[%swap3A_711, %swap3A_712] {strides = array<i32>} : memref<16x512xf32, #tpu.memory_space<vmem>>, vector<1x16xf32>,
      %swap3A_714 = vector.shape_cast %swap3A_713 : vector<1x16xf32> to vector<16xf32>
      %swap3A_715 = vector.shape_cast %scan3A_555#31 : vector<16xf32> to vector<1x16xf32>
      tpu.vector_store %arg8[%swap3A_711, %swap3A_712], %swap3A_715 {add = true, strides = array<i32>} : memref<16x512xf32, #tpu.memory_space<vmem>>, vector<1x16xf32>,
      %add3A_716 = arith.constant 1 : i32
      %add3A_717 = arith.addi %add3A_532, %add3A_716 : i32
      %lt3A_718 = arith.cmpi slt, %add3A_717, %while3A_500 : i32
      %convert_element_type3A_719 = arith.extui %lt3A_718 : i1 to i32
      %cond3A_720 = arith.constant 0 : i32
      %cond3A_721 = arith.cmpi ne, %convert_element_type3A_719, %cond3A_720 : i32
      scf.if %cond3A_721 {
        %add3A_727 = arith.constant 1 : i32
        %add3A_728 = arith.addi %add3A_532, %add3A_727 : i32
        %get3A_729 = arith.index_cast %add3A_728 : i32 to index
        %get3A_730 = memref.load %arg9[%get3A_729] : memref<22xi32, #tpu.memory_space<smem>>
        %mul3A_731 = arith.constant 8 : i32
        %mul3A_732 = arith.muli %get3A_730, %mul3A_731 : i32
        %dma_start3A = arith.constant 0 : i32
        %dma_start3A_733 = tpu.memref_slice %arg3[%mul3A_732, %dma_start3A] : memref<32768x512xf32, #tpu.memory_space<hbm>> -> memref<64x512xf32, #tpu.memory_space<hbm>>
        %dma_start3A_734 = arith.constant 0 : i32
        %dma_start3A_735 = tpu.memref_slice %arg3[%mul3A_732, %dma_start3A_734] : memref<32768x512xf32, #tpu.memory_space<hbm>> -> memref<64x512xf32, #tpu.memory_space<hbm>>
        tpu.enqueue_dma source(%dma_start3A_735 : memref<64x512xf32, #tpu.memory_space<hbm>>) target(%arg6 : memref<64x512xf32, #tpu.memory_space<vmem>>) target_semaphore(%arg13 : memref<!tpu.dma_semaphore, #tpu.memory_space<semaphore_mem>>)
      } else {
      }
      %lt3A_722 = arith.cmpi slt, %add3A_532, %while3A_500 : i32
      %convert_element_type3A_723 = arith.extui %lt3A_722 : i1 to i32
      %cond3A_724 = arith.constant 0 : i32
      %cond3A_725 = arith.cmpi ne, %convert_element_type3A_723, %cond3A_724 : i32
      scf.if %cond3A_725 {
        %dma_wait3A_727 = arith.constant 0 : i32
        %dma_wait3A_728 = arith.constant 0 : i32
        %dma_wait3A_729 = tpu.memref_slice %arg3[%dma_wait3A_727, %dma_wait3A_728] : memref<32768x512xf32, #tpu.memory_space<hbm>> -> memref<64x512xf32, #tpu.memory_space<hbm>>
        %dma_wait3A_730 = arith.constant 0 : i32
        %dma_wait3A_731 = arith.constant 0 : i32
        %dma_wait3A_732 = tpu.memref_slice %arg3[%dma_wait3A_730, %dma_wait3A_731] : memref<32768x512xf32, #tpu.memory_space<hbm>> -> memref<64x512xf32, #tpu.memory_space<hbm>>
        tpu.wait_dma2 semaphore(%arg14 : memref<!tpu.dma_semaphore, #tpu.memory_space<semaphore_mem>>) src(%dma_wait3A_732 : memref<64x512xf32, #tpu.memory_space<hbm>>) dst(%arg7 : memref<64x512xf32, #tpu.memory_space<vmem>>)
        %get3A_733 = arith.index_cast %add3A_532 : i32 to index
        %get3A_734 = memref.load %arg10[%get3A_733] : memref<22xi32, #tpu.memory_space<smem>>
        %get3A_735 = arith.index_cast %add3A_532 : i32 to index
        %get3A_736 = memref.load %arg11[%get3A_735] : memref<22xi32, #tpu.memory_space<smem>>
        %get3A_737 = arith.index_cast %add3A_532 : i32 to index
        %get3A_738 = memref.load %arg12[%get3A_737] : memref<22xi32, #tpu.memory_space<smem>>
        %get3A_739 = arith.index_cast %add3A_532 : i32 to index
        %get3A_740 = memref.load %arg9[%get3A_739] : memref<22xi32, #tpu.memory_space<smem>>
        %mul3A_741 = arith.constant 8 : i32
        %mul3A_742 = arith.muli %get3A_740, %mul3A_741 : i32
        %scan3A_743 = arith.constant 0 : i32
        %scan3A_744 = arith.constant 64 : i32
        %scan3A_745 = arith.addi %scan3A_743, %scan3A_744 : i32
        %scan3A_746 = arith.constant 1 : i32
        %scan3A_747:32 = scf.for %scan3A_909 = %scan3A_743 to %scan3A_745 step %scan3A_746 iter_args(%scan3A_910 = %broadcast_in_dim3A_501, %scan3A_911 = %broadcast_in_dim3A_501, %scan3A_912 = %broadcast_in_dim3A_501, %scan3A_913 = %broadcast_in_dim3A_501, %scan3A_914 = %broadcast_in_dim3A_501, %scan3A_915 = %broadcast_in_dim3A_501, %scan3A_916 = %broadcast_in_dim3A_501, %scan3A_917 = %broadcast_in_dim3A_501, %scan3A_918 = %broadcast_in_dim3A_501, %scan3A_919 = %broadcast_in_dim3A_501, %scan3A_920 = %broadcast_in_dim3A_501, %scan3A_921 = %broadcast_in_dim3A_501, %scan3A_922 = %broadcast_in_dim3A_501, %scan3A_923 = %broadcast_in_dim3A_501, %scan3A_924 = %broadcast_in_dim3A_501, %scan3A_925 = %broadcast_in_dim3A_501, %scan3A_926 = %broadcast_in_dim3A_501, %scan3A_927 = %broadcast_in_dim3A_501, %scan3A_928 = %broadcast_in_dim3A_501, %scan3A_929 = %broadcast_in_dim3A_501, %scan3A_930 = %broadcast_in_dim3A_501, %scan3A_931 = %broadcast_in_dim3A_501, %scan3A_932 = %broadcast_in_dim3A_501, %scan3A_933 = %broadcast_in_dim3A_501, %scan3A_934 = %broadcast_in_dim3A_501, %scan3A_935 = %broadcast_in_dim3A_501, %scan3A_936 = %broadcast_in_dim3A_501, %scan3A_937 = %broadcast_in_dim3A_501, %scan3A_938 = %broadcast_in_dim3A_501, %scan3A_939 = %broadcast_in_dim3A_501, %scan3A_940 = %broadcast_in_dim3A_501, %scan3A_941 = %broadcast_in_dim3A_501) -> (vector<16xf32>, vector<16xf32>, vector<16xf32>, vector<16xf32>, vector<16xf32>, vector<16xf32>, vector<16xf32>, vector<16xf32>, vector<16xf32>, vector<16xf32>, vector<16xf32>, vector<16xf32>, vector<16xf32>, vector<16xf32>, vector<16xf32>, vector<16xf32>, vector<16xf32>, vector<16xf32>, vector<16xf32>, vector<16xf32>, vector<16xf32>, vector<16xf32>, vector<16xf32>, vector<16xf32>, vector<16xf32>, vector<16xf32>, vector<16xf32>, vector<16xf32>, vector<16xf32>, vector<16xf32>, vector<16xf32>, vector<16xf32>)  : i32 {
          %add3A_942 = arith.addi %mul3A_742, %scan3A_909 : i32
          %ge3A = arith.cmpi sge, %add3A_942, %get3A_734 : i32
          %lt3A_943 = arith.cmpi slt, %add3A_942, %get3A_736 : i32
          %and3A = arith.andi %ge3A, %lt3A_943 : i1
          %jit3A_944 = arith.constant 1.000000e+00 : f32
          %jit3A_945 = arith.constant 0.000000e+00 : f32
          %select_n3A_946 = arith.select %and3A, %jit3A_944, %jit3A_945 : f32
          %get3A_947 = arith.index_cast %scan3A_909 : i32 to index
          %get3A_948 = arith.constant 0 : index
          %get3A_949 = tpu.vector_load %arg7[%get3A_947, %get3A_948] {strides = array<i32>} : memref<64x512xf32, #tpu.memory_space<vmem>>, vector<1x16xf32>,
          %get3A_950 = vector.shape_cast %get3A_949 : vector<1x16xf32> to vector<16xf32>
          %mul3A_951 = vector.broadcast %select_n3A_946 : f32 to vector<16xf32>
          %mul3A_952 = arith.mulf %mul3A_951, %get3A_950 : vector<16xf32>
          %add3A_953 = arith.addf %scan3A_910, %mul3A_952 : vector<16xf32>
          %get3A_954 = arith.index_cast %scan3A_909 : i32 to index
          %get3A_955 = arith.constant 16 : index
          %get3A_956 = tpu.vector_load %arg7[%get3A_954, %get3A_955] {strides = array<i32>} : memref<64x512xf32, #tpu.memory_space<vmem>>, vector<1x16xf32>,
          %get3A_957 = vector.shape_cast %get3A_956 : vector<1x16xf32> to vector<16xf32>
          %mul3A_958 = vector.broadcast %select_n3A_946 : f32 to vector<16xf32>
          %mul3A_959 = arith.mulf %mul3A_958, %get3A_957 : vector<16xf32>
          %add3A_960 = arith.addf %scan3A_911, %mul3A_959 : vector<16xf32>
          %get3A_961 = arith.index_cast %scan3A_909 : i32 to index
          %get3A_962 = arith.constant 32 : index
          %get3A_963 = tpu.vector_load %arg7[%get3A_961, %get3A_962] {strides = array<i32>} : memref<64x512xf32, #tpu.memory_space<vmem>>, vector<1x16xf32>,
          %get3A_964 = vector.shape_cast %get3A_963 : vector<1x16xf32> to vector<16xf32>
          %mul3A_965 = vector.broadcast %select_n3A_946 : f32 to vector<16xf32>
          %mul3A_966 = arith.mulf %mul3A_965, %get3A_964 : vector<16xf32>
          %add3A_967 = arith.addf %scan3A_912, %mul3A_966 : vector<16xf32>
          %get3A_968 = arith.index_cast %scan3A_909 : i32 to index
          %get3A_969 = arith.constant 48 : index
          %get3A_970 = tpu.vector_load %arg7[%get3A_968, %get3A_969] {strides = array<i32>} : memref<64x512xf32, #tpu.memory_space<vmem>>, vector<1x16xf32>,
          %get3A_971 = vector.shape_cast %get3A_970 : vector<1x16xf32> to vector<16xf32>
          %mul3A_972 = vector.broadcast %select_n3A_946 : f32 to vector<16xf32>
          %mul3A_973 = arith.mulf %mul3A_972, %get3A_971 : vector<16xf32>
          %add3A_974 = arith.addf %scan3A_913, %mul3A_973 : vector<16xf32>
          %get3A_975 = arith.index_cast %scan3A_909 : i32 to index
          %get3A_976 = arith.constant 64 : index
          %get3A_977 = tpu.vector_load %arg7[%get3A_975, %get3A_976] {strides = array<i32>} : memref<64x512xf32, #tpu.memory_space<vmem>>, vector<1x16xf32>,
          %get3A_978 = vector.shape_cast %get3A_977 : vector<1x16xf32> to vector<16xf32>
          %mul3A_979 = vector.broadcast %select_n3A_946 : f32 to vector<16xf32>
          %mul3A_980 = arith.mulf %mul3A_979, %get3A_978 : vector<16xf32>
          %add3A_981 = arith.addf %scan3A_914, %mul3A_980 : vector<16xf32>
          %get3A_982 = arith.index_cast %scan3A_909 : i32 to index
          %get3A_983 = arith.constant 80 : index
          %get3A_984 = tpu.vector_load %arg7[%get3A_982, %get3A_983] {strides = array<i32>} : memref<64x512xf32, #tpu.memory_space<vmem>>, vector<1x16xf32>,
          %get3A_985 = vector.shape_cast %get3A_984 : vector<1x16xf32> to vector<16xf32>
          %mul3A_986 = vector.broadcast %select_n3A_946 : f32 to vector<16xf32>
          %mul3A_987 = arith.mulf %mul3A_986, %get3A_985 : vector<16xf32>
          %add3A_988 = arith.addf %scan3A_915, %mul3A_987 : vector<16xf32>
          %get3A_989 = arith.index_cast %scan3A_909 : i32 to index
          %get3A_990 = arith.constant 96 : index
          %get3A_991 = tpu.vector_load %arg7[%get3A_989, %get3A_990] {strides = array<i32>} : memref<64x512xf32, #tpu.memory_space<vmem>>, vector<1x16xf32>,
          %get3A_992 = vector.shape_cast %get3A_991 : vector<1x16xf32> to vector<16xf32>
          %mul3A_993 = vector.broadcast %select_n3A_946 : f32 to vector<16xf32>
          %mul3A_994 = arith.mulf %mul3A_993, %get3A_992 : vector<16xf32>
          %add3A_995 = arith.addf %scan3A_916, %mul3A_994 : vector<16xf32>
          %get3A_996 = arith.index_cast %scan3A_909 : i32 to index
          %get3A_997 = arith.constant 112 : index
          %get3A_998 = tpu.vector_load %arg7[%get3A_996, %get3A_997] {strides = array<i32>} : memref<64x512xf32, #tpu.memory_space<vmem>>, vector<1x16xf32>,
          %get3A_999 = vector.shape_cast %get3A_998 : vector<1x16xf32> to vector<16xf32>
          %mul3A_1000 = vector.broadcast %select_n3A_946 : f32 to vector<16xf32>
          %mul3A_1001 = arith.mulf %mul3A_1000, %get3A_999 : vector<16xf32>
          %add3A_1002 = arith.addf %scan3A_917, %mul3A_1001 : vector<16xf32>
          %get3A_1003 = arith.index_cast %scan3A_909 : i32 to index
          %get3A_1004 = arith.constant 128 : index
          %get3A_1005 = tpu.vector_load %arg7[%get3A_1003, %get3A_1004] {strides = array<i32>} : memref<64x512xf32, #tpu.memory_space<vmem>>, vector<1x16xf32>,
          %get3A_1006 = vector.shape_cast %get3A_1005 : vector<1x16xf32> to vector<16xf32>
          %mul3A_1007 = vector.broadcast %select_n3A_946 : f32 to vector<16xf32>
          %mul3A_1008 = arith.mulf %mul3A_1007, %get3A_1006 : vector<16xf32>
          %add3A_1009 = arith.addf %scan3A_918, %mul3A_1008 : vector<16xf32>
          %get3A_1010 = arith.index_cast %scan3A_909 : i32 to index
          %get3A_1011 = arith.constant 144 : index
          %get3A_1012 = tpu.vector_load %arg7[%get3A_1010, %get3A_1011] {strides = array<i32>} : memref<64x512xf32, #tpu.memory_space<vmem>>, vector<1x16xf32>,
          %get3A_1013 = vector.shape_cast %get3A_1012 : vector<1x16xf32> to vector<16xf32>
          %mul3A_1014 = vector.broadcast %select_n3A_946 : f32 to vector<16xf32>
          %mul3A_1015 = arith.mulf %mul3A_1014, %get3A_1013 : vector<16xf32>
          %add3A_1016 = arith.addf %scan3A_919, %mul3A_1015 : vector<16xf32>
          %get3A_1017 = arith.index_cast %scan3A_909 : i32 to index
          %get3A_1018 = arith.constant 160 : index
          %get3A_1019 = tpu.vector_load %arg7[%get3A_1017, %get3A_1018] {strides = array<i32>} : memref<64x512xf32, #tpu.memory_space<vmem>>, vector<1x16xf32>,
          %get3A_1020 = vector.shape_cast %get3A_1019 : vector<1x16xf32> to vector<16xf32>
          %mul3A_1021 = vector.broadcast %select_n3A_946 : f32 to vector<16xf32>
          %mul3A_1022 = arith.mulf %mul3A_1021, %get3A_1020 : vector<16xf32>
          %add3A_1023 = arith.addf %scan3A_920, %mul3A_1022 : vector<16xf32>
          %get3A_1024 = arith.index_cast %scan3A_909 : i32 to index
          %get3A_1025 = arith.constant 176 : index
          %get3A_1026 = tpu.vector_load %arg7[%get3A_1024, %get3A_1025] {strides = array<i32>} : memref<64x512xf32, #tpu.memory_space<vmem>>, vector<1x16xf32>,
          %get3A_1027 = vector.shape_cast %get3A_1026 : vector<1x16xf32> to vector<16xf32>
          %mul3A_1028 = vector.broadcast %select_n3A_946 : f32 to vector<16xf32>
          %mul3A_1029 = arith.mulf %mul3A_1028, %get3A_1027 : vector<16xf32>
          %add3A_1030 = arith.addf %scan3A_921, %mul3A_1029 : vector<16xf32>
          %get3A_1031 = arith.index_cast %scan3A_909 : i32 to index
          %get3A_1032 = arith.constant 192 : index
          %get3A_1033 = tpu.vector_load %arg7[%get3A_1031, %get3A_1032] {strides = array<i32>} : memref<64x512xf32, #tpu.memory_space<vmem>>, vector<1x16xf32>,
          %get3A_1034 = vector.shape_cast %get3A_1033 : vector<1x16xf32> to vector<16xf32>
          %mul3A_1035 = vector.broadcast %select_n3A_946 : f32 to vector<16xf32>
          %mul3A_1036 = arith.mulf %mul3A_1035, %get3A_1034 : vector<16xf32>
          %add3A_1037 = arith.addf %scan3A_922, %mul3A_1036 : vector<16xf32>
          %get3A_1038 = arith.index_cast %scan3A_909 : i32 to index
          %get3A_1039 = arith.constant 208 : index
          %get3A_1040 = tpu.vector_load %arg7[%get3A_1038, %get3A_1039] {strides = array<i32>} : memref<64x512xf32, #tpu.memory_space<vmem>>, vector<1x16xf32>,
          %get3A_1041 = vector.shape_cast %get3A_1040 : vector<1x16xf32> to vector<16xf32>
          %mul3A_1042 = vector.broadcast %select_n3A_946 : f32 to vector<16xf32>
          %mul3A_1043 = arith.mulf %mul3A_1042, %get3A_1041 : vector<16xf32>
          %add3A_1044 = arith.addf %scan3A_923, %mul3A_1043 : vector<16xf32>
          %get3A_1045 = arith.index_cast %scan3A_909 : i32 to index
          %get3A_1046 = arith.constant 224 : index
          %get3A_1047 = tpu.vector_load %arg7[%get3A_1045, %get3A_1046] {strides = array<i32>} : memref<64x512xf32, #tpu.memory_space<vmem>>, vector<1x16xf32>,
          %get3A_1048 = vector.shape_cast %get3A_1047 : vector<1x16xf32> to vector<16xf32>
          %mul3A_1049 = vector.broadcast %select_n3A_946 : f32 to vector<16xf32>
          %mul3A_1050 = arith.mulf %mul3A_1049, %get3A_1048 : vector<16xf32>
          %add3A_1051 = arith.addf %scan3A_924, %mul3A_1050 : vector<16xf32>
          %get3A_1052 = arith.index_cast %scan3A_909 : i32 to index
          %get3A_1053 = arith.constant 240 : index
          %get3A_1054 = tpu.vector_load %arg7[%get3A_1052, %get3A_1053] {strides = array<i32>} : memref<64x512xf32, #tpu.memory_space<vmem>>, vector<1x16xf32>,
          %get3A_1055 = vector.shape_cast %get3A_1054 : vector<1x16xf32> to vector<16xf32>
          %mul3A_1056 = vector.broadcast %select_n3A_946 : f32 to vector<16xf32>
          %mul3A_1057 = arith.mulf %mul3A_1056, %get3A_1055 : vector<16xf32>
          %add3A_1058 = arith.addf %scan3A_925, %mul3A_1057 : vector<16xf32>
          %get3A_1059 = arith.index_cast %scan3A_909 : i32 to index
          %get3A_1060 = arith.constant 256 : index
          %get3A_1061 = tpu.vector_load %arg7[%get3A_1059, %get3A_1060] {strides = array<i32>} : memref<64x512xf32, #tpu.memory_space<vmem>>, vector<1x16xf32>,
          %get3A_1062 = vector.shape_cast %get3A_1061 : vector<1x16xf32> to vector<16xf32>
          %mul3A_1063 = vector.broadcast %select_n3A_946 : f32 to vector<16xf32>
          %mul3A_1064 = arith.mulf %mul3A_1063, %get3A_1062 : vector<16xf32>
          %add3A_1065 = arith.addf %scan3A_926, %mul3A_1064 : vector<16xf32>
          %get3A_1066 = arith.index_cast %scan3A_909 : i32 to index
          %get3A_1067 = arith.constant 272 : index
          %get3A_1068 = tpu.vector_load %arg7[%get3A_1066, %get3A_1067] {strides = array<i32>} : memref<64x512xf32, #tpu.memory_space<vmem>>, vector<1x16xf32>,
          %get3A_1069 = vector.shape_cast %get3A_1068 : vector<1x16xf32> to vector<16xf32>
          %mul3A_1070 = vector.broadcast %select_n3A_946 : f32 to vector<16xf32>
          %mul3A_1071 = arith.mulf %mul3A_1070, %get3A_1069 : vector<16xf32>
          %add3A_1072 = arith.addf %scan3A_927, %mul3A_1071 : vector<16xf32>
          %get3A_1073 = arith.index_cast %scan3A_909 : i32 to index
          %get3A_1074 = arith.constant 288 : index
          %get3A_1075 = tpu.vector_load %arg7[%get3A_1073, %get3A_1074] {strides = array<i32>} : memref<64x512xf32, #tpu.memory_space<vmem>>, vector<1x16xf32>,
          %get3A_1076 = vector.shape_cast %get3A_1075 : vector<1x16xf32> to vector<16xf32>
          %mul3A_1077 = vector.broadcast %select_n3A_946 : f32 to vector<16xf32>
          %mul3A_1078 = arith.mulf %mul3A_1077, %get3A_1076 : vector<16xf32>
          %add3A_1079 = arith.addf %scan3A_928, %mul3A_1078 : vector<16xf32>
          %get3A_1080 = arith.index_cast %scan3A_909 : i32 to index
          %get3A_1081 = arith.constant 304 : index
          %get3A_1082 = tpu.vector_load %arg7[%get3A_1080, %get3A_1081] {strides = array<i32>} : memref<64x512xf32, #tpu.memory_space<vmem>>, vector<1x16xf32>,
          %get3A_1083 = vector.shape_cast %get3A_1082 : vector<1x16xf32> to vector<16xf32>
          %mul3A_1084 = vector.broadcast %select_n3A_946 : f32 to vector<16xf32>
          %mul3A_1085 = arith.mulf %mul3A_1084, %get3A_1083 : vector<16xf32>
          %add3A_1086 = arith.addf %scan3A_929, %mul3A_1085 : vector<16xf32>
          %get3A_1087 = arith.index_cast %scan3A_909 : i32 to index
          %get3A_1088 = arith.constant 320 : index
          %get3A_1089 = tpu.vector_load %arg7[%get3A_1087, %get3A_1088] {strides = array<i32>} : memref<64x512xf32, #tpu.memory_space<vmem>>, vector<1x16xf32>,
          %get3A_1090 = vector.shape_cast %get3A_1089 : vector<1x16xf32> to vector<16xf32>
          %mul3A_1091 = vector.broadcast %select_n3A_946 : f32 to vector<16xf32>
          %mul3A_1092 = arith.mulf %mul3A_1091, %get3A_1090 : vector<16xf32>
          %add3A_1093 = arith.addf %scan3A_930, %mul3A_1092 : vector<16xf32>
          %get3A_1094 = arith.index_cast %scan3A_909 : i32 to index
          %get3A_1095 = arith.constant 336 : index
          %get3A_1096 = tpu.vector_load %arg7[%get3A_1094, %get3A_1095] {strides = array<i32>} : memref<64x512xf32, #tpu.memory_space<vmem>>, vector<1x16xf32>,
          %get3A_1097 = vector.shape_cast %get3A_1096 : vector<1x16xf32> to vector<16xf32>
          %mul3A_1098 = vector.broadcast %select_n3A_946 : f32 to vector<16xf32>
          %mul3A_1099 = arith.mulf %mul3A_1098, %get3A_1097 : vector<16xf32>
          %add3A_1100 = arith.addf %scan3A_931, %mul3A_1099 : vector<16xf32>
          %get3A_1101 = arith.index_cast %scan3A_909 : i32 to index
          %get3A_1102 = arith.constant 352 : index
          %get3A_1103 = tpu.vector_load %arg7[%get3A_1101, %get3A_1102] {strides = array<i32>} : memref<64x512xf32, #tpu.memory_space<vmem>>, vector<1x16xf32>,
          %get3A_1104 = vector.shape_cast %get3A_1103 : vector<1x16xf32> to vector<16xf32>
          %mul3A_1105 = vector.broadcast %select_n3A_946 : f32 to vector<16xf32>
          %mul3A_1106 = arith.mulf %mul3A_1105, %get3A_1104 : vector<16xf32>
          %add3A_1107 = arith.addf %scan3A_932, %mul3A_1106 : vector<16xf32>
          %get3A_1108 = arith.index_cast %scan3A_909 : i32 to index
          %get3A_1109 = arith.constant 368 : index
          %get3A_1110 = tpu.vector_load %arg7[%get3A_1108, %get3A_1109] {strides = array<i32>} : memref<64x512xf32, #tpu.memory_space<vmem>>, vector<1x16xf32>,
          %get3A_1111 = vector.shape_cast %get3A_1110 : vector<1x16xf32> to vector<16xf32>
          %mul3A_1112 = vector.broadcast %select_n3A_946 : f32 to vector<16xf32>
          %mul3A_1113 = arith.mulf %mul3A_1112, %get3A_1111 : vector<16xf32>
          %add3A_1114 = arith.addf %scan3A_933, %mul3A_1113 : vector<16xf32>
          %get3A_1115 = arith.index_cast %scan3A_909 : i32 to index
          %get3A_1116 = arith.constant 384 : index
          %get3A_1117 = tpu.vector_load %arg7[%get3A_1115, %get3A_1116] {strides = array<i32>} : memref<64x512xf32, #tpu.memory_space<vmem>>, vector<1x16xf32>,
          %get3A_1118 = vector.shape_cast %get3A_1117 : vector<1x16xf32> to vector<16xf32>
          %mul3A_1119 = vector.broadcast %select_n3A_946 : f32 to vector<16xf32>
          %mul3A_1120 = arith.mulf %mul3A_1119, %get3A_1118 : vector<16xf32>
          %add3A_1121 = arith.addf %scan3A_934, %mul3A_1120 : vector<16xf32>
          %get3A_1122 = arith.index_cast %scan3A_909 : i32 to index
          %get3A_1123 = arith.constant 400 : index
          %get3A_1124 = tpu.vector_load %arg7[%get3A_1122, %get3A_1123] {strides = array<i32>} : memref<64x512xf32, #tpu.memory_space<vmem>>, vector<1x16xf32>,
          %get3A_1125 = vector.shape_cast %get3A_1124 : vector<1x16xf32> to vector<16xf32>
          %mul3A_1126 = vector.broadcast %select_n3A_946 : f32 to vector<16xf32>
          %mul3A_1127 = arith.mulf %mul3A_1126, %get3A_1125 : vector<16xf32>
          %add3A_1128 = arith.addf %scan3A_935, %mul3A_1127 : vector<16xf32>
          %get3A_1129 = arith.index_cast %scan3A_909 : i32 to index
          %get3A_1130 = arith.constant 416 : index
          %get3A_1131 = tpu.vector_load %arg7[%get3A_1129, %get3A_1130] {strides = array<i32>} : memref<64x512xf32, #tpu.memory_space<vmem>>, vector<1x16xf32>,
          %get3A_1132 = vector.shape_cast %get3A_1131 : vector<1x16xf32> to vector<16xf32>
          %mul3A_1133 = vector.broadcast %select_n3A_946 : f32 to vector<16xf32>
          %mul3A_1134 = arith.mulf %mul3A_1133, %get3A_1132 : vector<16xf32>
          %add3A_1135 = arith.addf %scan3A_936, %mul3A_1134 : vector<16xf32>
          %get3A_1136 = arith.index_cast %scan3A_909 : i32 to index
          %get3A_1137 = arith.constant 432 : index
          %get3A_1138 = tpu.vector_load %arg7[%get3A_1136, %get3A_1137] {strides = array<i32>} : memref<64x512xf32, #tpu.memory_space<vmem>>, vector<1x16xf32>,
          %get3A_1139 = vector.shape_cast %get3A_1138 : vector<1x16xf32> to vector<16xf32>
          %mul3A_1140 = vector.broadcast %select_n3A_946 : f32 to vector<16xf32>
          %mul3A_1141 = arith.mulf %mul3A_1140, %get3A_1139 : vector<16xf32>
          %add3A_1142 = arith.addf %scan3A_937, %mul3A_1141 : vector<16xf32>
          %get3A_1143 = arith.index_cast %scan3A_909 : i32 to index
          %get3A_1144 = arith.constant 448 : index
          %get3A_1145 = tpu.vector_load %arg7[%get3A_1143, %get3A_1144] {strides = array<i32>} : memref<64x512xf32, #tpu.memory_space<vmem>>, vector<1x16xf32>,
          %get3A_1146 = vector.shape_cast %get3A_1145 : vector<1x16xf32> to vector<16xf32>
          %mul3A_1147 = vector.broadcast %select_n3A_946 : f32 to vector<16xf32>
          %mul3A_1148 = arith.mulf %mul3A_1147, %get3A_1146 : vector<16xf32>
          %add3A_1149 = arith.addf %scan3A_938, %mul3A_1148 : vector<16xf32>
          %get3A_1150 = arith.index_cast %scan3A_909 : i32 to index
          %get3A_1151 = arith.constant 464 : index
          %get3A_1152 = tpu.vector_load %arg7[%get3A_1150, %get3A_1151] {strides = array<i32>} : memref<64x512xf32, #tpu.memory_space<vmem>>, vector<1x16xf32>,
          %get3A_1153 = vector.shape_cast %get3A_1152 : vector<1x16xf32> to vector<16xf32>
          %mul3A_1154 = vector.broadcast %select_n3A_946 : f32 to vector<16xf32>
          %mul3A_1155 = arith.mulf %mul3A_1154, %get3A_1153 : vector<16xf32>
          %add3A_1156 = arith.addf %scan3A_939, %mul3A_1155 : vector<16xf32>
          %get3A_1157 = arith.index_cast %scan3A_909 : i32 to index
          %get3A_1158 = arith.constant 480 : index
          %get3A_1159 = tpu.vector_load %arg7[%get3A_1157, %get3A_1158] {strides = array<i32>} : memref<64x512xf32, #tpu.memory_space<vmem>>, vector<1x16xf32>,
          %get3A_1160 = vector.shape_cast %get3A_1159 : vector<1x16xf32> to vector<16xf32>
          %mul3A_1161 = vector.broadcast %select_n3A_946 : f32 to vector<16xf32>
          %mul3A_1162 = arith.mulf %mul3A_1161, %get3A_1160 : vector<16xf32>
          %add3A_1163 = arith.addf %scan3A_940, %mul3A_1162 : vector<16xf32>
          %get3A_1164 = arith.index_cast %scan3A_909 : i32 to index
          %get3A_1165 = arith.constant 496 : index
          %get3A_1166 = tpu.vector_load %arg7[%get3A_1164, %get3A_1165] {strides = array<i32>} : memref<64x512xf32, #tpu.memory_space<vmem>>, vector<1x16xf32>,
          %get3A_1167 = vector.shape_cast %get3A_1166 : vector<1x16xf32> to vector<16xf32>
          %mul3A_1168 = vector.broadcast %select_n3A_946 : f32 to vector<16xf32>
          %mul3A_1169 = arith.mulf %mul3A_1168, %get3A_1167 : vector<16xf32>
          %add3A_1170 = arith.addf %scan3A_941, %mul3A_1169 : vector<16xf32>
          scf.yield %add3A_953, %add3A_960, %add3A_967, %add3A_974, %add3A_981, %add3A_988, %add3A_995, %add3A_1002, %add3A_1009, %add3A_1016, %add3A_1023, %add3A_1030, %add3A_1037, %add3A_1044, %add3A_1051, %add3A_1058, %add3A_1065, %add3A_1072, %add3A_1079, %add3A_1086, %add3A_1093, %add3A_1100, %add3A_1107, %add3A_1114, %add3A_1121, %add3A_1128, %add3A_1135, %add3A_1142, %add3A_1149, %add3A_1156, %add3A_1163, %add3A_1170 : vector<16xf32>, vector<16xf32>, vector<16xf32>, vector<16xf32>, vector<16xf32>, vector<16xf32>, vector<16xf32>, vector<16xf32>, vector<16xf32>, vector<16xf32>, vector<16xf32>, vector<16xf32>, vector<16xf32>, vector<16xf32>, vector<16xf32>, vector<16xf32>, vector<16xf32>, vector<16xf32>, vector<16xf32>, vector<16xf32>, vector<16xf32>, vector<16xf32>, vector<16xf32>, vector<16xf32>, vector<16xf32>, vector<16xf32>, vector<16xf32>, vector<16xf32>, vector<16xf32>, vector<16xf32>, vector<16xf32>, vector<16xf32>
        }
        %scan3A_748 = arith.constant 64 : i32
        %swap3A_749 = arith.index_cast %get3A_738 : i32 to index
        %swap3A_750 = arith.constant 0 : index
        %swap3A_751 = tpu.vector_load %arg8[%swap3A_749, %swap3A_750] {strides = array<i32>} : memref<16x512xf32, #tpu.memory_space<vmem>>, vector<1x16xf32>,
        %swap3A_752 = vector.shape_cast %swap3A_751 : vector<1x16xf32> to vector<16xf32>
        %swap3A_753 = vector.shape_cast %scan3A_747#0 : vector<16xf32> to vector<1x16xf32>
        tpu.vector_store %arg8[%swap3A_749, %swap3A_750], %swap3A_753 {add = true, strides = array<i32>} : memref<16x512xf32, #tpu.memory_space<vmem>>, vector<1x16xf32>,
        %swap3A_754 = arith.index_cast %get3A_738 : i32 to index
        %swap3A_755 = arith.constant 16 : index
        %swap3A_756 = tpu.vector_load %arg8[%swap3A_754, %swap3A_755] {strides = array<i32>} : memref<16x512xf32, #tpu.memory_space<vmem>>, vector<1x16xf32>,
        %swap3A_757 = vector.shape_cast %swap3A_756 : vector<1x16xf32> to vector<16xf32>
        %swap3A_758 = vector.shape_cast %scan3A_747#1 : vector<16xf32> to vector<1x16xf32>
        tpu.vector_store %arg8[%swap3A_754, %swap3A_755], %swap3A_758 {add = true, strides = array<i32>} : memref<16x512xf32, #tpu.memory_space<vmem>>, vector<1x16xf32>,
        %swap3A_759 = arith.index_cast %get3A_738 : i32 to index
        %swap3A_760 = arith.constant 32 : index
        %swap3A_761 = tpu.vector_load %arg8[%swap3A_759, %swap3A_760] {strides = array<i32>} : memref<16x512xf32, #tpu.memory_space<vmem>>, vector<1x16xf32>,
        %swap3A_762 = vector.shape_cast %swap3A_761 : vector<1x16xf32> to vector<16xf32>
        %swap3A_763 = vector.shape_cast %scan3A_747#2 : vector<16xf32> to vector<1x16xf32>
        tpu.vector_store %arg8[%swap3A_759, %swap3A_760], %swap3A_763 {add = true, strides = array<i32>} : memref<16x512xf32, #tpu.memory_space<vmem>>, vector<1x16xf32>,
        %swap3A_764 = arith.index_cast %get3A_738 : i32 to index
        %swap3A_765 = arith.constant 48 : index
        %swap3A_766 = tpu.vector_load %arg8[%swap3A_764, %swap3A_765] {strides = array<i32>} : memref<16x512xf32, #tpu.memory_space<vmem>>, vector<1x16xf32>,
        %swap3A_767 = vector.shape_cast %swap3A_766 : vector<1x16xf32> to vector<16xf32>
        %swap3A_768 = vector.shape_cast %scan3A_747#3 : vector<16xf32> to vector<1x16xf32>
        tpu.vector_store %arg8[%swap3A_764, %swap3A_765], %swap3A_768 {add = true, strides = array<i32>} : memref<16x512xf32, #tpu.memory_space<vmem>>, vector<1x16xf32>,
        %swap3A_769 = arith.index_cast %get3A_738 : i32 to index
        %swap3A_770 = arith.constant 64 : index
        %swap3A_771 = tpu.vector_load %arg8[%swap3A_769, %swap3A_770] {strides = array<i32>} : memref<16x512xf32, #tpu.memory_space<vmem>>, vector<1x16xf32>,
        %swap3A_772 = vector.shape_cast %swap3A_771 : vector<1x16xf32> to vector<16xf32>
        %swap3A_773 = vector.shape_cast %scan3A_747#4 : vector<16xf32> to vector<1x16xf32>
        tpu.vector_store %arg8[%swap3A_769, %swap3A_770], %swap3A_773 {add = true, strides = array<i32>} : memref<16x512xf32, #tpu.memory_space<vmem>>, vector<1x16xf32>,
        %swap3A_774 = arith.index_cast %get3A_738 : i32 to index
        %swap3A_775 = arith.constant 80 : index
        %swap3A_776 = tpu.vector_load %arg8[%swap3A_774, %swap3A_775] {strides = array<i32>} : memref<16x512xf32, #tpu.memory_space<vmem>>, vector<1x16xf32>,
        %swap3A_777 = vector.shape_cast %swap3A_776 : vector<1x16xf32> to vector<16xf32>
        %swap3A_778 = vector.shape_cast %scan3A_747#5 : vector<16xf32> to vector<1x16xf32>
        tpu.vector_store %arg8[%swap3A_774, %swap3A_775], %swap3A_778 {add = true, strides = array<i32>} : memref<16x512xf32, #tpu.memory_space<vmem>>, vector<1x16xf32>,
        %swap3A_779 = arith.index_cast %get3A_738 : i32 to index
        %swap3A_780 = arith.constant 96 : index
        %swap3A_781 = tpu.vector_load %arg8[%swap3A_779, %swap3A_780] {strides = array<i32>} : memref<16x512xf32, #tpu.memory_space<vmem>>, vector<1x16xf32>,
        %swap3A_782 = vector.shape_cast %swap3A_781 : vector<1x16xf32> to vector<16xf32>
        %swap3A_783 = vector.shape_cast %scan3A_747#6 : vector<16xf32> to vector<1x16xf32>
        tpu.vector_store %arg8[%swap3A_779, %swap3A_780], %swap3A_783 {add = true, strides = array<i32>} : memref<16x512xf32, #tpu.memory_space<vmem>>, vector<1x16xf32>,
        %swap3A_784 = arith.index_cast %get3A_738 : i32 to index
        %swap3A_785 = arith.constant 112 : index
        %swap3A_786 = tpu.vector_load %arg8[%swap3A_784, %swap3A_785] {strides = array<i32>} : memref<16x512xf32, #tpu.memory_space<vmem>>, vector<1x16xf32>,
        %swap3A_787 = vector.shape_cast %swap3A_786 : vector<1x16xf32> to vector<16xf32>
        %swap3A_788 = vector.shape_cast %scan3A_747#7 : vector<16xf32> to vector<1x16xf32>
        tpu.vector_store %arg8[%swap3A_784, %swap3A_785], %swap3A_788 {add = true, strides = array<i32>} : memref<16x512xf32, #tpu.memory_space<vmem>>, vector<1x16xf32>,
        %swap3A_789 = arith.index_cast %get3A_738 : i32 to index
        %swap3A_790 = arith.constant 128 : index
        %swap3A_791 = tpu.vector_load %arg8[%swap3A_789, %swap3A_790] {strides = array<i32>} : memref<16x512xf32, #tpu.memory_space<vmem>>, vector<1x16xf32>,
        %swap3A_792 = vector.shape_cast %swap3A_791 : vector<1x16xf32> to vector<16xf32>
        %swap3A_793 = vector.shape_cast %scan3A_747#8 : vector<16xf32> to vector<1x16xf32>
        tpu.vector_store %arg8[%swap3A_789, %swap3A_790], %swap3A_793 {add = true, strides = array<i32>} : memref<16x512xf32, #tpu.memory_space<vmem>>, vector<1x16xf32>,
        %swap3A_794 = arith.index_cast %get3A_738 : i32 to index
        %swap3A_795 = arith.constant 144 : index
        %swap3A_796 = tpu.vector_load %arg8[%swap3A_794, %swap3A_795] {strides = array<i32>} : memref<16x512xf32, #tpu.memory_space<vmem>>, vector<1x16xf32>,
        %swap3A_797 = vector.shape_cast %swap3A_796 : vector<1x16xf32> to vector<16xf32>
        %swap3A_798 = vector.shape_cast %scan3A_747#9 : vector<16xf32> to vector<1x16xf32>
        tpu.vector_store %arg8[%swap3A_794, %swap3A_795], %swap3A_798 {add = true, strides = array<i32>} : memref<16x512xf32, #tpu.memory_space<vmem>>, vector<1x16xf32>,
        %swap3A_799 = arith.index_cast %get3A_738 : i32 to index
        %swap3A_800 = arith.constant 160 : index
        %swap3A_801 = tpu.vector_load %arg8[%swap3A_799, %swap3A_800] {strides = array<i32>} : memref<16x512xf32, #tpu.memory_space<vmem>>, vector<1x16xf32>,
        %swap3A_802 = vector.shape_cast %swap3A_801 : vector<1x16xf32> to vector<16xf32>
        %swap3A_803 = vector.shape_cast %scan3A_747#10 : vector<16xf32> to vector<1x16xf32>
        tpu.vector_store %arg8[%swap3A_799, %swap3A_800], %swap3A_803 {add = true, strides = array<i32>} : memref<16x512xf32, #tpu.memory_space<vmem>>, vector<1x16xf32>,
        %swap3A_804 = arith.index_cast %get3A_738 : i32 to index
        %swap3A_805 = arith.constant 176 : index
        %swap3A_806 = tpu.vector_load %arg8[%swap3A_804, %swap3A_805] {strides = array<i32>} : memref<16x512xf32, #tpu.memory_space<vmem>>, vector<1x16xf32>,
        %swap3A_807 = vector.shape_cast %swap3A_806 : vector<1x16xf32> to vector<16xf32>
        %swap3A_808 = vector.shape_cast %scan3A_747#11 : vector<16xf32> to vector<1x16xf32>
        tpu.vector_store %arg8[%swap3A_804, %swap3A_805], %swap3A_808 {add = true, strides = array<i32>} : memref<16x512xf32, #tpu.memory_space<vmem>>, vector<1x16xf32>,
        %swap3A_809 = arith.index_cast %get3A_738 : i32 to index
        %swap3A_810 = arith.constant 192 : index
        %swap3A_811 = tpu.vector_load %arg8[%swap3A_809, %swap3A_810] {strides = array<i32>} : memref<16x512xf32, #tpu.memory_space<vmem>>, vector<1x16xf32>,
        %swap3A_812 = vector.shape_cast %swap3A_811 : vector<1x16xf32> to vector<16xf32>
        %swap3A_813 = vector.shape_cast %scan3A_747#12 : vector<16xf32> to vector<1x16xf32>
        tpu.vector_store %arg8[%swap3A_809, %swap3A_810], %swap3A_813 {add = true, strides = array<i32>} : memref<16x512xf32, #tpu.memory_space<vmem>>, vector<1x16xf32>,
        %swap3A_814 = arith.index_cast %get3A_738 : i32 to index
        %swap3A_815 = arith.constant 208 : index
        %swap3A_816 = tpu.vector_load %arg8[%swap3A_814, %swap3A_815] {strides = array<i32>} : memref<16x512xf32, #tpu.memory_space<vmem>>, vector<1x16xf32>,
        %swap3A_817 = vector.shape_cast %swap3A_816 : vector<1x16xf32> to vector<16xf32>
        %swap3A_818 = vector.shape_cast %scan3A_747#13 : vector<16xf32> to vector<1x16xf32>
        tpu.vector_store %arg8[%swap3A_814, %swap3A_815], %swap3A_818 {add = true, strides = array<i32>} : memref<16x512xf32, #tpu.memory_space<vmem>>, vector<1x16xf32>,
        %swap3A_819 = arith.index_cast %get3A_738 : i32 to index
        %swap3A_820 = arith.constant 224 : index
        %swap3A_821 = tpu.vector_load %arg8[%swap3A_819, %swap3A_820] {strides = array<i32>} : memref<16x512xf32, #tpu.memory_space<vmem>>, vector<1x16xf32>,
        %swap3A_822 = vector.shape_cast %swap3A_821 : vector<1x16xf32> to vector<16xf32>
        %swap3A_823 = vector.shape_cast %scan3A_747#14 : vector<16xf32> to vector<1x16xf32>
        tpu.vector_store %arg8[%swap3A_819, %swap3A_820], %swap3A_823 {add = true, strides = array<i32>} : memref<16x512xf32, #tpu.memory_space<vmem>>, vector<1x16xf32>,
        %swap3A_824 = arith.index_cast %get3A_738 : i32 to index
        %swap3A_825 = arith.constant 240 : index
        %swap3A_826 = tpu.vector_load %arg8[%swap3A_824, %swap3A_825] {strides = array<i32>} : memref<16x512xf32, #tpu.memory_space<vmem>>, vector<1x16xf32>,
        %swap3A_827 = vector.shape_cast %swap3A_826 : vector<1x16xf32> to vector<16xf32>
        %swap3A_828 = vector.shape_cast %scan3A_747#15 : vector<16xf32> to vector<1x16xf32>
        tpu.vector_store %arg8[%swap3A_824, %swap3A_825], %swap3A_828 {add = true, strides = array<i32>} : memref<16x512xf32, #tpu.memory_space<vmem>>, vector<1x16xf32>,
        %swap3A_829 = arith.index_cast %get3A_738 : i32 to index
        %swap3A_830 = arith.constant 256 : index
        %swap3A_831 = tpu.vector_load %arg8[%swap3A_829, %swap3A_830] {strides = array<i32>} : memref<16x512xf32, #tpu.memory_space<vmem>>, vector<1x16xf32>,
        %swap3A_832 = vector.shape_cast %swap3A_831 : vector<1x16xf32> to vector<16xf32>
        %swap3A_833 = vector.shape_cast %scan3A_747#16 : vector<16xf32> to vector<1x16xf32>
        tpu.vector_store %arg8[%swap3A_829, %swap3A_830], %swap3A_833 {add = true, strides = array<i32>} : memref<16x512xf32, #tpu.memory_space<vmem>>, vector<1x16xf32>,
        %swap3A_834 = arith.index_cast %get3A_738 : i32 to index
        %swap3A_835 = arith.constant 272 : index
        %swap3A_836 = tpu.vector_load %arg8[%swap3A_834, %swap3A_835] {strides = array<i32>} : memref<16x512xf32, #tpu.memory_space<vmem>>, vector<1x16xf32>,
        %swap3A_837 = vector.shape_cast %swap3A_836 : vector<1x16xf32> to vector<16xf32>
        %swap3A_838 = vector.shape_cast %scan3A_747#17 : vector<16xf32> to vector<1x16xf32>
        tpu.vector_store %arg8[%swap3A_834, %swap3A_835], %swap3A_838 {add = true, strides = array<i32>} : memref<16x512xf32, #tpu.memory_space<vmem>>, vector<1x16xf32>,
        %swap3A_839 = arith.index_cast %get3A_738 : i32 to index
        %swap3A_840 = arith.constant 288 : index
        %swap3A_841 = tpu.vector_load %arg8[%swap3A_839, %swap3A_840] {strides = array<i32>} : memref<16x512xf32, #tpu.memory_space<vmem>>, vector<1x16xf32>,
        %swap3A_842 = vector.shape_cast %swap3A_841 : vector<1x16xf32> to vector<16xf32>
        %swap3A_843 = vector.shape_cast %scan3A_747#18 : vector<16xf32> to vector<1x16xf32>
        tpu.vector_store %arg8[%swap3A_839, %swap3A_840], %swap3A_843 {add = true, strides = array<i32>} : memref<16x512xf32, #tpu.memory_space<vmem>>, vector<1x16xf32>,
        %swap3A_844 = arith.index_cast %get3A_738 : i32 to index
        %swap3A_845 = arith.constant 304 : index
        %swap3A_846 = tpu.vector_load %arg8[%swap3A_844, %swap3A_845] {strides = array<i32>} : memref<16x512xf32, #tpu.memory_space<vmem>>, vector<1x16xf32>,
        %swap3A_847 = vector.shape_cast %swap3A_846 : vector<1x16xf32> to vector<16xf32>
        %swap3A_848 = vector.shape_cast %scan3A_747#19 : vector<16xf32> to vector<1x16xf32>
        tpu.vector_store %arg8[%swap3A_844, %swap3A_845], %swap3A_848 {add = true, strides = array<i32>} : memref<16x512xf32, #tpu.memory_space<vmem>>, vector<1x16xf32>,
        %swap3A_849 = arith.index_cast %get3A_738 : i32 to index
        %swap3A_850 = arith.constant 320 : index
        %swap3A_851 = tpu.vector_load %arg8[%swap3A_849, %swap3A_850] {strides = array<i32>} : memref<16x512xf32, #tpu.memory_space<vmem>>, vector<1x16xf32>,
        %swap3A_852 = vector.shape_cast %swap3A_851 : vector<1x16xf32> to vector<16xf32>
        %swap3A_853 = vector.shape_cast %scan3A_747#20 : vector<16xf32> to vector<1x16xf32>
        tpu.vector_store %arg8[%swap3A_849, %swap3A_850], %swap3A_853 {add = true, strides = array<i32>} : memref<16x512xf32, #tpu.memory_space<vmem>>, vector<1x16xf32>,
        %swap3A_854 = arith.index_cast %get3A_738 : i32 to index
        %swap3A_855 = arith.constant 336 : index
        %swap3A_856 = tpu.vector_load %arg8[%swap3A_854, %swap3A_855] {strides = array<i32>} : memref<16x512xf32, #tpu.memory_space<vmem>>, vector<1x16xf32>,
        %swap3A_857 = vector.shape_cast %swap3A_856 : vector<1x16xf32> to vector<16xf32>
        %swap3A_858 = vector.shape_cast %scan3A_747#21 : vector<16xf32> to vector<1x16xf32>
        tpu.vector_store %arg8[%swap3A_854, %swap3A_855], %swap3A_858 {add = true, strides = array<i32>} : memref<16x512xf32, #tpu.memory_space<vmem>>, vector<1x16xf32>,
        %swap3A_859 = arith.index_cast %get3A_738 : i32 to index
        %swap3A_860 = arith.constant 352 : index
        %swap3A_861 = tpu.vector_load %arg8[%swap3A_859, %swap3A_860] {strides = array<i32>} : memref<16x512xf32, #tpu.memory_space<vmem>>, vector<1x16xf32>,
        %swap3A_862 = vector.shape_cast %swap3A_861 : vector<1x16xf32> to vector<16xf32>
        %swap3A_863 = vector.shape_cast %scan3A_747#22 : vector<16xf32> to vector<1x16xf32>
        tpu.vector_store %arg8[%swap3A_859, %swap3A_860], %swap3A_863 {add = true, strides = array<i32>} : memref<16x512xf32, #tpu.memory_space<vmem>>, vector<1x16xf32>,
        %swap3A_864 = arith.index_cast %get3A_738 : i32 to index
        %swap3A_865 = arith.constant 368 : index
        %swap3A_866 = tpu.vector_load %arg8[%swap3A_864, %swap3A_865] {strides = array<i32>} : memref<16x512xf32, #tpu.memory_space<vmem>>, vector<1x16xf32>,
        %swap3A_867 = vector.shape_cast %swap3A_866 : vector<1x16xf32> to vector<16xf32>
        %swap3A_868 = vector.shape_cast %scan3A_747#23 : vector<16xf32> to vector<1x16xf32>
        tpu.vector_store %arg8[%swap3A_864, %swap3A_865], %swap3A_868 {add = true, strides = array<i32>} : memref<16x512xf32, #tpu.memory_space<vmem>>, vector<1x16xf32>,
        %swap3A_869 = arith.index_cast %get3A_738 : i32 to index
        %swap3A_870 = arith.constant 384 : index
        %swap3A_871 = tpu.vector_load %arg8[%swap3A_869, %swap3A_870] {strides = array<i32>} : memref<16x512xf32, #tpu.memory_space<vmem>>, vector<1x16xf32>,
        %swap3A_872 = vector.shape_cast %swap3A_871 : vector<1x16xf32> to vector<16xf32>
        %swap3A_873 = vector.shape_cast %scan3A_747#24 : vector<16xf32> to vector<1x16xf32>
        tpu.vector_store %arg8[%swap3A_869, %swap3A_870], %swap3A_873 {add = true, strides = array<i32>} : memref<16x512xf32, #tpu.memory_space<vmem>>, vector<1x16xf32>,
        %swap3A_874 = arith.index_cast %get3A_738 : i32 to index
        %swap3A_875 = arith.constant 400 : index
        %swap3A_876 = tpu.vector_load %arg8[%swap3A_874, %swap3A_875] {strides = array<i32>} : memref<16x512xf32, #tpu.memory_space<vmem>>, vector<1x16xf32>,
        %swap3A_877 = vector.shape_cast %swap3A_876 : vector<1x16xf32> to vector<16xf32>
        %swap3A_878 = vector.shape_cast %scan3A_747#25 : vector<16xf32> to vector<1x16xf32>
        tpu.vector_store %arg8[%swap3A_874, %swap3A_875], %swap3A_878 {add = true, strides = array<i32>} : memref<16x512xf32, #tpu.memory_space<vmem>>, vector<1x16xf32>,
        %swap3A_879 = arith.index_cast %get3A_738 : i32 to index
        %swap3A_880 = arith.constant 416 : index
        %swap3A_881 = tpu.vector_load %arg8[%swap3A_879, %swap3A_880] {strides = array<i32>} : memref<16x512xf32, #tpu.memory_space<vmem>>, vector<1x16xf32>,
        %swap3A_882 = vector.shape_cast %swap3A_881 : vector<1x16xf32> to vector<16xf32>
        %swap3A_883 = vector.shape_cast %scan3A_747#26 : vector<16xf32> to vector<1x16xf32>
        tpu.vector_store %arg8[%swap3A_879, %swap3A_880], %swap3A_883 {add = true, strides = array<i32>} : memref<16x512xf32, #tpu.memory_space<vmem>>, vector<1x16xf32>,
        %swap3A_884 = arith.index_cast %get3A_738 : i32 to index
        %swap3A_885 = arith.constant 432 : index
        %swap3A_886 = tpu.vector_load %arg8[%swap3A_884, %swap3A_885] {strides = array<i32>} : memref<16x512xf32, #tpu.memory_space<vmem>>, vector<1x16xf32>,
        %swap3A_887 = vector.shape_cast %swap3A_886 : vector<1x16xf32> to vector<16xf32>
        %swap3A_888 = vector.shape_cast %scan3A_747#27 : vector<16xf32> to vector<1x16xf32>
        tpu.vector_store %arg8[%swap3A_884, %swap3A_885], %swap3A_888 {add = true, strides = array<i32>} : memref<16x512xf32, #tpu.memory_space<vmem>>, vector<1x16xf32>,
        %swap3A_889 = arith.index_cast %get3A_738 : i32 to index
        %swap3A_890 = arith.constant 448 : index
        %swap3A_891 = tpu.vector_load %arg8[%swap3A_889, %swap3A_890] {strides = array<i32>} : memref<16x512xf32, #tpu.memory_space<vmem>>, vector<1x16xf32>,
        %swap3A_892 = vector.shape_cast %swap3A_891 : vector<1x16xf32> to vector<16xf32>
        %swap3A_893 = vector.shape_cast %scan3A_747#28 : vector<16xf32> to vector<1x16xf32>
        tpu.vector_store %arg8[%swap3A_889, %swap3A_890], %swap3A_893 {add = true, strides = array<i32>} : memref<16x512xf32, #tpu.memory_space<vmem>>, vector<1x16xf32>,
        %swap3A_894 = arith.index_cast %get3A_738 : i32 to index
        %swap3A_895 = arith.constant 464 : index
        %swap3A_896 = tpu.vector_load %arg8[%swap3A_894, %swap3A_895] {strides = array<i32>} : memref<16x512xf32, #tpu.memory_space<vmem>>, vector<1x16xf32>,
        %swap3A_897 = vector.shape_cast %swap3A_896 : vector<1x16xf32> to vector<16xf32>
        %swap3A_898 = vector.shape_cast %scan3A_747#29 : vector<16xf32> to vector<1x16xf32>
        tpu.vector_store %arg8[%swap3A_894, %swap3A_895], %swap3A_898 {add = true, strides = array<i32>} : memref<16x512xf32, #tpu.memory_space<vmem>>, vector<1x16xf32>,
        %swap3A_899 = arith.index_cast %get3A_738 : i32 to index
        %swap3A_900 = arith.constant 480 : index
        %swap3A_901 = tpu.vector_load %arg8[%swap3A_899, %swap3A_900] {strides = array<i32>} : memref<16x512xf32, #tpu.memory_space<vmem>>, vector<1x16xf32>,
        %swap3A_902 = vector.shape_cast %swap3A_901 : vector<1x16xf32> to vector<16xf32>
        %swap3A_903 = vector.shape_cast %scan3A_747#30 : vector<16xf32> to vector<1x16xf32>
        tpu.vector_store %arg8[%swap3A_899, %swap3A_900], %swap3A_903 {add = true, strides = array<i32>} : memref<16x512xf32, #tpu.memory_space<vmem>>, vector<1x16xf32>,
        %swap3A_904 = arith.index_cast %get3A_738 : i32 to index
        %swap3A_905 = arith.constant 496 : index
        %swap3A_906 = tpu.vector_load %arg8[%swap3A_904, %swap3A_905] {strides = array<i32>} : memref<16x512xf32, #tpu.memory_space<vmem>>, vector<1x16xf32>,
        %swap3A_907 = vector.shape_cast %swap3A_906 : vector<1x16xf32> to vector<16xf32>
        %swap3A_908 = vector.shape_cast %scan3A_747#31 : vector<16xf32> to vector<1x16xf32>
        tpu.vector_store %arg8[%swap3A_904, %swap3A_905], %swap3A_908 {add = true, strides = array<i32>} : memref<16x512xf32, #tpu.memory_space<vmem>>, vector<1x16xf32>,
      } else {
      }
      %while3A_726 = arith.constant 0 : i32
      scf.yield %while3A_726 : i32
    }
    "tpu.region"() ({
      %run_scoped3A = tpu.sem_alloc : memref<!tpu.dma_semaphore, #tpu.memory_space<semaphore_mem>>
      %dma_start3A = arith.constant 0 : i32
      %dma_start3A_527 = arith.constant 0 : i32
      %dma_start3A_528 = tpu.memref_slice %arg4[%add3A, %dma_start3A, %dma_start3A_527] : memref<32x16x512xf32, #tpu.memory_space<hbm>> -> memref<1x16x512xf32, #tpu.memory_space<hbm>>
      %dma_start3A_529 = tpu.memref_squeeze %dma_start3A_528 : memref<1x16x512xf32, #tpu.memory_space<hbm>> -> memref<16x512xf32, #tpu.memory_space<hbm>>
      %dma_start3A_530 = arith.constant 0 : i32
      %dma_start3A_531 = arith.constant 0 : i32
      %dma_start3A_532 = tpu.memref_slice %arg4[%add3A, %dma_start3A_530, %dma_start3A_531] : memref<32x16x512xf32, #tpu.memory_space<hbm>> -> memref<1x16x512xf32, #tpu.memory_space<hbm>>
      %dma_start3A_533 = tpu.memref_squeeze %dma_start3A_532 : memref<1x16x512xf32, #tpu.memory_space<hbm>> -> memref<16x512xf32, #tpu.memory_space<hbm>>
      tpu.enqueue_dma source(%arg8 : memref<16x512xf32, #tpu.memory_space<vmem>>) target(%dma_start3A_533 : memref<16x512xf32, #tpu.memory_space<hbm>>) target_semaphore(%run_scoped3A : memref<!tpu.dma_semaphore, #tpu.memory_space<semaphore_mem>>)
      %dma_wait3A = arith.constant 0 : i32
      %dma_wait3A_534 = arith.constant 0 : i32
      %dma_wait3A_535 = tpu.memref_slice %arg4[%add3A, %dma_wait3A, %dma_wait3A_534] : memref<32x16x512xf32, #tpu.memory_space<hbm>> -> memref<1x16x512xf32, #tpu.memory_space<hbm>>
      %dma_wait3A_536 = tpu.memref_squeeze %dma_wait3A_535 : memref<1x16x512xf32, #tpu.memory_space<hbm>> -> memref<16x512xf32, #tpu.memory_space<hbm>>
      %dma_wait3A_537 = arith.constant 0 : i32
      %dma_wait3A_538 = arith.constant 0 : i32
      %dma_wait3A_539 = tpu.memref_slice %arg4[%add3A, %dma_wait3A_537, %dma_wait3A_538] : memref<32x16x512xf32, #tpu.memory_space<hbm>> -> memref<1x16x512xf32, #tpu.memory_space<hbm>>
      %dma_wait3A_540 = tpu.memref_squeeze %dma_wait3A_539 : memref<1x16x512xf32, #tpu.memory_space<hbm>> -> memref<16x512xf32, #tpu.memory_space<hbm>>
      tpu.wait_dma2 semaphore(%run_scoped3A : memref<!tpu.dma_semaphore, #tpu.memory_space<semaphore_mem>>) src(%arg8 : memref<16x512xf32, #tpu.memory_space<vmem>>) dst(%dma_wait3A_540 : memref<16x512xf32, #tpu.memory_space<hbm>>)
      tpu.yield
    }) : () -> ()
    return
  }
}

module attributes {stable_mosaic.version = 14 : i64} {
  func.func @_tc_body(%arg0: i32, %arg1: memref<17xi32, #tpu.memory_space<smem>>, %arg2: memref<1024x512xf32, #tpu.memory_space<vmem>>, %arg3: memref<16x512xf32, #tpu.memory_space<vmem>>) attributes {dimension_semantics = [#tpu.dimension_semantics<arbitrary>], iteration_bounds = array<i64: 22>, scalar_prefetch = 1 : i64, scratch_operands = 0 : i64, tpu.core_type = #tpu.core_type<tc>, window_params = [{transform_indices = @transform_0, window_bounds = array<i64: 1024, 512>}, {pipeline_mode = #tpu.pipeline_mode<synchronous>, transform_indices = @transform_1, window_bounds = array<i64: 16, 512>}]} {
    %iota3A = tpu.iota {dimensions = array<i32: 1>} : vector<16x1024xi32>
    %mul3A = arith.constant 1024 : i32
    %mul3A_0 = arith.muli %arg0, %mul3A : i32
    %add3A = vector.broadcast %mul3A_0 : i32 to vector<16x1024xi32>
    %add3A_1 = arith.addi %iota3A, %add3A : vector<16x1024xi32>
    %iota3A_2 = tpu.iota {dimensions = array<i32: 0>} : vector<16x1024xi32>
    %broadcast_in_dim3A = arith.constant 0 : i32
    %broadcast_in_dim3A_3 = vector.broadcast %broadcast_in_dim3A : i32 to vector<16x1024xi32>
    %eq3A = arith.constant 0 : i32
    %eq3A_4 = vector.broadcast %eq3A : i32 to vector<16x1024xi32>
    %eq3A_5 = arith.cmpi eq, %iota3A_2, %eq3A_4 : vector<16x1024xi32>
    %get3A = arith.constant 0 : index
    %get3A_6 = memref.load %arg1[%get3A] : memref<17xi32, #tpu.memory_space<smem>>
    %broadcast_in_dim3A_7 = vector.broadcast %get3A_6 : i32 to vector<16x1024xi32>
    %select_n3A = arith.select %eq3A_5, %broadcast_in_dim3A_7, %broadcast_in_dim3A_3 : vector<16x1024xi1>, vector<16x1024xi32>
    %eq3A_8 = arith.constant 0 : i32
    %eq3A_9 = vector.broadcast %eq3A_8 : i32 to vector<16x1024xi32>
    %eq3A_10 = arith.cmpi eq, %iota3A_2, %eq3A_9 : vector<16x1024xi32>
    %get3A_11 = arith.constant 1 : index
    %get3A_12 = memref.load %arg1[%get3A_11] : memref<17xi32, #tpu.memory_space<smem>>
    %broadcast_in_dim3A_13 = vector.broadcast %get3A_12 : i32 to vector<16x1024xi32>
    %select_n3A_14 = arith.select %eq3A_10, %broadcast_in_dim3A_13, %broadcast_in_dim3A_3 : vector<16x1024xi1>, vector<16x1024xi32>
    %eq3A_15 = arith.constant 1 : i32
    %eq3A_16 = vector.broadcast %eq3A_15 : i32 to vector<16x1024xi32>
    %eq3A_17 = arith.cmpi eq, %iota3A_2, %eq3A_16 : vector<16x1024xi32>
    %get3A_18 = arith.constant 1 : index
    %get3A_19 = memref.load %arg1[%get3A_18] : memref<17xi32, #tpu.memory_space<smem>>
    %broadcast_in_dim3A_20 = vector.broadcast %get3A_19 : i32 to vector<16x1024xi32>
    %select_n3A_21 = arith.select %eq3A_17, %broadcast_in_dim3A_20, %select_n3A : vector<16x1024xi1>, vector<16x1024xi32>
    %eq3A_22 = arith.constant 1 : i32
    %eq3A_23 = vector.broadcast %eq3A_22 : i32 to vector<16x1024xi32>
    %eq3A_24 = arith.cmpi eq, %iota3A_2, %eq3A_23 : vector<16x1024xi32>
    %get3A_25 = arith.constant 2 : index
    %get3A_26 = memref.load %arg1[%get3A_25] : memref<17xi32, #tpu.memory_space<smem>>
    %broadcast_in_dim3A_27 = vector.broadcast %get3A_26 : i32 to vector<16x1024xi32>
    %select_n3A_28 = arith.select %eq3A_24, %broadcast_in_dim3A_27, %select_n3A_14 : vector<16x1024xi1>, vector<16x1024xi32>
    %eq3A_29 = arith.constant 2 : i32
    %eq3A_30 = vector.broadcast %eq3A_29 : i32 to vector<16x1024xi32>
    %eq3A_31 = arith.cmpi eq, %iota3A_2, %eq3A_30 : vector<16x1024xi32>
    %get3A_32 = arith.constant 2 : index
    %get3A_33 = memref.load %arg1[%get3A_32] : memref<17xi32, #tpu.memory_space<smem>>
    %broadcast_in_dim3A_34 = vector.broadcast %get3A_33 : i32 to vector<16x1024xi32>
    %select_n3A_35 = arith.select %eq3A_31, %broadcast_in_dim3A_34, %select_n3A_21 : vector<16x1024xi1>, vector<16x1024xi32>
    %eq3A_36 = arith.constant 2 : i32
    %eq3A_37 = vector.broadcast %eq3A_36 : i32 to vector<16x1024xi32>
    %eq3A_38 = arith.cmpi eq, %iota3A_2, %eq3A_37 : vector<16x1024xi32>
    %get3A_39 = arith.constant 3 : index
    %get3A_40 = memref.load %arg1[%get3A_39] : memref<17xi32, #tpu.memory_space<smem>>
    %broadcast_in_dim3A_41 = vector.broadcast %get3A_40 : i32 to vector<16x1024xi32>
    %select_n3A_42 = arith.select %eq3A_38, %broadcast_in_dim3A_41, %select_n3A_28 : vector<16x1024xi1>, vector<16x1024xi32>
    %eq3A_43 = arith.constant 3 : i32
    %eq3A_44 = vector.broadcast %eq3A_43 : i32 to vector<16x1024xi32>
    %eq3A_45 = arith.cmpi eq, %iota3A_2, %eq3A_44 : vector<16x1024xi32>
    %get3A_46 = arith.constant 3 : index
    %get3A_47 = memref.load %arg1[%get3A_46] : memref<17xi32, #tpu.memory_space<smem>>
    %broadcast_in_dim3A_48 = vector.broadcast %get3A_47 : i32 to vector<16x1024xi32>
    %select_n3A_49 = arith.select %eq3A_45, %broadcast_in_dim3A_48, %select_n3A_35 : vector<16x1024xi1>, vector<16x1024xi32>
    %eq3A_50 = arith.constant 3 : i32
    %eq3A_51 = vector.broadcast %eq3A_50 : i32 to vector<16x1024xi32>
    %eq3A_52 = arith.cmpi eq, %iota3A_2, %eq3A_51 : vector<16x1024xi32>
    %get3A_53 = arith.constant 4 : index
    %get3A_54 = memref.load %arg1[%get3A_53] : memref<17xi32, #tpu.memory_space<smem>>
    %broadcast_in_dim3A_55 = vector.broadcast %get3A_54 : i32 to vector<16x1024xi32>
    %select_n3A_56 = arith.select %eq3A_52, %broadcast_in_dim3A_55, %select_n3A_42 : vector<16x1024xi1>, vector<16x1024xi32>
    %eq3A_57 = arith.constant 4 : i32
    %eq3A_58 = vector.broadcast %eq3A_57 : i32 to vector<16x1024xi32>
    %eq3A_59 = arith.cmpi eq, %iota3A_2, %eq3A_58 : vector<16x1024xi32>
    %get3A_60 = arith.constant 4 : index
    %get3A_61 = memref.load %arg1[%get3A_60] : memref<17xi32, #tpu.memory_space<smem>>
    %broadcast_in_dim3A_62 = vector.broadcast %get3A_61 : i32 to vector<16x1024xi32>
    %select_n3A_63 = arith.select %eq3A_59, %broadcast_in_dim3A_62, %select_n3A_49 : vector<16x1024xi1>, vector<16x1024xi32>
    %eq3A_64 = arith.constant 4 : i32
    %eq3A_65 = vector.broadcast %eq3A_64 : i32 to vector<16x1024xi32>
    %eq3A_66 = arith.cmpi eq, %iota3A_2, %eq3A_65 : vector<16x1024xi32>
    %get3A_67 = arith.constant 5 : index
    %get3A_68 = memref.load %arg1[%get3A_67] : memref<17xi32, #tpu.memory_space<smem>>
    %broadcast_in_dim3A_69 = vector.broadcast %get3A_68 : i32 to vector<16x1024xi32>
    %select_n3A_70 = arith.select %eq3A_66, %broadcast_in_dim3A_69, %select_n3A_56 : vector<16x1024xi1>, vector<16x1024xi32>
    %eq3A_71 = arith.constant 5 : i32
    %eq3A_72 = vector.broadcast %eq3A_71 : i32 to vector<16x1024xi32>
    %eq3A_73 = arith.cmpi eq, %iota3A_2, %eq3A_72 : vector<16x1024xi32>
    %get3A_74 = arith.constant 5 : index
    %get3A_75 = memref.load %arg1[%get3A_74] : memref<17xi32, #tpu.memory_space<smem>>
    %broadcast_in_dim3A_76 = vector.broadcast %get3A_75 : i32 to vector<16x1024xi32>
    %select_n3A_77 = arith.select %eq3A_73, %broadcast_in_dim3A_76, %select_n3A_63 : vector<16x1024xi1>, vector<16x1024xi32>
    %eq3A_78 = arith.constant 5 : i32
    %eq3A_79 = vector.broadcast %eq3A_78 : i32 to vector<16x1024xi32>
    %eq3A_80 = arith.cmpi eq, %iota3A_2, %eq3A_79 : vector<16x1024xi32>
    %get3A_81 = arith.constant 6 : index
    %get3A_82 = memref.load %arg1[%get3A_81] : memref<17xi32, #tpu.memory_space<smem>>
    %broadcast_in_dim3A_83 = vector.broadcast %get3A_82 : i32 to vector<16x1024xi32>
    %select_n3A_84 = arith.select %eq3A_80, %broadcast_in_dim3A_83, %select_n3A_70 : vector<16x1024xi1>, vector<16x1024xi32>
    %eq3A_85 = arith.constant 6 : i32
    %eq3A_86 = vector.broadcast %eq3A_85 : i32 to vector<16x1024xi32>
    %eq3A_87 = arith.cmpi eq, %iota3A_2, %eq3A_86 : vector<16x1024xi32>
    %get3A_88 = arith.constant 6 : index
    %get3A_89 = memref.load %arg1[%get3A_88] : memref<17xi32, #tpu.memory_space<smem>>
    %broadcast_in_dim3A_90 = vector.broadcast %get3A_89 : i32 to vector<16x1024xi32>
    %select_n3A_91 = arith.select %eq3A_87, %broadcast_in_dim3A_90, %select_n3A_77 : vector<16x1024xi1>, vector<16x1024xi32>
    %eq3A_92 = arith.constant 6 : i32
    %eq3A_93 = vector.broadcast %eq3A_92 : i32 to vector<16x1024xi32>
    %eq3A_94 = arith.cmpi eq, %iota3A_2, %eq3A_93 : vector<16x1024xi32>
    %get3A_95 = arith.constant 7 : index
    %get3A_96 = memref.load %arg1[%get3A_95] : memref<17xi32, #tpu.memory_space<smem>>
    %broadcast_in_dim3A_97 = vector.broadcast %get3A_96 : i32 to vector<16x1024xi32>
    %select_n3A_98 = arith.select %eq3A_94, %broadcast_in_dim3A_97, %select_n3A_84 : vector<16x1024xi1>, vector<16x1024xi32>
    %eq3A_99 = arith.constant 7 : i32
    %eq3A_100 = vector.broadcast %eq3A_99 : i32 to vector<16x1024xi32>
    %eq3A_101 = arith.cmpi eq, %iota3A_2, %eq3A_100 : vector<16x1024xi32>
    %get3A_102 = arith.constant 7 : index
    %get3A_103 = memref.load %arg1[%get3A_102] : memref<17xi32, #tpu.memory_space<smem>>
    %broadcast_in_dim3A_104 = vector.broadcast %get3A_103 : i32 to vector<16x1024xi32>
    %select_n3A_105 = arith.select %eq3A_101, %broadcast_in_dim3A_104, %select_n3A_91 : vector<16x1024xi1>, vector<16x1024xi32>
    %eq3A_106 = arith.constant 7 : i32
    %eq3A_107 = vector.broadcast %eq3A_106 : i32 to vector<16x1024xi32>
    %eq3A_108 = arith.cmpi eq, %iota3A_2, %eq3A_107 : vector<16x1024xi32>
    %get3A_109 = arith.constant 8 : index
    %get3A_110 = memref.load %arg1[%get3A_109] : memref<17xi32, #tpu.memory_space<smem>>
    %broadcast_in_dim3A_111 = vector.broadcast %get3A_110 : i32 to vector<16x1024xi32>
    %select_n3A_112 = arith.select %eq3A_108, %broadcast_in_dim3A_111, %select_n3A_98 : vector<16x1024xi1>, vector<16x1024xi32>
    %eq3A_113 = arith.constant 8 : i32
    %eq3A_114 = vector.broadcast %eq3A_113 : i32 to vector<16x1024xi32>
    %eq3A_115 = arith.cmpi eq, %iota3A_2, %eq3A_114 : vector<16x1024xi32>
    %get3A_116 = arith.constant 8 : index
    %get3A_117 = memref.load %arg1[%get3A_116] : memref<17xi32, #tpu.memory_space<smem>>
    %broadcast_in_dim3A_118 = vector.broadcast %get3A_117 : i32 to vector<16x1024xi32>
    %select_n3A_119 = arith.select %eq3A_115, %broadcast_in_dim3A_118, %select_n3A_105 : vector<16x1024xi1>, vector<16x1024xi32>
    %eq3A_120 = arith.constant 8 : i32
    %eq3A_121 = vector.broadcast %eq3A_120 : i32 to vector<16x1024xi32>
    %eq3A_122 = arith.cmpi eq, %iota3A_2, %eq3A_121 : vector<16x1024xi32>
    %get3A_123 = arith.constant 9 : index
    %get3A_124 = memref.load %arg1[%get3A_123] : memref<17xi32, #tpu.memory_space<smem>>
    %broadcast_in_dim3A_125 = vector.broadcast %get3A_124 : i32 to vector<16x1024xi32>
    %select_n3A_126 = arith.select %eq3A_122, %broadcast_in_dim3A_125, %select_n3A_112 : vector<16x1024xi1>, vector<16x1024xi32>
    %eq3A_127 = arith.constant 9 : i32
    %eq3A_128 = vector.broadcast %eq3A_127 : i32 to vector<16x1024xi32>
    %eq3A_129 = arith.cmpi eq, %iota3A_2, %eq3A_128 : vector<16x1024xi32>
    %get3A_130 = arith.constant 9 : index
    %get3A_131 = memref.load %arg1[%get3A_130] : memref<17xi32, #tpu.memory_space<smem>>
    %broadcast_in_dim3A_132 = vector.broadcast %get3A_131 : i32 to vector<16x1024xi32>
    %select_n3A_133 = arith.select %eq3A_129, %broadcast_in_dim3A_132, %select_n3A_119 : vector<16x1024xi1>, vector<16x1024xi32>
    %eq3A_134 = arith.constant 9 : i32
    %eq3A_135 = vector.broadcast %eq3A_134 : i32 to vector<16x1024xi32>
    %eq3A_136 = arith.cmpi eq, %iota3A_2, %eq3A_135 : vector<16x1024xi32>
    %get3A_137 = arith.constant 10 : index
    %get3A_138 = memref.load %arg1[%get3A_137] : memref<17xi32, #tpu.memory_space<smem>>
    %broadcast_in_dim3A_139 = vector.broadcast %get3A_138 : i32 to vector<16x1024xi32>
    %select_n3A_140 = arith.select %eq3A_136, %broadcast_in_dim3A_139, %select_n3A_126 : vector<16x1024xi1>, vector<16x1024xi32>
    %eq3A_141 = arith.constant 10 : i32
    %eq3A_142 = vector.broadcast %eq3A_141 : i32 to vector<16x1024xi32>
    %eq3A_143 = arith.cmpi eq, %iota3A_2, %eq3A_142 : vector<16x1024xi32>
    %get3A_144 = arith.constant 10 : index
    %get3A_145 = memref.load %arg1[%get3A_144] : memref<17xi32, #tpu.memory_space<smem>>
    %broadcast_in_dim3A_146 = vector.broadcast %get3A_145 : i32 to vector<16x1024xi32>
    %select_n3A_147 = arith.select %eq3A_143, %broadcast_in_dim3A_146, %select_n3A_133 : vector<16x1024xi1>, vector<16x1024xi32>
    %eq3A_148 = arith.constant 10 : i32
    %eq3A_149 = vector.broadcast %eq3A_148 : i32 to vector<16x1024xi32>
    %eq3A_150 = arith.cmpi eq, %iota3A_2, %eq3A_149 : vector<16x1024xi32>
    %get3A_151 = arith.constant 11 : index
    %get3A_152 = memref.load %arg1[%get3A_151] : memref<17xi32, #tpu.memory_space<smem>>
    %broadcast_in_dim3A_153 = vector.broadcast %get3A_152 : i32 to vector<16x1024xi32>
    %select_n3A_154 = arith.select %eq3A_150, %broadcast_in_dim3A_153, %select_n3A_140 : vector<16x1024xi1>, vector<16x1024xi32>
    %eq3A_155 = arith.constant 11 : i32
    %eq3A_156 = vector.broadcast %eq3A_155 : i32 to vector<16x1024xi32>
    %eq3A_157 = arith.cmpi eq, %iota3A_2, %eq3A_156 : vector<16x1024xi32>
    %get3A_158 = arith.constant 11 : index
    %get3A_159 = memref.load %arg1[%get3A_158] : memref<17xi32, #tpu.memory_space<smem>>
    %broadcast_in_dim3A_160 = vector.broadcast %get3A_159 : i32 to vector<16x1024xi32>
    %select_n3A_161 = arith.select %eq3A_157, %broadcast_in_dim3A_160, %select_n3A_147 : vector<16x1024xi1>, vector<16x1024xi32>
    %eq3A_162 = arith.constant 11 : i32
    %eq3A_163 = vector.broadcast %eq3A_162 : i32 to vector<16x1024xi32>
    %eq3A_164 = arith.cmpi eq, %iota3A_2, %eq3A_163 : vector<16x1024xi32>
    %get3A_165 = arith.constant 12 : index
    %get3A_166 = memref.load %arg1[%get3A_165] : memref<17xi32, #tpu.memory_space<smem>>
    %broadcast_in_dim3A_167 = vector.broadcast %get3A_166 : i32 to vector<16x1024xi32>
    %select_n3A_168 = arith.select %eq3A_164, %broadcast_in_dim3A_167, %select_n3A_154 : vector<16x1024xi1>, vector<16x1024xi32>
    %eq3A_169 = arith.constant 12 : i32
    %eq3A_170 = vector.broadcast %eq3A_169 : i32 to vector<16x1024xi32>
    %eq3A_171 = arith.cmpi eq, %iota3A_2, %eq3A_170 : vector<16x1024xi32>
    %get3A_172 = arith.constant 12 : index
    %get3A_173 = memref.load %arg1[%get3A_172] : memref<17xi32, #tpu.memory_space<smem>>
    %broadcast_in_dim3A_174 = vector.broadcast %get3A_173 : i32 to vector<16x1024xi32>
    %select_n3A_175 = arith.select %eq3A_171, %broadcast_in_dim3A_174, %select_n3A_161 : vector<16x1024xi1>, vector<16x1024xi32>
    %eq3A_176 = arith.constant 12 : i32
    %eq3A_177 = vector.broadcast %eq3A_176 : i32 to vector<16x1024xi32>
    %eq3A_178 = arith.cmpi eq, %iota3A_2, %eq3A_177 : vector<16x1024xi32>
    %get3A_179 = arith.constant 13 : index
    %get3A_180 = memref.load %arg1[%get3A_179] : memref<17xi32, #tpu.memory_space<smem>>
    %broadcast_in_dim3A_181 = vector.broadcast %get3A_180 : i32 to vector<16x1024xi32>
    %select_n3A_182 = arith.select %eq3A_178, %broadcast_in_dim3A_181, %select_n3A_168 : vector<16x1024xi1>, vector<16x1024xi32>
    %eq3A_183 = arith.constant 13 : i32
    %eq3A_184 = vector.broadcast %eq3A_183 : i32 to vector<16x1024xi32>
    %eq3A_185 = arith.cmpi eq, %iota3A_2, %eq3A_184 : vector<16x1024xi32>
    %get3A_186 = arith.constant 13 : index
    %get3A_187 = memref.load %arg1[%get3A_186] : memref<17xi32, #tpu.memory_space<smem>>
    %broadcast_in_dim3A_188 = vector.broadcast %get3A_187 : i32 to vector<16x1024xi32>
    %select_n3A_189 = arith.select %eq3A_185, %broadcast_in_dim3A_188, %select_n3A_175 : vector<16x1024xi1>, vector<16x1024xi32>
    %eq3A_190 = arith.constant 13 : i32
    %eq3A_191 = vector.broadcast %eq3A_190 : i32 to vector<16x1024xi32>
    %eq3A_192 = arith.cmpi eq, %iota3A_2, %eq3A_191 : vector<16x1024xi32>
    %get3A_193 = arith.constant 14 : index
    %get3A_194 = memref.load %arg1[%get3A_193] : memref<17xi32, #tpu.memory_space<smem>>
    %broadcast_in_dim3A_195 = vector.broadcast %get3A_194 : i32 to vector<16x1024xi32>
    %select_n3A_196 = arith.select %eq3A_192, %broadcast_in_dim3A_195, %select_n3A_182 : vector<16x1024xi1>, vector<16x1024xi32>
    %eq3A_197 = arith.constant 14 : i32
    %eq3A_198 = vector.broadcast %eq3A_197 : i32 to vector<16x1024xi32>
    %eq3A_199 = arith.cmpi eq, %iota3A_2, %eq3A_198 : vector<16x1024xi32>
    %get3A_200 = arith.constant 14 : index
    %get3A_201 = memref.load %arg1[%get3A_200] : memref<17xi32, #tpu.memory_space<smem>>
    %broadcast_in_dim3A_202 = vector.broadcast %get3A_201 : i32 to vector<16x1024xi32>
    %select_n3A_203 = arith.select %eq3A_199, %broadcast_in_dim3A_202, %select_n3A_189 : vector<16x1024xi1>, vector<16x1024xi32>
    %eq3A_204 = arith.constant 14 : i32
    %eq3A_205 = vector.broadcast %eq3A_204 : i32 to vector<16x1024xi32>
    %eq3A_206 = arith.cmpi eq, %iota3A_2, %eq3A_205 : vector<16x1024xi32>
    %get3A_207 = arith.constant 15 : index
    %get3A_208 = memref.load %arg1[%get3A_207] : memref<17xi32, #tpu.memory_space<smem>>
    %broadcast_in_dim3A_209 = vector.broadcast %get3A_208 : i32 to vector<16x1024xi32>
    %select_n3A_210 = arith.select %eq3A_206, %broadcast_in_dim3A_209, %select_n3A_196 : vector<16x1024xi1>, vector<16x1024xi32>
    %eq3A_211 = arith.constant 15 : i32
    %eq3A_212 = vector.broadcast %eq3A_211 : i32 to vector<16x1024xi32>
    %eq3A_213 = arith.cmpi eq, %iota3A_2, %eq3A_212 : vector<16x1024xi32>
    %get3A_214 = arith.constant 15 : index
    %get3A_215 = memref.load %arg1[%get3A_214] : memref<17xi32, #tpu.memory_space<smem>>
    %broadcast_in_dim3A_216 = vector.broadcast %get3A_215 : i32 to vector<16x1024xi32>
    %select_n3A_217 = arith.select %eq3A_213, %broadcast_in_dim3A_216, %select_n3A_203 : vector<16x1024xi1>, vector<16x1024xi32>
    %eq3A_218 = arith.constant 15 : i32
    %eq3A_219 = vector.broadcast %eq3A_218 : i32 to vector<16x1024xi32>
    %eq3A_220 = arith.cmpi eq, %iota3A_2, %eq3A_219 : vector<16x1024xi32>
    %get3A_221 = arith.constant 16 : index
    %get3A_222 = memref.load %arg1[%get3A_221] : memref<17xi32, #tpu.memory_space<smem>>
    %broadcast_in_dim3A_223 = vector.broadcast %get3A_222 : i32 to vector<16x1024xi32>
    %select_n3A_224 = arith.select %eq3A_220, %broadcast_in_dim3A_223, %select_n3A_210 : vector<16x1024xi1>, vector<16x1024xi32>
    %ge3A = arith.cmpi sge, %add3A_1, %select_n3A_217 : vector<16x1024xi32>
    %lt3A = arith.cmpi slt, %add3A_1, %select_n3A_224 : vector<16x1024xi32>
    %and3A = arith.andi %ge3A, %lt3A : vector<16x1024xi1>
    %convert_element_type3A = arith.extui %and3A : vector<16x1024xi1> to vector<16x1024xi32>
    %convert_element_type3A_225 = arith.sitofp %convert_element_type3A : vector<16x1024xi32> to vector<16x1024xf32>
    %get3A_226 = arith.constant 0 : index
    %get3A_227 = arith.constant 0 : index
    %get3A_228 = vector.load %arg2[%get3A_226, %get3A_227] : memref<1024x512xf32, #tpu.memory_space<vmem>>, vector<1024x512xf32>
    %dot_general3A = arith.constant dense<0.000000e+00> : vector<16x512xf32>
    %dot_general3A_229 = tpu.matmul %convert_element_type3A_225, %get3A_228, %dot_general3A {dimension_numbers = #tpu.dot_dimension_numbers<[1], [0], [0], [1], [0, 0, 1, 1], [], []>, transpose_lhs_hint = false} : vector<16x1024xf32>, vector<1024x512xf32>, vector<16x512xf32> -> vector<16x512xf32>
    %eq3A_230 = arith.constant 0 : i32
    %eq3A_231 = arith.cmpi eq, %arg0, %eq3A_230 : i32
    %convert_element_type3A_232 = arith.extui %eq3A_231 : i1 to i32
    %cond3A = arith.constant 0 : i32
    %cond3A_233 = arith.cmpi ne, %convert_element_type3A_232, %cond3A : i32
    scf.if %cond3A_233 {
      %swap3A = arith.constant 0 : index
      %swap3A_238 = arith.constant 0 : index
      %swap3A_239 = vector.load %arg3[%swap3A, %swap3A_238] : memref<16x512xf32, #tpu.memory_space<vmem>>, vector<16x512xf32>
      tpu.vector_store %arg3[%swap3A, %swap3A_238], %dot_general3A_229 {strides = array<i32>} : memref<16x512xf32, #tpu.memory_space<vmem>>, vector<16x512xf32>,
    } else {
    }
    %ne3A = arith.constant 0 : i32
    %ne3A_234 = arith.cmpi ne, %arg0, %ne3A : i32
    %convert_element_type3A_235 = arith.extui %ne3A_234 : i1 to i32
    %cond3A_236 = arith.constant 0 : i32
    %cond3A_237 = arith.cmpi ne, %convert_element_type3A_235, %cond3A_236 : i32
    scf.if %cond3A_237 {
      %get3A_238 = arith.constant 0 : index
      %get3A_239 = arith.constant 0 : index
      %get3A_240 = vector.load %arg3[%get3A_238, %get3A_239] : memref<16x512xf32, #tpu.memory_space<vmem>>, vector<16x512xf32>
      %add3A_241 = arith.addf %get3A_240, %dot_general3A_229 : vector<16x512xf32>
      %swap3A = arith.constant 0 : index
      %swap3A_242 = arith.constant 0 : index
      %swap3A_243 = vector.load %arg3[%swap3A, %swap3A_242] : memref<16x512xf32, #tpu.memory_space<vmem>>, vector<16x512xf32>
      tpu.vector_store %arg3[%swap3A, %swap3A_242], %add3A_241 {strides = array<i32>} : memref<16x512xf32, #tpu.memory_space<vmem>>, vector<16x512xf32>,
    } else {
    }
    return
  }
  func.func @transform_0(%arg0: i32, %arg1: memref<17xi32, #tpu.memory_space<smem>>) -> (i32, i32) {
    %c0_i32 = arith.constant 0 : i32
    %c0_i32_0 = arith.constant 0 : i32
    return %arg0, %c0_i32 : i32, i32
  }
  func.func @transform_1(%arg0: i32, %arg1: memref<17xi32, #tpu.memory_space<smem>>) -> (i32, i32) {
    %c0_i32 = arith.constant 0 : i32
    %c0_i32_0 = arith.constant 0 : i32
    %c0_i32_1 = arith.constant 0 : i32
    return %c0_i32, %c0_i32_0 : i32, i32
  }
}

module attributes {stable_mosaic.version = 14 : i64} {
  func.func @_combine_body(%arg0: memref<32x16x512xf32, #tpu.memory_space<vmem>>, %arg1: memref<16x512xf32, #tpu.memory_space<vmem>>, %arg2: memref<16x512xf32, #tpu.memory_space<vmem>>) attributes {dimension_semantics = [], scalar_prefetch = 0 : i64, scratch_operands = 0 : i64, tpu.core_type = #tpu.core_type<tc>} {
    %get3A = arith.constant 0 : index
    %get3A_0 = arith.constant 0 : index
    %get3A_1 = arith.constant 0 : index
    %get3A_2 = vector.load %arg0[%get3A, %get3A_0, %get3A_1] : memref<32x16x512xf32, #tpu.memory_space<vmem>>, vector<32x16x512xf32>
    %reduce_sum3A = arith.constant dense<0.000000e+00> : vector<16x512xf32>
    %reduce_sum3A_3 = vector.multi_reduction <add>, %get3A_2, %reduce_sum3A [0] : vector<32x16x512xf32> to vector<16x512xf32>
    %get3A_4 = arith.constant 0 : index
    %get3A_5 = arith.constant 0 : index
    %get3A_6 = vector.load %arg1[%get3A_4, %get3A_5] : memref<16x512xf32, #tpu.memory_space<vmem>>, vector<16x512xf32>
    %add3A = arith.addf %reduce_sum3A_3, %get3A_6 : vector<16x512xf32>
    %swap3A = arith.constant 0 : index
    %swap3A_7 = arith.constant 0 : index
    %swap3A_8 = vector.load %arg2[%swap3A, %swap3A_7] : memref<16x512xf32, #tpu.memory_space<vmem>>, vector<16x512xf32>
    tpu.vector_store %arg2[%swap3A, %swap3A_7], %add3A {strides = array<i32>} : memref<16x512xf32, #tpu.memory_space<vmem>>, vector<16x512xf32>,
    return
  }
}

</mosaic_0001>

<sc_bundles>
// kernel: kernel.5.cloned.1.call-start
scs
__scs_entry_jumppad:
0x0: {  	(pc) =	sbr.rel $0x88, $3  }
0x1: {  	(tag) =	ssettag $0x0;
	lr =	simm.s32 $0x1  }
0x2: {  	[smem:$0x3F9F] =	sst lr;
	_ =	strace $0xD0000000  }
0x3: {  	_ = 	snop  }
0x4: {  	_ = 	snop  }
0x5: {  	_ = 	snop  }
0x6: {  	_ = 	snop  }
0x7: {  	_ = 	snop  }
__scs_overlays_trampoline_lowered:
0x8: {  	[smem:$0x3FAE] =	sst s0  }
0x9: {  	[smem:$0x3FAF] =	sst s1  }
0xa: {  	[smem:$0x3FB0] =	sst s2  }
0xb: {  	[smem:$0x3FB1] =	sst s3  }
0xc: {  	[smem:$0x3FB2] =	sst s4  }
0xd: {  	[smem:$0x3FB3] =	sst s5  }
0xe: {  	[smem:$0x3FB4] =	sst s6  }
0xf: {  	[smem:$0x3FB5] =	sst s7  }
0x10: {  	[smem:$0x3FB6] =	sst s8  }
0x11: {  	[smem:$0x3FB7] =	sst s9;
	s0 =	simm.s32 @!p0 $0x0  }
0x12: {  	s1 =	sld [smem:$0x3F9D];
	s0 =	simm.s32 @p0 $0x1  }
0x13: {  	[smem:$0x3FB8] =	sst s0;
	s0 =	simm.s32 @!p1 $0x0  }
0x14: {  	s2 =	sld [smem:$0x3F9C];
	s0 =	simm.s32 @p1 $0x1  }
0x15: {  	[smem:$0x3FB9] =	sst s0;
	s0 =	simm.s32 @!p2 $0x0  }
0x16: {  	s3 =	sld [smem:$0x3FDB];
	s0 =	simm.s32 @p2 $0x1  }
0x17: {  	s4 =	simm.s32 $0x1BF5;
	[smem:$0x3FBB] =	sst s0  }
0x18: {  	s0 =	sld [smem:$0x3F9E];
	_ =	swait.ge [sflag:s4], $0x0  }
0x19: {  	s7 =	sld [smem:$0x3F9F]  }
0x1a: {  	s8 =	sadd.s32 $0xFFFFE003, lr  }
0x1b: {  	s9 =	sadd.s32 $0xFFFFFEF7, lr;
	s5 =	simm.s32 $0xFFFFFFFF;
	p2 =	slt.u32 s8, $0xFFFFF086  }
0x1c: {  	p1 =	slt.u32 s9, $0xF7A;
	s5 =	simm.s32 @!p2 $0x0  }
0x1d: {  	s5 =	simm.s32 @p1 $0x1;
	p0 =	seq.s32 s7, s2  }
0x1e: {  	s7 =	smul.u32 @!p0 $0xF7A, s2;
	p2 =	seq.s32 @!p0 s5, $0x0  }
0x1f: {  	s9 =	smul.u32 $0xF7A, s1;
	s8 =	simm.s32 @!p0 $0x1BF5;
	p2 =	por !p2, p0  }
0x20: {  	[sflag:s8] =	ssyncset.s32 @!p0 $0xFFFFF086;
	s6 =	sadd.s32 @!p0 s3, s7;
	s7 =	simm.s32 @!p0 $0x108  }
0x21: {  	s3 =	sadd.s32 s3, s9;
	s6 =	sadd.s32 @!p0 $0x88, s6;
	s7 =	simm.s32 @p2 $0x1082  }
0x22: {  	[simem:s7], [sflag:s8] =	dma.local @!p0 [hbm:s6], $0xF7A  }
0x23: {  	s9 =	sor.u32 $0xD0000000, s2;
	s6 =	simm.s32 $0x108;
	_ =	swait.ge @!p0 [sflag:s8], $0x0  }
0x24: {  	s3 =	sadd.s32 $0x88, s3;
	s6 =	simm.s32 @!p1 $0x1082;
	[sflag:s4] =	ssyncset.s32 $0xFFFFF086  }
0x25: {  	[simem:s6], [sflag:s4] =	dma.local [hbm:s3], $0xF7A  }
0x26: {  	[smem:$0x3F9F] =	sst s1;
	(tag) =	ssettag s2;
	_ =	strace s9  }
0x27: {  	s1 =	sld [smem:$0x3FAF]  }
0x28: {  	s2 =	sld [smem:$0x3FB0]  }
0x29: {  	s4 =	sld [smem:$0x3FB2]  }
0x2a: {  	p0 =	seq.s32 s5, $0x0;
	s5 =	sld [smem:$0x3FB3]  }
0x2b: {  	s6 =	sld [smem:$0x3FB4]  }
0x2c: {  	s7 =	sld [smem:$0x3FB5]  }
0x2d: {  	s3 =	simm.s32 $0x108;
	s8 =	sld [smem:$0x3FB6]  }
0x2e: {  	s3 =	simm.s32 @!p0 $0x1082;
	s9 =	sld [smem:$0x3FB7]  }
0x2f: {  	lr =	sadd.s32 s0, s3;
	s0 =	sld [smem:$0x3FAE]  }
0x30: {  	s3 =	sld [smem:$0x3FB1]  }
0x31: {  	[smem:$0x3FBA] =	sst s10  }
0x32: {  	s10 =	sld [smem:$0x3FB8];
	_ =	sdelay $0x3  }
0x33: {  	p0 =	seq.s32 s10, $0x1;
	s10 =	sld [smem:$0x3FBA];
	_ =	sdelay $0x3  }
0x34: {  	[smem:$0x3FBA] =	sst s10  }
0x35: {  	s10 =	sld [smem:$0x3FB9];
	_ =	sdelay $0x3  }
0x36: {  	p1 =	seq.s32 s10, $0x1;
	s10 =	sld [smem:$0x3FBA];
	_ =	sdelay $0x3  }
0x37: {  	[smem:$0x3FBA] =	sst s10  }
0x38: {  	s10 =	sld [smem:$0x3FBB]  }
0x39: {  	_ = 	snop;
	(pc) =	sbr.ind lr, $3  }
0x3a: {  	_ = 	snop  }
0x3b: {  	_ = 	snop  }
0x3c: {  	p2 =	seq.s32 s10, $0x1;
	s10 =	sld [smem:$0x3FBA]  }
0x3d: {  	_ =	shalt  }
0x3e: {  	_ =	shalt  }
0x3f: {  	_ =	shalt  }
0x40: {  	_ =	shalt  }
0x41: {  	_ =	shalt  }
0x42: {  	_ =	shalt  }
0x43: {  	_ =	shalt  }
0x44: {  	_ =	shalt  }
0x45: {  	_ =	shalt  }
0x46: {  	_ =	shalt  }
0x47: {  	_ =	shalt  }
0x48: {  	_ =	shalt  }
0x49: {  	_ =	shalt  }
0x4a: {  	_ =	shalt  }
0x4b: {  	_ =	shalt  }
0x4c: {  	_ =	shalt  }
0x4d: {  	_ =	shalt  }
0x4e: {  	_ =	shalt  }
0x4f: {  	_ =	shalt  }
0x50: {  	_ =	shalt  }
0x51: {  	_ =	shalt  }
0x52: {  	_ =	shalt  }
0x53: {  	_ =	shalt  }
0x54: {  	_ =	shalt  }
0x55: {  	_ =	shalt  }
0x56: {  	_ =	shalt  }
0x57: {  	_ =	shalt  }
0x58: {  	_ =	shalt  }
0x59: {  	_ =	shalt  }
0x5a: {  	_ =	shalt  }
0x5b: {  	_ =	shalt  }
0x5c: {  	_ =	shalt  }
0x5d: {  	_ =	shalt  }
0x5e: {  	_ =	shalt  }
0x5f: {  	_ =	shalt  }
0x60: {  	_ =	shalt  }
0x61: {  	_ =	shalt  }
0x62: {  	_ =	shalt  }
0x63: {  	_ =	shalt  }
0x64: {  	_ =	shalt  }
0x65: {  	_ =	shalt  }
0x66: {  	_ =	shalt  }
0x67: {  	_ =	shalt  }
0x68: {  	_ =	shalt  }
0x69: {  	_ =	shalt  }
0x6a: {  	_ =	shalt  }
0x6b: {  	_ =	shalt  }
0x6c: {  	_ =	shalt  }
0x6d: {  	_ =	shalt  }
0x6e: {  	_ =	shalt  }
0x6f: {  	_ =	shalt  }
0x70: {  	_ =	shalt  }
0x71: {  	_ =	shalt  }
0x72: {  	_ =	shalt  }
0x73: {  	_ =	shalt  }
0x74: {  	_ =	shalt  }
0x75: {  	_ =	shalt  }
0x76: {  	_ =	shalt  }
0x77: {  	_ =	shalt  }
0x78: {  	_ =	shalt  }
0x79: {  	_ =	shalt  }
0x7a: {  	_ =	shalt  }
0x7b: {  	_ =	shalt  }
0x7c: {  	_ =	shalt  }
0x7d: {  	_ =	shalt  }
0x7e: {  	_ =	shalt  }
0x7f: {  	_ =	shalt  }
0x80: {  	_ =	shalt  }
0x81: {  	_ =	shalt  }
0x82: {  	_ =	shalt  }
0x83: {  	_ =	shalt  }
0x84: {  	_ =	shalt  }
0x85: {  	_ =	shalt  }
0x86: {  	_ =	shalt  }
0x87: {  	_ =	shalt  }
.Lfunc_end0:
.L_simem_size_0:
called_computation_lowered:
.L_overlay_start_0:
0x88: {  	s2 =	sld [smem:$0x3FD9]  }
0x89: {  	s3 =	sld [smem:$0x3FFE];
	_ =	sdelay $0x1  }
0x8a: {  	s1 =	srdreg.scid  }
0x8b: {  	s0 =	sand.u32 $0x1, s1  }
0x8c: {  	s17 =	sshll.u32 s0, $0xA;
	s2 =	sadd.s32 s3, s2  }
0x8d: {  	s2 =	sadd.s32 s2, s17  }
0x8e: {  	[smem:$0x3FC6] =	sst s2  }
0x8f: {  	_ = 	snop  }
0x90: {  	s2 =	sld [smem:$0x3FC9]  }
0x91: {  	s18 =	sld [smem:$0x3FC8];
	(tm) =	ssettm $0x1  }
0x92: {  	s4 =	sld [smem:$0x3FFB];
	_ =	sdelay $0x3  }
0x93: {  	_ =	strace s4  }
0x94: {  	s4 =	sld [smem:$0x3FFC];
	_ =	sdelay $0x3  }
0x95: {  	_ =	strace s4  }
0x96: {  	s4 =	sld [smem:$0x3FFD];
	_ =	sdelay $0x3  }
0x97: {  	_ =	strace s4  }
0x98: {  	_ =	strace $0x8FFFFFFF  }
0x99: {  	s19 =	sld [smem:$0x3FDB];
	_ =	sdelay $0x1  }
0x9a: {  	s5 =	simm.s32 $_scs_section_size  }
0x9b: {  	s6 =	simm.s32 $_size__tile_overlayer_lowered;
	s7 =	simm.s32 $_tile_overlayer_lowered  }
0x9c: {  	s22 =	simm.s32 $0x1BFF;
	s21 =	sshll.u32 s7, $0x1;
	s4 =	sadd.s32 s5, s19  }
0x9d: {  	s8 =	simm.s32 $0x0;
	s20 =	sshll.u32 s6, $0x1;
	s6 =	sadd.s32 s21, s4  }
0x9e: {  	[timem:s8], [sflag:s22] =	dma.local [hbm:s6], s20  }
0x9f: {  	_ =	swait.ge [sflag:s22], s20  }
0xa0: {  	s5 =	ssub.s32 $0x0, s20;
	[sflag:s22] =	ssyncset.done $0x0  }
0xa1: {  	[sflag:s22] =	ssyncadd.s32 s5;
	_ =	sdelay $0x1  }
0xa2: {  	s23 =	simm.s32 $0x1B8B  }
0xa3: {  	_ =	swait.ge [sflag:s23], $0x1  }
0xa4: {  	[sflag:s23] =	ssyncset.done $0x0  }
0xa5: {  	s25 =	simm.s32 $0x1B8E;
	s24 =	sld [smem:$0x3FFE];
	[sflag:s23] =	ssyncadd.s32 $0xFFFFFFFF  }
0xa6: {  	s26 =	simm.s32 $execute0_lowered;
	[smem:$0x3FD2] =	sst s25  }
0xa7: {  	s6 =	sshll.u32 s26, $0x1;
	_ =	strace $0x80000046;
	[dreg:$0x1] =	wrdreg $0xFFFFFFFF  }
0xa8: {  	s28 =	simm.s32 $_size_execute0_lowered;
	s4 =	sadd.s32 s4, s6;
	[dreg:$0x0] =	wrdreg $0x0  }
0xa9: {  	s6 =	sshll.u32 s28, $0x1;
	[dreg:$0x2] =	wrdreg s4  }
0xaa: {  	[dreg:$0x3] =	wrdreg s6  }
0xab: {  	[dreg:$0x4] =	wrdreg $0xC0  }
0xac: {  	_ =	task [dreg:s8], $0x5FFFF  }
0xad: {  	[dreg:$0x1] =	wrdreg $0xFFFFFFFF  }
0xae: {  	[dreg:$0x0] =	wrdreg $0x60  }
0xaf: {  	[dreg:$0x2] =	wrdreg s2  }
0xb0: {  	[dreg:$0x3] =	wrdreg s18  }
0xb1: {  	[dreg:$0x4] =	wrdreg s24  }
0xb2: {  	[dreg:$0x5] =	wrdreg $0x9  }
0xb3: {  	_ =	task.clear_ibuf [dreg:s8], $0x6FFFF;
	_ =	strace $0x90000046  }
0xb4: {  	s29 =	simm.s32 $0x9;
	_ =	strace $0x80000048  }
0xb5: {  	_ =	swait.ge [sflag:s29], $0x1  }
0xb6: {  	[sflag:s29] =	ssyncadd.s32 $0xFFFFFFFF  }
0xb7: {  	_ =	strace $0x90000048  }
0xb8: {  	_ =	sfence  }
0xb9: {  	s30 =	sld [smem:$0x0];
	_ =	sdelay $0x2  }
0xba: {  	s31 =	sshll.u32 s1, $0xD;
	s1 =	sshrl.u32 s1, $0x2  }
0xbb: {  	s3 =	sand.u32 $0x4000, s31;
	s1 =	sadd.s32 s1, s30  }
0xbc: {  	s0 =	sor.u32 s3, s0;
	s1 =	sshll.u32 s1, $0x11  }
0xbd: {  	s0 =	sor.u32 s1, s0  }
0xbe: {  	s0 =	sadd.s32 $0x8F2B, s0  }
0xbf: {  	[sflag:s0] =	ssyncadd.remote.s32 $0x1  }
0xc0: {  	_ =	sfence.sel $0xFFFF  }
0xc1: {  	[dreg:$0x0] =	wrdreg $0xFFFFFFFF;
	(pc) =	sbr.abs _section_cstart, $3  }
0xc2: {  	[dreg:$0x1] =	wrdreg $0xFFFFFFFF  }
0xc3: {  	_ =	task.clear_ibuf [dreg:s8], $0x2FFFF;
	_ =	strace $0x9FFFFFFF  }
0xc4: {  	(tm) =	ssettm $0x7FFFFFFF  }
0xc5: {  	_ =	shalt  }
tec
execute0_lowered:
.L_overlay_start_1:
0x0: {  	(tag) =	ssettag $0x1  }
0x1: {  	s31 =	rddreg [dreg:$0x1]  }
0x2: {  	s0 =	rddreg [dreg:$0x2]  }
0x3: {  	s1 =	srdreg.scid;
	s3 =	simm.s32 $0x0;
	s4 =	stileid.u32  }
0x4: {  	s10 =	simm.s32 $0x3;
	s11 =	simm.s32 $0x1;
	s12 =	simm.s32 $0x2  }
0x5: {  	s13 =	simm.s32 $0x4;
	s14 =	simm.s32 $0x5;
	s15 =	simm.s32 $0x6  }
0x6: {  	s16 =	simm.s32 $0x7;
	s17 =	simm.s32 $0x8;
	s18 =	simm.s32 $0x9  }
0x7: {  	s19 =	simm.s32 $0xA;
	s20 =	simm.s32 $0xB;
	s1 =	sand.u32 $0x1, s1  }
0x8: {  	s21 =	simm.s32 $0xC;
	s22 =	simm.s32 $0xD;
	s2 =	sshll.u32 s1, $0x4  }
0x9: {  	[smem:$0x7FF] =	sst s3;
	s6 =	smul.u32 $0x140, s4;
	s2 =	sor.u32 s4, s2  }
0xa: {  	s23 =	simm.s32 $0xE;
	_ =	strace $0x80000047;
	s25 =	smul.u32 $0x140, s2  }
0xb: {  	s5 =	ssub.s32 $0x2, s1;
	s1 =	smul.u32 $0x1400, s1;
	s2 =	sshll.u32 s2, $0xA  }
0xc: {  	s26 =	sshrl.u32 s5, $0x1;
	s0 =	sadd.s32 s2, s0;
	s28 =	sadd.s32 $0x5800, s25  }
.Ltmp0:
0xd: {  	s3 =	sadd.s32 $0x5940, s25;
	[dreg:$0x8] =	wrdreg s28;
	(pc) =	sbr.rel .LBB2_1-.Ltmp0, $4  }
0xe: {  	s2 =	ssub.s32 s5, s26;
	s0 =	sadd.s32 $0x800, s0;
	[dreg:$0x9] =	wrdreg s3  }
0xf: {  	s30 =	sadd.s32 s6, s1;
	s29 =	smax.u32 s2, $0x1;
	[dreg:$0xa] =	wrdreg s0  }
0x10: {  	s24 =	simm.s32 $0xF;
	[dreg:$0xb] =	wrdreg s29;
	s0 =	sadd.s32 $0x5940, s30  }
0x11: {  	v0 =	vimm.f32 $0.0e+00;
	s4 =	simm.s32 $0x0;
	s5 =	simm.s32 $0x0;
	[dreg:$0xc] =	wrdreg s0  }
.LBB2_150:
0x12: {  	s4 =	simm.s32 $0x0;
	s0 =	rddreg [dreg:$0xa];
	s1 =	simm.s32 $0x10080  }
0x13: {  	[hbm4b:s0+s4] =	stream.linear.scatter [tilespmem:s1], [sflag:$0x3], $0x2000, $0x38;
	[tilespmem:$0x12080] =	vst v63  }
0x14: {  	_ =	swait.ge [sflag:s10], $0x2000  }
0x15: {  	s5 =	rddreg [dreg:$0xd]  }
0x16: {  	s30 =	rddreg [dreg:$0xb];
	s5 =	sadd.s32 $0x1, s5  }
0x17: {  	p0 =	sne.s32 s5, s30  }
.Ltmp1:
0x18: {  	_ = 	snop;
	(pc) =	sbr.rel @!p0 .LBB2_151-.Ltmp1, $3  }
0x19: {  	_ =	sdelay $0x1  }
0x1a: {  	[sflag:s10] =	ssyncset.done $0x0  }
0x1b: {  	[sflag:s10] =	ssyncadd.s32 $0xFFFFE000  }
.LBB2_1:
0x1c: {  	s0 =	rddreg [dreg:$0x0]  }
0x1d: {  	[tilespmem:s4], [sflag:$0x3] =	stream.linear.gather [hbm4b:s0+s4], $0x11, $0x38;
	[tilespmem:$0x12080] =	vst v63  }
0x1e: {  	_ =	swait.ge [sflag:s10], $0x11  }
0x1f: {  	[sflag:s10] =	ssyncset.done $0x0  }
0x20: {  	[sflag:s10] =	ssyncadd.s32 $0xFFFFFFEF  }
0x21: {  	v1 =	vld [tilespmem:$0x0];
	_ =	sdelay $0x4  }
0x22: {  	(v2sf) =	vpush v1, $0x0  }
0x23: {  	(v2sf) =	vpush v1, $0x1  }
0x24: {  	(v2sf) =	vpush v1, $0x2  }
0x25: {  	(v2sf) =	vpush v1, $0x3  }
0x26: {  	(v2sf) =	vpush v1, $0x4  }
0x27: {  	(v2sf) =	vpush v1, $0x5  }
0x28: {  	(v2sf) =	vpush v1, $0x6;
	_ =	sdelay $0x1  }
0x29: {  	(v2sf) =	vpush v1, $0x7;
	_ =	sdelay $0x1  }
0x2a: {  	(v2sf) =	vpush v1, $0x8;
	_ =	sdelay $0x2  }
0x2b: {  	(v2sf) =	vpush v1, $0x9  }
0x2c: {  	(v2sf) =	vpush v1, $0xA  }
0x2d: {  	(v2sf) =	vpush v1, $0xB;
	s1 =	spop (v2sf)  }
0x2e: {  	v2 =	vld [tilespmem:$0x8];
	(v2sf) =	vpush v1, $0xC;
	s3 =	spop (v2sf)  }
0x2f: {  	[dreg:$0xd] =	wrdreg s5;
	(v2sf) =	vpush v1, $0xD;
	s29 =	spop (v2sf)  }
0x30: {  	s8 =	rddreg [dreg:$0x9];
	s25 =	spop (v2sf)  }
0x31: {  	(v2sf) =	vpush v1, $0xE;
	[dreg:$0x1b] =	wrdreg s25;
	s26 =	spop (v2sf)  }
0x32: {  	(v2sf) =	vpush v1, $0xF;
	[dreg:$0x1a] =	wrdreg s26;
	s28 =	spop (v2sf)  }
0x33: {  	(v2sf) =	vpush v2, $0x8;
	[dreg:$0x19] =	wrdreg s28;
	s2 =	spop (v2sf)  }
0x34: {  	[dreg:$0x18] =	wrdreg s2  }
0x35: {  	s6 =	spop (v2sf);
	s2 =	rddreg [dreg:$0x8]  }
0x36: {  	[dreg:$0x17] =	wrdreg s6  }
0x37: {  	s7 =	spop (v2sf);
	p0 =	sgt.s32 s1, s2;
	s0 =	smov.u32 s2  }
0x38: {  	s30 =	smov.u32 s2;
	s0 =	smov.u32 @p0 s1;
	p0 =	sgt.s32 s3, s2  }
0x39: {  	[dreg:$0x16] =	wrdreg s7;
	s2 =	smin.u32 s0, s8;
	s30 =	smov.u32 @p0 s3  }
0x3a: {  	s6 =	spop (v2sf);
	s3 =	smin.u32 s30, s8;
	s9 =	sand.u32 $0xFFF8, s2  }
0x3b: {  	[dreg:$0x15] =	wrdreg s6;
	s28 =	spop (v2sf);
	s1 =	ssub.s32 s3, s9  }
0x3c: {  	s26 =	spop (v2sf);
	p0 =	sge.u32 s0, s3;
	s1 =	sadd.s32 $0x3F, s1  }
0x3d: {  	[dreg:$0x14] =	wrdreg s28;
	s25 =	spop (v2sf);
	p1 =	slt.s32 @!p0 s1, $0x40  }
0x3e: {  	[dreg:$0x13] =	wrdreg s26;
	s9 =	spop (v2sf);
	p1 =	por p0, p1  }
.Ltmp2:
0x3f: {  	[dreg:$0x12] =	wrdreg s25;
	(pc) =	sbr.rel @p1 .LBB2_2-.Ltmp2, $4  }
0x40: {  	s8 =	spop (v2sf);
	[dreg:$0x11] =	wrdreg s9  }
0x41: {  	s7 =	spop (v2sf);
	[dreg:$0x10] =	wrdreg s8  }
0x42: {  	s6 =	spop (v2sf);
	[dreg:$0xf] =	wrdreg s7  }
0x43: {  	[dreg:$0xe] =	wrdreg s6  }
0x44: {  	s6 =	sshra.s32 s1, $0x1F  }
0x45: {  	s6 =	sshrl.u32 s6, $0x1A  }
0x46: {  	s28 =	sadd.s32 s6, s1  }
0x47: {  	s25 =	sshra.s32 s28, $0x6  }
0x48: {  	p1 =	sgt.s32 s25, $0x1  }
.Ltmp3:
0x49: {  	_ = 	snop;
	(pc) =	sbr.rel @!p1 .LBB2_4-.Ltmp3, $4  }
0x4a: {  	s5 =	rddreg [dreg:$0xc]  }
0x4b: {  	s26 =	simm.s32 $0x80;
	s9 =	simm.s32 $0x1;
	s0 =	smin.u32 s0, s5  }
0x4c: {  	p0 =	por $0x0, $0x0;
	s0 =	sand.u32 $0xFFF8, s0;
	s6 =	simm.s32 $0x0  }
0x4d: {  	s1 =	simm.s32 $0x180;
	s7 =	sadd.s32 $0x40, s0;
	s0 =	simm.s32 $0x100  }
0x4e: {  	[dreg:$0x1d] =	wrdreg s30  }
0x4f: {  	[dreg:$0x1c] =	wrdreg s29;
	s30 =	sadd.s32 $0xFFFFFFC0, s7;
	s28 =	simm.s32 $0x2  }
0x50: {  	p1 =	sgt.s32 s25, $0x2;
	p0 =	slt.s32 s30, $0x7FC0;
	s8 =	smov.u32 s30  }
.Ltmp4:
0x51: {  	s29 =	simm.s32 $0x81;
	s8 =	simm.s32 @!p0 $0x7FC0;
	(pc) =	sbr.rel @!p1 .LBB2_6-.Ltmp4, $4  }
0x52: {  	s31 =	simm.s32 $0x181;
	p0 =	sgt.s32 s2, s30;
	s8 =	sshra.s32 s8, $0x3  }
0x53: {  	s30 =	smov.u32 @p0 s2;
	p0 =	slt.s32 s3, s7;
	[smem:s6] =	sst s8  }
0x54: {  	s8 =	sadd.s32 $0x40, s7;
	s7 =	smov.u32 @p0 s3;
	[smem:s26] =	sst s30  }
0x55: {  	p0 =	por $0x1, $0x1;
	s30 =	simm.s32 $0x101;
	[smem:s0] =	sst s7  }
.LBB2_7:
0x56: {  	s28 =	sadd.s32 $0x1, s28  }
0x57: {  	s0 =	sadd.s32 $0xFFFFFFC0, s8;
	[smem:s1] =	sst s4;
	s6 =	smov.u32 s9  }
0x58: {  	s7 =	smov.u32 s29;
	s26 =	smov.u32 s30;
	p1 =	sgt.s32 s25, s28  }
0x59: {  	p2 =	slt.s32 s0, $0x7FC0;
	p3 =	sgt.s32 s2, s0;
	s5 =	smov.u32 s0  }
0x5a: {  	s1 =	smov.u32 s31;
	s9 =	sadd.s32 $0x1, s9;
	s5 =	simm.s32 @!p2 $0x7FC0  }
.Ltmp5:
0x5b: {  	s0 =	smov.u32 @p3 s2;
	s5 =	sshra.s32 s5, $0x3;
	(pc) =	sbr.rel @p1 .LBB2_7-.Ltmp5, $4  }
0x5c: {  	s29 =	sadd.s32 $0x1, s29;
	p2 =	slt.s32 s3, s8;
	[smem:s6] =	sst s5  }
0x5d: {  	[smem:s7] =	sst s0;
	s0 =	smov.u32 s8  }
0x5e: {  	s30 =	sadd.s32 $0x1, s30;
	s0 =	smov.u32 @p2 s3  }
0x5f: {  	s31 =	sadd.s32 $0x1, s31;
	s8 =	sadd.s32 $0x40, s8;
	[smem:s26] =	sst s0  }
0x60: {  	s25 =	smov.u32 s1;
	s1 =	smov.u32 s31;
	s31 =	rddreg [dreg:$0x1]  }
0x61: {  	s7 =	smov.u32 s8;
	s26 =	smov.u32 s29;
	s29 =	rddreg [dreg:$0x1c]  }
0x62: {  	s6 =	smov.u32 s9;
	s0 =	smov.u32 s30;
	s30 =	rddreg [dreg:$0x1d]  }
.LBB2_9:
0x63: {  	s5 =	sadd.s32 $0xFFFFFFC0, s7  }
0x64: {  	p1 =	slt.s32 s5, $0x7FC0;
	s8 =	smov.u32 s5  }
0x65: {  	[smem:s25] =	sst @p0 s4;
	s8 =	simm.s32 @!p1 $0x7FC0  }
.Ltmp6:
0x66: {  	p0 =	sgt.s32 s2, s5;
	s8 =	sshra.s32 s8, $0x3;
	(pc) =	sbr.rel .LBB2_10-.Ltmp6, $4  }
0x67: {  	s5 =	smov.u32 @p0 s2;
	p0 =	slt.s32 s3, s7;
	[smem:s6] =	sst s8  }
0x68: {  	s7 =	smov.u32 @p0 s3;
	[smem:s26] =	sst s5  }
0x69: {  	[smem:s0] =	sst s7  }
0x6a: {  	[smem:s1] =	sst s4  }
.LBB2_2:
0x6b: {  	s28 =	simm.s32 $0x0  }
0x6c: {  	s28 =	simm.s32 @p0 $0x0  }
.LBB2_10:
0x6d: {  	s0 =	rddreg [dreg:$0x8]  }
0x6e: {  	p0 =	sgt.s32 s29, s0;
	s4 =	smov.u32 s0  }
0x6f: {  	s4 =	smov.u32 @p0 s29;
	s29 =	rddreg [dreg:$0x9]  }
0x70: {  	s1 =	sand.u32 $0xFFF8, s3;
	s26 =	smin.u32 s4, s29  }
0x71: {  	s0 =	ssub.s32 s26, s1  }
0x72: {  	p0 =	sge.u32 s30, s26;
	s0 =	sadd.s32 $0x3F, s0  }
0x73: {  	p1 =	slt.s32 @!p0 s0, $0x40  }
0x74: {  	p1 =	por p0, p1  }
.Ltmp7:
0x75: {  	_ = 	snop;
	(pc) =	sbr.rel @p1 .LBB2_11-.Ltmp7, $1  }
0x76: {  	_ =	sdelay $0x3  }
0x77: {  	s5 =	sshra.s32 s0, $0x1F  }
0x78: {  	s5 =	sshrl.u32 s5, $0x1A  }
0x79: {  	s25 =	sadd.s32 s5, s0  }
0x7a: {  	s25 =	sshra.s32 s25, $0x6  }
0x7b: {  	p1 =	sgt.s32 s25, $0x1  }
.Ltmp8:
0x7c: {  	_ = 	snop;
	(pc) =	sbr.rel @!p1 .LBB2_13-.Ltmp8, $4  }
0x7d: {  	s6 =	sshll.u32 s28, $0x2  }
0x7e: {  	s30 =	sshra.s32 s6, $0x2  }
0x7f: {  	s31 =	sadd.s32 $0x40, s1;
	p0 =	por $0x0, $0x0;
	s29 =	sadd.s32 $0x180, s30  }
0x80: {  	s0 =	sadd.s32 $0x100, s30;
	s6 =	sadd.s32 $0x80, s30;
	s5 =	simm.s32 $0x1  }
0x81: {  	[dreg:$0x1e] =	wrdreg s4  }
0x82: {  	s1 =	sadd.s32 $0xFFFFFFC0, s31;
	s5 =	simm.s32 $0x2;
	p1 =	sgt.s32 s25, $0x2  }
0x83: {  	s9 =	sadd.s32 $0x1, s6;
	p0 =	slt.s32 s1, $0x7FC0;
	s7 =	smov.u32 s1  }
.Ltmp9:
0x84: {  	s7 =	simm.s32 @!p0 $0x7FC0;
	p0 =	sgt.s32 s3, s1;
	(pc) =	sbr.rel @!p1 .LBB2_15-.Ltmp9, $4  }
0x85: {  	s8 =	sshra.s32 s7, $0x3;
	s1 =	smov.u32 @p0 s3;
	s7 =	sadd.s32 $0x1, s30  }
0x86: {  	p0 =	slt.s32 s26, s31;
	[smem:s30] =	sst s8;
	s30 =	sadd.s32 $0x40, s31  }
0x87: {  	s31 =	smov.u32 @p0 s26;
	s8 =	sadd.s32 $0x1, s0;
	[smem:s6] =	sst s1  }
0x88: {  	p0 =	por $0x1, $0x1;
	s1 =	sadd.s32 $0x1, s29;
	[smem:s0] =	sst s31  }
.LBB2_16:
0x89: {  	s5 =	sadd.s32 $0x1, s5  }
0x8a: {  	s0 =	sadd.s32 $0xFFFFFFC0, s30;
	[smem:s29] =	sst s11;
	s6 =	smov.u32 s7  }
0x8b: {  	s31 =	smov.u32 s9;
	s2 =	smov.u32 s8;
	p1 =	sgt.s32 s25, s5  }
0x8c: {  	p2 =	slt.s32 s0, $0x7FC0;
	p3 =	sgt.s32 s3, s0;
	s4 =	smov.u32 s0  }
0x8d: {  	s29 =	smov.u32 s1;
	s7 =	sadd.s32 $0x1, s7;
	s4 =	simm.s32 @!p2 $0x7FC0  }
.Ltmp10:
0x8e: {  	s0 =	smov.u32 @p3 s3;
	s4 =	sshra.s32 s4, $0x3;
	(pc) =	sbr.rel @p1 .LBB2_16-.Ltmp10, $4  }
0x8f: {  	s9 =	sadd.s32 $0x1, s9;
	p2 =	slt.s32 s26, s30;
	[smem:s6] =	sst s4  }
0x90: {  	[smem:s31] =	sst s0;
	s0 =	smov.u32 s30  }
0x91: {  	s8 =	sadd.s32 $0x1, s8;
	s0 =	smov.u32 @p2 s26  }
0x92: {  	s1 =	sadd.s32 $0x1, s1;
	s30 =	sadd.s32 $0x40, s30;
	[smem:s2] =	sst s0  }
0x93: {  	s25 =	smov.u32 s29  }
0x94: {  	s31 =	smov.u32 s30;
	s30 =	smov.u32 s7;
	s6 =	smov.u32 s9  }
0x95: {  	s0 =	smov.u32 s8;
	s29 =	smov.u32 s1;
	s4 =	rddreg [dreg:$0x1e]  }
.LBB2_18:
0x96: {  	s1 =	sadd.s32 $0xFFFFFFC0, s31  }
0x97: {  	p1 =	slt.s32 s1, $0x7FC0;
	s2 =	smov.u32 s1  }
0x98: {  	[smem:s25] =	sst @p0 s11;
	p0 =	sgt.s32 s3, s1;
	s2 =	simm.s32 @!p1 $0x7FC0  }
0x99: {  	s1 =	smov.u32 @p0 s3;
	s2 =	sshra.s32 s2, $0x3  }
.Ltmp11:
0x9a: {  	p0 =	slt.s32 s26, s31;
	[smem:s30] =	sst s2;
	(pc) =	sbr.rel .LBB2_19-.Ltmp11, $4  }
0x9b: {  	s31 =	smov.u32 @p0 s26;
	[smem:s6] =	sst s1  }
0x9c: {  	[smem:s0] =	sst s31  }
0x9d: {  	s31 =	rddreg [dreg:$0x1]  }
0x9e: {  	s28 =	sadd.s32 s5, s28;
	[smem:s29] =	sst s11  }
.LBB2_11:
0x9f: {  	s28 =	smov.u32 @p0 s28  }
.LBB2_19:
0xa0: {  	s0 =	rddreg [dreg:$0x8]  }
0xa1: {  	s1 =	rddreg [dreg:$0x1b]  }
0xa2: {  	p0 =	sgt.s32 s1, s0;
	s8 =	smov.u32 s0  }
0xa3: {  	s29 =	rddreg [dreg:$0x9];
	s8 =	smov.u32 @p0 s1  }
0xa4: {  	s7 =	sand.u32 $0xFFF8, s26;
	s0 =	smin.u32 s8, s29  }
0xa5: {  	s30 =	ssub.s32 s0, s7  }
0xa6: {  	p0 =	sge.u32 s4, s0;
	s1 =	sadd.s32 $0x3F, s30  }
0xa7: {  	p1 =	slt.s32 @!p0 s1, $0x40  }
0xa8: {  	p1 =	por p0, p1  }
.Ltmp12:
0xa9: {  	_ = 	snop;
	(pc) =	sbr.rel @p1 .LBB2_20-.Ltmp12, $1  }
0xaa: {  	_ =	sdelay $0x3  }
0xab: {  	s2 =	sshra.s32 s1, $0x1F  }
0xac: {  	s2 =	sshrl.u32 s2, $0x1A  }
0xad: {  	s3 =	sshll.u32 s28, $0x2;
	s30 =	sadd.s32 s2, s1  }
0xae: {  	s6 =	sshra.s32 s3, $0x2;
	s3 =	sshra.s32 s30, $0x6  }
0xaf: {  	p1 =	sgt.s32 s3, $0x1  }
.Ltmp13:
0xb0: {  	_ = 	snop;
	(pc) =	sbr.rel @!p1 .LBB2_22-.Ltmp13, $3  }
0xb1: {  	_ =	sdelay $0x1  }
0xb2: {  	s29 =	sadd.s32 $0x40, s7;
	p0 =	por $0x0, $0x0;
	s1 =	sadd.s32 $0x180, s6  }
0xb3: {  	s31 =	sadd.s32 $0x100, s6;
	s5 =	sadd.s32 $0x80, s6;
	s2 =	simm.s32 $0x1  }
0xb4: {  	[dreg:$0x1f] =	wrdreg s8  }
0xb5: {  	s4 =	sadd.s32 $0xFFFFFFC0, s29;
	s2 =	simm.s32 $0x2;
	p1 =	sgt.s32 s3, $0x2  }
0xb6: {  	s9 =	sadd.s32 $0x1, s5;
	p0 =	slt.s32 s4, $0x7FC0;
	s7 =	smov.u32 s4  }
.Ltmp14:
0xb7: {  	s30 =	sadd.s32 $0x40, s29;
	s7 =	simm.s32 @!p0 $0x7FC0;
	(pc) =	sbr.rel @!p1 .LBB2_24-.Ltmp14, $4  }
0xb8: {  	s8 =	sadd.s32 $0x1, s31;
	p0 =	sgt.s32 s26, s4;
	s25 =	sshra.s32 s7, $0x3  }
0xb9: {  	s4 =	smov.u32 @p0 s26;
	p0 =	slt.s32 s0, s29;
	[smem:s6] =	sst s25  }
0xba: {  	s7 =	sadd.s32 $0x1, s6;
	s29 =	smov.u32 @p0 s0;
	[smem:s5] =	sst s4  }
0xbb: {  	s25 =	sadd.s32 $0x1, s1;
	p0 =	por $0x1, $0x1;
	[smem:s31] =	sst s29  }
.LBB2_25:
0xbc: {  	s2 =	sadd.s32 $0x1, s2  }
0xbd: {  	s4 =	sadd.s32 $0xFFFFFFC0, s30;
	[smem:s1] =	sst s12;
	s5 =	smov.u32 s7  }
0xbe: {  	s6 =	smov.u32 s9;
	s29 =	smov.u32 s8;
	p1 =	sgt.s32 s3, s2  }
0xbf: {  	p2 =	slt.s32 s4, $0x7FC0;
	p3 =	sgt.s32 s26, s4;
	s31 =	smov.u32 s4  }
0xc0: {  	s1 =	smov.u32 s25;
	s7 =	sadd.s32 $0x1, s7;
	s31 =	simm.s32 @!p2 $0x7FC0  }
.Ltmp15:
0xc1: {  	s4 =	smov.u32 @p3 s26;
	s31 =	sshra.s32 s31, $0x3;
	(pc) =	sbr.rel @p1 .LBB2_25-.Ltmp15, $4  }
0xc2: {  	s9 =	sadd.s32 $0x1, s9;
	p2 =	slt.s32 s0, s30;
	[smem:s5] =	sst s31  }
0xc3: {  	[smem:s6] =	sst s4;
	s4 =	smov.u32 s30  }
0xc4: {  	s8 =	sadd.s32 $0x1, s8;
	s4 =	smov.u32 @p2 s0  }
0xc5: {  	s25 =	sadd.s32 $0x1, s25;
	s30 =	sadd.s32 $0x40, s30;
	[smem:s29] =	sst s4  }
0xc6: {  	s3 =	smov.u32 s1  }
0xc7: {  	s29 =	smov.u32 s30;
	s6 =	smov.u32 s7;
	s5 =	smov.u32 s9  }
0xc8: {  	s31 =	smov.u32 s8;
	s1 =	smov.u32 s25;
	s8 =	rddreg [dreg:$0x1f]  }
.LBB2_27:
0xc9: {  	s4 =	sadd.s32 $0xFFFFFFC0, s29  }
0xca: {  	p1 =	slt.s32 s4, $0x7FC0;
	s7 =	smov.u32 s4  }
0xcb: {  	[smem:s3] =	sst @p0 s12;
	p0 =	sgt.s32 s26, s4;
	s7 =	simm.s32 @!p1 $0x7FC0  }
0xcc: {  	s4 =	smov.u32 @p0 s26;
	s30 =	sshra.s32 s7, $0x3  }
.Ltmp16:
0xcd: {  	p0 =	slt.s32 s0, s29;
	[smem:s6] =	sst s30;
	(pc) =	sbr.rel .LBB2_28-.Ltmp16, $4  }
0xce: {  	s29 =	smov.u32 @p0 s0;
	[smem:s5] =	sst s4  }
0xcf: {  	[smem:s31] =	sst s29  }
0xd0: {  	s31 =	rddreg [dreg:$0x1]  }
0xd1: {  	s28 =	sadd.s32 s2, s28;
	[smem:s1] =	sst s12  }
.LBB2_20:
0xd2: {  	s28 =	smov.u32 @p0 s28  }
.LBB2_28:
0xd3: {  	s1 =	rddreg [dreg:$0x8]  }
0xd4: {  	s2 =	rddreg [dreg:$0x1a]  }
0xd5: {  	p0 =	sgt.s32 s2, s1;
	s9 =	smov.u32 s1  }
0xd6: {  	s30 =	rddreg [dreg:$0x9];
	s9 =	smov.u32 @p0 s2  }
0xd7: {  	s5 =	sand.u32 $0xFFF8, s0;
	s3 =	smin.u32 s9, s30  }
0xd8: {  	s1 =	ssub.s32 s3, s5  }
0xd9: {  	p0 =	sge.u32 s8, s3;
	s1 =	sadd.s32 $0x3F, s1  }
0xda: {  	p1 =	slt.s32 @!p0 s1, $0x40  }
0xdb: {  	p1 =	por p0, p1  }
.Ltmp17:
0xdc: {  	_ = 	snop;
	(pc) =	sbr.rel @p1 .LBB2_29-.Ltmp17, $1  }
0xdd: {  	_ =	sdelay $0x3  }
0xde: {  	s2 =	sshra.s32 s1, $0x1F  }
0xdf: {  	s2 =	sshrl.u32 s2, $0x1A  }
0xe0: {  	s30 =	sadd.s32 s2, s1  }
0xe1: {  	s25 =	sshra.s32 s30, $0x6  }
0xe2: {  	p1 =	sgt.s32 s25, $0x1  }
.Ltmp18:
0xe3: {  	_ = 	snop;
	(pc) =	sbr.rel @!p1 .LBB2_31-.Ltmp18, $4  }
0xe4: {  	_ = 	snop  }
0xe5: {  	s4 =	sshll.u32 s28, $0x2;
	s29 =	sadd.s32 $0x40, s5  }
0xe6: {  	s5 =	simm.s32 $0x1;
	p0 =	por $0x0, $0x0;
	s6 =	sshra.s32 s4, $0x2  }
0xe7: {  	s1 =	sadd.s32 $0x180, s6;
	s31 =	sadd.s32 $0x100, s6;
	s2 =	sadd.s32 $0x80, s6  }
0xe8: {  	[smem:$0x7FD] =	sst s9  }
0xe9: {  	s4 =	sadd.s32 $0xFFFFFFC0, s29;
	s5 =	simm.s32 $0x2;
	p1 =	sgt.s32 s25, $0x2  }
0xea: {  	s9 =	sadd.s32 $0x1, s2;
	p0 =	slt.s32 s4, $0x7FC0;
	s7 =	smov.u32 s4  }
.Ltmp19:
0xeb: {  	s30 =	sadd.s32 $0x40, s29;
	s7 =	simm.s32 @!p0 $0x7FC0;
	(pc) =	sbr.rel @!p1 .LBB2_33-.Ltmp19, $4  }
0xec: {  	s26 =	sadd.s32 $0x1, s1;
	p0 =	sgt.s32 s0, s4;
	s8 =	sshra.s32 s7, $0x3  }
0xed: {  	s4 =	smov.u32 @p0 s0;
	p0 =	slt.s32 s3, s29;
	[smem:s6] =	sst s8  }
0xee: {  	s7 =	sadd.s32 $0x1, s6;
	s29 =	smov.u32 @p0 s3;
	[smem:s2] =	sst s4  }
0xef: {  	s8 =	sadd.s32 $0x1, s31;
	p0 =	por $0x1, $0x1;
	[smem:s31] =	sst s29  }
.LBB2_34:
0xf0: {  	s5 =	sadd.s32 $0x1, s5  }
0xf1: {  	s2 =	sadd.s32 $0xFFFFFFC0, s30;
	[smem:s1] =	sst s10;
	s4 =	smov.u32 s7  }
0xf2: {  	s6 =	smov.u32 s9;
	s29 =	smov.u32 s8;
	p1 =	sgt.s32 s25, s5  }
0xf3: {  	p2 =	slt.s32 s2, $0x7FC0;
	p3 =	sgt.s32 s0, s2;
	s31 =	smov.u32 s2  }
0xf4: {  	s1 =	smov.u32 s26;
	s7 =	sadd.s32 $0x1, s7;
	s31 =	simm.s32 @!p2 $0x7FC0  }
.Ltmp20:
0xf5: {  	s2 =	smov.u32 @p3 s0;
	s31 =	sshra.s32 s31, $0x3;
	(pc) =	sbr.rel @p1 .LBB2_34-.Ltmp20, $4  }
0xf6: {  	s9 =	sadd.s32 $0x1, s9;
	p2 =	slt.s32 s3, s30;
	[smem:s4] =	sst s31  }
0xf7: {  	[smem:s6] =	sst s2;
	s2 =	smov.u32 s30  }
0xf8: {  	s8 =	sadd.s32 $0x1, s8;
	s2 =	smov.u32 @p2 s3  }
0xf9: {  	s26 =	sadd.s32 $0x1, s26;
	s30 =	sadd.s32 $0x40, s30;
	[smem:s29] =	sst s2  }
0xfa: {  	s25 =	smov.u32 s1  }
0xfb: {  	s29 =	smov.u32 s30;
	s6 =	smov.u32 s7;
	s2 =	smov.u32 s9  }
0xfc: {  	s31 =	smov.u32 s8;
	s1 =	smov.u32 s26;
	s9 =	sld [smem:$0x7FD]  }
.LBB2_36:
0xfd: {  	s4 =	sadd.s32 $0xFFFFFFC0, s29  }
0xfe: {  	p1 =	slt.s32 s4, $0x7FC0;
	s7 =	smov.u32 s4  }
0xff: {  	[smem:s25] =	sst @p0 s10;
	p0 =	sgt.s32 s0, s4;
	s7 =	simm.s32 @!p1 $0x7FC0  }
0x100: {  	s4 =	smov.u32 @p0 s0;
	s7 =	sshra.s32 s7, $0x3  }
.Ltmp21:
0x101: {  	p0 =	slt.s32 s3, s29;
	[smem:s6] =	sst s7;
	(pc) =	sbr.rel .LBB2_37-.Ltmp21, $4  }
0x102: {  	s29 =	smov.u32 @p0 s3;
	[smem:s2] =	sst s4  }
0x103: {  	[smem:s31] =	sst s29  }
0x104: {  	s31 =	rddreg [dreg:$0x1]  }
0x105: {  	s28 =	sadd.s32 s5, s28;
	[smem:s1] =	sst s10  }
.LBB2_29:
0x106: {  	s28 =	smov.u32 @p0 s28  }
.LBB2_37:
0x107: {  	s0 =	rddreg [dreg:$0x8]  }
0x108: {  	s1 =	rddreg [dreg:$0x19]  }
0x109: {  	p0 =	sgt.s32 s1, s0;
	s8 =	smov.u32 s0  }
0x10a: {  	s29 =	rddreg [dreg:$0x9];
	s8 =	smov.u32 @p0 s1  }
0x10b: {  	s2 =	sand.u32 $0xFFF8, s3;
	s0 =	smin.u32 s8, s29  }
0x10c: {  	s30 =	ssub.s32 s0, s2  }
0x10d: {  	p0 =	sge.u32 s9, s0;
	s1 =	sadd.s32 $0x3F, s30  }
0x10e: {  	p1 =	slt.s32 @!p0 s1, $0x40  }
0x10f: {  	p1 =	por p0, p1  }
.Ltmp22:
0x110: {  	_ = 	snop;
	(pc) =	sbr.rel @p1 .LBB2_38-.Ltmp22, $1  }
0x111: {  	_ =	sdelay $0x3  }
0x112: {  	s4 =	sshra.s32 s1, $0x1F  }
0x113: {  	s4 =	sshrl.u32 s4, $0x1A  }
0x114: {  	s30 =	sadd.s32 s4, s1  }
0x115: {  	s25 =	sshra.s32 s30, $0x6  }
0x116: {  	p1 =	sgt.s32 s25, $0x1  }
.Ltmp23:
0x117: {  	_ = 	snop;
	(pc) =	sbr.rel @!p1 .LBB2_40-.Ltmp23, $4  }
0x118: {  	_ = 	snop  }
0x119: {  	s5 =	sshll.u32 s28, $0x2;
	s29 =	sadd.s32 $0x40, s2  }
0x11a: {  	s2 =	simm.s32 $0x1;
	p0 =	por $0x0, $0x0;
	s6 =	sshra.s32 s5, $0x2  }
0x11b: {  	s1 =	sadd.s32 $0x180, s6;
	s31 =	sadd.s32 $0x100, s6;
	s5 =	sadd.s32 $0x80, s6  }
0x11c: {  	[smem:$0x7FC] =	sst s8  }
0x11d: {  	s4 =	sadd.s32 $0xFFFFFFC0, s29;
	s2 =	simm.s32 $0x2;
	p1 =	sgt.s32 s25, $0x2  }
0x11e: {  	s9 =	sadd.s32 $0x1, s5;
	p0 =	slt.s32 s4, $0x7FC0;
	s7 =	smov.u32 s4  }
.Ltmp24:
0x11f: {  	s30 =	sadd.s32 $0x40, s29;
	s7 =	simm.s32 @!p0 $0x7FC0;
	(pc) =	sbr.rel @!p1 .LBB2_42-.Ltmp24, $4  }
0x120: {  	s8 =	sadd.s32 $0x1, s31;
	p0 =	sgt.s32 s3, s4;
	s26 =	sshra.s32 s7, $0x3  }
0x121: {  	s4 =	smov.u32 @p0 s3;
	p0 =	slt.s32 s0, s29;
	[smem:s6] =	sst s26  }
0x122: {  	s7 =	sadd.s32 $0x1, s6;
	s29 =	smov.u32 @p0 s0;
	[smem:s5] =	sst s4  }
0x123: {  	s26 =	sadd.s32 $0x1, s1;
	p0 =	por $0x1, $0x1;
	[smem:s31] =	sst s29  }
.LBB2_43:
0x124: {  	s2 =	sadd.s32 $0x1, s2  }
0x125: {  	s4 =	sadd.s32 $0xFFFFFFC0, s30;
	[smem:s1] =	sst s13;
	s5 =	smov.u32 s7  }
0x126: {  	s6 =	smov.u32 s9;
	s29 =	smov.u32 s8;
	p1 =	sgt.s32 s25, s2  }
0x127: {  	p2 =	slt.s32 s4, $0x7FC0;
	p3 =	sgt.s32 s3, s4;
	s31 =	smov.u32 s4  }
0x128: {  	s1 =	smov.u32 s26;
	s7 =	sadd.s32 $0x1, s7;
	s31 =	simm.s32 @!p2 $0x7FC0  }
.Ltmp25:
0x129: {  	s4 =	smov.u32 @p3 s3;
	s31 =	sshra.s32 s31, $0x3;
	(pc) =	sbr.rel @p1 .LBB2_43-.Ltmp25, $4  }
0x12a: {  	s9 =	sadd.s32 $0x1, s9;
	p2 =	slt.s32 s0, s30;
	[smem:s5] =	sst s31  }
0x12b: {  	[smem:s6] =	sst s4;
	s4 =	smov.u32 s30  }
0x12c: {  	s8 =	sadd.s32 $0x1, s8;
	s4 =	smov.u32 @p2 s0  }
0x12d: {  	s26 =	sadd.s32 $0x1, s26;
	s30 =	sadd.s32 $0x40, s30;
	[smem:s29] =	sst s4  }
0x12e: {  	s25 =	smov.u32 s1  }
0x12f: {  	s29 =	smov.u32 s30;
	s6 =	smov.u32 s7;
	s5 =	smov.u32 s9  }
0x130: {  	s31 =	smov.u32 s8;
	s1 =	smov.u32 s26;
	s8 =	sld [smem:$0x7FC]  }
.LBB2_45:
0x131: {  	s4 =	sadd.s32 $0xFFFFFFC0, s29  }
0x132: {  	p1 =	slt.s32 s4, $0x7FC0;
	s7 =	smov.u32 s4  }
0x133: {  	[smem:s25] =	sst @p0 s13;
	p0 =	sgt.s32 s3, s4;
	s7 =	simm.s32 @!p1 $0x7FC0  }
0x134: {  	s4 =	smov.u32 @p0 s3;
	s7 =	sshra.s32 s7, $0x3  }
.Ltmp26:
0x135: {  	p0 =	slt.s32 s0, s29;
	[smem:s6] =	sst s7;
	(pc) =	sbr.rel .LBB2_46-.Ltmp26, $4  }
0x136: {  	s29 =	smov.u32 @p0 s0;
	[smem:s5] =	sst s4  }
0x137: {  	[smem:s31] =	sst s29  }
0x138: {  	s31 =	rddreg [dreg:$0x1]  }
0x139: {  	s28 =	sadd.s32 s2, s28;
	[smem:s1] =	sst s13  }
.LBB2_38:
0x13a: {  	s28 =	smov.u32 @p0 s28  }
.LBB2_46:
0x13b: {  	s1 =	rddreg [dreg:$0x8]  }
0x13c: {  	s2 =	rddreg [dreg:$0x18]  }
0x13d: {  	p0 =	sgt.s32 s2, s1;
	s9 =	smov.u32 s1  }
0x13e: {  	s30 =	rddreg [dreg:$0x9];
	s9 =	smov.u32 @p0 s2  }
0x13f: {  	s5 =	sand.u32 $0xFFF8, s0;
	s3 =	smin.u32 s9, s30  }
0x140: {  	s1 =	ssub.s32 s3, s5  }
0x141: {  	p0 =	sge.u32 s8, s3;
	s1 =	sadd.s32 $0x3F, s1  }
0x142: {  	p1 =	slt.s32 @!p0 s1, $0x40  }
0x143: {  	p1 =	por p0, p1  }
.Ltmp27:
0x144: {  	_ = 	snop;
	(pc) =	sbr.rel @p1 .LBB2_47-.Ltmp27, $1  }
0x145: {  	_ =	sdelay $0x3  }
0x146: {  	s2 =	sshra.s32 s1, $0x1F  }
0x147: {  	s2 =	sshrl.u32 s2, $0x1A  }
0x148: {  	s30 =	sadd.s32 s2, s1  }
0x149: {  	s25 =	sshra.s32 s30, $0x6  }
0x14a: {  	p1 =	sgt.s32 s25, $0x1  }
.Ltmp28:
0x14b: {  	_ = 	snop;
	(pc) =	sbr.rel @!p1 .LBB2_49-.Ltmp28, $4  }
0x14c: {  	_ = 	snop  }
0x14d: {  	s4 =	sshll.u32 s28, $0x2;
	s29 =	sadd.s32 $0x40, s5  }
0x14e: {  	s5 =	simm.s32 $0x1;
	p0 =	por $0x0, $0x0;
	s6 =	sshra.s32 s4, $0x2  }
0x14f: {  	s1 =	sadd.s32 $0x180, s6;
	s31 =	sadd.s32 $0x100, s6;
	s2 =	sadd.s32 $0x80, s6  }
0x150: {  	[smem:$0x7FB] =	sst s9  }
0x151: {  	s4 =	sadd.s32 $0xFFFFFFC0, s29;
	s5 =	simm.s32 $0x2;
	p1 =	sgt.s32 s25, $0x2  }
0x152: {  	s9 =	sadd.s32 $0x1, s2;
	p0 =	slt.s32 s4, $0x7FC0;
	s7 =	smov.u32 s4  }
.Ltmp29:
0x153: {  	s30 =	sadd.s32 $0x40, s29;
	s7 =	simm.s32 @!p0 $0x7FC0;
	(pc) =	sbr.rel @!p1 .LBB2_51-.Ltmp29, $4  }
0x154: {  	s26 =	sadd.s32 $0x1, s1;
	p0 =	sgt.s32 s0, s4;
	s8 =	sshra.s32 s7, $0x3  }
0x155: {  	s4 =	smov.u32 @p0 s0;
	p0 =	slt.s32 s3, s29;
	[smem:s6] =	sst s8  }
0x156: {  	s7 =	sadd.s32 $0x1, s6;
	s29 =	smov.u32 @p0 s3;
	[smem:s2] =	sst s4  }
0x157: {  	s8 =	sadd.s32 $0x1, s31;
	p0 =	por $0x1, $0x1;
	[smem:s31] =	sst s29  }
.LBB2_52:
0x158: {  	s5 =	sadd.s32 $0x1, s5  }
0x159: {  	s2 =	sadd.s32 $0xFFFFFFC0, s30;
	[smem:s1] =	sst s14;
	s4 =	smov.u32 s7  }
0x15a: {  	s6 =	smov.u32 s9;
	s29 =	smov.u32 s8;
	p1 =	sgt.s32 s25, s5  }
0x15b: {  	p2 =	slt.s32 s2, $0x7FC0;
	p3 =	sgt.s32 s0, s2;
	s31 =	smov.u32 s2  }
0x15c: {  	s1 =	smov.u32 s26;
	s7 =	sadd.s32 $0x1, s7;
	s31 =	simm.s32 @!p2 $0x7FC0  }
.Ltmp30:
0x15d: {  	s2 =	smov.u32 @p3 s0;
	s31 =	sshra.s32 s31, $0x3;
	(pc) =	sbr.rel @p1 .LBB2_52-.Ltmp30, $4  }
0x15e: {  	s9 =	sadd.s32 $0x1, s9;
	p2 =	slt.s32 s3, s30;
	[smem:s4] =	sst s31  }
0x15f: {  	[smem:s6] =	sst s2;
	s2 =	smov.u32 s30  }
0x160: {  	s8 =	sadd.s32 $0x1, s8;
	s2 =	smov.u32 @p2 s3  }
0x161: {  	s26 =	sadd.s32 $0x1, s26;
	s30 =	sadd.s32 $0x40, s30;
	[smem:s29] =	sst s2  }
0x162: {  	s25 =	smov.u32 s1  }
0x163: {  	s29 =	smov.u32 s30;
	s6 =	smov.u32 s7;
	s2 =	smov.u32 s9  }
0x164: {  	s31 =	smov.u32 s8;
	s1 =	smov.u32 s26;
	s9 =	sld [smem:$0x7FB]  }
.LBB2_54:
0x165: {  	s4 =	sadd.s32 $0xFFFFFFC0, s29  }
0x166: {  	p1 =	slt.s32 s4, $0x7FC0;
	s7 =	smov.u32 s4  }
0x167: {  	[smem:s25] =	sst @p0 s14;
	p0 =	sgt.s32 s0, s4;
	s7 =	simm.s32 @!p1 $0x7FC0  }
0x168: {  	s4 =	smov.u32 @p0 s0;
	s7 =	sshra.s32 s7, $0x3  }
.Ltmp31:
0x169: {  	p0 =	slt.s32 s3, s29;
	[smem:s6] =	sst s7;
	(pc) =	sbr.rel .LBB2_55-.Ltmp31, $4  }
0x16a: {  	s29 =	smov.u32 @p0 s3;
	[smem:s2] =	sst s4  }
0x16b: {  	[smem:s31] =	sst s29  }
0x16c: {  	s31 =	rddreg [dreg:$0x1]  }
0x16d: {  	s28 =	sadd.s32 s5, s28;
	[smem:s1] =	sst s14  }
.LBB2_47:
0x16e: {  	s28 =	smov.u32 @p0 s28  }
.LBB2_55:
0x16f: {  	s0 =	rddreg [dreg:$0x8]  }
0x170: {  	s1 =	rddreg [dreg:$0x17]  }
0x171: {  	p0 =	sgt.s32 s1, s0;
	s25 =	smov.u32 s0  }
0x172: {  	s29 =	rddreg [dreg:$0x9];
	s25 =	smov.u32 @p0 s1  }
0x173: {  	s2 =	sand.u32 $0xFFF8, s3;
	s0 =	smin.u32 s25, s29  }
0x174: {  	s30 =	ssub.s32 s0, s2  }
0x175: {  	p0 =	sge.u32 s9, s0;
	s1 =	sadd.s32 $0x3F, s30  }
0x176: {  	p1 =	slt.s32 @!p0 s1, $0x40  }
0x177: {  	p1 =	por p0, p1  }
.Ltmp32:
0x178: {  	_ = 	snop;
	(pc) =	sbr.rel @p1 .LBB2_56-.Ltmp32, $1  }
0x179: {  	_ =	sdelay $0x3  }
0x17a: {  	s4 =	sshra.s32 s1, $0x1F  }
0x17b: {  	s4 =	sshrl.u32 s4, $0x1A  }
0x17c: {  	s30 =	sadd.s32 s4, s1  }
0x17d: {  	s8 =	sshra.s32 s30, $0x6  }
0x17e: {  	p1 =	sgt.s32 s8, $0x1  }
.Ltmp33:
0x17f: {  	_ = 	snop;
	(pc) =	sbr.rel @!p1 .LBB2_58-.Ltmp33, $4  }
0x180: {  	_ = 	snop  }
0x181: {  	s5 =	sshll.u32 s28, $0x2;
	s29 =	sadd.s32 $0x40, s2  }
0x182: {  	s2 =	simm.s32 $0x1;
	p0 =	por $0x0, $0x0;
	s6 =	sshra.s32 s5, $0x2  }
0x183: {  	s1 =	sadd.s32 $0x180, s6;
	s31 =	sadd.s32 $0x100, s6;
	s5 =	sadd.s32 $0x80, s6  }
0x184: {  	[smem:$0x7FA] =	sst s25  }
0x185: {  	s4 =	sadd.s32 $0xFFFFFFC0, s29;
	s2 =	simm.s32 $0x2;
	p1 =	sgt.s32 s8, $0x2  }
0x186: {  	s30 =	sadd.s32 $0x40, s29;
	p0 =	slt.s32 s4, $0x7FC0;
	s7 =	smov.u32 s4  }
.Ltmp34:
0x187: {  	s25 =	sadd.s32 $0x1, s31;
	s7 =	simm.s32 @!p0 $0x7FC0;
	(pc) =	sbr.rel @!p1 .LBB2_60-.Ltmp34, $4  }
0x188: {  	s26 =	sadd.s32 $0x1, s1;
	p0 =	sgt.s32 s3, s4;
	s9 =	sshra.s32 s7, $0x3  }
0x189: {  	s4 =	smov.u32 @p0 s3;
	p0 =	slt.s32 s0, s29;
	[smem:s6] =	sst s9  }
0x18a: {  	s7 =	sadd.s32 $0x1, s6;
	s29 =	smov.u32 @p0 s0;
	[smem:s5] =	sst s4  }
0x18b: {  	s9 =	sadd.s32 $0x1, s5;
	p0 =	por $0x1, $0x1;
	[smem:s31] =	sst s29  }
.LBB2_61:
0x18c: {  	s2 =	sadd.s32 $0x1, s2  }
0x18d: {  	s4 =	sadd.s32 $0xFFFFFFC0, s30;
	[smem:s1] =	sst s15;
	s5 =	smov.u32 s7  }
0x18e: {  	s6 =	smov.u32 s9;
	s29 =	smov.u32 s25;
	p1 =	sgt.s32 s8, s2  }
0x18f: {  	p2 =	slt.s32 s4, $0x7FC0;
	p3 =	sgt.s32 s3, s4;
	s31 =	smov.u32 s4  }
0x190: {  	s1 =	smov.u32 s26;
	s7 =	sadd.s32 $0x1, s7;
	s31 =	simm.s32 @!p2 $0x7FC0  }
.Ltmp35:
0x191: {  	s4 =	smov.u32 @p3 s3;
	s31 =	sshra.s32 s31, $0x3;
	(pc) =	sbr.rel @p1 .LBB2_61-.Ltmp35, $4  }
0x192: {  	s9 =	sadd.s32 $0x1, s9;
	p2 =	slt.s32 s0, s30;
	[smem:s5] =	sst s31  }
0x193: {  	[smem:s6] =	sst s4;
	s4 =	smov.u32 s30  }
0x194: {  	s25 =	sadd.s32 $0x1, s25;
	s4 =	smov.u32 @p2 s0  }
0x195: {  	s26 =	sadd.s32 $0x1, s26;
	s30 =	sadd.s32 $0x40, s30;
	[smem:s29] =	sst s4  }
0x196: {  	s8 =	smov.u32 s1  }
0x197: {  	s29 =	smov.u32 s30;
	s6 =	smov.u32 s7;
	s5 =	smov.u32 s9  }
0x198: {  	s31 =	smov.u32 s25;
	s1 =	smov.u32 s26;
	s25 =	sld [smem:$0x7FA]  }
.LBB2_63:
0x199: {  	s4 =	sadd.s32 $0xFFFFFFC0, s29  }
0x19a: {  	p1 =	slt.s32 s4, $0x7FC0;
	s7 =	smov.u32 s4  }
0x19b: {  	[smem:s8] =	sst @p0 s15;
	p0 =	sgt.s32 s3, s4;
	s7 =	simm.s32 @!p1 $0x7FC0  }
0x19c: {  	s4 =	smov.u32 @p0 s3;
	s7 =	sshra.s32 s7, $0x3  }
.Ltmp36:
0x19d: {  	p0 =	slt.s32 s0, s29;
	[smem:s6] =	sst s7;
	(pc) =	sbr.rel .LBB2_64-.Ltmp36, $4  }
0x19e: {  	s29 =	smov.u32 @p0 s0;
	[smem:s5] =	sst s4  }
0x19f: {  	[smem:s31] =	sst s29  }
0x1a0: {  	s31 =	rddreg [dreg:$0x1]  }
0x1a1: {  	s28 =	sadd.s32 s2, s28;
	[smem:s1] =	sst s15  }
.LBB2_56:
0x1a2: {  	s28 =	smov.u32 @p0 s28  }
.LBB2_64:
0x1a3: {  	s1 =	rddreg [dreg:$0x8]  }
0x1a4: {  	s2 =	rddreg [dreg:$0x16]  }
0x1a5: {  	p0 =	sgt.s32 s2, s1;
	s9 =	smov.u32 s1  }
0x1a6: {  	s30 =	rddreg [dreg:$0x9];
	s9 =	smov.u32 @p0 s2  }
0x1a7: {  	s5 =	sand.u32 $0xFFF8, s0;
	s3 =	smin.u32 s9, s30  }
0x1a8: {  	s1 =	ssub.s32 s3, s5  }
0x1a9: {  	p0 =	sge.u32 s25, s3;
	s1 =	sadd.s32 $0x3F, s1  }
0x1aa: {  	p1 =	slt.s32 @!p0 s1, $0x40  }
0x1ab: {  	p1 =	por p0, p1  }
.Ltmp37:
0x1ac: {  	_ = 	snop;
	(pc) =	sbr.rel @p1 .LBB2_65-.Ltmp37, $1  }
0x1ad: {  	_ =	sdelay $0x3  }
0x1ae: {  	s2 =	sshra.s32 s1, $0x1F  }
0x1af: {  	s2 =	sshrl.u32 s2, $0x1A  }
0x1b0: {  	s30 =	sadd.s32 s2, s1  }
0x1b1: {  	s7 =	sshra.s32 s30, $0x6  }
0x1b2: {  	p1 =	sgt.s32 s7, $0x1  }
.Ltmp38:
0x1b3: {  	_ = 	snop;
	(pc) =	sbr.rel @!p1 .LBB2_67-.Ltmp38, $4  }
0x1b4: {  	_ = 	snop  }
0x1b5: {  	s4 =	sshll.u32 s28, $0x2;
	s29 =	sadd.s32 $0x40, s5  }
0x1b6: {  	s5 =	simm.s32 $0x1;
	p0 =	por $0x0, $0x0;
	s6 =	sshra.s32 s4, $0x2  }
0x1b7: {  	s1 =	sadd.s32 $0x180, s6;
	s31 =	sadd.s32 $0x100, s6;
	s2 =	sadd.s32 $0x80, s6  }
0x1b8: {  	[smem:$0x7F9] =	sst s9  }
0x1b9: {  	s4 =	sadd.s32 $0xFFFFFFC0, s29;
	s5 =	simm.s32 $0x2;
	p1 =	sgt.s32 s7, $0x2  }
0x1ba: {  	s9 =	sadd.s32 $0x1, s2;
	p0 =	slt.s32 s4, $0x7FC0;
	s8 =	smov.u32 s4  }
.Ltmp39:
0x1bb: {  	s30 =	sadd.s32 $0x40, s29;
	s8 =	simm.s32 @!p0 $0x7FC0;
	(pc) =	sbr.rel @!p1 .LBB2_69-.Ltmp39, $4  }
0x1bc: {  	s25 =	sadd.s32 $0x1, s31;
	p0 =	sgt.s32 s0, s4;
	s26 =	sshra.s32 s8, $0x3  }
0x1bd: {  	s4 =	smov.u32 @p0 s0;
	p0 =	slt.s32 s3, s29;
	[smem:s6] =	sst s26  }
0x1be: {  	s8 =	sadd.s32 $0x1, s6;
	s29 =	smov.u32 @p0 s3;
	[smem:s2] =	sst s4  }
0x1bf: {  	s26 =	sadd.s32 $0x1, s1;
	p0 =	por $0x1, $0x1;
	[smem:s31] =	sst s29  }
.LBB2_70:
0x1c0: {  	s5 =	sadd.s32 $0x1, s5  }
0x1c1: {  	s2 =	sadd.s32 $0xFFFFFFC0, s30;
	[smem:s1] =	sst s16;
	s4 =	smov.u32 s8  }
0x1c2: {  	s6 =	smov.u32 s9;
	s29 =	smov.u32 s25;
	p1 =	sgt.s32 s7, s5  }
0x1c3: {  	p2 =	slt.s32 s2, $0x7FC0;
	p3 =	sgt.s32 s0, s2;
	s31 =	smov.u32 s2  }
0x1c4: {  	s1 =	smov.u32 s26;
	s8 =	sadd.s32 $0x1, s8;
	s31 =	simm.s32 @!p2 $0x7FC0  }
.Ltmp40:
0x1c5: {  	s2 =	smov.u32 @p3 s0;
	s31 =	sshra.s32 s31, $0x3;
	(pc) =	sbr.rel @p1 .LBB2_70-.Ltmp40, $4  }
0x1c6: {  	s9 =	sadd.s32 $0x1, s9;
	p2 =	slt.s32 s3, s30;
	[smem:s4] =	sst s31  }
0x1c7: {  	[smem:s6] =	sst s2;
	s2 =	smov.u32 s30  }
0x1c8: {  	s25 =	sadd.s32 $0x1, s25;
	s2 =	smov.u32 @p2 s3  }
0x1c9: {  	s26 =	sadd.s32 $0x1, s26;
	s30 =	sadd.s32 $0x40, s30;
	[smem:s29] =	sst s2  }
0x1ca: {  	s7 =	smov.u32 s1  }
0x1cb: {  	s29 =	smov.u32 s30;
	s6 =	smov.u32 s8;
	s2 =	smov.u32 s9  }
0x1cc: {  	s31 =	smov.u32 s25;
	s1 =	smov.u32 s26;
	s9 =	sld [smem:$0x7F9]  }
.LBB2_72:
0x1cd: {  	s4 =	sadd.s32 $0xFFFFFFC0, s29  }
0x1ce: {  	p1 =	slt.s32 s4, $0x7FC0;
	s8 =	smov.u32 s4  }
0x1cf: {  	[smem:s7] =	sst @p0 s16;
	p0 =	sgt.s32 s0, s4;
	s8 =	simm.s32 @!p1 $0x7FC0  }
0x1d0: {  	s4 =	smov.u32 @p0 s0;
	s30 =	sshra.s32 s8, $0x3  }
.Ltmp41:
0x1d1: {  	p0 =	slt.s32 s3, s29;
	[smem:s6] =	sst s30;
	(pc) =	sbr.rel .LBB2_73-.Ltmp41, $4  }
0x1d2: {  	s29 =	smov.u32 @p0 s3;
	[smem:s2] =	sst s4  }
0x1d3: {  	[smem:s31] =	sst s29  }
0x1d4: {  	s31 =	rddreg [dreg:$0x1]  }
0x1d5: {  	s28 =	sadd.s32 s5, s28;
	[smem:s1] =	sst s16  }
.LBB2_65:
0x1d6: {  	s28 =	smov.u32 @p0 s28  }
.LBB2_73:
0x1d7: {  	s0 =	rddreg [dreg:$0x8]  }
0x1d8: {  	s1 =	rddreg [dreg:$0x15]  }
0x1d9: {  	p0 =	sgt.s32 s1, s0;
	s25 =	smov.u32 s0  }
0x1da: {  	s29 =	rddreg [dreg:$0x9];
	s25 =	smov.u32 @p0 s1  }
0x1db: {  	s2 =	sand.u32 $0xFFF8, s3;
	s0 =	smin.u32 s25, s29  }
0x1dc: {  	s30 =	ssub.s32 s0, s2  }
0x1dd: {  	p0 =	sge.u32 s9, s0;
	s1 =	sadd.s32 $0x3F, s30  }
0x1de: {  	p1 =	slt.s32 @!p0 s1, $0x40  }
0x1df: {  	p1 =	por p0, p1  }
.Ltmp42:
0x1e0: {  	_ = 	snop;
	(pc) =	sbr.rel @p1 .LBB2_74-.Ltmp42, $1  }
0x1e1: {  	_ =	sdelay $0x3  }
0x1e2: {  	s4 =	sshra.s32 s1, $0x1F  }
0x1e3: {  	s4 =	sshrl.u32 s4, $0x1A  }
0x1e4: {  	s30 =	sadd.s32 s4, s1  }
0x1e5: {  	s7 =	sshra.s32 s30, $0x6  }
0x1e6: {  	p1 =	sgt.s32 s7, $0x1  }
.Ltmp43:
0x1e7: {  	_ = 	snop;
	(pc) =	sbr.rel @!p1 .LBB2_76-.Ltmp43, $4  }
0x1e8: {  	_ = 	snop  }
0x1e9: {  	s5 =	sshll.u32 s28, $0x2;
	s29 =	sadd.s32 $0x40, s2  }
0x1ea: {  	s2 =	simm.s32 $0x1;
	p0 =	por $0x0, $0x0;
	s6 =	sshra.s32 s5, $0x2  }
0x1eb: {  	s1 =	sadd.s32 $0x180, s6;
	s31 =	sadd.s32 $0x100, s6;
	s5 =	sadd.s32 $0x80, s6  }
0x1ec: {  	[smem:$0x7F8] =	sst s25  }
0x1ed: {  	s4 =	sadd.s32 $0xFFFFFFC0, s29;
	s2 =	simm.s32 $0x2;
	p1 =	sgt.s32 s7, $0x2  }
0x1ee: {  	s30 =	sadd.s32 $0x40, s29;
	p0 =	slt.s32 s4, $0x7FC0;
	s8 =	smov.u32 s4  }
.Ltmp44:
0x1ef: {  	s25 =	sadd.s32 $0x1, s31;
	s8 =	simm.s32 @!p0 $0x7FC0;
	(pc) =	sbr.rel @!p1 .LBB2_78-.Ltmp44, $4  }
0x1f0: {  	s26 =	sadd.s32 $0x1, s1;
	p0 =	sgt.s32 s3, s4;
	s9 =	sshra.s32 s8, $0x3  }
0x1f1: {  	s4 =	smov.u32 @p0 s3;
	p0 =	slt.s32 s0, s29;
	[smem:s6] =	sst s9  }
0x1f2: {  	s8 =	sadd.s32 $0x1, s6;
	s29 =	smov.u32 @p0 s0;
	[smem:s5] =	sst s4  }
0x1f3: {  	s9 =	sadd.s32 $0x1, s5;
	p0 =	por $0x1, $0x1;
	[smem:s31] =	sst s29  }
.LBB2_79:
0x1f4: {  	s2 =	sadd.s32 $0x1, s2  }
0x1f5: {  	s4 =	sadd.s32 $0xFFFFFFC0, s30;
	[smem:s1] =	sst s17;
	s5 =	smov.u32 s8  }
0x1f6: {  	s6 =	smov.u32 s9;
	s29 =	smov.u32 s25;
	p1 =	sgt.s32 s7, s2  }
0x1f7: {  	p2 =	slt.s32 s4, $0x7FC0;
	p3 =	sgt.s32 s3, s4;
	s31 =	smov.u32 s4  }
0x1f8: {  	s1 =	smov.u32 s26;
	s8 =	sadd.s32 $0x1, s8;
	s31 =	simm.s32 @!p2 $0x7FC0  }
.Ltmp45:
0x1f9: {  	s4 =	smov.u32 @p3 s3;
	s31 =	sshra.s32 s31, $0x3;
	(pc) =	sbr.rel @p1 .LBB2_79-.Ltmp45, $4  }
0x1fa: {  	s9 =	sadd.s32 $0x1, s9;
	p2 =	slt.s32 s0, s30;
	[smem:s5] =	sst s31  }
0x1fb: {  	[smem:s6] =	sst s4;
	s4 =	smov.u32 s30  }
0x1fc: {  	s25 =	sadd.s32 $0x1, s25;
	s4 =	smov.u32 @p2 s0  }
0x1fd: {  	s26 =	sadd.s32 $0x1, s26;
	s30 =	sadd.s32 $0x40, s30;
	[smem:s29] =	sst s4  }
0x1fe: {  	s7 =	smov.u32 s1  }
0x1ff: {  	s29 =	smov.u32 s30;
	s6 =	smov.u32 s8;
	s5 =	smov.u32 s9  }
0x200: {  	s31 =	smov.u32 s25;
	s1 =	smov.u32 s26;
	s25 =	sld [smem:$0x7F8]  }
.LBB2_81:
0x201: {  	s4 =	sadd.s32 $0xFFFFFFC0, s29  }
0x202: {  	p1 =	slt.s32 s4, $0x7FC0;
	s8 =	smov.u32 s4  }
0x203: {  	[smem:s7] =	sst @p0 s17;
	p0 =	sgt.s32 s3, s4;
	s8 =	simm.s32 @!p1 $0x7FC0  }
0x204: {  	s4 =	smov.u32 @p0 s3;
	s30 =	sshra.s32 s8, $0x3  }
.Ltmp46:
0x205: {  	p0 =	slt.s32 s0, s29;
	[smem:s6] =	sst s30;
	(pc) =	sbr.rel .LBB2_82-.Ltmp46, $4  }
0x206: {  	s29 =	smov.u32 @p0 s0;
	[smem:s5] =	sst s4  }
0x207: {  	[smem:s31] =	sst s29  }
0x208: {  	s31 =	rddreg [dreg:$0x1]  }
0x209: {  	s28 =	sadd.s32 s2, s28;
	[smem:s1] =	sst s17  }
.LBB2_74:
0x20a: {  	s28 =	smov.u32 @p0 s28  }
.LBB2_82:
0x20b: {  	s1 =	rddreg [dreg:$0x8]  }
0x20c: {  	s2 =	rddreg [dreg:$0x14]  }
0x20d: {  	p0 =	sgt.s32 s2, s1;
	s9 =	smov.u32 s1  }
0x20e: {  	s30 =	rddreg [dreg:$0x9];
	s9 =	smov.u32 @p0 s2  }
0x20f: {  	s5 =	sand.u32 $0xFFF8, s0;
	s3 =	smin.u32 s9, s30  }
0x210: {  	s1 =	ssub.s32 s3, s5  }
0x211: {  	p0 =	sge.u32 s25, s3;
	s1 =	sadd.s32 $0x3F, s1  }
0x212: {  	p1 =	slt.s32 @!p0 s1, $0x40  }
0x213: {  	p1 =	por p0, p1  }
.Ltmp47:
0x214: {  	_ = 	snop;
	(pc) =	sbr.rel @p1 .LBB2_83-.Ltmp47, $1  }
0x215: {  	_ =	sdelay $0x3  }
0x216: {  	s2 =	sshra.s32 s1, $0x1F  }
0x217: {  	s2 =	sshrl.u32 s2, $0x1A  }
0x218: {  	s30 =	sadd.s32 s2, s1  }
0x219: {  	s7 =	sshra.s32 s30, $0x6  }
0x21a: {  	p1 =	sgt.s32 s7, $0x1  }
.Ltmp48:
0x21b: {  	_ = 	snop;
	(pc) =	sbr.rel @!p1 .LBB2_85-.Ltmp48, $4  }
0x21c: {  	_ = 	snop  }
0x21d: {  	s4 =	sshll.u32 s28, $0x2;
	s29 =	sadd.s32 $0x40, s5  }
0x21e: {  	s5 =	simm.s32 $0x1;
	p0 =	por $0x0, $0x0;
	s6 =	sshra.s32 s4, $0x2  }
0x21f: {  	s1 =	sadd.s32 $0x180, s6;
	s31 =	sadd.s32 $0x100, s6;
	s2 =	sadd.s32 $0x80, s6  }
0x220: {  	[smem:$0x7F7] =	sst s9  }
0x221: {  	s4 =	sadd.s32 $0xFFFFFFC0, s29;
	s5 =	simm.s32 $0x2;
	p1 =	sgt.s32 s7, $0x2  }
0x222: {  	s9 =	sadd.s32 $0x1, s2;
	p0 =	slt.s32 s4, $0x7FC0;
	s8 =	smov.u32 s4  }
.Ltmp49:
0x223: {  	s30 =	sadd.s32 $0x40, s29;
	s8 =	simm.s32 @!p0 $0x7FC0;
	(pc) =	sbr.rel @!p1 .LBB2_87-.Ltmp49, $4  }
0x224: {  	s25 =	sadd.s32 $0x1, s31;
	p0 =	sgt.s32 s0, s4;
	s26 =	sshra.s32 s8, $0x3  }
0x225: {  	s4 =	smov.u32 @p0 s0;
	p0 =	slt.s32 s3, s29;
	[smem:s6] =	sst s26  }
0x226: {  	s8 =	sadd.s32 $0x1, s6;
	s29 =	smov.u32 @p0 s3;
	[smem:s2] =	sst s4  }
0x227: {  	s26 =	sadd.s32 $0x1, s1;
	p0 =	por $0x1, $0x1;
	[smem:s31] =	sst s29  }
.LBB2_88:
0x228: {  	s5 =	sadd.s32 $0x1, s5  }
0x229: {  	s2 =	sadd.s32 $0xFFFFFFC0, s30;
	[smem:s1] =	sst s18;
	s4 =	smov.u32 s8  }
0x22a: {  	s6 =	smov.u32 s9;
	s29 =	smov.u32 s25;
	p1 =	sgt.s32 s7, s5  }
0x22b: {  	p2 =	slt.s32 s2, $0x7FC0;
	p3 =	sgt.s32 s0, s2;
	s31 =	smov.u32 s2  }
0x22c: {  	s1 =	smov.u32 s26;
	s8 =	sadd.s32 $0x1, s8;
	s31 =	simm.s32 @!p2 $0x7FC0  }
.Ltmp50:
0x22d: {  	s2 =	smov.u32 @p3 s0;
	s31 =	sshra.s32 s31, $0x3;
	(pc) =	sbr.rel @p1 .LBB2_88-.Ltmp50, $4  }
0x22e: {  	s9 =	sadd.s32 $0x1, s9;
	p2 =	slt.s32 s3, s30;
	[smem:s4] =	sst s31  }
0x22f: {  	[smem:s6] =	sst s2;
	s2 =	smov.u32 s30  }
0x230: {  	s25 =	sadd.s32 $0x1, s25;
	s2 =	smov.u32 @p2 s3  }
0x231: {  	s26 =	sadd.s32 $0x1, s26;
	s30 =	sadd.s32 $0x40, s30;
	[smem:s29] =	sst s2  }
0x232: {  	s7 =	smov.u32 s1  }
0x233: {  	s29 =	smov.u32 s30;
	s6 =	smov.u32 s8;
	s2 =	smov.u32 s9  }
0x234: {  	s31 =	smov.u32 s25;
	s1 =	smov.u32 s26;
	s9 =	sld [smem:$0x7F7]  }
.LBB2_90:
0x235: {  	s4 =	sadd.s32 $0xFFFFFFC0, s29  }
0x236: {  	p1 =	slt.s32 s4, $0x7FC0;
	s8 =	smov.u32 s4  }
0x237: {  	[smem:s7] =	sst @p0 s18;
	p0 =	sgt.s32 s0, s4;
	s8 =	simm.s32 @!p1 $0x7FC0  }
0x238: {  	s4 =	smov.u32 @p0 s0;
	s30 =	sshra.s32 s8, $0x3  }
.Ltmp51:
0x239: {  	p0 =	slt.s32 s3, s29;
	[smem:s6] =	sst s30;
	(pc) =	sbr.rel .LBB2_91-.Ltmp51, $4  }
0x23a: {  	s29 =	smov.u32 @p0 s3;
	[smem:s2] =	sst s4  }
0x23b: {  	[smem:s31] =	sst s29  }
0x23c: {  	s31 =	rddreg [dreg:$0x1]  }
0x23d: {  	s28 =	sadd.s32 s5, s28;
	[smem:s1] =	sst s18  }
.LBB2_83:
0x23e: {  	s28 =	smov.u32 @p0 s28  }
.LBB2_91:
0x23f: {  	s0 =	rddreg [dreg:$0x8]  }
0x240: {  	s1 =	rddreg [dreg:$0x13]  }
0x241: {  	p0 =	sgt.s32 s1, s0;
	s25 =	smov.u32 s0  }
0x242: {  	s30 =	rddreg [dreg:$0x9];
	s25 =	smov.u32 @p0 s1  }
0x243: {  	s1 =	sand.u32 $0xFFF8, s3;
	s0 =	smin.u32 s25, s30  }
0x244: {  	s2 =	ssub.s32 s0, s1  }
0x245: {  	p0 =	sge.u32 s9, s0;
	s2 =	sadd.s32 $0x3F, s2  }
0x246: {  	p1 =	slt.s32 @!p0 s2, $0x40  }
0x247: {  	p1 =	por p0, p1  }
.Ltmp52:
0x248: {  	_ = 	snop;
	(pc) =	sbr.rel @p1 .LBB2_92-.Ltmp52, $1  }
0x249: {  	_ =	sdelay $0x3  }
0x24a: {  	s4 =	sshra.s32 s2, $0x1F  }
0x24b: {  	s4 =	sshrl.u32 s4, $0x1A  }
0x24c: {  	s30 =	sadd.s32 s4, s2  }
0x24d: {  	s7 =	sshra.s32 s30, $0x6  }
0x24e: {  	p1 =	sgt.s32 s7, $0x1  }
.Ltmp53:
0x24f: {  	_ = 	snop;
	(pc) =	sbr.rel @!p1 .LBB2_94-.Ltmp53, $4  }
0x250: {  	_ = 	snop  }
0x251: {  	s5 =	sshll.u32 s28, $0x2;
	s29 =	sadd.s32 $0x40, s1  }
0x252: {  	s1 =	simm.s32 $0x1;
	p0 =	por $0x0, $0x0;
	s6 =	sshra.s32 s5, $0x2  }
0x253: {  	s2 =	sadd.s32 $0x180, s6;
	s31 =	sadd.s32 $0x100, s6;
	s5 =	sadd.s32 $0x80, s6  }
0x254: {  	[smem:$0x7F6] =	sst s25  }
0x255: {  	s4 =	sadd.s32 $0xFFFFFFC0, s29;
	s1 =	simm.s32 $0x2;
	p1 =	sgt.s32 s7, $0x2  }
0x256: {  	s30 =	sadd.s32 $0x40, s29;
	p0 =	slt.s32 s4, $0x7FC0;
	s8 =	smov.u32 s4  }
.Ltmp54:
0x257: {  	s25 =	sadd.s32 $0x1, s31;
	s8 =	simm.s32 @!p0 $0x7FC0;
	(pc) =	sbr.rel @!p1 .LBB2_96-.Ltmp54, $4  }
0x258: {  	s26 =	sadd.s32 $0x1, s2;
	p0 =	sgt.s32 s3, s4;
	s9 =	sshra.s32 s8, $0x3  }
0x259: {  	s4 =	smov.u32 @p0 s3;
	p0 =	slt.s32 s0, s29;
	[smem:s6] =	sst s9  }
0x25a: {  	s8 =	sadd.s32 $0x1, s6;
	s29 =	smov.u32 @p0 s0;
	[smem:s5] =	sst s4  }
0x25b: {  	s9 =	sadd.s32 $0x1, s5;
	p0 =	por $0x1, $0x1;
	[smem:s31] =	sst s29  }
.LBB2_97:
0x25c: {  	s1 =	sadd.s32 $0x1, s1  }
0x25d: {  	s4 =	sadd.s32 $0xFFFFFFC0, s30;
	[smem:s2] =	sst s19;
	s5 =	smov.u32 s8  }
0x25e: {  	s6 =	smov.u32 s9;
	s29 =	smov.u32 s25;
	p1 =	sgt.s32 s7, s1  }
0x25f: {  	p2 =	slt.s32 s4, $0x7FC0;
	p3 =	sgt.s32 s3, s4;
	s31 =	smov.u32 s4  }
0x260: {  	s2 =	smov.u32 s26;
	s8 =	sadd.s32 $0x1, s8;
	s31 =	simm.s32 @!p2 $0x7FC0  }
.Ltmp55:
0x261: {  	s4 =	smov.u32 @p3 s3;
	s31 =	sshra.s32 s31, $0x3;
	(pc) =	sbr.rel @p1 .LBB2_97-.Ltmp55, $4  }
0x262: {  	s9 =	sadd.s32 $0x1, s9;
	p2 =	slt.s32 s0, s30;
	[smem:s5] =	sst s31  }
0x263: {  	[smem:s6] =	sst s4;
	s4 =	smov.u32 s30  }
0x264: {  	s25 =	sadd.s32 $0x1, s25;
	s4 =	smov.u32 @p2 s0  }
0x265: {  	s26 =	sadd.s32 $0x1, s26;
	s30 =	sadd.s32 $0x40, s30;
	[smem:s29] =	sst s4  }
0x266: {  	s7 =	smov.u32 s2  }
0x267: {  	s29 =	smov.u32 s30;
	s6 =	smov.u32 s8;
	s5 =	smov.u32 s9  }
0x268: {  	s31 =	smov.u32 s25;
	s2 =	smov.u32 s26;
	s25 =	sld [smem:$0x7F6]  }
.LBB2_99:
0x269: {  	s4 =	sadd.s32 $0xFFFFFFC0, s29  }
0x26a: {  	p1 =	slt.s32 s4, $0x7FC0;
	s8 =	smov.u32 s4  }
0x26b: {  	[smem:s7] =	sst @p0 s19;
	p0 =	sgt.s32 s3, s4;
	s8 =	simm.s32 @!p1 $0x7FC0  }
0x26c: {  	s4 =	smov.u32 @p0 s3;
	s30 =	sshra.s32 s8, $0x3  }
.Ltmp56:
0x26d: {  	p0 =	slt.s32 s0, s29;
	[smem:s6] =	sst s30;
	(pc) =	sbr.rel .LBB2_100-.Ltmp56, $4  }
0x26e: {  	s29 =	smov.u32 @p0 s0;
	[smem:s5] =	sst s4  }
0x26f: {  	[smem:s31] =	sst s29  }
0x270: {  	s31 =	rddreg [dreg:$0x1]  }
0x271: {  	s28 =	sadd.s32 s1, s28;
	[smem:s2] =	sst s19  }
.LBB2_92:
0x272: {  	s28 =	smov.u32 @p0 s28  }
.LBB2_100:
0x273: {  	s1 =	rddreg [dreg:$0x8]  }
0x274: {  	s2 =	rddreg [dreg:$0x12]  }
0x275: {  	p0 =	sgt.s32 s2, s1;
	s9 =	smov.u32 s1  }
0x276: {  	s29 =	rddreg [dreg:$0x9];
	s9 =	smov.u32 @p0 s2  }
0x277: {  	s3 =	sand.u32 $0xFFF8, s0;
	s1 =	smin.u32 s9, s29  }
0x278: {  	s30 =	ssub.s32 s1, s3  }
0x279: {  	p0 =	sge.u32 s25, s1;
	s2 =	sadd.s32 $0x3F, s30  }
0x27a: {  	p1 =	slt.s32 @!p0 s2, $0x40  }
0x27b: {  	p1 =	por p0, p1  }
.Ltmp57:
0x27c: {  	_ = 	snop;
	(pc) =	sbr.rel @p1 .LBB2_101-.Ltmp57, $1  }
0x27d: {  	_ =	sdelay $0x3  }
0x27e: {  	s4 =	sshra.s32 s2, $0x1F  }
0x27f: {  	s4 =	sshrl.u32 s4, $0x1A  }
0x280: {  	s30 =	sadd.s32 s4, s2  }
0x281: {  	s7 =	sshra.s32 s30, $0x6  }
0x282: {  	p1 =	sgt.s32 s7, $0x1  }
.Ltmp58:
0x283: {  	_ = 	snop;
	(pc) =	sbr.rel @!p1 .LBB2_103-.Ltmp58, $4  }
0x284: {  	_ = 	snop  }
0x285: {  	s5 =	sshll.u32 s28, $0x2;
	s29 =	sadd.s32 $0x40, s3  }
0x286: {  	s3 =	simm.s32 $0x1;
	p0 =	por $0x0, $0x0;
	s6 =	sshra.s32 s5, $0x2  }
0x287: {  	s5 =	sadd.s32 $0x180, s6;
	s31 =	sadd.s32 $0x100, s6;
	s2 =	sadd.s32 $0x80, s6  }
0x288: {  	[smem:$0x7F5] =	sst s9  }
0x289: {  	s4 =	sadd.s32 $0xFFFFFFC0, s29;
	s3 =	simm.s32 $0x2;
	p1 =	sgt.s32 s7, $0x2  }
0x28a: {  	s9 =	sadd.s32 $0x1, s2;
	p0 =	slt.s32 s4, $0x7FC0;
	s8 =	smov.u32 s4  }
.Ltmp59:
0x28b: {  	s30 =	sadd.s32 $0x40, s29;
	s8 =	simm.s32 @!p0 $0x7FC0;
	(pc) =	sbr.rel @!p1 .LBB2_105-.Ltmp59, $4  }
0x28c: {  	s25 =	sadd.s32 $0x1, s31;
	p0 =	sgt.s32 s0, s4;
	s26 =	sshra.s32 s8, $0x3  }
0x28d: {  	s4 =	smov.u32 @p0 s0;
	p0 =	slt.s32 s1, s29;
	[smem:s6] =	sst s26  }
0x28e: {  	s8 =	sadd.s32 $0x1, s6;
	s29 =	smov.u32 @p0 s1;
	[smem:s2] =	sst s4  }
0x28f: {  	s26 =	sadd.s32 $0x1, s5;
	p0 =	por $0x1, $0x1;
	[smem:s31] =	sst s29  }
.LBB2_106:
0x290: {  	s3 =	sadd.s32 $0x1, s3  }
0x291: {  	s2 =	sadd.s32 $0xFFFFFFC0, s30;
	[smem:s5] =	sst s20;
	s4 =	smov.u32 s8  }
0x292: {  	s6 =	smov.u32 s9;
	s29 =	smov.u32 s25;
	p1 =	sgt.s32 s7, s3  }
0x293: {  	p2 =	slt.s32 s2, $0x7FC0;
	p3 =	sgt.s32 s0, s2;
	s31 =	smov.u32 s2  }
0x294: {  	s5 =	smov.u32 s26;
	s8 =	sadd.s32 $0x1, s8;
	s31 =	simm.s32 @!p2 $0x7FC0  }
.Ltmp60:
0x295: {  	s2 =	smov.u32 @p3 s0;
	s31 =	sshra.s32 s31, $0x3;
	(pc) =	sbr.rel @p1 .LBB2_106-.Ltmp60, $4  }
0x296: {  	s9 =	sadd.s32 $0x1, s9;
	p2 =	slt.s32 s1, s30;
	[smem:s4] =	sst s31  }
0x297: {  	[smem:s6] =	sst s2;
	s2 =	smov.u32 s30  }
0x298: {  	s25 =	sadd.s32 $0x1, s25;
	s2 =	smov.u32 @p2 s1  }
0x299: {  	s26 =	sadd.s32 $0x1, s26;
	s30 =	sadd.s32 $0x40, s30;
	[smem:s29] =	sst s2  }
0x29a: {  	s7 =	smov.u32 s5  }
0x29b: {  	s29 =	smov.u32 s30;
	s6 =	smov.u32 s8;
	s2 =	smov.u32 s9  }
0x29c: {  	s31 =	smov.u32 s25;
	s5 =	smov.u32 s26;
	s9 =	sld [smem:$0x7F5]  }
.LBB2_108:
0x29d: {  	s4 =	sadd.s32 $0xFFFFFFC0, s29  }
0x29e: {  	p1 =	slt.s32 s4, $0x7FC0;
	s8 =	smov.u32 s4  }
0x29f: {  	[smem:s7] =	sst @p0 s20;
	p0 =	sgt.s32 s0, s4;
	s8 =	simm.s32 @!p1 $0x7FC0  }
0x2a0: {  	s4 =	smov.u32 @p0 s0;
	s30 =	sshra.s32 s8, $0x3  }
.Ltmp61:
0x2a1: {  	p0 =	slt.s32 s1, s29;
	[smem:s6] =	sst s30;
	(pc) =	sbr.rel .LBB2_109-.Ltmp61, $4  }
0x2a2: {  	s29 =	smov.u32 @p0 s1;
	[smem:s2] =	sst s4  }
0x2a3: {  	[smem:s31] =	sst s29  }
0x2a4: {  	s31 =	rddreg [dreg:$0x1]  }
0x2a5: {  	s28 =	sadd.s32 s3, s28;
	[smem:s5] =	sst s20  }
.LBB2_101:
0x2a6: {  	s28 =	smov.u32 @p0 s28  }
.LBB2_109:
0x2a7: {  	s0 =	rddreg [dreg:$0x8]  }
0x2a8: {  	s2 =	rddreg [dreg:$0x11]  }
0x2a9: {  	p0 =	sgt.s32 s2, s0;
	s25 =	smov.u32 s0  }
0x2aa: {  	s30 =	rddreg [dreg:$0x9];
	s25 =	smov.u32 @p0 s2  }
0x2ab: {  	s2 =	sand.u32 $0xFFF8, s1;
	s0 =	smin.u32 s25, s30  }
0x2ac: {  	s3 =	ssub.s32 s0, s2  }
0x2ad: {  	p0 =	sge.u32 s9, s0;
	s3 =	sadd.s32 $0x3F, s3  }
0x2ae: {  	p1 =	slt.s32 @!p0 s3, $0x40  }
0x2af: {  	p1 =	por p0, p1  }
.Ltmp62:
0x2b0: {  	_ = 	snop;
	(pc) =	sbr.rel @p1 .LBB2_110-.Ltmp62, $1  }
0x2b1: {  	_ =	sdelay $0x3  }
0x2b2: {  	s4 =	sshra.s32 s3, $0x1F  }
0x2b3: {  	s4 =	sshrl.u32 s4, $0x1A  }
0x2b4: {  	s30 =	sadd.s32 s4, s3  }
0x2b5: {  	s7 =	sshra.s32 s30, $0x6  }
0x2b6: {  	p1 =	sgt.s32 s7, $0x1  }
.Ltmp63:
0x2b7: {  	_ = 	snop;
	(pc) =	sbr.rel @!p1 .LBB2_112-.Ltmp63, $4  }
0x2b8: {  	_ = 	snop  }
0x2b9: {  	s5 =	sshll.u32 s28, $0x2;
	s29 =	sadd.s32 $0x40, s2  }
0x2ba: {  	s2 =	simm.s32 $0x1;
	p0 =	por $0x0, $0x0;
	s6 =	sshra.s32 s5, $0x2  }
0x2bb: {  	s5 =	sadd.s32 $0x180, s6;
	s31 =	sadd.s32 $0x100, s6;
	s3 =	sadd.s32 $0x80, s6  }
0x2bc: {  	[smem:$0x7F4] =	sst s25  }
0x2bd: {  	s4 =	sadd.s32 $0xFFFFFFC0, s29;
	s2 =	simm.s32 $0x2;
	p1 =	sgt.s32 s7, $0x2  }
0x2be: {  	s30 =	sadd.s32 $0x40, s29;
	p0 =	slt.s32 s4, $0x7FC0;
	s8 =	smov.u32 s4  }
.Ltmp64:
0x2bf: {  	s25 =	sadd.s32 $0x1, s31;
	s8 =	simm.s32 @!p0 $0x7FC0;
	(pc) =	sbr.rel @!p1 .LBB2_114-.Ltmp64, $4  }
0x2c0: {  	s26 =	sadd.s32 $0x1, s5;
	p0 =	sgt.s32 s1, s4;
	s9 =	sshra.s32 s8, $0x3  }
0x2c1: {  	s4 =	smov.u32 @p0 s1;
	p0 =	slt.s32 s0, s29;
	[smem:s6] =	sst s9  }
0x2c2: {  	s8 =	sadd.s32 $0x1, s6;
	s29 =	smov.u32 @p0 s0;
	[smem:s3] =	sst s4  }
0x2c3: {  	s9 =	sadd.s32 $0x1, s3;
	p0 =	por $0x1, $0x1;
	[smem:s31] =	sst s29  }
.LBB2_115:
0x2c4: {  	s2 =	sadd.s32 $0x1, s2  }
0x2c5: {  	s3 =	sadd.s32 $0xFFFFFFC0, s30;
	[smem:s5] =	sst s21;
	s4 =	smov.u32 s8  }
0x2c6: {  	s6 =	smov.u32 s9;
	s29 =	smov.u32 s25;
	p1 =	sgt.s32 s7, s2  }
0x2c7: {  	p2 =	slt.s32 s3, $0x7FC0;
	p3 =	sgt.s32 s1, s3;
	s31 =	smov.u32 s3  }
0x2c8: {  	s5 =	smov.u32 s26;
	s8 =	sadd.s32 $0x1, s8;
	s31 =	simm.s32 @!p2 $0x7FC0  }
.Ltmp65:
0x2c9: {  	s3 =	smov.u32 @p3 s1;
	s31 =	sshra.s32 s31, $0x3;
	(pc) =	sbr.rel @p1 .LBB2_115-.Ltmp65, $4  }
0x2ca: {  	s9 =	sadd.s32 $0x1, s9;
	p2 =	slt.s32 s0, s30;
	[smem:s4] =	sst s31  }
0x2cb: {  	[smem:s6] =	sst s3;
	s3 =	smov.u32 s30  }
0x2cc: {  	s25 =	sadd.s32 $0x1, s25;
	s3 =	smov.u32 @p2 s0  }
0x2cd: {  	s26 =	sadd.s32 $0x1, s26;
	s30 =	sadd.s32 $0x40, s30;
	[smem:s29] =	sst s3  }
0x2ce: {  	s7 =	smov.u32 s5  }
0x2cf: {  	s29 =	smov.u32 s30;
	s6 =	smov.u32 s8;
	s3 =	smov.u32 s9  }
0x2d0: {  	s31 =	smov.u32 s25;
	s5 =	smov.u32 s26;
	s25 =	sld [smem:$0x7F4]  }
.LBB2_117:
0x2d1: {  	s4 =	sadd.s32 $0xFFFFFFC0, s29  }
0x2d2: {  	p1 =	slt.s32 s4, $0x7FC0;
	s8 =	smov.u32 s4  }
0x2d3: {  	[smem:s7] =	sst @p0 s21;
	p0 =	sgt.s32 s1, s4;
	s8 =	simm.s32 @!p1 $0x7FC0  }
0x2d4: {  	s4 =	smov.u32 @p0 s1;
	s30 =	sshra.s32 s8, $0x3  }
.Ltmp66:
0x2d5: {  	p0 =	slt.s32 s0, s29;
	[smem:s6] =	sst s30;
	(pc) =	sbr.rel .LBB2_118-.Ltmp66, $4  }
0x2d6: {  	s29 =	smov.u32 @p0 s0;
	[smem:s3] =	sst s4  }
0x2d7: {  	[smem:s31] =	sst s29  }
0x2d8: {  	s31 =	rddreg [dreg:$0x1]  }
0x2d9: {  	s28 =	sadd.s32 s2, s28;
	[smem:s5] =	sst s21  }
.LBB2_110:
0x2da: {  	s28 =	smov.u32 @p0 s28  }
.LBB2_118:
0x2db: {  	s1 =	rddreg [dreg:$0x8]  }
0x2dc: {  	s2 =	rddreg [dreg:$0x10]  }
0x2dd: {  	p0 =	sgt.s32 s2, s1;
	s9 =	smov.u32 s1  }
0x2de: {  	s29 =	rddreg [dreg:$0x9];
	s9 =	smov.u32 @p0 s2  }
0x2df: {  	s3 =	sand.u32 $0xFFF8, s0;
	s1 =	smin.u32 s9, s29  }
0x2e0: {  	s30 =	ssub.s32 s1, s3  }
0x2e1: {  	p0 =	sge.u32 s25, s1;
	s2 =	sadd.s32 $0x3F, s30  }
0x2e2: {  	p1 =	slt.s32 @!p0 s2, $0x40  }
0x2e3: {  	p1 =	por p0, p1  }
.Ltmp67:
0x2e4: {  	_ = 	snop;
	(pc) =	sbr.rel @p1 .LBB2_119-.Ltmp67, $1  }
0x2e5: {  	_ =	sdelay $0x3  }
0x2e6: {  	s4 =	sshra.s32 s2, $0x1F  }
0x2e7: {  	s4 =	sshrl.u32 s4, $0x1A  }
0x2e8: {  	s30 =	sadd.s32 s4, s2  }
0x2e9: {  	s7 =	sshra.s32 s30, $0x6  }
0x2ea: {  	p1 =	sgt.s32 s7, $0x1  }
.Ltmp68:
0x2eb: {  	_ = 	snop;
	(pc) =	sbr.rel @!p1 .LBB2_121-.Ltmp68, $4  }
0x2ec: {  	_ = 	snop  }
0x2ed: {  	s5 =	sshll.u32 s28, $0x2;
	s29 =	sadd.s32 $0x40, s3  }
0x2ee: {  	s3 =	simm.s32 $0x1;
	p0 =	por $0x0, $0x0;
	s6 =	sshra.s32 s5, $0x2  }
0x2ef: {  	s5 =	sadd.s32 $0x180, s6;
	s31 =	sadd.s32 $0x100, s6;
	s2 =	sadd.s32 $0x80, s6  }
0x2f0: {  	[smem:$0x7F3] =	sst s9  }
0x2f1: {  	s4 =	sadd.s32 $0xFFFFFFC0, s29;
	s3 =	simm.s32 $0x2;
	p1 =	sgt.s32 s7, $0x2  }
0x2f2: {  	s9 =	sadd.s32 $0x1, s2;
	p0 =	slt.s32 s4, $0x7FC0;
	s8 =	smov.u32 s4  }
.Ltmp69:
0x2f3: {  	s30 =	sadd.s32 $0x40, s29;
	s8 =	simm.s32 @!p0 $0x7FC0;
	(pc) =	sbr.rel @!p1 .LBB2_123-.Ltmp69, $4  }
0x2f4: {  	s25 =	sadd.s32 $0x1, s31;
	p0 =	sgt.s32 s0, s4;
	s26 =	sshra.s32 s8, $0x3  }
0x2f5: {  	s4 =	smov.u32 @p0 s0;
	p0 =	slt.s32 s1, s29;
	[smem:s6] =	sst s26  }
0x2f6: {  	s8 =	sadd.s32 $0x1, s6;
	s29 =	smov.u32 @p0 s1;
	[smem:s2] =	sst s4  }
0x2f7: {  	s26 =	sadd.s32 $0x1, s5;
	p0 =	por $0x1, $0x1;
	[smem:s31] =	sst s29  }
.LBB2_124:
0x2f8: {  	s3 =	sadd.s32 $0x1, s3  }
0x2f9: {  	s2 =	sadd.s32 $0xFFFFFFC0, s30;
	[smem:s5] =	sst s22;
	s4 =	smov.u32 s8  }
0x2fa: {  	s6 =	smov.u32 s9;
	s29 =	smov.u32 s25;
	p1 =	sgt.s32 s7, s3  }
0x2fb: {  	p2 =	slt.s32 s2, $0x7FC0;
	p3 =	sgt.s32 s0, s2;
	s31 =	smov.u32 s2  }
0x2fc: {  	s5 =	smov.u32 s26;
	s8 =	sadd.s32 $0x1, s8;
	s31 =	simm.s32 @!p2 $0x7FC0  }
.Ltmp70:
0x2fd: {  	s2 =	smov.u32 @p3 s0;
	s31 =	sshra.s32 s31, $0x3;
	(pc) =	sbr.rel @p1 .LBB2_124-.Ltmp70, $4  }
0x2fe: {  	s9 =	sadd.s32 $0x1, s9;
	p2 =	slt.s32 s1, s30;
	[smem:s4] =	sst s31  }
0x2ff: {  	[smem:s6] =	sst s2;
	s2 =	smov.u32 s30  }
0x300: {  	s25 =	sadd.s32 $0x1, s25;
	s2 =	smov.u32 @p2 s1  }
0x301: {  	s26 =	sadd.s32 $0x1, s26;
	s30 =	sadd.s32 $0x40, s30;
	[smem:s29] =	sst s2  }
0x302: {  	s7 =	smov.u32 s5  }
0x303: {  	s29 =	smov.u32 s30;
	s6 =	smov.u32 s8;
	s2 =	smov.u32 s9  }
0x304: {  	s31 =	smov.u32 s25;
	s5 =	smov.u32 s26;
	s9 =	sld [smem:$0x7F3]  }
.LBB2_126:
0x305: {  	s4 =	sadd.s32 $0xFFFFFFC0, s29  }
0x306: {  	p1 =	slt.s32 s4, $0x7FC0;
	s8 =	smov.u32 s4  }
0x307: {  	[smem:s7] =	sst @p0 s22;
	p0 =	sgt.s32 s0, s4;
	s8 =	simm.s32 @!p1 $0x7FC0  }
0x308: {  	s4 =	smov.u32 @p0 s0;
	s30 =	sshra.s32 s8, $0x3  }
.Ltmp71:
0x309: {  	p0 =	slt.s32 s1, s29;
	[smem:s6] =	sst s30;
	(pc) =	sbr.rel .LBB2_127-.Ltmp71, $4  }
0x30a: {  	s29 =	smov.u32 @p0 s1;
	[smem:s2] =	sst s4  }
0x30b: {  	[smem:s31] =	sst s29  }
0x30c: {  	s31 =	rddreg [dreg:$0x1]  }
0x30d: {  	s28 =	sadd.s32 s3, s28;
	[smem:s5] =	sst s22  }
.LBB2_119:
0x30e: {  	s28 =	smov.u32 @p0 s28  }
.LBB2_127:
0x30f: {  	s0 =	rddreg [dreg:$0x8]  }
0x310: {  	s2 =	rddreg [dreg:$0xf]  }
0x311: {  	p0 =	sgt.s32 s2, s0;
	s25 =	smov.u32 s0  }
0x312: {  	s30 =	rddreg [dreg:$0x9];
	s25 =	smov.u32 @p0 s2  }
0x313: {  	s2 =	sand.u32 $0xFFF8, s1;
	s0 =	smin.u32 s25, s30  }
0x314: {  	s3 =	ssub.s32 s0, s2  }
0x315: {  	p0 =	sge.u32 s9, s0;
	s3 =	sadd.s32 $0x3F, s3  }
0x316: {  	p1 =	slt.s32 @!p0 s3, $0x40  }
0x317: {  	p1 =	por p0, p1  }
.Ltmp72:
0x318: {  	_ = 	snop;
	(pc) =	sbr.rel @p1 .LBB2_128-.Ltmp72, $1  }
0x319: {  	_ =	sdelay $0x3  }
0x31a: {  	s4 =	sshra.s32 s3, $0x1F  }
0x31b: {  	s4 =	sshrl.u32 s4, $0x1A  }
0x31c: {  	s30 =	sadd.s32 s4, s3  }
0x31d: {  	s7 =	sshra.s32 s30, $0x6  }
0x31e: {  	p1 =	sgt.s32 s7, $0x1  }
.Ltmp73:
0x31f: {  	_ = 	snop;
	(pc) =	sbr.rel @!p1 .LBB2_130-.Ltmp73, $4  }
0x320: {  	_ = 	snop  }
0x321: {  	s5 =	sshll.u32 s28, $0x2;
	s29 =	sadd.s32 $0x40, s2  }
0x322: {  	s2 =	simm.s32 $0x1;
	p0 =	por $0x0, $0x0;
	s6 =	sshra.s32 s5, $0x2  }
0x323: {  	s5 =	sadd.s32 $0x180, s6;
	s31 =	sadd.s32 $0x100, s6;
	s3 =	sadd.s32 $0x80, s6  }
0x324: {  	[smem:$0x7F2] =	sst s25  }
0x325: {  	s4 =	sadd.s32 $0xFFFFFFC0, s29;
	s2 =	simm.s32 $0x2;
	p1 =	sgt.s32 s7, $0x2  }
0x326: {  	s30 =	sadd.s32 $0x40, s29;
	p0 =	slt.s32 s4, $0x7FC0;
	s8 =	smov.u32 s4  }
.Ltmp74:
0x327: {  	s25 =	sadd.s32 $0x1, s31;
	s8 =	simm.s32 @!p0 $0x7FC0;
	(pc) =	sbr.rel @!p1 .LBB2_132-.Ltmp74, $4  }
0x328: {  	s26 =	sadd.s32 $0x1, s5;
	p0 =	sgt.s32 s1, s4;
	s9 =	sshra.s32 s8, $0x3  }
0x329: {  	s4 =	smov.u32 @p0 s1;
	p0 =	slt.s32 s0, s29;
	[smem:s6] =	sst s9  }
0x32a: {  	s8 =	sadd.s32 $0x1, s6;
	s29 =	smov.u32 @p0 s0;
	[smem:s3] =	sst s4  }
0x32b: {  	s9 =	sadd.s32 $0x1, s3;
	p0 =	por $0x1, $0x1;
	[smem:s31] =	sst s29  }
.LBB2_133:
0x32c: {  	s2 =	sadd.s32 $0x1, s2  }
0x32d: {  	s3 =	sadd.s32 $0xFFFFFFC0, s30;
	[smem:s5] =	sst s23;
	s4 =	smov.u32 s8  }
0x32e: {  	s6 =	smov.u32 s9;
	s29 =	smov.u32 s25;
	p1 =	sgt.s32 s7, s2  }
0x32f: {  	p2 =	slt.s32 s3, $0x7FC0;
	p3 =	sgt.s32 s1, s3;
	s31 =	smov.u32 s3  }
0x330: {  	s5 =	smov.u32 s26;
	s8 =	sadd.s32 $0x1, s8;
	s31 =	simm.s32 @!p2 $0x7FC0  }
.Ltmp75:
0x331: {  	s3 =	smov.u32 @p3 s1;
	s31 =	sshra.s32 s31, $0x3;
	(pc) =	sbr.rel @p1 .LBB2_133-.Ltmp75, $4  }
0x332: {  	s9 =	sadd.s32 $0x1, s9;
	p2 =	slt.s32 s0, s30;
	[smem:s4] =	sst s31  }
0x333: {  	[smem:s6] =	sst s3;
	s3 =	smov.u32 s30  }
0x334: {  	s25 =	sadd.s32 $0x1, s25;
	s3 =	smov.u32 @p2 s0  }
0x335: {  	s26 =	sadd.s32 $0x1, s26;
	s30 =	sadd.s32 $0x40, s30;
	[smem:s29] =	sst s3  }
0x336: {  	s7 =	smov.u32 s5  }
0x337: {  	s29 =	smov.u32 s30;
	s6 =	smov.u32 s8;
	s3 =	smov.u32 s9  }
0x338: {  	s31 =	smov.u32 s25;
	s5 =	smov.u32 s26;
	s25 =	sld [smem:$0x7F2]  }
.LBB2_135:
0x339: {  	s4 =	sadd.s32 $0xFFFFFFC0, s29  }
0x33a: {  	p1 =	slt.s32 s4, $0x7FC0;
	s8 =	smov.u32 s4  }
0x33b: {  	[smem:s7] =	sst @p0 s23;
	p0 =	sgt.s32 s1, s4;
	s8 =	simm.s32 @!p1 $0x7FC0  }
0x33c: {  	s4 =	smov.u32 @p0 s1;
	s30 =	sshra.s32 s8, $0x3  }
.Ltmp76:
0x33d: {  	p0 =	slt.s32 s0, s29;
	[smem:s6] =	sst s30;
	(pc) =	sbr.rel .LBB2_136-.Ltmp76, $4  }
0x33e: {  	s29 =	smov.u32 @p0 s0;
	[smem:s3] =	sst s4  }
0x33f: {  	[smem:s31] =	sst s29  }
0x340: {  	s31 =	rddreg [dreg:$0x1]  }
0x341: {  	s28 =	sadd.s32 s2, s28;
	[smem:s5] =	sst s23  }
.LBB2_128:
0x342: {  	s28 =	smov.u32 @p0 s28  }
.LBB2_136:
0x343: {  	s1 =	rddreg [dreg:$0x8]  }
0x344: {  	s2 =	rddreg [dreg:$0xe]  }
0x345: {  	p0 =	sgt.s32 s2, s1  }
0x346: {  	s30 =	rddreg [dreg:$0x9];
	s1 =	smov.u32 @p0 s2  }
0x347: {  	s2 =	sand.u32 $0xFFF8, s0;
	s1 =	smin.u32 s1, s30  }
0x348: {  	p0 =	sge.u32 s25, s1;
	s3 =	ssub.s32 s1, s2  }
0x349: {  	p1 =	slt.s32 @!p0 s3, $0x1  }
0x34a: {  	p1 =	por p0, p1  }
.Ltmp77:
0x34b: {  	_ = 	snop;
	(pc) =	sbr.rel @p1 .LBB2_137-.Ltmp77, $1  }
0x34c: {  	_ =	sdelay $0x3  }
0x34d: {  	s3 =	sadd.s32 $0x3F, s3  }
0x34e: {  	s4 =	sshra.s32 s3, $0x1F  }
0x34f: {  	s4 =	sshrl.u32 s4, $0x1A  }
0x350: {  	s5 =	sshll.u32 s28, $0x2;
	s3 =	sadd.s32 s4, s3  }
0x351: {  	s30 =	sshra.s32 s5, $0x2;
	s5 =	sshra.s32 s3, $0x6  }
0x352: {  	p1 =	sgt.s32 s5, $0x1  }
.Ltmp78:
0x353: {  	_ = 	snop;
	(pc) =	sbr.rel @!p1 .LBB2_153-.Ltmp78, $3  }
0x354: {  	_ =	sdelay $0x1  }
0x355: {  	s8 =	sadd.s32 $0x40, s2;
	s2 =	simm.s32 $0x1;
	p0 =	por $0x0, $0x0  }
0x356: {  	s29 =	sadd.s32 $0x100, s30;
	s31 =	sadd.s32 $0x80, s30;
	s3 =	sadd.s32 $0x180, s30  }
0x357: {  	s4 =	sadd.s32 $0xFFFFFFC0, s8;
	s2 =	simm.s32 $0x2;
	p1 =	sgt.s32 s5, $0x2  }
0x358: {  	s7 =	sadd.s32 $0x1, s30;
	p0 =	slt.s32 s4, $0x7FC0;
	s6 =	smov.u32 s4  }
.Ltmp79:
0x359: {  	s9 =	sadd.s32 $0x1, s31;
	s6 =	simm.s32 @!p0 $0x7FC0;
	(pc) =	sbr.rel @!p1 .LBB2_155-.Ltmp79, $4  }
0x35a: {  	s25 =	sadd.s32 $0x1, s29;
	p0 =	sgt.s32 s0, s4;
	s6 =	sshra.s32 s6, $0x3  }
0x35b: {  	s4 =	smov.u32 @p0 s0;
	p0 =	slt.s32 s1, s8;
	[smem:s30] =	sst s6  }
0x35c: {  	s30 =	sadd.s32 $0x40, s8;
	s8 =	smov.u32 @p0 s1;
	[smem:s31] =	sst s4  }
0x35d: {  	s26 =	sadd.s32 $0x1, s3;
	p0 =	por $0x1, $0x1;
	[smem:s29] =	sst s8  }
.LBB2_156:
0x35e: {  	s2 =	sadd.s32 $0x1, s2  }
0x35f: {  	s4 =	sadd.s32 $0xFFFFFFC0, s30;
	[smem:s3] =	sst s24;
	s6 =	smov.u32 s7  }
0x360: {  	s8 =	smov.u32 s9;
	s29 =	smov.u32 s25;
	p1 =	sgt.s32 s5, s2  }
0x361: {  	p2 =	slt.s32 s4, $0x7FC0;
	p3 =	sgt.s32 s0, s4;
	s31 =	smov.u32 s4  }
0x362: {  	s3 =	smov.u32 s26;
	s7 =	sadd.s32 $0x1, s7;
	s31 =	simm.s32 @!p2 $0x7FC0  }
.Ltmp80:
0x363: {  	s4 =	smov.u32 @p3 s0;
	s31 =	sshra.s32 s31, $0x3;
	(pc) =	sbr.rel @p1 .LBB2_156-.Ltmp80, $4  }
0x364: {  	s9 =	sadd.s32 $0x1, s9;
	p2 =	slt.s32 s1, s30;
	[smem:s6] =	sst s31  }
0x365: {  	[smem:s8] =	sst s4;
	s4 =	smov.u32 s30  }
0x366: {  	s25 =	sadd.s32 $0x1, s25;
	s4 =	smov.u32 @p2 s1  }
0x367: {  	s26 =	sadd.s32 $0x1, s26;
	s30 =	sadd.s32 $0x40, s30;
	[smem:s29] =	sst s4  }
0x368: {  	s5 =	smov.u32 s3;
	s8 =	smov.u32 s30;
	s30 =	smov.u32 s7  }
0x369: {  	s31 =	smov.u32 s9;
	s29 =	smov.u32 s25;
	s3 =	smov.u32 s26  }
.LBB2_158:
0x36a: {  	s4 =	sadd.s32 $0xFFFFFFC0, s8  }
0x36b: {  	p1 =	slt.s32 s4, $0x7FC0;
	s6 =	smov.u32 s4  }
0x36c: {  	s6 =	simm.s32 @!p1 $0x7FC0  }
0x36d: {  	[smem:s5] =	sst @p0 s24;
	p0 =	sgt.s32 s0, s4;
	s26 =	sshra.s32 s6, $0x3  }
0x36e: {  	s4 =	smov.u32 @p0 s0;
	p0 =	slt.s32 s1, s8;
	[smem:s30] =	sst s26  }
0x36f: {  	s8 =	smov.u32 @p0 s1;
	[smem:s31] =	sst s4  }
0x370: {  	[smem:s29] =	sst s8  }
0x371: {  	[smem:s3] =	sst s24  }
.Ltmp81:
0x372: {  	(pc) =	sbr.rel .LBB2_139-.Ltmp81, $2  }
0x373: {  	_ =	sdelay $0x2  }
0x374: {  	s28 =	sadd.s32 s2, s28;
	s31 =	rddreg [dreg:$0x1]  }
.LBB2_137:
0x375: {  	s28 =	smov.u32 @p0 s28  }
.LBB2_139:
0x376: {  	s0 =	simm.s32 $0x0  }
0x377: {  	s1 =	sand.u32 $0x1000, s0;
	s0 =	sand.u32 $0x380, s0  }
0x378: {  	s1 =	sor.u32 s0, s1  }
0x379: {  	s0 =	sadd.s32 $0x10080, s1;
	[tilespmem:s1+$0x10080] =	vst v0  }
0x37a: {  	[tilespmem:s0+$0x10] =	vst v0  }
0x37b: {  	[tilespmem:s0+$0x20] =	vst v0  }
0x37c: {  	[tilespmem:s0+$0x30] =	vst v0  }
0x37d: {  	[tilespmem:s0+$0x40] =	vst v0  }
0x37e: {  	[tilespmem:s0+$0x50] =	vst v0  }
0x37f: {  	[tilespmem:s0+$0x60] =	vst v0  }
0x380: {  	[tilespmem:s0+$0x70] =	vst v0  }
0x381: {  	[tilespmem:s0+$0x400] =	vst v0  }
0x382: {  	[tilespmem:s0+$0x410] =	vst v0  }
0x383: {  	[tilespmem:s0+$0x420] =	vst v0  }
0x384: {  	[tilespmem:s0+$0x430] =	vst v0  }
0x385: {  	[tilespmem:s0+$0x440] =	vst v0  }
0x386: {  	[tilespmem:s0+$0x450] =	vst v0  }
0x387: {  	[tilespmem:s0+$0x460] =	vst v0  }
0x388: {  	[tilespmem:s0+$0x470] =	vst v0  }
0x389: {  	[tilespmem:s0+$0x800] =	vst v0  }
0x38a: {  	[tilespmem:s0+$0x810] =	vst v0  }
0x38b: {  	[tilespmem:s0+$0x820] =	vst v0  }
0x38c: {  	[tilespmem:s0+$0x830] =	vst v0  }
0x38d: {  	[tilespmem:s0+$0x840] =	vst v0  }
0x38e: {  	[tilespmem:s0+$0x850] =	vst v0  }
0x38f: {  	[tilespmem:s0+$0x860] =	vst v0  }
0x390: {  	[tilespmem:s0+$0x870] =	vst v0  }
0x391: {  	[tilespmem:s0+$0xC00] =	vst v0  }
0x392: {  	[tilespmem:s0+$0xC10] =	vst v0  }
0x393: {  	[tilespmem:s0+$0xC20] =	vst v0  }
0x394: {  	[tilespmem:s0+$0xC30] =	vst v0  }
0x395: {  	[tilespmem:s0+$0xC40] =	vst v0  }
0x396: {  	s2 =	simm.s32 $0x200;
	s1 =	simm.s32 $0x80;
	[tilespmem:s0+$0xC50] =	vst v0  }
0x397: {  	s3 =	sand.u32 $0x1000, s2;
	s2 =	simm.s32 $0x400;
	s5 =	sand.u32 $0x380, s1;
	[tilespmem:s0+$0xC60] =	vst v0  }
.LBB2_140:
0x398: {  	p0 =	sne.s32 s2, $0x1E00;
	s3 =	sor.u32 s5, s3;
	[tilespmem:s0+$0xC70] =	vst v0  }
0x399: {  	s0 =	sadd.s32 $0x10080, s3;
	[tilespmem:s3+$0x10080] =	vst v0  }
0x39a: {  	[tilespmem:s0+$0x10] =	vst v0  }
0x39b: {  	[tilespmem:s0+$0x20] =	vst v0  }
0x39c: {  	[tilespmem:s0+$0x30] =	vst v0  }
0x39d: {  	[tilespmem:s0+$0x40] =	vst v0  }
0x39e: {  	[tilespmem:s0+$0x50] =	vst v0  }
0x39f: {  	[tilespmem:s0+$0x60] =	vst v0  }
0x3a0: {  	[tilespmem:s0+$0x70] =	vst v0  }
0x3a1: {  	[tilespmem:s0+$0x400] =	vst v0  }
0x3a2: {  	[tilespmem:s0+$0x410] =	vst v0  }
0x3a3: {  	[tilespmem:s0+$0x420] =	vst v0  }
0x3a4: {  	[tilespmem:s0+$0x430] =	vst v0  }
0x3a5: {  	[tilespmem:s0+$0x440] =	vst v0  }
0x3a6: {  	[tilespmem:s0+$0x450] =	vst v0  }
0x3a7: {  	[tilespmem:s0+$0x460] =	vst v0  }
0x3a8: {  	[tilespmem:s0+$0x470] =	vst v0  }
0x3a9: {  	[tilespmem:s0+$0x800] =	vst v0  }
0x3aa: {  	[tilespmem:s0+$0x810] =	vst v0  }
0x3ab: {  	[tilespmem:s0+$0x820] =	vst v0  }
0x3ac: {  	[tilespmem:s0+$0x830] =	vst v0  }
0x3ad: {  	[tilespmem:s0+$0x840] =	vst v0  }
0x3ae: {  	[tilespmem:s0+$0x850] =	vst v0  }
0x3af: {  	[tilespmem:s0+$0x860] =	vst v0  }
0x3b0: {  	[tilespmem:s0+$0x870] =	vst v0  }
0x3b1: {  	[tilespmem:s0+$0xC00] =	vst v0  }
0x3b2: {  	[tilespmem:s0+$0xC10] =	vst v0  }
.Ltmp82:
0x3b3: {  	[tilespmem:s0+$0xC20] =	vst v0;
	(pc) =	sbr.rel @p0 .LBB2_140-.Ltmp82, $4  }
0x3b4: {  	[tilespmem:s0+$0xC30] =	vst v0  }
0x3b5: {  	[tilespmem:s0+$0xC40] =	vst v0  }
0x3b6: {  	s1 =	sadd.s32 $0x80, s1;
	[tilespmem:s0+$0xC50] =	vst v0  }
0x3b7: {  	s3 =	sand.u32 $0x1000, s2;
	s5 =	sand.u32 $0x380, s1;
	s2 =	sadd.s32 $0x200, s2;
	[tilespmem:s0+$0xC60] =	vst v0  }
0x3b8: {  	s1 =	sor.u32 s5, s3;
	[tilespmem:s0+$0xC70] =	vst v0  }
0x3b9: {  	s30 =	sadd.s32 $0x10080, s1;
	[tilespmem:s1+$0x10080] =	vst v0  }
0x3ba: {  	[tilespmem:s30+$0x10] =	vst v0  }
0x3bb: {  	[tilespmem:s30+$0x20] =	vst v0  }
0x3bc: {  	[tilespmem:s30+$0x30] =	vst v0  }
0x3bd: {  	[tilespmem:s30+$0x40] =	vst v0  }
0x3be: {  	[tilespmem:s30+$0x50] =	vst v0  }
0x3bf: {  	[tilespmem:s30+$0x60] =	vst v0  }
0x3c0: {  	[tilespmem:s30+$0x70] =	vst v0  }
0x3c1: {  	[tilespmem:s30+$0x400] =	vst v0  }
0x3c2: {  	[tilespmem:s30+$0x410] =	vst v0  }
0x3c3: {  	[tilespmem:s30+$0x420] =	vst v0  }
0x3c4: {  	[tilespmem:s30+$0x430] =	vst v0  }
0x3c5: {  	[tilespmem:s30+$0x440] =	vst v0  }
0x3c6: {  	[tilespmem:s30+$0x450] =	vst v0  }
0x3c7: {  	[tilespmem:s30+$0x460] =	vst v0  }
0x3c8: {  	[tilespmem:s30+$0x470] =	vst v0  }
0x3c9: {  	[tilespmem:s30+$0x800] =	vst v0  }
0x3ca: {  	[tilespmem:s30+$0x810] =	vst v0  }
0x3cb: {  	[tilespmem:s30+$0x820] =	vst v0  }
0x3cc: {  	[tilespmem:s30+$0x830] =	vst v0  }
0x3cd: {  	[tilespmem:s30+$0x840] =	vst v0  }
0x3ce: {  	[tilespmem:s30+$0x850] =	vst v0  }
0x3cf: {  	[tilespmem:s30+$0x860] =	vst v0  }
0x3d0: {  	[tilespmem:s30+$0x870] =	vst v0  }
0x3d1: {  	[tilespmem:s30+$0xC00] =	vst v0  }
0x3d2: {  	p0 =	slt.s32 s28, $0x1;
	[tilespmem:s30+$0xC10] =	vst v0  }
0x3d3: {  	s1 =	sld @!p0 [smem:$0x0];
	[tilespmem:s30+$0xC20] =	vst v0  }
0x3d4: {  	[tilespmem:s30+$0xC30] =	vst v0  }
0x3d5: {  	[tilespmem:s30+$0xC40] =	vst v0  }
0x3d6: {  	[tilespmem:s30+$0xC50] =	vst v0;
	s1 =	sshll.u32 @!p0 s1, $0x9  }
0x3d7: {  	[tilespmem:s30+$0xC60] =	vst v0;
	s1 =	sand.u32 @!p0 $0x1FFFFE00, s1  }
0x3d8: {  	s0 =	simm.s32 @!p0 $0x0;
	s2 =	simm.s32 @!p0 $0x80;
	[tilespmem:s30+$0xC70] =	vst v0;
	s1 =	sadd.s32 @!p0 s31, s1  }
0x3d9: {  	[tilespmem:s2], [sflag:$0x1] =	stream.linear.gather @!p0 [hbm4b:s1+s0], $0x8000, $0x38;
	[tilespmem:$0x12080] =	vst v63  }
0x3da: {  	s1 =	sadd.s32 @!p0 $0x1, s28  }
0x3db: {  	p1 =	slt.s32 @!p0 s1, $0x2  }
0x3dc: {  	p1 =	por p0, p1  }
.Ltmp83:
0x3dd: {  	_ = 	snop;
	(pc) =	sbr.rel @p1 .LBB2_150-.Ltmp83, $1  }
0x3de: {  	_ =	sdelay $0x3  }
.Ltmp84:
0x3df: {  	(pc) =	sbr.rel .LBB2_143-.Ltmp84, $4  }
0x3e0: {  	_ = 	snop  }
0x3e1: {  	s2 =	sshrl.u32 @!p0 s1, $0x1F  }
0x3e2: {  	s1 =	sadd.s32 @!p0 s2, s1  }
0x3e3: {  	s1 =	sshra.s32 @!p0 s1, $0x1  }
.LBB2_149:
0x3e4: {  	s0 =	sadd.s32 $0x1, s0  }
0x3e5: {  	p0 =	sne.s32 s0, s1  }
.Ltmp85:
0x3e6: {  	_ = 	snop;
	(pc) =	sbr.rel @!p0 .LBB2_150-.Ltmp85, $1  }
0x3e7: {  	_ =	sdelay $0x3  }
.LBB2_143:
0x3e8: {  	s3 =	sshllo.u32 s0, $0x1  }
0x3e9: {  	s7 =	sshll.u32 s0, $0x1;
	p0 =	sge.u32 s3, s28  }
0x3ea: {  	s2 =	sld @!p0 [smem:s7+$0x1];
	_ =	sdelay $0x2  }
0x3eb: {  	s2 =	sshll.u32 @!p0 s2, $0x9  }
0x3ec: {  	s2 =	sand.u32 @!p0 $0x1FFFFE00, s2  }
0x3ed: {  	s4 =	simm.s32 @!p0 $0x0;
	s5 =	simm.s32 @!p0 $0x8080;
	s2 =	sadd.s32 @!p0 s31, s2  }
0x3ee: {  	[tilespmem:s5], [sflag:$0x2] =	stream.linear.gather @!p0 [hbm4b:s2+s4], $0x8000, $0x38;
	[tilespmem:$0x12080] =	vst v63  }
0x3ef: {  	s4 =	simm.s32 $0x0;
	_ =	swait.ge [sflag:s11], $0x8000  }
0x3f0: {  	s5 =	sand.u32 $0x7000, s4;
	s2 =	sand.u32 $0x380, s4;
	[sflag:s11] =	ssyncset.done $0x0  }
0x3f1: {  	s25 =	sor.u32 s2, s5;
	[sflag:s11] =	ssyncadd.s32 $0xFFFF8000  }
0x3f2: {  	v1 =	vld [tilespmem:s25+$0xCF0]  }
0x3f3: {  	v3 =	vld [tilespmem:s25+$0x80]  }
0x3f4: {  	v4 =	vld [tilespmem:s25+$0x90]  }
0x3f5: {  	s6 =	sld [smem:s7+$0x80];
	v5 =	vld [tilespmem:s25+$0xA0]  }
0x3f6: {  	s8 =	sld [smem:s7+$0x100];
	v6 =	vld [tilespmem:s25+$0xB0]  }
0x3f7: {  	v7 =	vld [tilespmem:s25+$0xC0];
	s9 =	sld [smem:s7+$0x0]  }
0x3f8: {  	v8 =	vld [tilespmem:s25+$0xD0];
	[dreg:$0x4] =	wrdreg s6  }
0x3f9: {  	v9 =	vld [tilespmem:s25+$0xE0];
	[dreg:$0x5] =	wrdreg s8  }
0x3fa: {  	v10 =	vld [tilespmem:s25+$0xF0];
	s9 =	sshll.u32 s9, $0x3;
	s4 =	rddreg [dreg:$0x5]  }
0x3fb: {  	v11 =	vld [tilespmem:s25+$0x480];
	s8 =	simm.f32 $1.000000000e+00;
	s26 =	rddreg [dreg:$0x4];
	p1 =	slt.s32 s9, s4  }
0x3fc: {  	v12 =	vld [tilespmem:s25+$0x490];
	p2 =	sge.s32 s9, s26;
	s8 =	simm.s32 @!p1 $0x0  }
0x3fd: {  	v13 =	vld [tilespmem:s25+$0x4A0];
	s8 =	simm.s32 @!p2 $0x0  }
0x3fe: {  	v14 =	vld [tilespmem:s25+$0x4B0];
	v1 =	vmul.f32 s8, v1  }
0x3ff: {  	v2 =	vimm.f32 $0.0e+00;
	v15 =	vld [tilespmem:s25+$0x4C0];
	v3 =	vmul.f32 s8, v3;
	v4 =	vmul.f32 s8, v4  }
0x400: {  	v29 =	vimm.f32 $0.0e+00;
	v18 =	vld [tilespmem:s25+$0x4D0];
	v5 =	vmul.f32 s8, v5;
	v6 =	vmul.f32 s8, v6  }
0x401: {  	v19 =	vld [tilespmem:s25+$0x4E0];
	v32 =	vadd.f32 v3, v2;
	v31 =	vadd.f32 v4, v2;
	v3 =	vmul.f32 s8, v7  }
0x402: {  	v4 =	vld [tilespmem:s25+$0x4F0];
	v30 =	vadd.f32 v5, v2;
	v28 =	vadd.f32 v6, v2;
	v5 =	vmul.f32 s8, v8  }
0x403: {  	v6 =	vld [tilespmem:s25+$0x880];
	v7 =	vmul.f32 s8, v10;
	v25 =	vadd.f32 v3, v2;
	v3 =	vmul.f32 s8, v9  }
0x404: {  	v8 =	vld [tilespmem:s25+$0x890];
	v26 =	vadd.f32 v5, v2;
	v5 =	vmul.f32 s8, v11;
	v9 =	vmul.f32 s8, v12  }
0x405: {  	v23 =	vadd.f32 v7, v2;
	v7 =	vld [tilespmem:s25+$0x8B0];
	v27 =	vadd.f32 v3, v2;
	v3 =	vmul.f32 s8, v13  }
0x406: {  	v22 =	vadd.f32 v5, v2;
	v16 =	vadd.f32 v9, v2;
	v5 =	vmul.f32 s8, v14;
	v9 =	vld [tilespmem:s25+$0x8C0]  }
0x407: {  	v1 =	vadd.f32 v1, v2;
	v11 =	vmul.f32 s8, v18;
	v13 =	vld [tilespmem:s25+$0x8D0];
	v4 =	vmul.f32 s8, v4  }
0x408: {  	v10 =	vld [tilespmem:s25+$0x8A0];
	v17 =	vadd.f32 v3, v2;
	v3 =	vmul.f32 s8, v15;
	v20 =	vadd.f32 v5, v2  }
0x409: {  	v24 =	vld [tilespmem:s25+$0x8E0];
	v5 =	vmul.f32 s8, v19;
	v14 =	vadd.f32 v4, v2;
	v4 =	vmul.f32 s8, v8  }
0x40a: {  	v18 =	vadd.f32 v11, v2;
	v21 =	vadd.f32 v3, v2;
	v3 =	vmul.f32 s8, v6;
	v6 =	vld [tilespmem:s25+$0x8F0]  }
0x40b: {  	v7 =	vmul.f32 s8, v7;
	v19 =	vadd.f32 v5, v2;
	v5 =	vld [tilespmem:s25+$0xC80];
	v12 =	vadd.f32 v4, v2  }
0x40c: {  	v4 =	vmul.f32 s8, v9;
	v8 =	vmul.f32 s8, v13;
	v13 =	vimm.f32 $0.0e+00  }
0x40d: {  	v38 =	vld [tilespmem:s25+$0xC90];
	v15 =	vadd.f32 v3, v2;
	v3 =	vmul.f32 s8, v10;
	v10 =	vadd.f32 v7, v2  }
0x40e: {  	v36 =	vld [tilespmem:s25+$0xCA0];
	v9 =	vadd.f32 v4, v2;
	v7 =	vadd.f32 v8, v2;
	v8 =	vimm.f32 $0.0e+00  }
0x40f: {  	v35 =	vld [tilespmem:s25+$0xCB0];
	v4 =	vimm.f32 $0.0e+00;
	v11 =	vadd.f32 v3, v2;
	v3 =	vmul.f32 s8, v24  }
0x410: {  	s29 =	simm.s32 $0x80;
	s30 =	simm.s32 $0x400;
	v34 =	vld [tilespmem:s25+$0xCC0];
	s6 =	simm.s32 $0x200;
	v24 =	vimm.f32 $0.0e+00;
	v41 =	vmul.f32 s8, v6;
	v40 =	vmul.f32 s8, v5  }
0x411: {  	s5 =	sand.u32 $0x380, s29;
	v33 =	vld [tilespmem:s25+$0xCD0];
	s2 =	sand.u32 $0x7000, s6;
	s26 =	sld [smem:s7+$0x180];
	v5 =	vimm.f32 $0.0e+00;
	v6 =	vadd.f32 v3, v2;
	v3 =	vimm.f32 $0.0e+00  }
.LBB2_144:
0x412: {  	v57 =	vld [tilespmem:s25+$0xCE0];
	s25 =	sor.u32 s5, s2  }
0x413: {  	v39 =	vld [tilespmem:s25+$0xCF0]  }
0x414: {  	v58 =	vld [tilespmem:s25+$0x80]  }
0x415: {  	v59 =	vld [tilespmem:s25+$0x90]  }
0x416: {  	v60 =	vld [tilespmem:s25+$0xA0]  }
0x417: {  	v61 =	vld [tilespmem:s25+$0xB0]  }
0x418: {  	v63 =	vld [tilespmem:s25+$0xC0]  }
0x419: {  	v45 =	vld [tilespmem:s25+$0xD0]  }
0x41a: {  	v47 =	vld [tilespmem:s25+$0xE0]  }
0x41b: {  	s4 =	rddreg [dreg:$0x5];
	s9 =	sadd.s32 $0x1, s9;
	v49 =	vld [tilespmem:s25+$0xF0]  }
0x41c: {  	s2 =	simm.f32 $1.000000000e+00;
	v2 =	vadd.f32 v41, v2;
	p2 =	slt.s32 s9, s4;
	v51 =	vld [tilespmem:s25+$0x480];
	v37 =	vmul.f32 s8, v38;
	v36 =	vmul.f32 s8, v36  }
0x41d: {  	s6 =	rddreg [dreg:$0x4];
	v29 =	vadd.f32 v40, v29;
	v53 =	vld [tilespmem:s25+$0x490];
	s2 =	simm.s32 @!p2 $0x0;
	v35 =	vmul.f32 s8, v35;
	v34 =	vmul.f32 s8, v34  }
0x41e: {  	p3 =	sge.s32 s9, s6;
	v55 =	vld [tilespmem:s25+$0x4A0];
	v33 =	vmul.f32 s8, v33;
	v62 =	vmul.f32 s8, v57;
	s8 =	smov.u32 s2;
	v24 =	vadd.f32 v37, v24  }
0x41f: {  	v43 =	vld [tilespmem:s25+$0x4F0];
	v13 =	vadd.f32 v36, v13;
	v8 =	vadd.f32 v35, v8;
	s8 =	simm.s32 @!p3 $0x0  }
0x420: {  	v57 =	vld [tilespmem:s25+$0x4B0];
	v5 =	vadd.f32 v34, v5;
	v39 =	vmul.f32 s8, v39;
	v44 =	vmul.f32 s8, v58  }
0x421: {  	v4 =	vadd.f32 v33, v4;
	v46 =	vmul.f32 s8, v59;
	v48 =	vmul.f32 s8, v60;
	v59 =	vld [tilespmem:s25+$0x4C0]  }
0x422: {  	v3 =	vadd.f32 v62, v3;
	v50 =	vmul.f32 s8, v61;
	v52 =	vmul.f32 s8, v63;
	v61 =	vld [tilespmem:s25+$0x4D0]  }
0x423: {  	v54 =	vmul.f32 s8, v45;
	v56 =	vmul.f32 s8, v47;
	v63 =	vld [tilespmem:s25+$0x4E0];
	v1 =	vadd.f32 v39, v1  }
0x424: {  	v58 =	vmul.f32 s8, v49;
	v45 =	vld [tilespmem:s25+$0x880];
	v32 =	vadd.f32 v44, v32;
	v31 =	vadd.f32 v46, v31  }
0x425: {  	v60 =	vmul.f32 s8, v51;
	v47 =	vld [tilespmem:s25+$0x890];
	v30 =	vadd.f32 v48, v30;
	v28 =	vadd.f32 v50, v28  }
0x426: {  	v62 =	vmul.f32 s8, v53;
	v49 =	vld [tilespmem:s25+$0x8A0];
	v25 =	vadd.f32 v52, v25;
	v26 =	vadd.f32 v54, v26  }
0x427: {  	v42 =	vmul.f32 s8, v55;
	v51 =	vld [tilespmem:s25+$0x8B0];
	v27 =	vadd.f32 v56, v27;
	v23 =	vadd.f32 v58, v23  }
0x428: {  	v53 =	vld [tilespmem:s25+$0x8C0];
	v22 =	vadd.f32 v60, v22;
	v16 =	vadd.f32 v62, v16;
	v52 =	vmul.f32 s8, v43  }
0x429: {  	v55 =	vld [tilespmem:s25+$0x8D0];
	v17 =	vadd.f32 v42, v17;
	v44 =	vmul.f32 s8, v57;
	v46 =	vmul.f32 s8, v59  }
0x42a: {  	v57 =	vld [tilespmem:s25+$0x8E0];
	v14 =	vadd.f32 v52, v14;
	v48 =	vmul.f32 s8, v61;
	v50 =	vmul.f32 s8, v63  }
0x42b: {  	v42 =	vld [tilespmem:s25+$0xC80];
	v20 =	vadd.f32 v44, v20;
	v54 =	vmul.f32 s8, v45;
	v56 =	vmul.f32 s8, v47  }
0x42c: {  	p1 =	sne.s32 s30, $0x7E00;
	v58 =	vmul.f32 s8, v49;
	v59 =	vld [tilespmem:s25+$0x8F0];
	v60 =	vmul.f32 s8, v51;
	v21 =	vadd.f32 v46, v21  }
.Ltmp86:
0x42d: {  	v38 =	vld [tilespmem:s25+$0xC90];
	v61 =	vmul.f32 s8, v53;
	v18 =	vadd.f32 v48, v18;
	v19 =	vadd.f32 v50, v19;
	(pc) =	sbr.rel @p1 .LBB2_144-.Ltmp86, $4  }
0x42e: {  	v36 =	vld [tilespmem:s25+$0xCA0];
	v62 =	vmul.f32 s8, v55;
	v15 =	vadd.f32 v54, v15;
	v12 =	vadd.f32 v56, v12  }
0x42f: {  	v35 =	vld [tilespmem:s25+$0xCB0];
	v11 =	vadd.f32 v58, v11;
	v10 =	vadd.f32 v60, v10;
	v63 =	vmul.f32 s8, v57  }
0x430: {  	s29 =	sadd.s32 $0x80, s29;
	v34 =	vld [tilespmem:s25+$0xCC0];
	v9 =	vadd.f32 v61, v9;
	v7 =	vadd.f32 v62, v7  }
0x431: {  	s5 =	sand.u32 $0x380, s29;
	s2 =	sand.u32 $0x7000, s30;
	s30 =	sadd.s32 $0x200, s30;
	v33 =	vld [tilespmem:s25+$0xCD0];
	v40 =	vmul.f32 s8, v42;
	v41 =	vmul.f32 s8, v59;
	v6 =	vadd.f32 v63, v6  }
0x432: {  	s4 =	sor.u32 s5, s2;
	v37 =	vld [tilespmem:s25+$0xCE0]  }
0x433: {  	v45 =	vld [tilespmem:s4+$0xCF0]  }
0x434: {  	v42 =	vld [tilespmem:s4+$0x80]  }
0x435: {  	v43 =	vld [tilespmem:s4+$0x90]  }
0x436: {  	v44 =	vld [tilespmem:s4+$0xA0]  }
0x437: {  	v46 =	vld [tilespmem:s4+$0xC0]  }
0x438: {  	v47 =	vld [tilespmem:s4+$0xD0]  }
0x439: {  	v48 =	vld [tilespmem:s4+$0xE0]  }
0x43a: {  	v49 =	vld [tilespmem:s4+$0xF0]  }
0x43b: {  	v50 =	vld [tilespmem:s4+$0x480]  }
0x43c: {  	v51 =	vld [tilespmem:s4+$0x490]  }
0x43d: {  	v39 =	vld [tilespmem:s4+$0x8F0]  }
0x43e: {  	v52 =	vld [tilespmem:s4+$0x4A0]  }
0x43f: {  	v53 =	vld [tilespmem:s4+$0x4B0]  }
0x440: {  	v54 =	vld [tilespmem:s4+$0x4C0]  }
0x441: {  	v55 =	vld [tilespmem:s4+$0x4D0]  }
0x442: {  	[tilespmem:$0x1FF90] =	vst v39;
	v39 =	vld [tilespmem:s4+$0xC80]  }
0x443: {  	v56 =	vld [tilespmem:s4+$0x4E0]  }
0x444: {  	v57 =	vld [tilespmem:s4+$0x4F0]  }
0x445: {  	v58 =	vld [tilespmem:s4+$0x880]  }
0x446: {  	v59 =	vld [tilespmem:s4+$0x890]  }
0x447: {  	[tilespmem:$0x1FFA0] =	vst v39;
	v39 =	vld [tilespmem:s4+$0xC90]  }
0x448: {  	v60 =	vld [tilespmem:s4+$0x8A0]  }
0x449: {  	s29 =	rddreg [dreg:$0x5];
	s6 =	sadd.s32 $0x1, s9;
	v61 =	vld [tilespmem:s4+$0x8B0]  }
0x44a: {  	s30 =	rddreg [dreg:$0x4];
	s9 =	simm.f32 $1.000000000e+00;
	v62 =	vld [tilespmem:s4+$0x8C0];
	p1 =	slt.s32 s6, s29  }
0x44b: {  	v63 =	vld [tilespmem:s4+$0x8D0];
	p2 =	sge.s32 s6, s30;
	s9 =	simm.s32 @!p1 $0x0  }
0x44c: {  	s9 =	simm.s32 @!p2 $0x0;
	[tilespmem:$0x1FFB0] =	vst v39;
	v39 =	vld [tilespmem:s4+$0xCA0]  }
0x44d: {  	[tilespmem:$0x1FFF0] =	vst v45;
	v45 =	vld [tilespmem:s4+$0xB0];
	v42 =	vmul.f32 s9, v42  }
0x44e: {  	[tilespmem:$0x1FFE0] =	vst v37;
	v37 =	vld [tilespmem:s4+$0x8E0];
	v49 =	vmul.f32 s9, v49  }
0x44f: {  	v32 =	vadd.f32 v42, v32;
	v42 =	vmul.f32 s9, v44;
	v44 =	vld [tilespmem:s4+$0xCD0]  }
0x450: {  	v43 =	vmul.f32 s9, v43;
	v23 =	vadd.f32 v49, v23;
	v49 =	vld [tilespmem:$0x1FF90]  }
0x451: {  	v51 =	vmul.f32 s9, v51;
	[tilespmem:$0x1FFC0] =	vst v39;
	v39 =	vld [tilespmem:s4+$0xCB0]  }
0x452: {  	v31 =	vadd.f32 v43, v31;
	v43 =	vmul.f32 s9, v45;
	v45 =	vld [tilespmem:s4+$0xCE0]  }
0x453: {  	s25 =	sshll.u32 s26, $0x7;
	s6 =	sshll.u32 s26, $0x9;
	v52 =	vmul.f32 s9, v52;
	v16 =	vadd.f32 v51, v16;
	v51 =	vld [tilespmem:$0x1FFA0]  }
0x454: {  	s5 =	sand.u32 $0x380, s25;
	s2 =	sand.u32 $0xFFFFF000, s6;
	v28 =	vadd.f32 v43, v28;
	v43 =	vmul.f32 s9, v63;
	v63 =	vld [tilespmem:$0x1FFF0]  }
0x455: {  	s5 =	sor.u32 s5, s2;
	v17 =	vadd.f32 v52, v17;
	v52 =	vld [tilespmem:$0x1FFB0]  }
0x456: {  	s2 =	sadd.s32 $0x10080, s5;
	[tilespmem:$0x1FFD0] =	vst v39;
	v39 =	vld [tilespmem:s4+$0xCC0]  }
0x457: {  	s26 =	sor.u32 $0x10, s2;
	v46 =	vmul.f32 s9, v46;
	v30 =	vadd.f32 v42, v30;
	[tilespmem:s5+$0x10080] =	vst.add.f32.msk $0xffff, v32  }
0x458: {  	s29 =	sor.u32 $0x20, s2;
	v47 =	vmul.f32 s9, v47;
	[tilespmem:s26+$0x0] =	vst.add.f32.msk $0xffff, v31  }
0x459: {  	s30 =	sor.u32 $0x30, s2;
	v25 =	vadd.f32 v46, v25;
	[tilespmem:s29+$0x0] =	vst.add.f32.msk $0xffff, v30  }
0x45a: {  	v48 =	vmul.f32 s9, v48;
	v26 =	vadd.f32 v47, v26;
	s5 =	sor.u32 $0x40, s2;
	[tilespmem:s30+$0x0] =	vst.add.f32.msk $0xffff, v28  }
0x45b: {  	s6 =	sor.u32 $0x50, s2;
	[tilespmem:s5+$0x0] =	vst.add.f32.msk $0xffff, v25  }
0x45c: {  	v50 =	vmul.f32 s9, v50;
	v27 =	vadd.f32 v48, v27;
	[tilespmem:s6+$0x0] =	vst.add.f32.msk $0xffff, v26  }
0x45d: {  	s25 =	sor.u32 $0x60, s2;
	v26 =	vmul.f32 s9, v57;
	v57 =	vld [tilespmem:$0x1FFD0]  }
0x45e: {  	v22 =	vadd.f32 v50, v22;
	s26 =	sor.u32 $0x70, s2;
	[tilespmem:s25+$0x0] =	vst.add.f32.msk $0xffff, v27  }
0x45f: {  	v53 =	vmul.f32 s9, v53;
	[tilespmem:s26+$0x0] =	vst.add.f32.msk $0xffff, v23  }
0x460: {  	v54 =	vmul.f32 s9, v54;
	[tilespmem:s2+$0x400] =	vst.add.f32.msk $0xffff, v22  }
0x461: {  	v20 =	vadd.f32 v53, v20;
	[tilespmem:s2+$0x410] =	vst.add.f32.msk $0xffff, v16  }
0x462: {  	v21 =	vadd.f32 v54, v21;
	[tilespmem:s2+$0x420] =	vst.add.f32.msk $0xffff, v17  }
0x463: {  	v55 =	vmul.f32 s9, v55;
	[tilespmem:s2+$0x430] =	vst.add.f32.msk $0xffff, v20  }
0x464: {  	v25 =	vmul.f32 s9, v56;
	v14 =	vadd.f32 v26, v14;
	[tilespmem:s2+$0x440] =	vst.add.f32.msk $0xffff, v21  }
0x465: {  	v27 =	vmul.f32 s9, v58;
	v16 =	vadd.f32 v55, v18;
	v55 =	vld [tilespmem:$0x1FFC0]  }
0x466: {  	v28 =	vmul.f32 s9, v59;
	v17 =	vadd.f32 v25, v19;
	[tilespmem:s2+$0x470] =	vst.add.f32.msk $0xffff, v14  }
0x467: {  	v31 =	vmul.f32 s9, v60;
	v15 =	vadd.f32 v27, v15;
	[tilespmem:s2+$0x450] =	vst.add.f32.msk $0xffff, v16  }
0x468: {  	v30 =	vmul.f32 s8, v38;
	v38 =	vmul.f32 s9, v61;
	s29 =	sor.u32 $0x800, s2;
	v12 =	vadd.f32 v28, v12;
	[tilespmem:s2+$0x460] =	vst.add.f32.msk $0xffff, v17  }
0x469: {  	v2 =	vadd.f32 v41, v2;
	v41 =	vmul.f32 s9, v62;
	v11 =	vadd.f32 v31, v11;
	s30 =	sor.u32 $0x810, s2;
	[tilespmem:s29+$0x0] =	vst.add.f32.msk $0xffff, v15  }
0x46a: {  	v32 =	vadd.f32 v40, v29;
	v40 =	vmul.f32 s8, v36;
	v10 =	vadd.f32 v38, v10;
	s5 =	sor.u32 $0x820, s2;
	[tilespmem:s30+$0x0] =	vst.add.f32.msk $0xffff, v12  }
0x46b: {  	v9 =	vadd.f32 v41, v9;
	v47 =	vmul.f32 s9, v37;
	s6 =	sor.u32 $0x830, s2;
	[tilespmem:s5+$0x0] =	vst.add.f32.msk $0xffff, v11  }
0x46c: {  	v7 =	vadd.f32 v43, v7;
	v48 =	vadd.f32 v40, v13;
	v13 =	vmul.f32 s9, v49;
	s25 =	sor.u32 $0x840, s2;
	[tilespmem:s6+$0x0] =	vst.add.f32.msk $0xffff, v10  }
0x46d: {  	v6 =	vadd.f32 v47, v6;
	s26 =	sor.u32 $0x850, s2;
	[tilespmem:s25+$0x0] =	vst.add.f32.msk $0xffff, v9  }
0x46e: {  	v2 =	vadd.f32 v13, v2;
	s29 =	sor.u32 $0x860, s2;
	[tilespmem:s26+$0x0] =	vst.add.f32.msk $0xffff, v7  }
0x46f: {  	s30 =	sor.u32 $0x870, s2;
	[tilespmem:s29+$0x0] =	vst.add.f32.msk $0xffff, v6  }
0x470: {  	[tilespmem:s30+$0x0] =	vst.add.f32.msk $0xffff, v2  }
0x471: {  	v46 =	vmul.f32 s8, v35;
	v14 =	vmul.f32 s9, v51;
	v2 =	vld [tilespmem:$0x1FFE0]  }
0x472: {  	v53 =	vmul.f32 s8, v33;
	v42 =	vadd.f32 v30, v24;
	v9 =	vmul.f32 s9, v52  }
0x473: {  	v50 =	vmul.f32 s8, v34;
	v54 =	vadd.f32 v14, v32;
	v13 =	vmul.f32 s9, v55  }
0x474: {  	v4 =	vadd.f32 v53, v4;
	v61 =	vmul.f32 s9, v44;
	v56 =	vadd.f32 v9, v42  }
0x475: {  	v8 =	vadd.f32 v46, v8;
	s4 =	sadd.s32 $0x2, s7;
	v58 =	vadd.f32 v13, v48;
	v9 =	vmul.f32 s9, v57;
	[tilespmem:s2+$0xC00] =	vst.add.f32.msk $0xffff, v54  }
0x476: {  	p1 =	sge.u32 s4, s28;
	v4 =	vadd.f32 v61, v4;
	v6 =	vmul.f32 s9, v63;
	[tilespmem:s2+$0xC10] =	vst.add.f32.msk $0xffff, v56;
	v2 =	vmul.f32 s8, v2  }
0x477: {  	v5 =	vadd.f32 v50, v5;
	s4 =	sld @!p1 [smem:s4+$0x0];
	v59 =	vmul.f32 s9, v39;
	v60 =	vadd.f32 v9, v8;
	[tilespmem:s2+$0xC20] =	vst.add.f32.msk $0xffff, v58  }
0x478: {  	v62 =	vmul.f32 s9, v45;
	v1 =	vadd.f32 v6, v1;
	[tilespmem:s2+$0xC50] =	vst.add.f32.msk $0xffff, v4;
	v2 =	vadd.f32 v2, v3  }
.Ltmp87:
0x479: {  	[tilespmem:s2+$0xC30] =	vst.add.f32.msk $0xffff, v60;
	v3 =	vadd.f32 v59, v5;
	(pc) =	sbr.rel @p0 .LBB2_149-.Ltmp87, $4  }
0x47a: {  	s4 =	sshll.u32 @!p1 s4, $0x9;
	[tilespmem:s2+$0xC70] =	vst.add.f32.msk $0xffff, v1;
	v2 =	vadd.f32 v62, v2  }
0x47b: {  	s4 =	sand.u32 @!p1 $0x1FFFFE00, s4;
	[tilespmem:s2+$0xC40] =	vst.add.f32.msk $0xffff, v3  }
0x47c: {  	s5 =	simm.s32 @!p1 $0x80;
	[tilespmem:s2+$0xC60] =	vst.add.f32.msk $0xffff, v2;
	s2 =	sadd.s32 @!p1 s31, s4;
	s4 =	simm.s32 @!p1 $0x0  }
0x47d: {  	[tilespmem:s5], [sflag:$0x1] =	stream.linear.gather @!p1 [hbm4b:s2+s4], $0x8000, $0x38;
	[tilespmem:$0x12080] =	vst v63  }
0x47e: {  	_ =	swait.ge [sflag:s12], $0x8000;
	s2 =	simm.s32 $0x0  }
0x47f: {  	[sflag:s12] =	ssyncset.done $0x0;
	s4 =	sand.u32 $0x7000, s2;
	s2 =	sand.u32 $0x380, s2  }
0x480: {  	[sflag:s12] =	ssyncadd.s32 $0xFFFF8000;
	s9 =	sor.u32 s2, s4  }
0x481: {  	v1 =	vld [tilespmem:s9+$0x8CF0]  }
0x482: {  	v3 =	vld [tilespmem:s9+$0x8080]  }
0x483: {  	v4 =	vld [tilespmem:s9+$0x8090]  }
0x484: {  	s25 =	sld [smem:s3+$0x80];
	v5 =	vld [tilespmem:s9+$0x80A0]  }
0x485: {  	s26 =	sld [smem:s3+$0x100];
	v6 =	vld [tilespmem:s9+$0x80B0]  }
0x486: {  	v7 =	vld [tilespmem:s9+$0x80C0];
	s29 =	sld [smem:s3+$0x0]  }
0x487: {  	v8 =	vld [tilespmem:s9+$0x80D0];
	[dreg:$0x6] =	wrdreg s25  }
0x488: {  	v9 =	vld [tilespmem:s9+$0x80E0];
	[dreg:$0x7] =	wrdreg s26  }
0x489: {  	v10 =	vld [tilespmem:s9+$0x80F0];
	s8 =	sshll.u32 s29, $0x3;
	s4 =	rddreg [dreg:$0x7]  }
0x48a: {  	s7 =	simm.f32 $1.000000000e+00;
	v11 =	vld [tilespmem:s9+$0x8480];
	s5 =	rddreg [dreg:$0x6];
	p0 =	slt.s32 s8, s4  }
0x48b: {  	v12 =	vld [tilespmem:s9+$0x8490];
	p1 =	sge.s32 s8, s5;
	s7 =	simm.s32 @!p0 $0x0  }
0x48c: {  	v13 =	vld [tilespmem:s9+$0x84A0];
	s7 =	simm.s32 @!p1 $0x0  }
0x48d: {  	v14 =	vld [tilespmem:s9+$0x84B0];
	v1 =	vmul.f32 s7, v1  }
0x48e: {  	v2 =	vimm.f32 $0.0e+00;
	v15 =	vld [tilespmem:s9+$0x84C0];
	v3 =	vmul.f32 s7, v3;
	v4 =	vmul.f32 s7, v4  }
0x48f: {  	v29 =	vimm.f32 $0.0e+00;
	v18 =	vld [tilespmem:s9+$0x84D0];
	v5 =	vmul.f32 s7, v5;
	v6 =	vmul.f32 s7, v6  }
0x490: {  	v19 =	vld [tilespmem:s9+$0x84E0];
	v32 =	vadd.f32 v3, v2;
	v31 =	vadd.f32 v4, v2;
	v3 =	vmul.f32 s7, v7  }
0x491: {  	v4 =	vld [tilespmem:s9+$0x84F0];
	v30 =	vadd.f32 v5, v2;
	v28 =	vadd.f32 v6, v2;
	v5 =	vmul.f32 s7, v8  }
0x492: {  	v6 =	vld [tilespmem:s9+$0x8880];
	v7 =	vmul.f32 s7, v10;
	v25 =	vadd.f32 v3, v2;
	v3 =	vmul.f32 s7, v9  }
0x493: {  	v8 =	vld [tilespmem:s9+$0x8890];
	v26 =	vadd.f32 v5, v2;
	v5 =	vmul.f32 s7, v11;
	v9 =	vmul.f32 s7, v12  }
0x494: {  	v23 =	vadd.f32 v7, v2;
	v7 =	vld [tilespmem:s9+$0x88B0];
	v27 =	vadd.f32 v3, v2;
	v3 =	vmul.f32 s7, v13  }
0x495: {  	v22 =	vadd.f32 v5, v2;
	v16 =	vadd.f32 v9, v2;
	v5 =	vmul.f32 s7, v14;
	v9 =	vld [tilespmem:s9+$0x88C0]  }
0x496: {  	v1 =	vadd.f32 v1, v2;
	v11 =	vmul.f32 s7, v18;
	v13 =	vld [tilespmem:s9+$0x88D0];
	v4 =	vmul.f32 s7, v4  }
0x497: {  	v10 =	vld [tilespmem:s9+$0x88A0];
	v17 =	vadd.f32 v3, v2;
	v3 =	vmul.f32 s7, v15;
	v20 =	vadd.f32 v5, v2  }
0x498: {  	v24 =	vld [tilespmem:s9+$0x88E0];
	v5 =	vmul.f32 s7, v19;
	v14 =	vadd.f32 v4, v2;
	v4 =	vmul.f32 s7, v8  }
0x499: {  	v18 =	vadd.f32 v11, v2;
	v21 =	vadd.f32 v3, v2;
	v3 =	vmul.f32 s7, v6;
	v6 =	vld [tilespmem:s9+$0x88F0]  }
0x49a: {  	v7 =	vmul.f32 s7, v7;
	v19 =	vadd.f32 v5, v2;
	v5 =	vld [tilespmem:s9+$0x8C80];
	v12 =	vadd.f32 v4, v2  }
0x49b: {  	v4 =	vmul.f32 s7, v9;
	v8 =	vmul.f32 s7, v13;
	v13 =	vimm.f32 $0.0e+00  }
0x49c: {  	v38 =	vld [tilespmem:s9+$0x8C90];
	v15 =	vadd.f32 v3, v2;
	v3 =	vmul.f32 s7, v10;
	v10 =	vadd.f32 v7, v2  }
0x49d: {  	v36 =	vld [tilespmem:s9+$0x8CA0];
	v9 =	vadd.f32 v4, v2;
	v7 =	vadd.f32 v8, v2;
	v8 =	vimm.f32 $0.0e+00  }
0x49e: {  	s30 =	simm.s32 $0x200;
	v35 =	vld [tilespmem:s9+$0x8CB0];
	v4 =	vimm.f32 $0.0e+00;
	v11 =	vadd.f32 v3, v2;
	v3 =	vmul.f32 s7, v24  }
0x49f: {  	s2 =	sand.u32 $0x7000, s30;
	v34 =	vld [tilespmem:s9+$0x8CC0];
	s25 =	simm.s32 $0x80;
	v24 =	vimm.f32 $0.0e+00;
	v41 =	vmul.f32 s7, v6;
	v40 =	vmul.f32 s7, v5  }
0x4a0: {  	s3 =	sld [smem:s3+$0x180];
	v33 =	vld [tilespmem:s9+$0x8CD0];
	s26 =	simm.s32 $0x400;
	s5 =	sand.u32 $0x380, s25;
	v5 =	vimm.f32 $0.0e+00;
	v6 =	vadd.f32 v3, v2;
	v3 =	vimm.f32 $0.0e+00  }
.LBB2_147:
0x4a1: {  	v57 =	vld [tilespmem:s9+$0x8CE0];
	s9 =	sor.u32 s5, s2  }
0x4a2: {  	v39 =	vld [tilespmem:s9+$0x8CF0]  }
0x4a3: {  	v58 =	vld [tilespmem:s9+$0x8080]  }
0x4a4: {  	v59 =	vld [tilespmem:s9+$0x8090]  }
0x4a5: {  	v60 =	vld [tilespmem:s9+$0x80A0]  }
0x4a6: {  	v61 =	vld [tilespmem:s9+$0x80B0]  }
0x4a7: {  	v63 =	vld [tilespmem:s9+$0x80C0]  }
0x4a8: {  	v45 =	vld [tilespmem:s9+$0x80D0]  }
0x4a9: {  	v47 =	vld [tilespmem:s9+$0x80E0]  }
0x4aa: {  	s4 =	rddreg [dreg:$0x7];
	s8 =	sadd.s32 $0x1, s8;
	v49 =	vld [tilespmem:s9+$0x80F0]  }
0x4ab: {  	s2 =	simm.f32 $1.000000000e+00;
	v2 =	vadd.f32 v41, v2;
	p1 =	slt.s32 s8, s4;
	v51 =	vld [tilespmem:s9+$0x8480];
	v37 =	vmul.f32 s7, v38;
	v36 =	vmul.f32 s7, v36  }
0x4ac: {  	s30 =	rddreg [dreg:$0x6];
	v29 =	vadd.f32 v40, v29;
	v53 =	vld [tilespmem:s9+$0x8490];
	s2 =	simm.s32 @!p1 $0x0;
	v35 =	vmul.f32 s7, v35;
	v34 =	vmul.f32 s7, v34  }
0x4ad: {  	p2 =	sge.s32 s8, s30;
	v55 =	vld [tilespmem:s9+$0x84A0];
	v33 =	vmul.f32 s7, v33;
	v62 =	vmul.f32 s7, v57;
	s7 =	smov.u32 s2;
	v24 =	vadd.f32 v37, v24  }
0x4ae: {  	v43 =	vld [tilespmem:s9+$0x84F0];
	v13 =	vadd.f32 v36, v13;
	v8 =	vadd.f32 v35, v8;
	s7 =	simm.s32 @!p2 $0x0  }
0x4af: {  	v57 =	vld [tilespmem:s9+$0x84B0];
	v5 =	vadd.f32 v34, v5;
	v39 =	vmul.f32 s7, v39;
	v44 =	vmul.f32 s7, v58  }
0x4b0: {  	v4 =	vadd.f32 v33, v4;
	v46 =	vmul.f32 s7, v59;
	v48 =	vmul.f32 s7, v60;
	v59 =	vld [tilespmem:s9+$0x84C0]  }
0x4b1: {  	v3 =	vadd.f32 v62, v3;
	v50 =	vmul.f32 s7, v61;
	v52 =	vmul.f32 s7, v63;
	v61 =	vld [tilespmem:s9+$0x84D0]  }
0x4b2: {  	v54 =	vmul.f32 s7, v45;
	v56 =	vmul.f32 s7, v47;
	v63 =	vld [tilespmem:s9+$0x84E0];
	v1 =	vadd.f32 v39, v1  }
0x4b3: {  	v58 =	vmul.f32 s7, v49;
	v45 =	vld [tilespmem:s9+$0x8880];
	v32 =	vadd.f32 v44, v32;
	v31 =	vadd.f32 v46, v31  }
0x4b4: {  	v60 =	vmul.f32 s7, v51;
	v47 =	vld [tilespmem:s9+$0x8890];
	v30 =	vadd.f32 v48, v30;
	v28 =	vadd.f32 v50, v28  }
0x4b5: {  	v62 =	vmul.f32 s7, v53;
	v49 =	vld [tilespmem:s9+$0x88A0];
	v25 =	vadd.f32 v52, v25;
	v26 =	vadd.f32 v54, v26  }
0x4b6: {  	v42 =	vmul.f32 s7, v55;
	v51 =	vld [tilespmem:s9+$0x88B0];
	v27 =	vadd.f32 v56, v27;
	v23 =	vadd.f32 v58, v23  }
0x4b7: {  	v53 =	vld [tilespmem:s9+$0x88C0];
	v22 =	vadd.f32 v60, v22;
	v16 =	vadd.f32 v62, v16;
	v52 =	vmul.f32 s7, v43  }
0x4b8: {  	v55 =	vld [tilespmem:s9+$0x88D0];
	v17 =	vadd.f32 v42, v17;
	v44 =	vmul.f32 s7, v57;
	v46 =	vmul.f32 s7, v59  }
0x4b9: {  	v57 =	vld [tilespmem:s9+$0x88E0];
	v14 =	vadd.f32 v52, v14;
	v48 =	vmul.f32 s7, v61;
	v50 =	vmul.f32 s7, v63  }
0x4ba: {  	v42 =	vld [tilespmem:s9+$0x8C80];
	v20 =	vadd.f32 v44, v20;
	v54 =	vmul.f32 s7, v45;
	v56 =	vmul.f32 s7, v47  }
0x4bb: {  	p0 =	sne.s32 s26, $0x7E00;
	v58 =	vmul.f32 s7, v49;
	v59 =	vld [tilespmem:s9+$0x88F0];
	v60 =	vmul.f32 s7, v51;
	v21 =	vadd.f32 v46, v21  }
.Ltmp88:
0x4bc: {  	v38 =	vld [tilespmem:s9+$0x8C90];
	v61 =	vmul.f32 s7, v53;
	v18 =	vadd.f32 v48, v18;
	v19 =	vadd.f32 v50, v19;
	(pc) =	sbr.rel @p0 .LBB2_147-.Ltmp88, $4  }
0x4bd: {  	v36 =	vld [tilespmem:s9+$0x8CA0];
	v62 =	vmul.f32 s7, v55;
	v15 =	vadd.f32 v54, v15;
	v12 =	vadd.f32 v56, v12  }
0x4be: {  	v35 =	vld [tilespmem:s9+$0x8CB0];
	v11 =	vadd.f32 v58, v11;
	v10 =	vadd.f32 v60, v10;
	v63 =	vmul.f32 s7, v57  }
0x4bf: {  	s25 =	sadd.s32 $0x80, s25;
	v34 =	vld [tilespmem:s9+$0x8CC0];
	v9 =	vadd.f32 v61, v9;
	v7 =	vadd.f32 v62, v7  }
0x4c0: {  	s5 =	sand.u32 $0x380, s25;
	s2 =	sand.u32 $0x7000, s26;
	s26 =	sadd.s32 $0x200, s26;
	v33 =	vld [tilespmem:s9+$0x8CD0];
	v40 =	vmul.f32 s7, v42;
	v41 =	vmul.f32 s7, v59;
	v6 =	vadd.f32 v63, v6  }
0x4c1: {  	s4 =	sor.u32 s5, s2;
	v37 =	vld [tilespmem:s9+$0x8CE0]  }
0x4c2: {  	v45 =	vld [tilespmem:s4+$0x8CF0]  }
0x4c3: {  	v42 =	vld [tilespmem:s4+$0x8080]  }
0x4c4: {  	v43 =	vld [tilespmem:s4+$0x8090]  }
0x4c5: {  	v44 =	vld [tilespmem:s4+$0x80A0]  }
0x4c6: {  	v46 =	vld [tilespmem:s4+$0x80C0]  }
0x4c7: {  	v47 =	vld [tilespmem:s4+$0x80D0]  }
0x4c8: {  	v48 =	vld [tilespmem:s4+$0x80E0]  }
0x4c9: {  	v49 =	vld [tilespmem:s4+$0x80F0]  }
0x4ca: {  	v50 =	vld [tilespmem:s4+$0x8480]  }
0x4cb: {  	v51 =	vld [tilespmem:s4+$0x8490]  }
0x4cc: {  	v39 =	vld [tilespmem:s4+$0x88F0]  }
0x4cd: {  	v52 =	vld [tilespmem:s4+$0x84A0]  }
0x4ce: {  	v53 =	vld [tilespmem:s4+$0x84B0]  }
0x4cf: {  	v54 =	vld [tilespmem:s4+$0x84C0]  }
0x4d0: {  	v55 =	vld [tilespmem:s4+$0x84D0]  }
0x4d1: {  	[tilespmem:$0x1FF20] =	vst v39;
	v39 =	vld [tilespmem:s4+$0x8C80]  }
0x4d2: {  	v56 =	vld [tilespmem:s4+$0x84E0]  }
0x4d3: {  	v57 =	vld [tilespmem:s4+$0x84F0]  }
0x4d4: {  	v58 =	vld [tilespmem:s4+$0x8880]  }
0x4d5: {  	v59 =	vld [tilespmem:s4+$0x8890]  }
0x4d6: {  	[tilespmem:$0x1FF30] =	vst v39;
	v39 =	vld [tilespmem:s4+$0x8C90]  }
0x4d7: {  	v60 =	vld [tilespmem:s4+$0x88A0]  }
0x4d8: {  	s26 =	rddreg [dreg:$0x7];
	s8 =	sadd.s32 $0x1, s8;
	v61 =	vld [tilespmem:s4+$0x88B0]  }
0x4d9: {  	s6 =	rddreg [dreg:$0x6];
	s5 =	simm.f32 $1.000000000e+00;
	v62 =	vld [tilespmem:s4+$0x88C0];
	p0 =	slt.s32 s8, s26  }
0x4da: {  	v63 =	vld [tilespmem:s4+$0x88D0];
	p1 =	sge.s32 s8, s6;
	s5 =	simm.s32 @!p0 $0x0  }
0x4db: {  	s5 =	simm.s32 @!p1 $0x0;
	[tilespmem:$0x1FF40] =	vst v39;
	v39 =	vld [tilespmem:s4+$0x8CA0]  }
0x4dc: {  	[tilespmem:$0x1FF80] =	vst v45;
	v45 =	vld [tilespmem:s4+$0x80B0];
	v42 =	vmul.f32 s5, v42  }
0x4dd: {  	[tilespmem:$0x1FF70] =	vst v37;
	v37 =	vld [tilespmem:s4+$0x88E0];
	v49 =	vmul.f32 s5, v49  }
0x4de: {  	v32 =	vadd.f32 v42, v32;
	v42 =	vmul.f32 s5, v44;
	v44 =	vld [tilespmem:s4+$0x8CD0]  }
0x4df: {  	v43 =	vmul.f32 s5, v43;
	v23 =	vadd.f32 v49, v23;
	v49 =	vld [tilespmem:$0x1FF20]  }
0x4e0: {  	v51 =	vmul.f32 s5, v51;
	[tilespmem:$0x1FF50] =	vst v39;
	v39 =	vld [tilespmem:s4+$0x8CB0]  }
0x4e1: {  	v31 =	vadd.f32 v43, v31;
	v43 =	vmul.f32 s5, v45;
	v45 =	vld [tilespmem:s4+$0x8CE0]  }
0x4e2: {  	s29 =	sshll.u32 s3, $0x9;
	s30 =	sshll.u32 s3, $0x7;
	v52 =	vmul.f32 s5, v52;
	v16 =	vadd.f32 v51, v16;
	v51 =	vld [tilespmem:$0x1FF30]  }
0x4e3: {  	s2 =	sand.u32 $0xFFFFF000, s29;
	s3 =	sand.u32 $0x380, s30;
	v28 =	vadd.f32 v43, v28;
	v43 =	vmul.f32 s5, v63;
	v63 =	vld [tilespmem:$0x1FF80]  }
0x4e4: {  	s3 =	sor.u32 s3, s2;
	v17 =	vadd.f32 v52, v17;
	v52 =	vld [tilespmem:$0x1FF40]  }
0x4e5: {  	s2 =	sadd.s32 $0x10080, s3;
	[tilespmem:$0x1FF60] =	vst v39;
	v39 =	vld [tilespmem:s4+$0x8CC0]  }
0x4e6: {  	s6 =	sor.u32 $0x10, s2;
	v46 =	vmul.f32 s5, v46;
	v30 =	vadd.f32 v42, v30;
	[tilespmem:s3+$0x10080] =	vst.add.f32.msk $0xffff, v32  }
0x4e7: {  	s8 =	sor.u32 $0x20, s2;
	v47 =	vmul.f32 s5, v47;
	[tilespmem:s6+$0x0] =	vst.add.f32.msk $0xffff, v31  }
0x4e8: {  	s9 =	sor.u32 $0x30, s2;
	v25 =	vadd.f32 v46, v25;
	[tilespmem:s8+$0x0] =	vst.add.f32.msk $0xffff, v30  }
0x4e9: {  	s25 =	sor.u32 $0x40, s2;
	v48 =	vmul.f32 s5, v48;
	v26 =	vadd.f32 v47, v26;
	[tilespmem:s9+$0x0] =	vst.add.f32.msk $0xffff, v28  }
0x4ea: {  	s26 =	sor.u32 $0x50, s2;
	[tilespmem:s25+$0x0] =	vst.add.f32.msk $0xffff, v25  }
0x4eb: {  	v50 =	vmul.f32 s5, v50;
	v27 =	vadd.f32 v48, v27;
	[tilespmem:s26+$0x0] =	vst.add.f32.msk $0xffff, v26  }
0x4ec: {  	s29 =	sor.u32 $0x60, s2;
	v26 =	vmul.f32 s5, v57;
	v57 =	vld [tilespmem:$0x1FF60]  }
0x4ed: {  	s30 =	sor.u32 $0x70, s2;
	v22 =	vadd.f32 v50, v22;
	[tilespmem:s29+$0x0] =	vst.add.f32.msk $0xffff, v27  }
0x4ee: {  	v53 =	vmul.f32 s5, v53;
	[tilespmem:s30+$0x0] =	vst.add.f32.msk $0xffff, v23  }
0x4ef: {  	v54 =	vmul.f32 s5, v54;
	[tilespmem:s2+$0x400] =	vst.add.f32.msk $0xffff, v22  }
0x4f0: {  	v20 =	vadd.f32 v53, v20;
	[tilespmem:s2+$0x410] =	vst.add.f32.msk $0xffff, v16  }
0x4f1: {  	v21 =	vadd.f32 v54, v21;
	[tilespmem:s2+$0x420] =	vst.add.f32.msk $0xffff, v17  }
0x4f2: {  	v55 =	vmul.f32 s5, v55;
	[tilespmem:s2+$0x430] =	vst.add.f32.msk $0xffff, v20  }
0x4f3: {  	v25 =	vmul.f32 s5, v56;
	v14 =	vadd.f32 v26, v14;
	[tilespmem:s2+$0x440] =	vst.add.f32.msk $0xffff, v21  }
0x4f4: {  	v27 =	vmul.f32 s5, v58;
	v16 =	vadd.f32 v55, v18;
	v55 =	vld [tilespmem:$0x1FF50]  }
0x4f5: {  	v28 =	vmul.f32 s5, v59;
	v17 =	vadd.f32 v25, v19;
	[tilespmem:s2+$0x470] =	vst.add.f32.msk $0xffff, v14  }
0x4f6: {  	v31 =	vmul.f32 s5, v60;
	v15 =	vadd.f32 v27, v15;
	[tilespmem:s2+$0x450] =	vst.add.f32.msk $0xffff, v16  }
0x4f7: {  	s4 =	sor.u32 $0x800, s2;
	v30 =	vmul.f32 s7, v38;
	v38 =	vmul.f32 s5, v61;
	v12 =	vadd.f32 v28, v12;
	[tilespmem:s2+$0x460] =	vst.add.f32.msk $0xffff, v17  }
0x4f8: {  	v2 =	vadd.f32 v41, v2;
	v41 =	vmul.f32 s5, v62;
	s6 =	sor.u32 $0x810, s2;
	v11 =	vadd.f32 v31, v11;
	[tilespmem:s4+$0x0] =	vst.add.f32.msk $0xffff, v15  }
0x4f9: {  	v32 =	vadd.f32 v40, v29;
	v40 =	vmul.f32 s7, v36;
	s8 =	sor.u32 $0x820, s2;
	v10 =	vadd.f32 v38, v10;
	[tilespmem:s6+$0x0] =	vst.add.f32.msk $0xffff, v12  }
0x4fa: {  	v9 =	vadd.f32 v41, v9;
	v47 =	vmul.f32 s5, v37;
	s9 =	sor.u32 $0x830, s2;
	[tilespmem:s8+$0x0] =	vst.add.f32.msk $0xffff, v11  }
0x4fb: {  	v7 =	vadd.f32 v43, v7;
	v48 =	vadd.f32 v40, v13;
	v13 =	vmul.f32 s5, v49;
	s25 =	sor.u32 $0x840, s2;
	[tilespmem:s9+$0x0] =	vst.add.f32.msk $0xffff, v10  }
0x4fc: {  	v6 =	vadd.f32 v47, v6;
	s26 =	sor.u32 $0x850, s2;
	[tilespmem:s25+$0x0] =	vst.add.f32.msk $0xffff, v9  }
0x4fd: {  	v2 =	vadd.f32 v13, v2;
	s29 =	sor.u32 $0x860, s2;
	[tilespmem:s26+$0x0] =	vst.add.f32.msk $0xffff, v7  }
0x4fe: {  	s30 =	sor.u32 $0x870, s2;
	[tilespmem:s29+$0x0] =	vst.add.f32.msk $0xffff, v6  }
0x4ff: {  	[tilespmem:s30+$0x0] =	vst.add.f32.msk $0xffff, v2  }
0x500: {  	v46 =	vmul.f32 s7, v35;
	v14 =	vmul.f32 s5, v51;
	v2 =	vld [tilespmem:$0x1FF70]  }
0x501: {  	v53 =	vmul.f32 s7, v33;
	v42 =	vadd.f32 v30, v24;
	v9 =	vmul.f32 s5, v52  }
0x502: {  	v50 =	vmul.f32 s7, v34;
	v54 =	vadd.f32 v14, v32;
	v13 =	vmul.f32 s5, v55  }
0x503: {  	v4 =	vadd.f32 v53, v4;
	v61 =	vmul.f32 s5, v44;
	v56 =	vadd.f32 v9, v42  }
0x504: {  	v8 =	vadd.f32 v46, v8;
	v58 =	vadd.f32 v13, v48;
	v9 =	vmul.f32 s5, v57;
	[tilespmem:s2+$0xC00] =	vst.add.f32.msk $0xffff, v54  }
0x505: {  	v4 =	vadd.f32 v61, v4;
	v6 =	vmul.f32 s5, v63;
	[tilespmem:s2+$0xC10] =	vst.add.f32.msk $0xffff, v56;
	v2 =	vmul.f32 s7, v2  }
0x506: {  	v5 =	vadd.f32 v50, v5;
	v59 =	vmul.f32 s5, v39;
	v60 =	vadd.f32 v9, v8;
	[tilespmem:s2+$0xC20] =	vst.add.f32.msk $0xffff, v58  }
.Ltmp89:
0x507: {  	v62 =	vmul.f32 s5, v45;
	v1 =	vadd.f32 v6, v1;
	[tilespmem:s2+$0xC50] =	vst.add.f32.msk $0xffff, v4;
	v2 =	vadd.f32 v2, v3;
	(pc) =	sbr.rel .LBB2_149-.Ltmp89, $4  }
0x508: {  	[tilespmem:s2+$0xC30] =	vst.add.f32.msk $0xffff, v60;
	v3 =	vadd.f32 v59, v5  }
0x509: {  	[tilespmem:s2+$0xC70] =	vst.add.f32.msk $0xffff, v1;
	v2 =	vadd.f32 v62, v2  }
0x50a: {  	[tilespmem:s2+$0xC40] =	vst.add.f32.msk $0xffff, v3  }
0x50b: {  	[tilespmem:s2+$0xC60] =	vst.add.f32.msk $0xffff, v2  }
.LBB2_4:
.Ltmp90:
0x50c: {  	(pc) =	sbr.rel .LBB2_9-.Ltmp90, $2  }
0x50d: {  	_ =	sdelay $0x2  }
0x50e: {  	s28 =	simm.s32 $0x1  }
.LBB2_13:
.Ltmp91:
0x50f: {  	(pc) =	sbr.rel .LBB2_18-.Ltmp91, $2  }
0x510: {  	_ =	sdelay $0x2  }
0x511: {  	_ = 	snop  }
.LBB2_22:
.Ltmp92:
0x512: {  	(pc) =	sbr.rel .LBB2_27-.Ltmp92, $2  }
0x513: {  	_ =	sdelay $0x2  }
0x514: {  	_ = 	snop  }
.LBB2_31:
.Ltmp93:
0x515: {  	(pc) =	sbr.rel .LBB2_36-.Ltmp93, $2  }
0x516: {  	_ =	sdelay $0x2  }
0x517: {  	_ = 	snop  }
.LBB2_40:
.Ltmp94:
0x518: {  	(pc) =	sbr.rel .LBB2_45-.Ltmp94, $2  }
0x519: {  	_ =	sdelay $0x2  }
0x51a: {  	_ = 	snop  }
.LBB2_49:
.Ltmp95:
0x51b: {  	(pc) =	sbr.rel .LBB2_54-.Ltmp95, $2  }
0x51c: {  	_ =	sdelay $0x2  }
0x51d: {  	_ = 	snop  }
.LBB2_58:
.Ltmp96:
0x51e: {  	(pc) =	sbr.rel .LBB2_63-.Ltmp96, $2  }
0x51f: {  	_ =	sdelay $0x2  }
0x520: {  	_ = 	snop  }
.LBB2_67:
.Ltmp97:
0x521: {  	(pc) =	sbr.rel .LBB2_72-.Ltmp97, $2  }
0x522: {  	_ =	sdelay $0x2  }
0x523: {  	_ = 	snop  }
.LBB2_76:
.Ltmp98:
0x524: {  	(pc) =	sbr.rel .LBB2_81-.Ltmp98, $2  }
0x525: {  	_ =	sdelay $0x2  }
0x526: {  	_ = 	snop  }
.LBB2_85:
.Ltmp99:
0x527: {  	(pc) =	sbr.rel .LBB2_90-.Ltmp99, $2  }
0x528: {  	_ =	sdelay $0x2  }
0x529: {  	_ = 	snop  }
.LBB2_94:
.Ltmp100:
0x52a: {  	(pc) =	sbr.rel .LBB2_99-.Ltmp100, $2  }
0x52b: {  	_ =	sdelay $0x2  }
0x52c: {  	_ = 	snop  }
.LBB2_103:
.Ltmp101:
0x52d: {  	(pc) =	sbr.rel .LBB2_108-.Ltmp101, $2  }
0x52e: {  	_ =	sdelay $0x2  }
0x52f: {  	_ = 	snop  }
.LBB2_112:
.Ltmp102:
0x530: {  	(pc) =	sbr.rel .LBB2_117-.Ltmp102, $2  }
0x531: {  	_ =	sdelay $0x2  }
0x532: {  	_ = 	snop  }
.LBB2_121:
.Ltmp103:
0x533: {  	(pc) =	sbr.rel .LBB2_126-.Ltmp103, $2  }
0x534: {  	_ =	sdelay $0x2  }
0x535: {  	_ = 	snop  }
.LBB2_130:
.Ltmp104:
0x536: {  	(pc) =	sbr.rel .LBB2_135-.Ltmp104, $2  }
0x537: {  	_ =	sdelay $0x2  }
0x538: {  	_ = 	snop  }
.LBB2_153:
.Ltmp105:
0x539: {  	(pc) =	sbr.rel .LBB2_158-.Ltmp105, $2  }
0x53a: {  	_ =	sdelay $0x2  }
0x53b: {  	_ = 	snop  }
.LBB2_6:
.Ltmp106:
0x53c: {  	(pc) =	sbr.rel .LBB2_9-.Ltmp106, $4  }
0x53d: {  	_ = 	snop  }
0x53e: {  	s25 =	simm.s32 $0x180;
	s6 =	simm.s32 $0x1;
	s31 =	rddreg [dreg:$0x1]  }
0x53f: {  	s7 =	smov.u32 s8;
	s26 =	simm.s32 $0x81;
	s29 =	rddreg [dreg:$0x1c]  }
0x540: {  	s0 =	simm.s32 $0x101;
	s1 =	simm.s32 $0x181;
	s30 =	rddreg [dreg:$0x1d]  }
.LBB2_15:
.Ltmp107:
0x541: {  	(pc) =	sbr.rel .LBB2_18-.Ltmp107, $4  }
0x542: {  	_ = 	snop  }
0x543: {  	s25 =	smov.u32 s29  }
0x544: {  	s31 =	smov.u32 s30;
	s30 =	smov.u32 s7;
	s6 =	smov.u32 s9  }
0x545: {  	s0 =	smov.u32 s8;
	s29 =	smov.u32 s1;
	s4 =	rddreg [dreg:$0x1e]  }
.LBB2_24:
.Ltmp108:
0x546: {  	(pc) =	sbr.rel .LBB2_27-.Ltmp108, $4  }
0x547: {  	_ = 	snop  }
0x548: {  	s3 =	smov.u32 s1  }
0x549: {  	s29 =	smov.u32 s30;
	s6 =	smov.u32 s7;
	s5 =	smov.u32 s9  }
0x54a: {  	s31 =	smov.u32 s8;
	s1 =	smov.u32 s25;
	s8 =	rddreg [dreg:$0x1f]  }
.LBB2_33:
.Ltmp109:
0x54b: {  	(pc) =	sbr.rel .LBB2_36-.Ltmp109, $4  }
0x54c: {  	_ = 	snop  }
0x54d: {  	s25 =	smov.u32 s1  }
0x54e: {  	s29 =	smov.u32 s30;
	s6 =	smov.u32 s7;
	s2 =	smov.u32 s9  }
0x54f: {  	s31 =	smov.u32 s8;
	s1 =	smov.u32 s26;
	s9 =	sld [smem:$0x7FD]  }
.LBB2_42:
.Ltmp110:
0x550: {  	(pc) =	sbr.rel .LBB2_45-.Ltmp110, $4  }
0x551: {  	_ = 	snop  }
0x552: {  	s25 =	smov.u32 s1  }
0x553: {  	s29 =	smov.u32 s30;
	s6 =	smov.u32 s7;
	s5 =	smov.u32 s9  }
0x554: {  	s31 =	smov.u32 s8;
	s1 =	smov.u32 s26;
	s8 =	sld [smem:$0x7FC]  }
.LBB2_51:
.Ltmp111:
0x555: {  	(pc) =	sbr.rel .LBB2_54-.Ltmp111, $4  }
0x556: {  	_ = 	snop  }
0x557: {  	s25 =	smov.u32 s1  }
0x558: {  	s29 =	smov.u32 s30;
	s6 =	smov.u32 s7;
	s2 =	smov.u32 s9  }
0x559: {  	s31 =	smov.u32 s8;
	s1 =	smov.u32 s26;
	s9 =	sld [smem:$0x7FB]  }
.LBB2_60:
.Ltmp112:
0x55a: {  	(pc) =	sbr.rel .LBB2_63-.Ltmp112, $4  }
0x55b: {  	_ = 	snop  }
0x55c: {  	s8 =	smov.u32 s1  }
0x55d: {  	s29 =	smov.u32 s30;
	s6 =	smov.u32 s7;
	s5 =	smov.u32 s9  }
0x55e: {  	s31 =	smov.u32 s25;
	s1 =	smov.u32 s26;
	s25 =	sld [smem:$0x7FA]  }
.LBB2_69:
.Ltmp113:
0x55f: {  	(pc) =	sbr.rel .LBB2_72-.Ltmp113, $4  }
0x560: {  	_ = 	snop  }
0x561: {  	s7 =	smov.u32 s1  }
0x562: {  	s29 =	smov.u32 s30;
	s6 =	smov.u32 s8;
	s2 =	smov.u32 s9  }
0x563: {  	s31 =	smov.u32 s25;
	s1 =	smov.u32 s26;
	s9 =	sld [smem:$0x7F9]  }
.LBB2_78:
.Ltmp114:
0x564: {  	(pc) =	sbr.rel .LBB2_81-.Ltmp114, $4  }
0x565: {  	_ = 	snop  }
0x566: {  	s7 =	smov.u32 s1  }
0x567: {  	s29 =	smov.u32 s30;
	s6 =	smov.u32 s8;
	s5 =	smov.u32 s9  }
0x568: {  	s31 =	smov.u32 s25;
	s1 =	smov.u32 s26;
	s25 =	sld [smem:$0x7F8]  }
.LBB2_87:
.Ltmp115:
0x569: {  	(pc) =	sbr.rel .LBB2_90-.Ltmp115, $4  }
0x56a: {  	_ = 	snop  }
0x56b: {  	s7 =	smov.u32 s1  }
0x56c: {  	s29 =	smov.u32 s30;
	s6 =	smov.u32 s8;
	s2 =	smov.u32 s9  }
0x56d: {  	s31 =	smov.u32 s25;
	s1 =	smov.u32 s26;
	s9 =	sld [smem:$0x7F7]  }
.LBB2_96:
.Ltmp116:
0x56e: {  	(pc) =	sbr.rel .LBB2_99-.Ltmp116, $4  }
0x56f: {  	_ = 	snop  }
0x570: {  	s7 =	smov.u32 s2  }
0x571: {  	s29 =	smov.u32 s30;
	s6 =	smov.u32 s8;
	s5 =	smov.u32 s9  }
0x572: {  	s31 =	smov.u32 s25;
	s2 =	smov.u32 s26;
	s25 =	sld [smem:$0x7F6]  }
.LBB2_105:
.Ltmp117:
0x573: {  	(pc) =	sbr.rel .LBB2_108-.Ltmp117, $4  }
0x574: {  	_ = 	snop  }
0x575: {  	s7 =	smov.u32 s5  }
0x576: {  	s29 =	smov.u32 s30;
	s6 =	smov.u32 s8;
	s2 =	smov.u32 s9  }
0x577: {  	s31 =	smov.u32 s25;
	s5 =	smov.u32 s26;
	s9 =	sld [smem:$0x7F5]  }
.LBB2_114:
.Ltmp118:
0x578: {  	(pc) =	sbr.rel .LBB2_117-.Ltmp118, $4  }
0x579: {  	_ = 	snop  }
0x57a: {  	s7 =	smov.u32 s5  }
0x57b: {  	s29 =	smov.u32 s30;
	s6 =	smov.u32 s8;
	s3 =	smov.u32 s9  }
0x57c: {  	s31 =	smov.u32 s25;
	s5 =	smov.u32 s26;
	s25 =	sld [smem:$0x7F4]  }
.LBB2_123:
.Ltmp119:
0x57d: {  	(pc) =	sbr.rel .LBB2_126-.Ltmp119, $4  }
0x57e: {  	_ = 	snop  }
0x57f: {  	s7 =	smov.u32 s5  }
0x580: {  	s29 =	smov.u32 s30;
	s6 =	smov.u32 s8;
	s2 =	smov.u32 s9  }
0x581: {  	s31 =	smov.u32 s25;
	s5 =	smov.u32 s26;
	s9 =	sld [smem:$0x7F3]  }
.LBB2_132:
.Ltmp120:
0x582: {  	(pc) =	sbr.rel .LBB2_135-.Ltmp120, $4  }
0x583: {  	_ = 	snop  }
0x584: {  	s7 =	smov.u32 s5  }
0x585: {  	s29 =	smov.u32 s30;
	s6 =	smov.u32 s8;
	s3 =	smov.u32 s9  }
0x586: {  	s31 =	smov.u32 s25;
	s5 =	smov.u32 s26;
	s25 =	sld [smem:$0x7F2]  }
.LBB2_155:
.Ltmp121:
0x587: {  	(pc) =	sbr.rel .LBB2_158-.Ltmp121, $3  }
0x588: {  	_ =	sdelay $0x1  }
0x589: {  	s5 =	smov.u32 s3;
	s8 =	smov.u32 s30;
	s30 =	smov.u32 s7  }
0x58a: {  	s31 =	smov.u32 s9;
	s29 =	smov.u32 s25;
	s3 =	smov.u32 s26  }
.LBB2_151:
0x58b: {  	_ =	sfence.sel $0x180000  }
0x58c: {  	[bflag:$0x0] =	sbarrier.arrive $0xFFFF  }
0x58d: {  	_ =	strace $0x90000047  }
0x58e: {  	s0 =	stileid.u32;
	[bflag:$0x2] =	sbarrier.arrive $0xFFFF  }
0x58f: {  	p0 =	sne.s32 s0, $0x0;
	s0 =	rddreg [dreg:$0x3]  }
0x590: {  	s0 =	sadd.s32 @!p0 $0x100000, s0  }
0x591: {  	[sflag:s0] =	ssyncadd.tile.s32 @!p0 $0x1;
	_ =	shalt  }
.Lfunc_end2:
_tile_overlayer_lowered:
.L_overlay_start_2:
0x592: {  	(tag) =	ssettag $0x2  }
0x593: {  	s0 =	rddreg [dreg:$0x0];
	s2 =	stileid.u32  }
0x594: {  	s1 =	rddreg [dreg:$0x1];
	p0 =	sne.s32 s2, $0x0  }
0x595: {  	s3 =	rddreg [dreg:$0x2];
	[bflag:$0x3] =	sbarrier.arrive $0xFFFF;
	s2 =	simm.s32 @!p0 $0x1C03  }
0x596: {  	[timem:s3], [sflag:s2] =	dma.local @!p0 [hbm:s0], s1  }
0x597: {  	s0 =	simm.s32 @!p0 $0x3  }
0x598: {  	_ =	swait.ge @!p0 [sflag:s0], s1  }
0x599: {  	s1 =	ssub.s32 @!p0 $0x0, s1;
	[sflag:s0] =	ssyncset.done @!p0 $0x0  }
0x59a: {  	[sflag:s0] =	ssyncadd.s32 @!p0 s1  }
0x59b: {  	[bflag:$0x3] =	sbarrier.arrive $0xFFFF  }
0x59c: {  	_ =	shalt  }

</sc_bundles>
